<compile_context>
chip_gen: v7x
topology: tpu7x:2x2x1
jax: 0.10.2.dev20260603
libtpu: 0.0.44.dev20260713+nightly
codegen_flags: <defaults>
</compile_context>

<pallas_src>
import jax
import jax.numpy as jnp
from jax import lax
from jax.experimental import pallas as pl
from jax.experimental.pallas import tpu as pltpu
from jax.experimental.pallas import tpu_sc as plsc

_NC = 2
_NS = 16
_L = 16
_NW = _NC * _NS
_CB = 128

_F32 = jnp.float32


def _dot_t(a, w):
    return lax.dot_general(a, w, (((1,), (1,)), ((), ())),
                           preferred_element_type=_F32,
                           precision=lax.Precision.HIGHEST)



def _lin2_kernel(x_ref, wl_ref, wr_ref, b_ref, yl_ref, yr_ref):
    xb = x_ref[...]
    yl_ref[...] = _dot_t(xb, wl_ref[...])
    yr_ref[...] = _dot_t(xb, wr_ref[...]) + b_ref[...]


def _inv_kernel(cnt_ref, inv_ref):
    c = jnp.sum(cnt_ref[...], axis=0)
    inv_ref[...] = (1.0 / jnp.maximum(c, 1.0))[:, None]


def _mid_kernel(p0_ref, p1_ref, inv_ref, yr_ref, wl_ref, wr_ref, b_ref,
                y2l_ref, y2r_ref):
    h = (p0_ref[0] + p1_ref[0]) * inv_ref[...] + yr_ref[...]
    h = jnp.maximum(h, 0.0)
    y2l_ref[...] = _dot_t(h, wl_ref[...])
    y2r_ref[...] = _dot_t(h, wr_ref[...]) + b_ref[...]


def _final_kernel(q0_ref, q1_ref, inv_ref, yr_ref, out_ref):
    out_ref[...] = (q0_ref[0] + q1_ref[0]) * inv_ref[...] + yr_ref[...]



def _sc_aggregate(y, src_rs, dst_rs, n_acc, with_counts):
    n, d = y.shape
    ch = src_rs.shape[0] // _NW
    nzc = n_acc // _CB
    zc_max = -(-nzc // _NS)

    mesh = plsc.VectorSubcoreMesh(core_axis_name="c", subcore_axis_name="s",
                                  num_cores=_NC, num_subcores=_NS)
    out_type = (jax.ShapeDtypeStruct((_NC, n_acc, d), _F32),)
    if with_counts:
        out_type += (jax.ShapeDtypeStruct((_NW, n_acc), _F32),)
    scratch = [
        pltpu.VMEM_SHARED((n_acc, d), _F32),
        pltpu.VMEM((4, _CB), jnp.int32),
        pltpu.VMEM((4, _CB), jnp.int32),
        pltpu.VMEM((_CB, d), jnp.bfloat16),
        pltpu.VMEM((_CB, d), jnp.bfloat16),
        pltpu.VMEM((_CB, d), _F32),
        pltpu.VMEM((n_acc if with_counts else _L,), _F32),
        pltpu.SemaphoreType.DMA,
        pltpu.SemaphoreType.DMA,
        pltpu.SemaphoreType.DMA,
        pltpu.SemaphoreType.DMA,
        pltpu.SemaphoreType.DMA,
        pltpu.SemaphoreType.DMA,
        pltpu.SemaphoreType.DMA,
        pltpu.SemaphoreType.DMA,
    ]

    def body(y_hbm, src_hbm, dst_hbm, *rest):
        if with_counts:
            part_hbm, cnt_hbm = rest[0], rest[1]
            rest = rest[2:]
        else:
            part_hbm = rest[0]
            rest = rest[1:]
        (acc, src_i, dst_i, rows0, rows1, rowsf, cnt_v,
         sg0, sg1, ss0, ss1, si0, si1, si2, si3) = rest
        cid = lax.axis_index("c")
        sid = lax.axis_index("s")
        wid = cid * _NS + sid
        zero = jnp.zeros((_L,), _F32)
        ones = jnp.ones((_L,), _F32)
        rows = (rows0, rows1)
        sg = (sg0, sg1)
        ss = (ss0, ss1)
        si = (si0, si1, si2, si3)
        base = wid * ch

        def stage_idx(g, s):
            pltpu.async_copy(src_hbm.at[base + g], src_i.at[s], si[s])
            pltpu.async_copy(dst_hbm.at[base + g], dst_i.at[s], si[s])

        def wait_idx(g, s):
            pltpu.make_async_copy(src_hbm.at[base + g], src_i.at[s],
                                  si[s]).wait()
            pltpu.make_async_copy(dst_hbm.at[base + g], dst_i.at[s],
                                  si[s]).wait()

        for s in range(4):
            stage_idx(s, s)

        def _zrow(i, _):
            for j in range(d // _L):
                rowsf[i, pl.ds(j * _L, _L)] = zero
            return 0
        lax.fori_loop(0, _CB, _zrow, 0)
        for k in range(zc_max):
            c = sid + k * _NS
            if (k + 1) * _NS <= nzc:
                pltpu.sync_copy(rowsf, acc.at[pl.ds(c * _CB, _CB)])
            else:
                @pl.when(c < nzc)
                def _():
                    pltpu.sync_copy(rowsf, acc.at[pl.ds(c * _CB, _CB)])
        if with_counts:
            def _zcnt(i, _):
                cnt_v[pl.ds(i * _L, _L)] = zero
                return 0
            lax.fori_loop(0, n_acc // _L, _zcnt, 0)
        plsc.subcore_barrier()

        wait_idx(0, 0)
        pltpu.async_copy(y_hbm.at[src_i.at[0]], rows0, sg0)
        wait_idx(1, 1)
        pltpu.async_copy(y_hbm.at[src_i.at[1]], rows1, sg1)

        def _chunk(g, s, b):
            pltpu.make_async_copy(y_hbm.at[src_i.at[s]], rows[b],
                                  sg[b]).wait()
            @plsc.parallel_loop(0, _CB, unroll=8)
            def _conv(i):
                for j in range(d // (2 * _L)):
                    ab = rows[b][i, pl.ds(j * 2 * _L, 2 * _L)]
                    lo, hi = plsc.unpack(ab, format=plsc.PackFormat.INTERLEAVED)
                    rowsf[i, pl.ds(j * 2 * _L, _L)] = lo
                    rowsf[i, pl.ds(j * 2 * _L + _L, _L)] = hi
            @pl.when(g + 2 < ch)
            def _():
                s2 = (s + 2) % 4
                wait_idx(g + 2, s2)
                pltpu.async_copy(y_hbm.at[src_i.at[s2]], rows[b], sg[b])
            sc_desc = pltpu.async_copy(rowsf, acc.at[dst_i.at[s]], ss[b],
                                       add=True)
            if with_counts:
                for j in range(_CB // _L):
                    ids = dst_i[s, pl.ds(j * _L, _L)]
                    plsc.addupdate_scatter(cnt_v, [ids], ones)
            sc_desc.wait()
            @pl.when(g + 4 < ch)
            def _():
                stage_idx(g + 4, s)

        def _iter(i, _):
            g = 4 * i
            _chunk(g, 0, 0)
            _chunk(g + 1, 1, 1)
            _chunk(g + 2, 2, 0)
            _chunk(g + 3, 3, 1)
            return 0
        lax.fori_loop(0, ch // 4, _iter, 0)

        plsc.subcore_barrier()
        for k in range(zc_max):
            c = sid + k * _NS
            if (k + 1) * _NS <= nzc:
                pltpu.sync_copy(acc.at[pl.ds(c * _CB, _CB)],
                                part_hbm.at[cid, pl.ds(c * _CB, _CB)])
            else:
                @pl.when(c < nzc)
                def _():
                    pltpu.sync_copy(acc.at[pl.ds(c * _CB, _CB)],
                                    part_hbm.at[cid, pl.ds(c * _CB, _CB)])
        if with_counts:
            pltpu.sync_copy(cnt_v, cnt_hbm.at[wid])

    params = pltpu.CompilerParams(needs_layout_passes=False,
                                  use_tc_tiling_on_sc=False)
    return pl.kernel(body, out_type=out_type, mesh=mesh,
                     scratch_types=scratch,
                     compiler_params=params)(y, src_rs, dst_rs)



def kernel(x, edge_index, W1_l, W1_r, b1, W2_l, W2_r, b2):
    n, d = x.shape
    e = edge_index.shape[1]

    ch = -(-e // (_NW * _CB))
    ch = -(-ch // 4) * 4
    ep = _NW * _CB * ch
    n_acc = _CB * (-(-(n + 1) // _CB))

    src = edge_index[0].astype(jnp.int32)
    dst = edge_index[1].astype(jnp.int32)
    src_rs = jnp.concatenate(
        [src, jnp.zeros((ep - e,), jnp.int32)]).reshape(_NW * ch, _CB)
    dst_rs = jnp.concatenate(
        [dst, jnp.full((ep - e,), n, jnp.int32)]).reshape(_NW * ch, _CB)

    colsrc = [0] * d
    for g in range(d // (2 * _L)):
        for j in range(_L):
            colsrc[g * 2 * _L + 2 * j] = g * 2 * _L + j
            colsrc[g * 2 * _L + 2 * j + 1] = g * 2 * _L + _L + j
    perm = jnp.array(colsrc, dtype=jnp.int32)
    W1_l_sc = W1_l[perm]
    W2_l_sc = W2_l[perm]

    bn = max((b for b in range(16, min(n, 1024) + 1, 16) if n % b == 0),
             default=n)
    grid = (n // bn,)
    row_spec = pl.BlockSpec((bn, d), lambda i: (i, 0))
    w_spec = pl.BlockSpec((d, d), lambda i: (0, 0))
    b_spec = pl.BlockSpec((1, d), lambda i: (0, 0))
    part0_spec = pl.BlockSpec((1, bn, d), lambda i: (0, i, 0))
    part1_spec = pl.BlockSpec((1, bn, d), lambda i: (1, i, 0))
    inv_spec = pl.BlockSpec((bn, 1), lambda i: (i, 0))
    row_ty = jax.ShapeDtypeStruct((n, d), _F32)

    y1l, y1r = pl.pallas_call(
        _lin2_kernel, grid=grid,
        in_specs=[row_spec, w_spec, w_spec, b_spec],
        out_specs=[row_spec, row_spec],
        out_shape=[row_ty, row_ty],
    )(x, W1_l_sc, W1_r, b1.reshape(1, d))

    part1, cnt = _sc_aggregate(y1l.astype(jnp.bfloat16), src_rs, dst_rs,
                               n_acc, True)

    inv = pl.pallas_call(
        _inv_kernel, grid=(n_acc // _CB,),
        in_specs=[pl.BlockSpec((_NW, _CB), lambda i: (0, i))],
        out_specs=pl.BlockSpec((_CB, 1), lambda i: (i, 0)),
        out_shape=jax.ShapeDtypeStruct((n_acc, 1), _F32),
    )(cnt)

    y2l, y2r = pl.pallas_call(
        _mid_kernel, grid=grid,
        in_specs=[part0_spec, part1_spec, inv_spec, row_spec,
                  w_spec, w_spec, b_spec],
        out_specs=[row_spec, row_spec],
        out_shape=[row_ty, row_ty],
    )(part1, part1, inv, y1r, W2_l_sc, W2_r, b2.reshape(1, d))

    part2 = _sc_aggregate(y2l.astype(jnp.bfloat16), src_rs, dst_rs,
                          n_acc, False)[0]

    out = pl.pallas_call(
        _final_kernel, grid=grid,
        in_specs=[part0_spec, part1_spec, inv_spec, row_spec],
        out_specs=row_spec,
        out_shape=row_ty,
    )(part2, part2, inv, y2r)
    return out

# --- scband reference (transcript-rebuilt; emitter-appended) ---
"""Pipeline reference for scband-sage-39822936768930 (READ-ONLY COPY).

The authoritative reference and input builder live on the scoring server;
editing this copy changes nothing except your own understanding.
"""

import jax, jax.numpy as jnp
import numpy as np

N = 10000
E = 320000
D_IN = 128
D_HID = 128
D_OUT = 128

def setup_inputs(seed: int = 0) -> dict:
    key = jax.random.key(seed)
    ks = jax.random.split(key, 9)
    x = jax.random.normal(ks[0], (N, D_IN), dtype=jnp.float32)
    edge_index = jax.random.randint(ks[1], (2, E), 0, N, dtype=jnp.int64)
    s1 = 1.0 / np.sqrt(D_IN)
    s2 = 1.0 / np.sqrt(D_HID)
    # SAGEConv layer 1: lin_l applied to aggregated neighbors, lin_r to root
    W1_l = jax.random.uniform(ks[2], (D_HID, D_IN), minval=-s1, maxval=s1, dtype=jnp.float32)
    W1_r = jax.random.uniform(ks[3], (D_HID, D_IN), minval=-s1, maxval=s1, dtype=jnp.float32)
    b1 = jax.random.uniform(ks[4], (D_HID,), minval=-s1, maxval=s1, dtype=jnp.float32)
    W2_l = jax.random.uniform(ks[5], (D_OUT, D_HID), minval=-s2, maxval=s2, dtype=jnp.float32)
    W2_r = jax.random.uniform(ks[6], (D_OUT, D_HID), minval=-s2, maxval=s2, dtype=jnp.float32)
    b2 = jax.random.uniform(ks[7], (D_OUT,), minval=-s2, maxval=s2, dtype=jnp.float32)
    return {"x": x, "edge_index": edge_index, "W1_l": W1_l, "W1_r": W1_r, "b1": b1, "W2_l": W2_l, "W2_r": W2_r, "b2": b2}

def _sage_conv(x, edge_index, W_l, W_r, b):
    src = edge_index[0]
    dst = edge_index[1]
    msgs = jnp.take(x, src, axis=0)                       # gather (SparseCore)
    agg = jax.ops.segment_sum(msgs, dst, num_segments=x.shape[0])
    cnt = jax.ops.segment_sum(jnp.ones((src.shape[0],), dtype=x.dtype), dst, num_segments=x.shape[0])
    mean = agg / jnp.maximum(cnt, 1.0)[:, None]           # mean aggregation
    return mean @ W_l.T + x @ W_r.T + b

def reference(x, edge_index, W1_l, W1_r, b1, W2_l, W2_r, b2):
    h = _sage_conv(x, edge_index, W1_l, W1_r, b1)
    h = jax.nn.relu(h)
    # dropout p=0.5 is identity in eval mode
    out = _sage_conv(h, edge_index, W2_l, W2_r, b2)
    return out

if __name__ == "__main__":
    import jax
    _d = setup_inputs()
    print(jax.jit(kernel)(*tuple(_d.values())))

</pallas_src>

<mosaic_0001>
#map = affine_map<(d0, d1) -> (0, 0)>
#map1 = affine_map<(d0, d1) -> (0, 0, 0)>
module attributes {stable_mosaic.version = 14 : i64} {
  func.func @body(%arg0: i32, %arg1: i32, %arg2: memref<10000x128xbf16, #tpu.memory_space<hbm>>, %arg3: memref<2560x128xi32, #tpu.memory_space<hbm>>, %arg4: memref<2560x128xi32, #tpu.memory_space<hbm>>, %arg5: memref<2x10112x128xf32, #tpu.memory_space<hbm>>, %arg6: memref<32x10112xf32, #tpu.memory_space<hbm>>, %arg7: memref<10112x128xf32, #tpu.memory_space<vmem_shared>>, %arg8: memref<4x128xi32, #tpu.memory_space<vmem>>, %arg9: memref<4x128xi32, #tpu.memory_space<vmem>>, %arg10: memref<128x128xbf16, #tpu.memory_space<vmem>>, %arg11: memref<128x128xbf16, #tpu.memory_space<vmem>>, %arg12: memref<128x128xf32, #tpu.memory_space<vmem>>, %arg13: memref<10112xf32, #tpu.memory_space<vmem>>, %arg14: memref<!tpu.dma_semaphore, #tpu.memory_space<semaphore_mem>>, %arg15: memref<!tpu.dma_semaphore, #tpu.memory_space<semaphore_mem>>, %arg16: memref<!tpu.dma_semaphore, #tpu.memory_space<semaphore_mem>>, %arg17: memref<!tpu.dma_semaphore, #tpu.memory_space<semaphore_mem>>, %arg18: memref<!tpu.dma_semaphore, #tpu.memory_space<semaphore_mem>>, %arg19: memref<!tpu.dma_semaphore, #tpu.memory_space<semaphore_mem>>, %arg20: memref<!tpu.dma_semaphore, #tpu.memory_space<semaphore_mem>>, %arg21: memref<!tpu.dma_semaphore, #tpu.memory_space<semaphore_mem>>) attributes {dimension_semantics = [#tpu.dimension_semantics<core_parallel>, #tpu.dimension_semantics<subcore_parallel>], iteration_bounds = array<i64: 2, 16>, scalar_prefetch = 0 : i64, scratch_operands = 15 : i64, tpu.core_type = #tpu.core_type<sc_vector_subcore>, window_params = [{transform_indices = #map}, {transform_indices = #map}, {transform_indices = #map}, {transform_indices = #map1}, {transform_indices = #map}]} {
    %mul3A = arith.constant 16 : i32
    %mul3A_0 = arith.muli %arg0, %mul3A : i32
    %add3A = arith.addi %mul3A_0, %arg1 : i32
    %broadcast_in_dim3A = arith.constant 0.000000e+00 : f32
    %broadcast_in_dim3A_1 = vector.broadcast %broadcast_in_dim3A : f32 to vector<16xf32>
    %broadcast_in_dim3A_2 = arith.constant 1.000000e+00 : f32
    %broadcast_in_dim3A_3 = vector.broadcast %broadcast_in_dim3A_2 : f32 to vector<16xf32>
    %mul3A_4 = arith.constant 80 : i32
    %mul3A_5 = arith.muli %add3A, %mul3A_4 : i32
    %add3A_6 = arith.constant 0 : i32
    %add3A_7 = arith.addi %mul3A_5, %add3A_6 : i32
    %dma_start3A = arith.constant 0 : i32
    %dma_start3A_8 = arith.constant 0 : i32
    %dma_start3A_9 = tpu.memref_slice %arg8[%dma_start3A, %dma_start3A_8] : memref<4x128xi32, #tpu.memory_space<vmem>> -> memref<1x128xi32, #tpu.memory_space<vmem>>
    %dma_start3A_10 = tpu.memref_squeeze %dma_start3A_9 : memref<1x128xi32, #tpu.memory_space<vmem>> -> memref<128xi32, #tpu.memory_space<vmem>>
    %dma_start3A_11 = arith.constant 0 : i32
    %dma_start3A_12 = tpu.memref_slice %arg3[%add3A_7, %dma_start3A_11] : memref<2560x128xi32, #tpu.memory_space<hbm>> -> memref<1x128xi32, #tpu.memory_space<hbm>>
    %dma_start3A_13 = tpu.memref_squeeze %dma_start3A_12 : memref<1x128xi32, #tpu.memory_space<hbm>> -> memref<128xi32, #tpu.memory_space<hbm>>
    %dma_start3A_14 = arith.constant 0 : i32
    %dma_start3A_15 = tpu.memref_slice %arg8[%dma_start3A, %dma_start3A_14] : memref<4x128xi32, #tpu.memory_space<vmem>> -> memref<1x128xi32, #tpu.memory_space<vmem>>
    %dma_start3A_16 = tpu.memref_squeeze %dma_start3A_15 : memref<1x128xi32, #tpu.memory_space<vmem>> -> memref<128xi32, #tpu.memory_space<vmem>>
    %dma_start3A_17 = arith.constant 0 : i32
    %dma_start3A_18 = tpu.memref_slice %arg3[%add3A_7, %dma_start3A_17] : memref<2560x128xi32, #tpu.memory_space<hbm>> -> memref<1x128xi32, #tpu.memory_space<hbm>>
    %dma_start3A_19 = tpu.memref_squeeze %dma_start3A_18 : memref<1x128xi32, #tpu.memory_space<hbm>> -> memref<128xi32, #tpu.memory_space<hbm>>
    tpu.enqueue_dma source(%dma_start3A_19 : memref<128xi32, #tpu.memory_space<hbm>>) target(%dma_start3A_16 : memref<128xi32, #tpu.memory_space<vmem>>) target_semaphore(%arg18 : memref<!tpu.dma_semaphore, #tpu.memory_space<semaphore_mem>>)
    %add3A_20 = arith.constant 0 : i32
    %add3A_21 = arith.addi %mul3A_5, %add3A_20 : i32
    %dma_start3A_22 = arith.constant 0 : i32
    %dma_start3A_23 = arith.constant 0 : i32
    %dma_start3A_24 = tpu.memref_slice %arg9[%dma_start3A_22, %dma_start3A_23] : memref<4x128xi32, #tpu.memory_space<vmem>> -> memref<1x128xi32, #tpu.memory_space<vmem>>
    %dma_start3A_25 = tpu.memref_squeeze %dma_start3A_24 : memref<1x128xi32, #tpu.memory_space<vmem>> -> memref<128xi32, #tpu.memory_space<vmem>>
    %dma_start3A_26 = arith.constant 0 : i32
    %dma_start3A_27 = tpu.memref_slice %arg4[%add3A_21, %dma_start3A_26] : memref<2560x128xi32, #tpu.memory_space<hbm>> -> memref<1x128xi32, #tpu.memory_space<hbm>>
    %dma_start3A_28 = tpu.memref_squeeze %dma_start3A_27 : memref<1x128xi32, #tpu.memory_space<hbm>> -> memref<128xi32, #tpu.memory_space<hbm>>
    %dma_start3A_29 = arith.constant 0 : i32
    %dma_start3A_30 = tpu.memref_slice %arg9[%dma_start3A_22, %dma_start3A_29] : memref<4x128xi32, #tpu.memory_space<vmem>> -> memref<1x128xi32, #tpu.memory_space<vmem>>
    %dma_start3A_31 = tpu.memref_squeeze %dma_start3A_30 : memref<1x128xi32, #tpu.memory_space<vmem>> -> memref<128xi32, #tpu.memory_space<vmem>>
    %dma_start3A_32 = arith.constant 0 : i32
    %dma_start3A_33 = tpu.memref_slice %arg4[%add3A_21, %dma_start3A_32] : memref<2560x128xi32, #tpu.memory_space<hbm>> -> memref<1x128xi32, #tpu.memory_space<hbm>>
    %dma_start3A_34 = tpu.memref_squeeze %dma_start3A_33 : memref<1x128xi32, #tpu.memory_space<hbm>> -> memref<128xi32, #tpu.memory_space<hbm>>
    tpu.enqueue_dma source(%dma_start3A_34 : memref<128xi32, #tpu.memory_space<hbm>>) target(%dma_start3A_31 : memref<128xi32, #tpu.memory_space<vmem>>) target_semaphore(%arg18 : memref<!tpu.dma_semaphore, #tpu.memory_space<semaphore_mem>>)
    %add3A_35 = arith.constant 1 : i32
    %add3A_36 = arith.addi %mul3A_5, %add3A_35 : i32
    %dma_start3A_37 = arith.constant 1 : i32
    %dma_start3A_38 = arith.constant 0 : i32
    %dma_start3A_39 = tpu.memref_slice %arg8[%dma_start3A_37, %dma_start3A_38] : memref<4x128xi32, #tpu.memory_space<vmem>> -> memref<1x128xi32, #tpu.memory_space<vmem>>
    %dma_start3A_40 = tpu.memref_squeeze %dma_start3A_39 : memref<1x128xi32, #tpu.memory_space<vmem>> -> memref<128xi32, #tpu.memory_space<vmem>>
    %dma_start3A_41 = arith.constant 0 : i32
    %dma_start3A_42 = tpu.memref_slice %arg3[%add3A_36, %dma_start3A_41] : memref<2560x128xi32, #tpu.memory_space<hbm>> -> memref<1x128xi32, #tpu.memory_space<hbm>>
    %dma_start3A_43 = tpu.memref_squeeze %dma_start3A_42 : memref<1x128xi32, #tpu.memory_space<hbm>> -> memref<128xi32, #tpu.memory_space<hbm>>
    %dma_start3A_44 = arith.constant 0 : i32
    %dma_start3A_45 = tpu.memref_slice %arg8[%dma_start3A_37, %dma_start3A_44] : memref<4x128xi32, #tpu.memory_space<vmem>> -> memref<1x128xi32, #tpu.memory_space<vmem>>
    %dma_start3A_46 = tpu.memref_squeeze %dma_start3A_45 : memref<1x128xi32, #tpu.memory_space<vmem>> -> memref<128xi32, #tpu.memory_space<vmem>>
    %dma_start3A_47 = arith.constant 0 : i32
    %dma_start3A_48 = tpu.memref_slice %arg3[%add3A_36, %dma_start3A_47] : memref<2560x128xi32, #tpu.memory_space<hbm>> -> memref<1x128xi32, #tpu.memory_space<hbm>>
    %dma_start3A_49 = tpu.memref_squeeze %dma_start3A_48 : memref<1x128xi32, #tpu.memory_space<hbm>> -> memref<128xi32, #tpu.memory_space<hbm>>
    tpu.enqueue_dma source(%dma_start3A_49 : memref<128xi32, #tpu.memory_space<hbm>>) target(%dma_start3A_46 : memref<128xi32, #tpu.memory_space<vmem>>) target_semaphore(%arg19 : memref<!tpu.dma_semaphore, #tpu.memory_space<semaphore_mem>>)
    %add3A_50 = arith.constant 1 : i32
    %add3A_51 = arith.addi %mul3A_5, %add3A_50 : i32
    %dma_start3A_52 = arith.constant 1 : i32
    %dma_start3A_53 = arith.constant 0 : i32
    %dma_start3A_54 = tpu.memref_slice %arg9[%dma_start3A_52, %dma_start3A_53] : memref<4x128xi32, #tpu.memory_space<vmem>> -> memref<1x128xi32, #tpu.memory_space<vmem>>
    %dma_start3A_55 = tpu.memref_squeeze %dma_start3A_54 : memref<1x128xi32, #tpu.memory_space<vmem>> -> memref<128xi32, #tpu.memory_space<vmem>>
    %dma_start3A_56 = arith.constant 0 : i32
    %dma_start3A_57 = tpu.memref_slice %arg4[%add3A_51, %dma_start3A_56] : memref<2560x128xi32, #tpu.memory_space<hbm>> -> memref<1x128xi32, #tpu.memory_space<hbm>>
    %dma_start3A_58 = tpu.memref_squeeze %dma_start3A_57 : memref<1x128xi32, #tpu.memory_space<hbm>> -> memref<128xi32, #tpu.memory_space<hbm>>
    %dma_start3A_59 = arith.constant 0 : i32
    %dma_start3A_60 = tpu.memref_slice %arg9[%dma_start3A_52, %dma_start3A_59] : memref<4x128xi32, #tpu.memory_space<vmem>> -> memref<1x128xi32, #tpu.memory_space<vmem>>
    %dma_start3A_61 = tpu.memref_squeeze %dma_start3A_60 : memref<1x128xi32, #tpu.memory_space<vmem>> -> memref<128xi32, #tpu.memory_space<vmem>>
    %dma_start3A_62 = arith.constant 0 : i32
    %dma_start3A_63 = tpu.memref_slice %arg4[%add3A_51, %dma_start3A_62] : memref<2560x128xi32, #tpu.memory_space<hbm>> -> memref<1x128xi32, #tpu.memory_space<hbm>>
    %dma_start3A_64 = tpu.memref_squeeze %dma_start3A_63 : memref<1x128xi32, #tpu.memory_space<hbm>> -> memref<128xi32, #tpu.memory_space<hbm>>
    tpu.enqueue_dma source(%dma_start3A_64 : memref<128xi32, #tpu.memory_space<hbm>>) target(%dma_start3A_61 : memref<128xi32, #tpu.memory_space<vmem>>) target_semaphore(%arg19 : memref<!tpu.dma_semaphore, #tpu.memory_space<semaphore_mem>>)
    %add3A_65 = arith.constant 2 : i32
    %add3A_66 = arith.addi %mul3A_5, %add3A_65 : i32
    %dma_start3A_67 = arith.constant 2 : i32
    %dma_start3A_68 = arith.constant 0 : i32
    %dma_start3A_69 = tpu.memref_slice %arg8[%dma_start3A_67, %dma_start3A_68] : memref<4x128xi32, #tpu.memory_space<vmem>> -> memref<1x128xi32, #tpu.memory_space<vmem>>
    %dma_start3A_70 = tpu.memref_squeeze %dma_start3A_69 : memref<1x128xi32, #tpu.memory_space<vmem>> -> memref<128xi32, #tpu.memory_space<vmem>>
    %dma_start3A_71 = arith.constant 0 : i32
    %dma_start3A_72 = tpu.memref_slice %arg3[%add3A_66, %dma_start3A_71] : memref<2560x128xi32, #tpu.memory_space<hbm>> -> memref<1x128xi32, #tpu.memory_space<hbm>>
    %dma_start3A_73 = tpu.memref_squeeze %dma_start3A_72 : memref<1x128xi32, #tpu.memory_space<hbm>> -> memref<128xi32, #tpu.memory_space<hbm>>
    %dma_start3A_74 = arith.constant 0 : i32
    %dma_start3A_75 = tpu.memref_slice %arg8[%dma_start3A_67, %dma_start3A_74] : memref<4x128xi32, #tpu.memory_space<vmem>> -> memref<1x128xi32, #tpu.memory_space<vmem>>
    %dma_start3A_76 = tpu.memref_squeeze %dma_start3A_75 : memref<1x128xi32, #tpu.memory_space<vmem>> -> memref<128xi32, #tpu.memory_space<vmem>>
    %dma_start3A_77 = arith.constant 0 : i32
    %dma_start3A_78 = tpu.memref_slice %arg3[%add3A_66, %dma_start3A_77] : memref<2560x128xi32, #tpu.memory_space<hbm>> -> memref<1x128xi32, #tpu.memory_space<hbm>>
    %dma_start3A_79 = tpu.memref_squeeze %dma_start3A_78 : memref<1x128xi32, #tpu.memory_space<hbm>> -> memref<128xi32, #tpu.memory_space<hbm>>
    tpu.enqueue_dma source(%dma_start3A_79 : memref<128xi32, #tpu.memory_space<hbm>>) target(%dma_start3A_76 : memref<128xi32, #tpu.memory_space<vmem>>) target_semaphore(%arg20 : memref<!tpu.dma_semaphore, #tpu.memory_space<semaphore_mem>>)
    %add3A_80 = arith.constant 2 : i32
    %add3A_81 = arith.addi %mul3A_5, %add3A_80 : i32
    %dma_start3A_82 = arith.constant 2 : i32
    %dma_start3A_83 = arith.constant 0 : i32
    %dma_start3A_84 = tpu.memref_slice %arg9[%dma_start3A_82, %dma_start3A_83] : memref<4x128xi32, #tpu.memory_space<vmem>> -> memref<1x128xi32, #tpu.memory_space<vmem>>
    %dma_start3A_85 = tpu.memref_squeeze %dma_start3A_84 : memref<1x128xi32, #tpu.memory_space<vmem>> -> memref<128xi32, #tpu.memory_space<vmem>>
    %dma_start3A_86 = arith.constant 0 : i32
    %dma_start3A_87 = tpu.memref_slice %arg4[%add3A_81, %dma_start3A_86] : memref<2560x128xi32, #tpu.memory_space<hbm>> -> memref<1x128xi32, #tpu.memory_space<hbm>>
    %dma_start3A_88 = tpu.memref_squeeze %dma_start3A_87 : memref<1x128xi32, #tpu.memory_space<hbm>> -> memref<128xi32, #tpu.memory_space<hbm>>
    %dma_start3A_89 = arith.constant 0 : i32
    %dma_start3A_90 = tpu.memref_slice %arg9[%dma_start3A_82, %dma_start3A_89] : memref<4x128xi32, #tpu.memory_space<vmem>> -> memref<1x128xi32, #tpu.memory_space<vmem>>
    %dma_start3A_91 = tpu.memref_squeeze %dma_start3A_90 : memref<1x128xi32, #tpu.memory_space<vmem>> -> memref<128xi32, #tpu.memory_space<vmem>>
    %dma_start3A_92 = arith.constant 0 : i32
    %dma_start3A_93 = tpu.memref_slice %arg4[%add3A_81, %dma_start3A_92] : memref<2560x128xi32, #tpu.memory_space<hbm>> -> memref<1x128xi32, #tpu.memory_space<hbm>>
    %dma_start3A_94 = tpu.memref_squeeze %dma_start3A_93 : memref<1x128xi32, #tpu.memory_space<hbm>> -> memref<128xi32, #tpu.memory_space<hbm>>
    tpu.enqueue_dma source(%dma_start3A_94 : memref<128xi32, #tpu.memory_space<hbm>>) target(%dma_start3A_91 : memref<128xi32, #tpu.memory_space<vmem>>) target_semaphore(%arg20 : memref<!tpu.dma_semaphore, #tpu.memory_space<semaphore_mem>>)
    %add3A_95 = arith.constant 3 : i32
    %add3A_96 = arith.addi %mul3A_5, %add3A_95 : i32
    %dma_start3A_97 = arith.constant 3 : i32
    %dma_start3A_98 = arith.constant 0 : i32
    %dma_start3A_99 = tpu.memref_slice %arg8[%dma_start3A_97, %dma_start3A_98] : memref<4x128xi32, #tpu.memory_space<vmem>> -> memref<1x128xi32, #tpu.memory_space<vmem>>
    %dma_start3A_100 = tpu.memref_squeeze %dma_start3A_99 : memref<1x128xi32, #tpu.memory_space<vmem>> -> memref<128xi32, #tpu.memory_space<vmem>>
    %dma_start3A_101 = arith.constant 0 : i32
    %dma_start3A_102 = tpu.memref_slice %arg3[%add3A_96, %dma_start3A_101] : memref<2560x128xi32, #tpu.memory_space<hbm>> -> memref<1x128xi32, #tpu.memory_space<hbm>>
    %dma_start3A_103 = tpu.memref_squeeze %dma_start3A_102 : memref<1x128xi32, #tpu.memory_space<hbm>> -> memref<128xi32, #tpu.memory_space<hbm>>
    %dma_start3A_104 = arith.constant 0 : i32
    %dma_start3A_105 = tpu.memref_slice %arg8[%dma_start3A_97, %dma_start3A_104] : memref<4x128xi32, #tpu.memory_space<vmem>> -> memref<1x128xi32, #tpu.memory_space<vmem>>
    %dma_start3A_106 = tpu.memref_squeeze %dma_start3A_105 : memref<1x128xi32, #tpu.memory_space<vmem>> -> memref<128xi32, #tpu.memory_space<vmem>>
    %dma_start3A_107 = arith.constant 0 : i32
    %dma_start3A_108 = tpu.memref_slice %arg3[%add3A_96, %dma_start3A_107] : memref<2560x128xi32, #tpu.memory_space<hbm>> -> memref<1x128xi32, #tpu.memory_space<hbm>>
    %dma_start3A_109 = tpu.memref_squeeze %dma_start3A_108 : memref<1x128xi32, #tpu.memory_space<hbm>> -> memref<128xi32, #tpu.memory_space<hbm>>
    tpu.enqueue_dma source(%dma_start3A_109 : memref<128xi32, #tpu.memory_space<hbm>>) target(%dma_start3A_106 : memref<128xi32, #tpu.memory_space<vmem>>) target_semaphore(%arg21 : memref<!tpu.dma_semaphore, #tpu.memory_space<semaphore_mem>>)
    %add3A_110 = arith.constant 3 : i32
    %add3A_111 = arith.addi %mul3A_5, %add3A_110 : i32
    %dma_start3A_112 = arith.constant 3 : i32
    %dma_start3A_113 = arith.constant 0 : i32
    %dma_start3A_114 = tpu.memref_slice %arg9[%dma_start3A_112, %dma_start3A_113] : memref<4x128xi32, #tpu.memory_space<vmem>> -> memref<1x128xi32, #tpu.memory_space<vmem>>
    %dma_start3A_115 = tpu.memref_squeeze %dma_start3A_114 : memref<1x128xi32, #tpu.memory_space<vmem>> -> memref<128xi32, #tpu.memory_space<vmem>>
    %dma_start3A_116 = arith.constant 0 : i32
    %dma_start3A_117 = tpu.memref_slice %arg4[%add3A_111, %dma_start3A_116] : memref<2560x128xi32, #tpu.memory_space<hbm>> -> memref<1x128xi32, #tpu.memory_space<hbm>>
    %dma_start3A_118 = tpu.memref_squeeze %dma_start3A_117 : memref<1x128xi32, #tpu.memory_space<hbm>> -> memref<128xi32, #tpu.memory_space<hbm>>
    %dma_start3A_119 = arith.constant 0 : i32
    %dma_start3A_120 = tpu.memref_slice %arg9[%dma_start3A_112, %dma_start3A_119] : memref<4x128xi32, #tpu.memory_space<vmem>> -> memref<1x128xi32, #tpu.memory_space<vmem>>
    %dma_start3A_121 = tpu.memref_squeeze %dma_start3A_120 : memref<1x128xi32, #tpu.memory_space<vmem>> -> memref<128xi32, #tpu.memory_space<vmem>>
    %dma_start3A_122 = arith.constant 0 : i32
    %dma_start3A_123 = tpu.memref_slice %arg4[%add3A_111, %dma_start3A_122] : memref<2560x128xi32, #tpu.memory_space<hbm>> -> memref<1x128xi32, #tpu.memory_space<hbm>>
    %dma_start3A_124 = tpu.memref_squeeze %dma_start3A_123 : memref<1x128xi32, #tpu.memory_space<hbm>> -> memref<128xi32, #tpu.memory_space<hbm>>
    tpu.enqueue_dma source(%dma_start3A_124 : memref<128xi32, #tpu.memory_space<hbm>>) target(%dma_start3A_121 : memref<128xi32, #tpu.memory_space<vmem>>) target_semaphore(%arg21 : memref<!tpu.dma_semaphore, #tpu.memory_space<semaphore_mem>>)
    %scan3A = arith.constant 0 : i32
    %scan3A_125 = arith.constant 0 : i32
    %scan3A_126 = arith.constant 128 : i32
    %scan3A_127 = arith.addi %scan3A_125, %scan3A_126 : i32
    %scan3A_128 = arith.constant 1 : i32
    %scan3A_129 = scf.for %scan3A_270 = %scan3A_125 to %scan3A_127 step %scan3A_128 iter_args(%scan3A_271 = %scan3A) -> (i32)  : i32 {
      %swap3A = arith.index_cast %scan3A_270 : i32 to index
      %swap3A_272 = arith.constant 0 : index
      %swap3A_273 = tpu.vector_load %arg12[%swap3A, %swap3A_272] {strides = array<i32>} : memref<128x128xf32, #tpu.memory_space<vmem>>, vector<16xf32>,
      tpu.vector_store %arg12[%swap3A, %swap3A_272], %broadcast_in_dim3A_1 {strides = array<i32>} : memref<128x128xf32, #tpu.memory_space<vmem>>, vector<16xf32>,
      %swap3A_274 = arith.index_cast %scan3A_270 : i32 to index
      %swap3A_275 = arith.constant 16 : index
      %swap3A_276 = tpu.vector_load %arg12[%swap3A_274, %swap3A_275] {strides = array<i32>} : memref<128x128xf32, #tpu.memory_space<vmem>>, vector<16xf32>,
      tpu.vector_store %arg12[%swap3A_274, %swap3A_275], %broadcast_in_dim3A_1 {strides = array<i32>} : memref<128x128xf32, #tpu.memory_space<vmem>>, vector<16xf32>,
      %swap3A_277 = arith.index_cast %scan3A_270 : i32 to index
      %swap3A_278 = arith.constant 32 : index
      %swap3A_279 = tpu.vector_load %arg12[%swap3A_277, %swap3A_278] {strides = array<i32>} : memref<128x128xf32, #tpu.memory_space<vmem>>, vector<16xf32>,
      tpu.vector_store %arg12[%swap3A_277, %swap3A_278], %broadcast_in_dim3A_1 {strides = array<i32>} : memref<128x128xf32, #tpu.memory_space<vmem>>, vector<16xf32>,
      %swap3A_280 = arith.index_cast %scan3A_270 : i32 to index
      %swap3A_281 = arith.constant 48 : index
      %swap3A_282 = tpu.vector_load %arg12[%swap3A_280, %swap3A_281] {strides = array<i32>} : memref<128x128xf32, #tpu.memory_space<vmem>>, vector<16xf32>,
      tpu.vector_store %arg12[%swap3A_280, %swap3A_281], %broadcast_in_dim3A_1 {strides = array<i32>} : memref<128x128xf32, #tpu.memory_space<vmem>>, vector<16xf32>,
      %swap3A_283 = arith.index_cast %scan3A_270 : i32 to index
      %swap3A_284 = arith.constant 64 : index
      %swap3A_285 = tpu.vector_load %arg12[%swap3A_283, %swap3A_284] {strides = array<i32>} : memref<128x128xf32, #tpu.memory_space<vmem>>, vector<16xf32>,
      tpu.vector_store %arg12[%swap3A_283, %swap3A_284], %broadcast_in_dim3A_1 {strides = array<i32>} : memref<128x128xf32, #tpu.memory_space<vmem>>, vector<16xf32>,
      %swap3A_286 = arith.index_cast %scan3A_270 : i32 to index
      %swap3A_287 = arith.constant 80 : index
      %swap3A_288 = tpu.vector_load %arg12[%swap3A_286, %swap3A_287] {strides = array<i32>} : memref<128x128xf32, #tpu.memory_space<vmem>>, vector<16xf32>,
      tpu.vector_store %arg12[%swap3A_286, %swap3A_287], %broadcast_in_dim3A_1 {strides = array<i32>} : memref<128x128xf32, #tpu.memory_space<vmem>>, vector<16xf32>,
      %swap3A_289 = arith.index_cast %scan3A_270 : i32 to index
      %swap3A_290 = arith.constant 96 : index
      %swap3A_291 = tpu.vector_load %arg12[%swap3A_289, %swap3A_290] {strides = array<i32>} : memref<128x128xf32, #tpu.memory_space<vmem>>, vector<16xf32>,
      tpu.vector_store %arg12[%swap3A_289, %swap3A_290], %broadcast_in_dim3A_1 {strides = array<i32>} : memref<128x128xf32, #tpu.memory_space<vmem>>, vector<16xf32>,
      %swap3A_292 = arith.index_cast %scan3A_270 : i32 to index
      %swap3A_293 = arith.constant 112 : index
      %swap3A_294 = tpu.vector_load %arg12[%swap3A_292, %swap3A_293] {strides = array<i32>} : memref<128x128xf32, #tpu.memory_space<vmem>>, vector<16xf32>,
      tpu.vector_store %arg12[%swap3A_292, %swap3A_293], %broadcast_in_dim3A_1 {strides = array<i32>} : memref<128x128xf32, #tpu.memory_space<vmem>>, vector<16xf32>,
      %scan3A_295 = arith.constant 0 : i32
      scf.yield %scan3A_295 : i32
    }
    %scan3A_130 = arith.constant 128 : i32
    %add3A_131 = arith.constant 0 : i32
    %add3A_132 = arith.addi %arg1, %add3A_131 : i32
    %mul3A_133 = arith.constant 128 : i32
    %mul3A_134 = arith.muli %add3A_132, %mul3A_133 : i32
    "tpu.region"() ({
      %run_scoped3A = tpu.sem_alloc : memref<!tpu.dma_semaphore, #tpu.memory_space<semaphore_mem>>
      %dma_start3A_270 = arith.constant 0 : i32
      %dma_start3A_271 = tpu.memref_slice %arg7[%mul3A_134, %dma_start3A_270] : memref<10112x128xf32, #tpu.memory_space<vmem_shared>> -> memref<128x128xf32, #tpu.memory_space<vmem_shared>>
      %dma_start3A_272 = arith.constant 0 : i32
      %dma_start3A_273 = tpu.memref_slice %arg7[%mul3A_134, %dma_start3A_272] : memref<10112x128xf32, #tpu.memory_space<vmem_shared>> -> memref<128x128xf32, #tpu.memory_space<vmem_shared>>
      tpu.enqueue_dma source(%arg12 : memref<128x128xf32, #tpu.memory_space<vmem>>) target(%dma_start3A_273 : memref<128x128xf32, #tpu.memory_space<vmem_shared>>) target_semaphore(%run_scoped3A : memref<!tpu.dma_semaphore, #tpu.memory_space<semaphore_mem>>)
      %dma_wait3A_274 = arith.constant 0 : i32
      %dma_wait3A_275 = tpu.memref_slice %arg7[%mul3A_134, %dma_wait3A_274] : memref<10112x128xf32, #tpu.memory_space<vmem_shared>> -> memref<128x128xf32, #tpu.memory_space<vmem_shared>>
      %dma_wait3A_276 = arith.constant 0 : i32
      %dma_wait3A_277 = tpu.memref_slice %arg7[%mul3A_134, %dma_wait3A_276] : memref<10112x128xf32, #tpu.memory_space<vmem_shared>> -> memref<128x128xf32, #tpu.memory_space<vmem_shared>>
      tpu.wait_dma2 semaphore(%run_scoped3A : memref<!tpu.dma_semaphore, #tpu.memory_space<semaphore_mem>>) src(%arg12 : memref<128x128xf32, #tpu.memory_space<vmem>>) dst(%dma_wait3A_277 : memref<128x128xf32, #tpu.memory_space<vmem_shared>>)
      tpu.yield
    }) : () -> ()
    %add3A_135 = arith.constant 16 : i32
    %add3A_136 = arith.addi %arg1, %add3A_135 : i32
    %mul3A_137 = arith.constant 128 : i32
    %mul3A_138 = arith.muli %add3A_136, %mul3A_137 : i32
    "tpu.region"() ({
      %run_scoped3A = tpu.sem_alloc : memref<!tpu.dma_semaphore, #tpu.memory_space<semaphore_mem>>
      %dma_start3A_270 = arith.constant 0 : i32
      %dma_start3A_271 = tpu.memref_slice %arg7[%mul3A_138, %dma_start3A_270] : memref<10112x128xf32, #tpu.memory_space<vmem_shared>> -> memref<128x128xf32, #tpu.memory_space<vmem_shared>>
      %dma_start3A_272 = arith.constant 0 : i32
      %dma_start3A_273 = tpu.memref_slice %arg7[%mul3A_138, %dma_start3A_272] : memref<10112x128xf32, #tpu.memory_space<vmem_shared>> -> memref<128x128xf32, #tpu.memory_space<vmem_shared>>
      tpu.enqueue_dma source(%arg12 : memref<128x128xf32, #tpu.memory_space<vmem>>) target(%dma_start3A_273 : memref<128x128xf32, #tpu.memory_space<vmem_shared>>) target_semaphore(%run_scoped3A : memref<!tpu.dma_semaphore, #tpu.memory_space<semaphore_mem>>)
      %dma_wait3A_274 = arith.constant 0 : i32
      %dma_wait3A_275 = tpu.memref_slice %arg7[%mul3A_138, %dma_wait3A_274] : memref<10112x128xf32, #tpu.memory_space<vmem_shared>> -> memref<128x128xf32, #tpu.memory_space<vmem_shared>>
      %dma_wait3A_276 = arith.constant 0 : i32
      %dma_wait3A_277 = tpu.memref_slice %arg7[%mul3A_138, %dma_wait3A_276] : memref<10112x128xf32, #tpu.memory_space<vmem_shared>> -> memref<128x128xf32, #tpu.memory_space<vmem_shared>>
      tpu.wait_dma2 semaphore(%run_scoped3A : memref<!tpu.dma_semaphore, #tpu.memory_space<semaphore_mem>>) src(%arg12 : memref<128x128xf32, #tpu.memory_space<vmem>>) dst(%dma_wait3A_277 : memref<128x128xf32, #tpu.memory_space<vmem_shared>>)
      tpu.yield
    }) : () -> ()
    %add3A_139 = arith.constant 32 : i32
    %add3A_140 = arith.addi %arg1, %add3A_139 : i32
    %mul3A_141 = arith.constant 128 : i32
    %mul3A_142 = arith.muli %add3A_140, %mul3A_141 : i32
    "tpu.region"() ({
      %run_scoped3A = tpu.sem_alloc : memref<!tpu.dma_semaphore, #tpu.memory_space<semaphore_mem>>
      %dma_start3A_270 = arith.constant 0 : i32
      %dma_start3A_271 = tpu.memref_slice %arg7[%mul3A_142, %dma_start3A_270] : memref<10112x128xf32, #tpu.memory_space<vmem_shared>> -> memref<128x128xf32, #tpu.memory_space<vmem_shared>>
      %dma_start3A_272 = arith.constant 0 : i32
      %dma_start3A_273 = tpu.memref_slice %arg7[%mul3A_142, %dma_start3A_272] : memref<10112x128xf32, #tpu.memory_space<vmem_shared>> -> memref<128x128xf32, #tpu.memory_space<vmem_shared>>
      tpu.enqueue_dma source(%arg12 : memref<128x128xf32, #tpu.memory_space<vmem>>) target(%dma_start3A_273 : memref<128x128xf32, #tpu.memory_space<vmem_shared>>) target_semaphore(%run_scoped3A : memref<!tpu.dma_semaphore, #tpu.memory_space<semaphore_mem>>)
      %dma_wait3A_274 = arith.constant 0 : i32
      %dma_wait3A_275 = tpu.memref_slice %arg7[%mul3A_142, %dma_wait3A_274] : memref<10112x128xf32, #tpu.memory_space<vmem_shared>> -> memref<128x128xf32, #tpu.memory_space<vmem_shared>>
      %dma_wait3A_276 = arith.constant 0 : i32
      %dma_wait3A_277 = tpu.memref_slice %arg7[%mul3A_142, %dma_wait3A_276] : memref<10112x128xf32, #tpu.memory_space<vmem_shared>> -> memref<128x128xf32, #tpu.memory_space<vmem_shared>>
      tpu.wait_dma2 semaphore(%run_scoped3A : memref<!tpu.dma_semaphore, #tpu.memory_space<semaphore_mem>>) src(%arg12 : memref<128x128xf32, #tpu.memory_space<vmem>>) dst(%dma_wait3A_277 : memref<128x128xf32, #tpu.memory_space<vmem_shared>>)
      tpu.yield
    }) : () -> ()
    %add3A_143 = arith.constant 48 : i32
    %add3A_144 = arith.addi %arg1, %add3A_143 : i32
    %mul3A_145 = arith.constant 128 : i32
    %mul3A_146 = arith.muli %add3A_144, %mul3A_145 : i32
    "tpu.region"() ({
      %run_scoped3A = tpu.sem_alloc : memref<!tpu.dma_semaphore, #tpu.memory_space<semaphore_mem>>
      %dma_start3A_270 = arith.constant 0 : i32
      %dma_start3A_271 = tpu.memref_slice %arg7[%mul3A_146, %dma_start3A_270] : memref<10112x128xf32, #tpu.memory_space<vmem_shared>> -> memref<128x128xf32, #tpu.memory_space<vmem_shared>>
      %dma_start3A_272 = arith.constant 0 : i32
      %dma_start3A_273 = tpu.memref_slice %arg7[%mul3A_146, %dma_start3A_272] : memref<10112x128xf32, #tpu.memory_space<vmem_shared>> -> memref<128x128xf32, #tpu.memory_space<vmem_shared>>
      tpu.enqueue_dma source(%arg12 : memref<128x128xf32, #tpu.memory_space<vmem>>) target(%dma_start3A_273 : memref<128x128xf32, #tpu.memory_space<vmem_shared>>) target_semaphore(%run_scoped3A : memref<!tpu.dma_semaphore, #tpu.memory_space<semaphore_mem>>)
      %dma_wait3A_274 = arith.constant 0 : i32
      %dma_wait3A_275 = tpu.memref_slice %arg7[%mul3A_146, %dma_wait3A_274] : memref<10112x128xf32, #tpu.memory_space<vmem_shared>> -> memref<128x128xf32, #tpu.memory_space<vmem_shared>>
      %dma_wait3A_276 = arith.constant 0 : i32
      %dma_wait3A_277 = tpu.memref_slice %arg7[%mul3A_146, %dma_wait3A_276] : memref<10112x128xf32, #tpu.memory_space<vmem_shared>> -> memref<128x128xf32, #tpu.memory_space<vmem_shared>>
      tpu.wait_dma2 semaphore(%run_scoped3A : memref<!tpu.dma_semaphore, #tpu.memory_space<semaphore_mem>>) src(%arg12 : memref<128x128xf32, #tpu.memory_space<vmem>>) dst(%dma_wait3A_277 : memref<128x128xf32, #tpu.memory_space<vmem_shared>>)
      tpu.yield
    }) : () -> ()
    %add3A_147 = arith.constant 64 : i32
    %add3A_148 = arith.addi %arg1, %add3A_147 : i32
    %lt3A = arith.constant 79 : i32
    %lt3A_149 = arith.cmpi slt, %add3A_148, %lt3A : i32
    %convert_element_type3A = arith.extui %lt3A_149 : i1 to i32
    %cond3A = arith.constant 0 : i32
    %cond3A_150 = arith.cmpi ne, %convert_element_type3A, %cond3A : i32
    scf.if %cond3A_150 {
      %mul3A_270 = arith.constant 128 : i32
      %mul3A_271 = arith.muli %add3A_148, %mul3A_270 : i32
      "tpu.region"() ({
        %run_scoped3A = tpu.sem_alloc : memref<!tpu.dma_semaphore, #tpu.memory_space<semaphore_mem>>
        %dma_start3A_272 = arith.constant 0 : i32
        %dma_start3A_273 = tpu.memref_slice %arg7[%mul3A_271, %dma_start3A_272] : memref<10112x128xf32, #tpu.memory_space<vmem_shared>> -> memref<128x128xf32, #tpu.memory_space<vmem_shared>>
        %dma_start3A_274 = arith.constant 0 : i32
        %dma_start3A_275 = tpu.memref_slice %arg7[%mul3A_271, %dma_start3A_274] : memref<10112x128xf32, #tpu.memory_space<vmem_shared>> -> memref<128x128xf32, #tpu.memory_space<vmem_shared>>
        tpu.enqueue_dma source(%arg12 : memref<128x128xf32, #tpu.memory_space<vmem>>) target(%dma_start3A_275 : memref<128x128xf32, #tpu.memory_space<vmem_shared>>) target_semaphore(%run_scoped3A : memref<!tpu.dma_semaphore, #tpu.memory_space<semaphore_mem>>)
        %dma_wait3A_276 = arith.constant 0 : i32
        %dma_wait3A_277 = tpu.memref_slice %arg7[%mul3A_271, %dma_wait3A_276] : memref<10112x128xf32, #tpu.memory_space<vmem_shared>> -> memref<128x128xf32, #tpu.memory_space<vmem_shared>>
        %dma_wait3A_278 = arith.constant 0 : i32
        %dma_wait3A_279 = tpu.memref_slice %arg7[%mul3A_271, %dma_wait3A_278] : memref<10112x128xf32, #tpu.memory_space<vmem_shared>> -> memref<128x128xf32, #tpu.memory_space<vmem_shared>>
        tpu.wait_dma2 semaphore(%run_scoped3A : memref<!tpu.dma_semaphore, #tpu.memory_space<semaphore_mem>>) src(%arg12 : memref<128x128xf32, #tpu.memory_space<vmem>>) dst(%dma_wait3A_279 : memref<128x128xf32, #tpu.memory_space<vmem_shared>>)
        tpu.yield
      }) : () -> ()
    } else {
    }
    %scan3A_151 = arith.constant 0 : i32
    %scan3A_152 = arith.constant 0 : i32
    %scan3A_153 = arith.constant 632 : i32
    %scan3A_154 = arith.addi %scan3A_152, %scan3A_153 : i32
    %scan3A_155 = arith.constant 1 : i32
    %scan3A_156 = scf.for %scan3A_270 = %scan3A_152 to %scan3A_154 step %scan3A_155 iter_args(%scan3A_271 = %scan3A_151) -> (i32)  : i32 {
      %mul3A_272 = arith.constant 16 : i32
      %mul3A_273 = arith.muli %scan3A_270, %mul3A_272 : i32
      %swap3A = arith.index_cast %mul3A_273 : i32 to index
      %swap3A_274 = tpu.vector_load %arg13[%swap3A] {strides = array<i32>} : memref<10112xf32, #tpu.memory_space<vmem>>, vector<16xf32>,
      tpu.vector_store %arg13[%swap3A], %broadcast_in_dim3A_1 {strides = array<i32>} : memref<10112xf32, #tpu.memory_space<vmem>>, vector<16xf32>,
      %scan3A_275 = arith.constant 0 : i32
      scf.yield %scan3A_275 : i32
    }
    %scan3A_157 = arith.constant 632 : i32
    %barrier3A = arith.constant 0 : index
    tpu.barrier barrier_id(%barrier3A)
    %add3A_158 = arith.constant 0 : i32
    %add3A_159 = arith.addi %mul3A_5, %add3A_158 : i32
    %dma_wait3A = arith.constant 0 : i32
    %dma_wait3A_160 = arith.constant 0 : i32
    %dma_wait3A_161 = tpu.memref_slice %arg8[%dma_wait3A, %dma_wait3A_160] : memref<4x128xi32, #tpu.memory_space<vmem>> -> memref<1x128xi32, #tpu.memory_space<vmem>>
    %dma_wait3A_162 = tpu.memref_squeeze %dma_wait3A_161 : memref<1x128xi32, #tpu.memory_space<vmem>> -> memref<128xi32, #tpu.memory_space<vmem>>
    %dma_wait3A_163 = arith.constant 0 : i32
    %dma_wait3A_164 = tpu.memref_slice %arg3[%add3A_159, %dma_wait3A_163] : memref<2560x128xi32, #tpu.memory_space<hbm>> -> memref<1x128xi32, #tpu.memory_space<hbm>>
    %dma_wait3A_165 = tpu.memref_squeeze %dma_wait3A_164 : memref<1x128xi32, #tpu.memory_space<hbm>> -> memref<128xi32, #tpu.memory_space<hbm>>
    %dma_wait3A_166 = arith.constant 0 : i32
    %dma_wait3A_167 = tpu.memref_slice %arg8[%dma_wait3A, %dma_wait3A_166] : memref<4x128xi32, #tpu.memory_space<vmem>> -> memref<1x128xi32, #tpu.memory_space<vmem>>
    %dma_wait3A_168 = tpu.memref_squeeze %dma_wait3A_167 : memref<1x128xi32, #tpu.memory_space<vmem>> -> memref<128xi32, #tpu.memory_space<vmem>>
    %dma_wait3A_169 = arith.constant 0 : i32
    %dma_wait3A_170 = tpu.memref_slice %arg3[%add3A_159, %dma_wait3A_169] : memref<2560x128xi32, #tpu.memory_space<hbm>> -> memref<1x128xi32, #tpu.memory_space<hbm>>
    %dma_wait3A_171 = tpu.memref_squeeze %dma_wait3A_170 : memref<1x128xi32, #tpu.memory_space<hbm>> -> memref<128xi32, #tpu.memory_space<hbm>>
    tpu.wait_dma2 semaphore(%arg18 : memref<!tpu.dma_semaphore, #tpu.memory_space<semaphore_mem>>) src(%dma_wait3A_171 : memref<128xi32, #tpu.memory_space<hbm>>) dst(%dma_wait3A_168 : memref<128xi32, #tpu.memory_space<vmem>>)
    %add3A_172 = arith.constant 0 : i32
    %add3A_173 = arith.addi %mul3A_5, %add3A_172 : i32
    %dma_wait3A_174 = arith.constant 0 : i32
    %dma_wait3A_175 = arith.constant 0 : i32
    %dma_wait3A_176 = tpu.memref_slice %arg9[%dma_wait3A_174, %dma_wait3A_175] : memref<4x128xi32, #tpu.memory_space<vmem>> -> memref<1x128xi32, #tpu.memory_space<vmem>>
    %dma_wait3A_177 = tpu.memref_squeeze %dma_wait3A_176 : memref<1x128xi32, #tpu.memory_space<vmem>> -> memref<128xi32, #tpu.memory_space<vmem>>
    %dma_wait3A_178 = arith.constant 0 : i32
    %dma_wait3A_179 = tpu.memref_slice %arg4[%add3A_173, %dma_wait3A_178] : memref<2560x128xi32, #tpu.memory_space<hbm>> -> memref<1x128xi32, #tpu.memory_space<hbm>>
    %dma_wait3A_180 = tpu.memref_squeeze %dma_wait3A_179 : memref<1x128xi32, #tpu.memory_space<hbm>> -> memref<128xi32, #tpu.memory_space<hbm>>
    %dma_wait3A_181 = arith.constant 0 : i32
    %dma_wait3A_182 = tpu.memref_slice %arg9[%dma_wait3A_174, %dma_wait3A_181] : memref<4x128xi32, #tpu.memory_space<vmem>> -> memref<1x128xi32, #tpu.memory_space<vmem>>
    %dma_wait3A_183 = tpu.memref_squeeze %dma_wait3A_182 : memref<1x128xi32, #tpu.memory_space<vmem>> -> memref<128xi32, #tpu.memory_space<vmem>>
    %dma_wait3A_184 = arith.constant 0 : i32
    %dma_wait3A_185 = tpu.memref_slice %arg4[%add3A_173, %dma_wait3A_184] : memref<2560x128xi32, #tpu.memory_space<hbm>> -> memref<1x128xi32, #tpu.memory_space<hbm>>
    %dma_wait3A_186 = tpu.memref_squeeze %dma_wait3A_185 : memref<1x128xi32, #tpu.memory_space<hbm>> -> memref<128xi32, #tpu.memory_space<hbm>>
    tpu.wait_dma2 semaphore(%arg18 : memref<!tpu.dma_semaphore, #tpu.memory_space<semaphore_mem>>) src(%dma_wait3A_186 : memref<128xi32, #tpu.memory_space<hbm>>) dst(%dma_wait3A_183 : memref<128xi32, #tpu.memory_space<vmem>>)
    %dma_start3A_187 = arith.constant 0 : i32
    %dma_start3A_188 = arith.constant 0 : i32
    %dma_start3A_189 = tpu.memref_slice %arg8[%dma_start3A_187, %dma_start3A_188] : memref<4x128xi32, #tpu.memory_space<vmem>> -> memref<1x128xi32, #tpu.memory_space<vmem>>
    %dma_start3A_190 = tpu.memref_squeeze %dma_start3A_189 : memref<1x128xi32, #tpu.memory_space<vmem>> -> memref<128xi32, #tpu.memory_space<vmem>>
    %dma_start3A_191 = arith.constant 0 : i32
    %dma_start3A_192 = arith.constant 0 : i32
    %dma_start3A_193 = tpu.memref_slice %arg2[%dma_start3A_191, %dma_start3A_192] : memref<10000x128xbf16, #tpu.memory_space<hbm>> -> memref<10000x128xbf16, #tpu.memory_space<hbm>>
    tpu.enqueue_indirect_dma source(%dma_start3A_193 : memref<10000x128xbf16, #tpu.memory_space<hbm>>) target(%arg10 : memref<128x128xbf16, #tpu.memory_space<vmem>>) offsets(%dma_start3A_190 : memref<128xi32, #tpu.memory_space<vmem>>) semaphore(%arg14 : memref<!tpu.dma_semaphore, #tpu.memory_space<semaphore_mem>>)
    %add3A_194 = arith.constant 1 : i32
    %add3A_195 = arith.addi %mul3A_5, %add3A_194 : i32
    %dma_wait3A_196 = arith.constant 1 : i32
    %dma_wait3A_197 = arith.constant 0 : i32
    %dma_wait3A_198 = tpu.memref_slice %arg8[%dma_wait3A_196, %dma_wait3A_197] : memref<4x128xi32, #tpu.memory_space<vmem>> -> memref<1x128xi32, #tpu.memory_space<vmem>>
    %dma_wait3A_199 = tpu.memref_squeeze %dma_wait3A_198 : memref<1x128xi32, #tpu.memory_space<vmem>> -> memref<128xi32, #tpu.memory_space<vmem>>
    %dma_wait3A_200 = arith.constant 0 : i32
    %dma_wait3A_201 = tpu.memref_slice %arg3[%add3A_195, %dma_wait3A_200] : memref<2560x128xi32, #tpu.memory_space<hbm>> -> memref<1x128xi32, #tpu.memory_space<hbm>>
    %dma_wait3A_202 = tpu.memref_squeeze %dma_wait3A_201 : memref<1x128xi32, #tpu.memory_space<hbm>> -> memref<128xi32, #tpu.memory_space<hbm>>
    %dma_wait3A_203 = arith.constant 0 : i32
    %dma_wait3A_204 = tpu.memref_slice %arg8[%dma_wait3A_196, %dma_wait3A_203] : memref<4x128xi32, #tpu.memory_space<vmem>> -> memref<1x128xi32, #tpu.memory_space<vmem>>
    %dma_wait3A_205 = tpu.memref_squeeze %dma_wait3A_204 : memref<1x128xi32, #tpu.memory_space<vmem>> -> memref<128xi32, #tpu.memory_space<vmem>>
    %dma_wait3A_206 = arith.constant 0 : i32
    %dma_wait3A_207 = tpu.memref_slice %arg3[%add3A_195, %dma_wait3A_206] : memref<2560x128xi32, #tpu.memory_space<hbm>> -> memref<1x128xi32, #tpu.memory_space<hbm>>
    %dma_wait3A_208 = tpu.memref_squeeze %dma_wait3A_207 : memref<1x128xi32, #tpu.memory_space<hbm>> -> memref<128xi32, #tpu.memory_space<hbm>>
    tpu.wait_dma2 semaphore(%arg19 : memref<!tpu.dma_semaphore, #tpu.memory_space<semaphore_mem>>) src(%dma_wait3A_208 : memref<128xi32, #tpu.memory_space<hbm>>) dst(%dma_wait3A_205 : memref<128xi32, #tpu.memory_space<vmem>>)
    %add3A_209 = arith.constant 1 : i32
    %add3A_210 = arith.addi %mul3A_5, %add3A_209 : i32
    %dma_wait3A_211 = arith.constant 1 : i32
    %dma_wait3A_212 = arith.constant 0 : i32
    %dma_wait3A_213 = tpu.memref_slice %arg9[%dma_wait3A_211, %dma_wait3A_212] : memref<4x128xi32, #tpu.memory_space<vmem>> -> memref<1x128xi32, #tpu.memory_space<vmem>>
    %dma_wait3A_214 = tpu.memref_squeeze %dma_wait3A_213 : memref<1x128xi32, #tpu.memory_space<vmem>> -> memref<128xi32, #tpu.memory_space<vmem>>
    %dma_wait3A_215 = arith.constant 0 : i32
    %dma_wait3A_216 = tpu.memref_slice %arg4[%add3A_210, %dma_wait3A_215] : memref<2560x128xi32, #tpu.memory_space<hbm>> -> memref<1x128xi32, #tpu.memory_space<hbm>>
    %dma_wait3A_217 = tpu.memref_squeeze %dma_wait3A_216 : memref<1x128xi32, #tpu.memory_space<hbm>> -> memref<128xi32, #tpu.memory_space<hbm>>
    %dma_wait3A_218 = arith.constant 0 : i32
    %dma_wait3A_219 = tpu.memref_slice %arg9[%dma_wait3A_211, %dma_wait3A_218] : memref<4x128xi32, #tpu.memory_space<vmem>> -> memref<1x128xi32, #tpu.memory_space<vmem>>
    %dma_wait3A_220 = tpu.memref_squeeze %dma_wait3A_219 : memref<1x128xi32, #tpu.memory_space<vmem>> -> memref<128xi32, #tpu.memory_space<vmem>>
    %dma_wait3A_221 = arith.constant 0 : i32
    %dma_wait3A_222 = tpu.memref_slice %arg4[%add3A_210, %dma_wait3A_221] : memref<2560x128xi32, #tpu.memory_space<hbm>> -> memref<1x128xi32, #tpu.memory_space<hbm>>
    %dma_wait3A_223 = tpu.memref_squeeze %dma_wait3A_222 : memref<1x128xi32, #tpu.memory_space<hbm>> -> memref<128xi32, #tpu.memory_space<hbm>>
    tpu.wait_dma2 semaphore(%arg19 : memref<!tpu.dma_semaphore, #tpu.memory_space<semaphore_mem>>) src(%dma_wait3A_223 : memref<128xi32, #tpu.memory_space<hbm>>) dst(%dma_wait3A_220 : memref<128xi32, #tpu.memory_space<vmem>>)
    %dma_start3A_224 = arith.constant 1 : i32
    %dma_start3A_225 = arith.constant 0 : i32
    %dma_start3A_226 = tpu.memref_slice %arg8[%dma_start3A_224, %dma_start3A_225] : memref<4x128xi32, #tpu.memory_space<vmem>> -> memref<1x128xi32, #tpu.memory_space<vmem>>
    %dma_start3A_227 = tpu.memref_squeeze %dma_start3A_226 : memref<1x128xi32, #tpu.memory_space<vmem>> -> memref<128xi32, #tpu.memory_space<vmem>>
    %dma_start3A_228 = arith.constant 0 : i32
    %dma_start3A_229 = arith.constant 0 : i32
    %dma_start3A_230 = tpu.memref_slice %arg2[%dma_start3A_228, %dma_start3A_229] : memref<10000x128xbf16, #tpu.memory_space<hbm>> -> memref<10000x128xbf16, #tpu.memory_space<hbm>>
    tpu.enqueue_indirect_dma source(%dma_start3A_230 : memref<10000x128xbf16, #tpu.memory_space<hbm>>) target(%arg11 : memref<128x128xbf16, #tpu.memory_space<vmem>>) offsets(%dma_start3A_227 : memref<128xi32, #tpu.memory_space<vmem>>) semaphore(%arg15 : memref<!tpu.dma_semaphore, #tpu.memory_space<semaphore_mem>>)
    %scan3A_231 = arith.constant 0 : i32
    %scan3A_232 = arith.constant 0 : i32
    %scan3A_233 = arith.constant 20 : i32
    %scan3A_234 = arith.addi %scan3A_232, %scan3A_233 : i32
    %scan3A_235 = arith.constant 1 : i32
    %scan3A_236 = scf.for %scan3A_270 = %scan3A_232 to %scan3A_234 step %scan3A_235 iter_args(%scan3A_271 = %scan3A_231) -> (i32)  : i32 {
      %mul3A_272 = arith.constant 4 : i32
      %mul3A_273 = arith.muli %mul3A_272, %scan3A_270 : i32
      %dma_wait3A_274 = arith.constant 0 : i32
      %dma_wait3A_275 = arith.constant 0 : i32
      %dma_wait3A_276 = tpu.memref_slice %arg8[%dma_wait3A_274, %dma_wait3A_275] : memref<4x128xi32, #tpu.memory_space<vmem>> -> memref<1x128xi32, #tpu.memory_space<vmem>>
      %dma_wait3A_277 = tpu.memref_squeeze %dma_wait3A_276 : memref<1x128xi32, #tpu.memory_space<vmem>> -> memref<128xi32, #tpu.memory_space<vmem>>
      %dma_wait3A_278 = arith.constant 0 : i32
      %dma_wait3A_279 = arith.constant 0 : i32
      %dma_wait3A_280 = tpu.memref_slice %arg2[%dma_wait3A_278, %dma_wait3A_279] : memref<10000x128xbf16, #tpu.memory_space<hbm>> -> memref<10000x128xbf16, #tpu.memory_space<hbm>>
      tpu.wait_indirect_dma semaphore(%arg14 : memref<!tpu.dma_semaphore, #tpu.memory_space<semaphore_mem>>) src(%dma_wait3A_280 : memref<10000x128xbf16, #tpu.memory_space<hbm>>) dst(%arg10 : memref<128x128xbf16, #tpu.memory_space<vmem>>)
      %parallel_loop3A = arith.constant 0 : i32
      %parallel_loop3A_281 = arith.constant 128 : i32
      %parallel_loop3A_282 = arith.constant 1 : i32
      scf.for %parallel_loop3A_559 = %parallel_loop3A to %parallel_loop3A_281 step %parallel_loop3A_282  : i32 {
        %parallel_loop3A_560 = arith.index_cast %parallel_loop3A_559 : i32 to index
        %parallel_loop3A_561 = arith.constant 0 : index
        %parallel_loop3A_562 = tpu.vector_load %arg10[%parallel_loop3A_560, %parallel_loop3A_561] {strides = array<i32>} : memref<128x128xbf16, #tpu.memory_space<vmem>>, vector<32xbf16>,
        %parallel_loop3A_563 = tpu.unpack_subelements %parallel_loop3A_562, 0 {pack_format = #tpu.pack_format<interleaved>} : vector<32xbf16> -> vector<16xf32>
        %parallel_loop3A_564 = tpu.unpack_subelements %parallel_loop3A_562, 1 {pack_format = #tpu.pack_format<interleaved>} : vector<32xbf16> -> vector<16xf32>
        %parallel_loop3A_565 = arith.index_cast %parallel_loop3A_559 : i32 to index
        %parallel_loop3A_566 = arith.constant 0 : index
        %parallel_loop3A_567 = tpu.vector_load %arg12[%parallel_loop3A_565, %parallel_loop3A_566] {strides = array<i32>} : memref<128x128xf32, #tpu.memory_space<vmem>>, vector<16xf32>,
        tpu.vector_store %arg12[%parallel_loop3A_565, %parallel_loop3A_566], %parallel_loop3A_563 {strides = array<i32>} : memref<128x128xf32, #tpu.memory_space<vmem>>, vector<16xf32>,
        %parallel_loop3A_568 = arith.index_cast %parallel_loop3A_559 : i32 to index
        %parallel_loop3A_569 = arith.constant 16 : index
        %parallel_loop3A_570 = tpu.vector_load %arg12[%parallel_loop3A_568, %parallel_loop3A_569] {strides = array<i32>} : memref<128x128xf32, #tpu.memory_space<vmem>>, vector<16xf32>,
        tpu.vector_store %arg12[%parallel_loop3A_568, %parallel_loop3A_569], %parallel_loop3A_564 {strides = array<i32>} : memref<128x128xf32, #tpu.memory_space<vmem>>, vector<16xf32>,
        %parallel_loop3A_571 = arith.index_cast %parallel_loop3A_559 : i32 to index
        %parallel_loop3A_572 = arith.constant 32 : index
        %parallel_loop3A_573 = tpu.vector_load %arg10[%parallel_loop3A_571, %parallel_loop3A_572] {strides = array<i32>} : memref<128x128xbf16, #tpu.memory_space<vmem>>, vector<32xbf16>,
        %parallel_loop3A_574 = tpu.unpack_subelements %parallel_loop3A_573, 0 {pack_format = #tpu.pack_format<interleaved>} : vector<32xbf16> -> vector<16xf32>
        %parallel_loop3A_575 = tpu.unpack_subelements %parallel_loop3A_573, 1 {pack_format = #tpu.pack_format<interleaved>} : vector<32xbf16> -> vector<16xf32>
        %parallel_loop3A_576 = arith.index_cast %parallel_loop3A_559 : i32 to index
        %parallel_loop3A_577 = arith.constant 32 : index
        %parallel_loop3A_578 = tpu.vector_load %arg12[%parallel_loop3A_576, %parallel_loop3A_577] {strides = array<i32>} : memref<128x128xf32, #tpu.memory_space<vmem>>, vector<16xf32>,
        tpu.vector_store %arg12[%parallel_loop3A_576, %parallel_loop3A_577], %parallel_loop3A_574 {strides = array<i32>} : memref<128x128xf32, #tpu.memory_space<vmem>>, vector<16xf32>,
        %parallel_loop3A_579 = arith.index_cast %parallel_loop3A_559 : i32 to index
        %parallel_loop3A_580 = arith.constant 48 : index
        %parallel_loop3A_581 = tpu.vector_load %arg12[%parallel_loop3A_579, %parallel_loop3A_580] {strides = array<i32>} : memref<128x128xf32, #tpu.memory_space<vmem>>, vector<16xf32>,
        tpu.vector_store %arg12[%parallel_loop3A_579, %parallel_loop3A_580], %parallel_loop3A_575 {strides = array<i32>} : memref<128x128xf32, #tpu.memory_space<vmem>>, vector<16xf32>,
        %parallel_loop3A_582 = arith.index_cast %parallel_loop3A_559 : i32 to index
        %parallel_loop3A_583 = arith.constant 64 : index
        %parallel_loop3A_584 = tpu.vector_load %arg10[%parallel_loop3A_582, %parallel_loop3A_583] {strides = array<i32>} : memref<128x128xbf16, #tpu.memory_space<vmem>>, vector<32xbf16>,
        %parallel_loop3A_585 = tpu.unpack_subelements %parallel_loop3A_584, 0 {pack_format = #tpu.pack_format<interleaved>} : vector<32xbf16> -> vector<16xf32>
        %parallel_loop3A_586 = tpu.unpack_subelements %parallel_loop3A_584, 1 {pack_format = #tpu.pack_format<interleaved>} : vector<32xbf16> -> vector<16xf32>
        %parallel_loop3A_587 = arith.index_cast %parallel_loop3A_559 : i32 to index
        %parallel_loop3A_588 = arith.constant 64 : index
        %parallel_loop3A_589 = tpu.vector_load %arg12[%parallel_loop3A_587, %parallel_loop3A_588] {strides = array<i32>} : memref<128x128xf32, #tpu.memory_space<vmem>>, vector<16xf32>,
        tpu.vector_store %arg12[%parallel_loop3A_587, %parallel_loop3A_588], %parallel_loop3A_585 {strides = array<i32>} : memref<128x128xf32, #tpu.memory_space<vmem>>, vector<16xf32>,
        %parallel_loop3A_590 = arith.index_cast %parallel_loop3A_559 : i32 to index
        %parallel_loop3A_591 = arith.constant 80 : index
        %parallel_loop3A_592 = tpu.vector_load %arg12[%parallel_loop3A_590, %parallel_loop3A_591] {strides = array<i32>} : memref<128x128xf32, #tpu.memory_space<vmem>>, vector<16xf32>,
        tpu.vector_store %arg12[%parallel_loop3A_590, %parallel_loop3A_591], %parallel_loop3A_586 {strides = array<i32>} : memref<128x128xf32, #tpu.memory_space<vmem>>, vector<16xf32>,
        %parallel_loop3A_593 = arith.index_cast %parallel_loop3A_559 : i32 to index
        %parallel_loop3A_594 = arith.constant 96 : index
        %parallel_loop3A_595 = tpu.vector_load %arg10[%parallel_loop3A_593, %parallel_loop3A_594] {strides = array<i32>} : memref<128x128xbf16, #tpu.memory_space<vmem>>, vector<32xbf16>,
        %parallel_loop3A_596 = tpu.unpack_subelements %parallel_loop3A_595, 0 {pack_format = #tpu.pack_format<interleaved>} : vector<32xbf16> -> vector<16xf32>
        %parallel_loop3A_597 = tpu.unpack_subelements %parallel_loop3A_595, 1 {pack_format = #tpu.pack_format<interleaved>} : vector<32xbf16> -> vector<16xf32>
        %parallel_loop3A_598 = arith.index_cast %parallel_loop3A_559 : i32 to index
        %parallel_loop3A_599 = arith.constant 96 : index
        %parallel_loop3A_600 = tpu.vector_load %arg12[%parallel_loop3A_598, %parallel_loop3A_599] {strides = array<i32>} : memref<128x128xf32, #tpu.memory_space<vmem>>, vector<16xf32>,
        tpu.vector_store %arg12[%parallel_loop3A_598, %parallel_loop3A_599], %parallel_loop3A_596 {strides = array<i32>} : memref<128x128xf32, #tpu.memory_space<vmem>>, vector<16xf32>,
        %parallel_loop3A_601 = arith.index_cast %parallel_loop3A_559 : i32 to index
        %parallel_loop3A_602 = arith.constant 112 : index
        %parallel_loop3A_603 = tpu.vector_load %arg12[%parallel_loop3A_601, %parallel_loop3A_602] {strides = array<i32>} : memref<128x128xf32, #tpu.memory_space<vmem>>, vector<16xf32>,
        tpu.vector_store %arg12[%parallel_loop3A_601, %parallel_loop3A_602], %parallel_loop3A_597 {strides = array<i32>} : memref<128x128xf32, #tpu.memory_space<vmem>>, vector<16xf32>,
      } {sc.loop_unroll_factor = 8 : i64, sc.parallel_access}
      %add3A_283 = arith.constant 2 : i32
      %add3A_284 = arith.addi %mul3A_273, %add3A_283 : i32
      %lt3A_285 = arith.constant 80 : i32
      %lt3A_286 = arith.cmpi slt, %add3A_284, %lt3A_285 : i32
      %convert_element_type3A_287 = arith.extui %lt3A_286 : i1 to i32
      %cond3A_288 = arith.constant 0 : i32
      %cond3A_289 = arith.cmpi ne, %convert_element_type3A_287, %cond3A_288 : i32
      scf.if %cond3A_289 {
        %add3A_559 = arith.constant 2 : i32
        %add3A_560 = arith.addi %mul3A_273, %add3A_559 : i32
        %add3A_561 = arith.addi %mul3A_5, %add3A_560 : i32
        %dma_wait3A_562 = arith.constant 2 : i32
        %dma_wait3A_563 = arith.constant 0 : i32
        %dma_wait3A_564 = tpu.memref_slice %arg8[%dma_wait3A_562, %dma_wait3A_563] : memref<4x128xi32, #tpu.memory_space<vmem>> -> memref<1x128xi32, #tpu.memory_space<vmem>>
        %dma_wait3A_565 = tpu.memref_squeeze %dma_wait3A_564 : memref<1x128xi32, #tpu.memory_space<vmem>> -> memref<128xi32, #tpu.memory_space<vmem>>
        %dma_wait3A_566 = arith.constant 0 : i32
        %dma_wait3A_567 = tpu.memref_slice %arg3[%add3A_561, %dma_wait3A_566] : memref<2560x128xi32, #tpu.memory_space<hbm>> -> memref<1x128xi32, #tpu.memory_space<hbm>>
        %dma_wait3A_568 = tpu.memref_squeeze %dma_wait3A_567 : memref<1x128xi32, #tpu.memory_space<hbm>> -> memref<128xi32, #tpu.memory_space<hbm>>
        %dma_wait3A_569 = arith.constant 0 : i32
        %dma_wait3A_570 = tpu.memref_slice %arg8[%dma_wait3A_562, %dma_wait3A_569] : memref<4x128xi32, #tpu.memory_space<vmem>> -> memref<1x128xi32, #tpu.memory_space<vmem>>
        %dma_wait3A_571 = tpu.memref_squeeze %dma_wait3A_570 : memref<1x128xi32, #tpu.memory_space<vmem>> -> memref<128xi32, #tpu.memory_space<vmem>>
        %dma_wait3A_572 = arith.constant 0 : i32
        %dma_wait3A_573 = tpu.memref_slice %arg3[%add3A_561, %dma_wait3A_572] : memref<2560x128xi32, #tpu.memory_space<hbm>> -> memref<1x128xi32, #tpu.memory_space<hbm>>
        %dma_wait3A_574 = tpu.memref_squeeze %dma_wait3A_573 : memref<1x128xi32, #tpu.memory_space<hbm>> -> memref<128xi32, #tpu.memory_space<hbm>>
        tpu.wait_dma2 semaphore(%arg20 : memref<!tpu.dma_semaphore, #tpu.memory_space<semaphore_mem>>) src(%dma_wait3A_574 : memref<128xi32, #tpu.memory_space<hbm>>) dst(%dma_wait3A_571 : memref<128xi32, #tpu.memory_space<vmem>>)
        %add3A_575 = arith.addi %mul3A_5, %add3A_560 : i32
        %dma_wait3A_576 = arith.constant 2 : i32
        %dma_wait3A_577 = arith.constant 0 : i32
        %dma_wait3A_578 = tpu.memref_slice %arg9[%dma_wait3A_576, %dma_wait3A_577] : memref<4x128xi32, #tpu.memory_space<vmem>> -> memref<1x128xi32, #tpu.memory_space<vmem>>
        %dma_wait3A_579 = tpu.memref_squeeze %dma_wait3A_578 : memref<1x128xi32, #tpu.memory_space<vmem>> -> memref<128xi32, #tpu.memory_space<vmem>>
        %dma_wait3A_580 = arith.constant 0 : i32
        %dma_wait3A_581 = tpu.memref_slice %arg4[%add3A_575, %dma_wait3A_580] : memref<2560x128xi32, #tpu.memory_space<hbm>> -> memref<1x128xi32, #tpu.memory_space<hbm>>
        %dma_wait3A_582 = tpu.memref_squeeze %dma_wait3A_581 : memref<1x128xi32, #tpu.memory_space<hbm>> -> memref<128xi32, #tpu.memory_space<hbm>>
        %dma_wait3A_583 = arith.constant 0 : i32
        %dma_wait3A_584 = tpu.memref_slice %arg9[%dma_wait3A_576, %dma_wait3A_583] : memref<4x128xi32, #tpu.memory_space<vmem>> -> memref<1x128xi32, #tpu.memory_space<vmem>>
        %dma_wait3A_585 = tpu.memref_squeeze %dma_wait3A_584 : memref<1x128xi32, #tpu.memory_space<vmem>> -> memref<128xi32, #tpu.memory_space<vmem>>
        %dma_wait3A_586 = arith.constant 0 : i32
        %dma_wait3A_587 = tpu.memref_slice %arg4[%add3A_575, %dma_wait3A_586] : memref<2560x128xi32, #tpu.memory_space<hbm>> -> memref<1x128xi32, #tpu.memory_space<hbm>>
        %dma_wait3A_588 = tpu.memref_squeeze %dma_wait3A_587 : memref<1x128xi32, #tpu.memory_space<hbm>> -> memref<128xi32, #tpu.memory_space<hbm>>
        tpu.wait_dma2 semaphore(%arg20 : memref<!tpu.dma_semaphore, #tpu.memory_space<semaphore_mem>>) src(%dma_wait3A_588 : memref<128xi32, #tpu.memory_space<hbm>>) dst(%dma_wait3A_585 : memref<128xi32, #tpu.memory_space<vmem>>)
        %dma_start3A_589 = arith.constant 2 : i32
        %dma_start3A_590 = arith.constant 0 : i32
        %dma_start3A_591 = tpu.memref_slice %arg8[%dma_start3A_589, %dma_start3A_590] : memref<4x128xi32, #tpu.memory_space<vmem>> -> memref<1x128xi32, #tpu.memory_space<vmem>>
        %dma_start3A_592 = tpu.memref_squeeze %dma_start3A_591 : memref<1x128xi32, #tpu.memory_space<vmem>> -> memref<128xi32, #tpu.memory_space<vmem>>
        %dma_start3A_593 = arith.constant 0 : i32
        %dma_start3A_594 = arith.constant 0 : i32
        %dma_start3A_595 = tpu.memref_slice %arg2[%dma_start3A_593, %dma_start3A_594] : memref<10000x128xbf16, #tpu.memory_space<hbm>> -> memref<10000x128xbf16, #tpu.memory_space<hbm>>
        tpu.enqueue_indirect_dma source(%dma_start3A_595 : memref<10000x128xbf16, #tpu.memory_space<hbm>>) target(%arg10 : memref<128x128xbf16, #tpu.memory_space<vmem>>) offsets(%dma_start3A_592 : memref<128xi32, #tpu.memory_space<vmem>>) semaphore(%arg14 : memref<!tpu.dma_semaphore, #tpu.memory_space<semaphore_mem>>)
      } else {
      }
      %dma_start3A_290 = arith.constant 0 : i32
      %dma_start3A_291 = arith.constant 0 : i32
      %dma_start3A_292 = tpu.memref_slice %arg9[%dma_start3A_290, %dma_start3A_291] : memref<4x128xi32, #tpu.memory_space<vmem>> -> memref<1x128xi32, #tpu.memory_space<vmem>>
      %dma_start3A_293 = tpu.memref_squeeze %dma_start3A_292 : memref<1x128xi32, #tpu.memory_space<vmem>> -> memref<128xi32, #tpu.memory_space<vmem>>
      %dma_start3A_294 = arith.constant 0 : i32
      %dma_start3A_295 = arith.constant 0 : i32
      %dma_start3A_296 = tpu.memref_slice %arg7[%dma_start3A_294, %dma_start3A_295] : memref<10112x128xf32, #tpu.memory_space<vmem_shared>> -> memref<10112x128xf32, #tpu.memory_space<vmem_shared>>
      tpu.enqueue_indirect_dma source(%arg12 : memref<128x128xf32, #tpu.memory_space<vmem>>) target(%dma_start3A_296 : memref<10112x128xf32, #tpu.memory_space<vmem_shared>>) offsets(%dma_start3A_293 : memref<128xi32, #tpu.memory_space<vmem>>) semaphore(%arg16 : memref<!tpu.dma_semaphore, #tpu.memory_space<semaphore_mem>>) {add = true}
      %get3A = arith.constant 0 : i32
      %get3A_297 = arith.index_cast %get3A : i32 to index
      %get3A_298 = arith.constant 0 : index
      %get3A_299 = tpu.vector_load %arg9[%get3A_297, %get3A_298] {strides = array<i32>} : memref<4x128xi32, #tpu.memory_space<vmem>>, vector<16xi32>,
      tpu.vector_store_idx %arg13[%get3A_299], %broadcast_in_dim3A_3 {add = true} : memref<10112xf32, #tpu.memory_space<vmem>>[vector<16xi32>], vector<16xf32>,
      %get3A_300 = arith.constant 0 : i32
      %get3A_301 = arith.index_cast %get3A_300 : i32 to index
      %get3A_302 = arith.constant 16 : index
      %get3A_303 = tpu.vector_load %arg9[%get3A_301, %get3A_302] {strides = array<i32>} : memref<4x128xi32, #tpu.memory_space<vmem>>, vector<16xi32>,
      tpu.vector_store_idx %arg13[%get3A_303], %broadcast_in_dim3A_3 {add = true} : memref<10112xf32, #tpu.memory_space<vmem>>[vector<16xi32>], vector<16xf32>,
      %get3A_304 = arith.constant 0 : i32
      %get3A_305 = arith.index_cast %get3A_304 : i32 to index
      %get3A_306 = arith.constant 32 : index
      %get3A_307 = tpu.vector_load %arg9[%get3A_305, %get3A_306] {strides = array<i32>} : memref<4x128xi32, #tpu.memory_space<vmem>>, vector<16xi32>,
      tpu.vector_store_idx %arg13[%get3A_307], %broadcast_in_dim3A_3 {add = true} : memref<10112xf32, #tpu.memory_space<vmem>>[vector<16xi32>], vector<16xf32>,
      %get3A_308 = arith.constant 0 : i32
      %get3A_309 = arith.index_cast %get3A_308 : i32 to index
      %get3A_310 = arith.constant 48 : index
      %get3A_311 = tpu.vector_load %arg9[%get3A_309, %get3A_310] {strides = array<i32>} : memref<4x128xi32, #tpu.memory_space<vmem>>, vector<16xi32>,
      tpu.vector_store_idx %arg13[%get3A_311], %broadcast_in_dim3A_3 {add = true} : memref<10112xf32, #tpu.memory_space<vmem>>[vector<16xi32>], vector<16xf32>,
      %get3A_312 = arith.constant 0 : i32
      %get3A_313 = arith.index_cast %get3A_312 : i32 to index
      %get3A_314 = arith.constant 64 : index
      %get3A_315 = tpu.vector_load %arg9[%get3A_313, %get3A_314] {strides = array<i32>} : memref<4x128xi32, #tpu.memory_space<vmem>>, vector<16xi32>,
      tpu.vector_store_idx %arg13[%get3A_315], %broadcast_in_dim3A_3 {add = true} : memref<10112xf32, #tpu.memory_space<vmem>>[vector<16xi32>], vector<16xf32>,
      %get3A_316 = arith.constant 0 : i32
      %get3A_317 = arith.index_cast %get3A_316 : i32 to index
      %get3A_318 = arith.constant 80 : index
      %get3A_319 = tpu.vector_load %arg9[%get3A_317, %get3A_318] {strides = array<i32>} : memref<4x128xi32, #tpu.memory_space<vmem>>, vector<16xi32>,
      tpu.vector_store_idx %arg13[%get3A_319], %broadcast_in_dim3A_3 {add = true} : memref<10112xf32, #tpu.memory_space<vmem>>[vector<16xi32>], vector<16xf32>,
      %get3A_320 = arith.constant 0 : i32
      %get3A_321 = arith.index_cast %get3A_320 : i32 to index
      %get3A_322 = arith.constant 96 : index
      %get3A_323 = tpu.vector_load %arg9[%get3A_321, %get3A_322] {strides = array<i32>} : memref<4x128xi32, #tpu.memory_space<vmem>>, vector<16xi32>,
      tpu.vector_store_idx %arg13[%get3A_323], %broadcast_in_dim3A_3 {add = true} : memref<10112xf32, #tpu.memory_space<vmem>>[vector<16xi32>], vector<16xf32>,
      %get3A_324 = arith.constant 0 : i32
      %get3A_325 = arith.index_cast %get3A_324 : i32 to index
      %get3A_326 = arith.constant 112 : index
      %get3A_327 = tpu.vector_load %arg9[%get3A_325, %get3A_326] {strides = array<i32>} : memref<4x128xi32, #tpu.memory_space<vmem>>, vector<16xi32>,
      tpu.vector_store_idx %arg13[%get3A_327], %broadcast_in_dim3A_3 {add = true} : memref<10112xf32, #tpu.memory_space<vmem>>[vector<16xi32>], vector<16xf32>,
      %dma_wait3A_328 = arith.constant 0 : i32
      %dma_wait3A_329 = arith.constant 0 : i32
      %dma_wait3A_330 = tpu.memref_slice %arg9[%dma_wait3A_328, %dma_wait3A_329] : memref<4x128xi32, #tpu.memory_space<vmem>> -> memref<1x128xi32, #tpu.memory_space<vmem>>
      %dma_wait3A_331 = tpu.memref_squeeze %dma_wait3A_330 : memref<1x128xi32, #tpu.memory_space<vmem>> -> memref<128xi32, #tpu.memory_space<vmem>>
      %dma_wait3A_332 = arith.constant 0 : i32
      %dma_wait3A_333 = arith.constant 0 : i32
      %dma_wait3A_334 = tpu.memref_slice %arg7[%dma_wait3A_332, %dma_wait3A_333] : memref<10112x128xf32, #tpu.memory_space<vmem_shared>> -> memref<10112x128xf32, #tpu.memory_space<vmem_shared>>
      tpu.wait_indirect_dma semaphore(%arg16 : memref<!tpu.dma_semaphore, #tpu.memory_space<semaphore_mem>>) src(%arg12 : memref<128x128xf32, #tpu.memory_space<vmem>>) dst(%dma_wait3A_334 : memref<10112x128xf32, #tpu.memory_space<vmem_shared>>)
      %add3A_335 = arith.constant 4 : i32
      %add3A_336 = arith.addi %mul3A_273, %add3A_335 : i32
      %lt3A_337 = arith.constant 80 : i32
      %lt3A_338 = arith.cmpi slt, %add3A_336, %lt3A_337 : i32
      %convert_element_type3A_339 = arith.extui %lt3A_338 : i1 to i32
      %cond3A_340 = arith.constant 0 : i32
      %cond3A_341 = arith.cmpi ne, %convert_element_type3A_339, %cond3A_340 : i32
      scf.if %cond3A_341 {
        %add3A_559 = arith.constant 4 : i32
        %add3A_560 = arith.addi %mul3A_273, %add3A_559 : i32
        %add3A_561 = arith.addi %mul3A_5, %add3A_560 : i32
        %dma_start3A_562 = arith.constant 0 : i32
        %dma_start3A_563 = arith.constant 0 : i32
        %dma_start3A_564 = tpu.memref_slice %arg8[%dma_start3A_562, %dma_start3A_563] : memref<4x128xi32, #tpu.memory_space<vmem>> -> memref<1x128xi32, #tpu.memory_space<vmem>>
        %dma_start3A_565 = tpu.memref_squeeze %dma_start3A_564 : memref<1x128xi32, #tpu.memory_space<vmem>> -> memref<128xi32, #tpu.memory_space<vmem>>
        %dma_start3A_566 = arith.constant 0 : i32
        %dma_start3A_567 = tpu.memref_slice %arg3[%add3A_561, %dma_start3A_566] : memref<2560x128xi32, #tpu.memory_space<hbm>> -> memref<1x128xi32, #tpu.memory_space<hbm>>
        %dma_start3A_568 = tpu.memref_squeeze %dma_start3A_567 : memref<1x128xi32, #tpu.memory_space<hbm>> -> memref<128xi32, #tpu.memory_space<hbm>>
        %dma_start3A_569 = arith.constant 0 : i32
        %dma_start3A_570 = tpu.memref_slice %arg8[%dma_start3A_562, %dma_start3A_569] : memref<4x128xi32, #tpu.memory_space<vmem>> -> memref<1x128xi32, #tpu.memory_space<vmem>>
        %dma_start3A_571 = tpu.memref_squeeze %dma_start3A_570 : memref<1x128xi32, #tpu.memory_space<vmem>> -> memref<128xi32, #tpu.memory_space<vmem>>
        %dma_start3A_572 = arith.constant 0 : i32
        %dma_start3A_573 = tpu.memref_slice %arg3[%add3A_561, %dma_start3A_572] : memref<2560x128xi32, #tpu.memory_space<hbm>> -> memref<1x128xi32, #tpu.memory_space<hbm>>
        %dma_start3A_574 = tpu.memref_squeeze %dma_start3A_573 : memref<1x128xi32, #tpu.memory_space<hbm>> -> memref<128xi32, #tpu.memory_space<hbm>>
        tpu.enqueue_dma source(%dma_start3A_574 : memref<128xi32, #tpu.memory_space<hbm>>) target(%dma_start3A_571 : memref<128xi32, #tpu.memory_space<vmem>>) target_semaphore(%arg18 : memref<!tpu.dma_semaphore, #tpu.memory_space<semaphore_mem>>)
        %add3A_575 = arith.addi %mul3A_5, %add3A_560 : i32
        %dma_start3A_576 = arith.constant 0 : i32
        %dma_start3A_577 = arith.constant 0 : i32
        %dma_start3A_578 = tpu.memref_slice %arg9[%dma_start3A_576, %dma_start3A_577] : memref<4x128xi32, #tpu.memory_space<vmem>> -> memref<1x128xi32, #tpu.memory_space<vmem>>
        %dma_start3A_579 = tpu.memref_squeeze %dma_start3A_578 : memref<1x128xi32, #tpu.memory_space<vmem>> -> memref<128xi32, #tpu.memory_space<vmem>>
        %dma_start3A_580 = arith.constant 0 : i32
        %dma_start3A_581 = tpu.memref_slice %arg4[%add3A_575, %dma_start3A_580] : memref<2560x128xi32, #tpu.memory_space<hbm>> -> memref<1x128xi32, #tpu.memory_space<hbm>>
        %dma_start3A_582 = tpu.memref_squeeze %dma_start3A_581 : memref<1x128xi32, #tpu.memory_space<hbm>> -> memref<128xi32, #tpu.memory_space<hbm>>
        %dma_start3A_583 = arith.constant 0 : i32
        %dma_start3A_584 = tpu.memref_slice %arg9[%dma_start3A_576, %dma_start3A_583] : memref<4x128xi32, #tpu.memory_space<vmem>> -> memref<1x128xi32, #tpu.memory_space<vmem>>
        %dma_start3A_585 = tpu.memref_squeeze %dma_start3A_584 : memref<1x128xi32, #tpu.memory_space<vmem>> -> memref<128xi32, #tpu.memory_space<vmem>>
        %dma_start3A_586 = arith.constant 0 : i32
        %dma_start3A_587 = tpu.memref_slice %arg4[%add3A_575, %dma_start3A_586] : memref<2560x128xi32, #tpu.memory_space<hbm>> -> memref<1x128xi32, #tpu.memory_space<hbm>>
        %dma_start3A_588 = tpu.memref_squeeze %dma_start3A_587 : memref<1x128xi32, #tpu.memory_space<hbm>> -> memref<128xi32, #tpu.memory_space<hbm>>
        tpu.enqueue_dma source(%dma_start3A_588 : memref<128xi32, #tpu.memory_space<hbm>>) target(%dma_start3A_585 : memref<128xi32, #tpu.memory_space<vmem>>) target_semaphore(%arg18 : memref<!tpu.dma_semaphore, #tpu.memory_space<semaphore_mem>>)
      } else {
      }
      %add3A_342 = arith.constant 1 : i32
      %add3A_343 = arith.addi %mul3A_273, %add3A_342 : i32
      %dma_wait3A_344 = arith.constant 1 : i32
      %dma_wait3A_345 = arith.constant 0 : i32
      %dma_wait3A_346 = tpu.memref_slice %arg8[%dma_wait3A_344, %dma_wait3A_345] : memref<4x128xi32, #tpu.memory_space<vmem>> -> memref<1x128xi32, #tpu.memory_space<vmem>>
      %dma_wait3A_347 = tpu.memref_squeeze %dma_wait3A_346 : memref<1x128xi32, #tpu.memory_space<vmem>> -> memref<128xi32, #tpu.memory_space<vmem>>
      %dma_wait3A_348 = arith.constant 0 : i32
      %dma_wait3A_349 = arith.constant 0 : i32
      %dma_wait3A_350 = tpu.memref_slice %arg2[%dma_wait3A_348, %dma_wait3A_349] : memref<10000x128xbf16, #tpu.memory_space<hbm>> -> memref<10000x128xbf16, #tpu.memory_space<hbm>>
      tpu.wait_indirect_dma semaphore(%arg15 : memref<!tpu.dma_semaphore, #tpu.memory_space<semaphore_mem>>) src(%dma_wait3A_350 : memref<10000x128xbf16, #tpu.memory_space<hbm>>) dst(%arg11 : memref<128x128xbf16, #tpu.memory_space<vmem>>)
      %parallel_loop3A_351 = arith.constant 0 : i32
      %parallel_loop3A_352 = arith.constant 128 : i32
      %parallel_loop3A_353 = arith.constant 1 : i32
      scf.for %parallel_loop3A_559 = %parallel_loop3A_351 to %parallel_loop3A_352 step %parallel_loop3A_353  : i32 {
        %parallel_loop3A_560 = arith.index_cast %parallel_loop3A_559 : i32 to index
        %parallel_loop3A_561 = arith.constant 0 : index
        %parallel_loop3A_562 = tpu.vector_load %arg11[%parallel_loop3A_560, %parallel_loop3A_561] {strides = array<i32>} : memref<128x128xbf16, #tpu.memory_space<vmem>>, vector<32xbf16>,
        %parallel_loop3A_563 = tpu.unpack_subelements %parallel_loop3A_562, 0 {pack_format = #tpu.pack_format<interleaved>} : vector<32xbf16> -> vector<16xf32>
        %parallel_loop3A_564 = tpu.unpack_subelements %parallel_loop3A_562, 1 {pack_format = #tpu.pack_format<interleaved>} : vector<32xbf16> -> vector<16xf32>
        %parallel_loop3A_565 = arith.index_cast %parallel_loop3A_559 : i32 to index
        %parallel_loop3A_566 = arith.constant 0 : index
        %parallel_loop3A_567 = tpu.vector_load %arg12[%parallel_loop3A_565, %parallel_loop3A_566] {strides = array<i32>} : memref<128x128xf32, #tpu.memory_space<vmem>>, vector<16xf32>,
        tpu.vector_store %arg12[%parallel_loop3A_565, %parallel_loop3A_566], %parallel_loop3A_563 {strides = array<i32>} : memref<128x128xf32, #tpu.memory_space<vmem>>, vector<16xf32>,
        %parallel_loop3A_568 = arith.index_cast %parallel_loop3A_559 : i32 to index
        %parallel_loop3A_569 = arith.constant 16 : index
        %parallel_loop3A_570 = tpu.vector_load %arg12[%parallel_loop3A_568, %parallel_loop3A_569] {strides = array<i32>} : memref<128x128xf32, #tpu.memory_space<vmem>>, vector<16xf32>,
        tpu.vector_store %arg12[%parallel_loop3A_568, %parallel_loop3A_569], %parallel_loop3A_564 {strides = array<i32>} : memref<128x128xf32, #tpu.memory_space<vmem>>, vector<16xf32>,
        %parallel_loop3A_571 = arith.index_cast %parallel_loop3A_559 : i32 to index
        %parallel_loop3A_572 = arith.constant 32 : index
        %parallel_loop3A_573 = tpu.vector_load %arg11[%parallel_loop3A_571, %parallel_loop3A_572] {strides = array<i32>} : memref<128x128xbf16, #tpu.memory_space<vmem>>, vector<32xbf16>,
        %parallel_loop3A_574 = tpu.unpack_subelements %parallel_loop3A_573, 0 {pack_format = #tpu.pack_format<interleaved>} : vector<32xbf16> -> vector<16xf32>
        %parallel_loop3A_575 = tpu.unpack_subelements %parallel_loop3A_573, 1 {pack_format = #tpu.pack_format<interleaved>} : vector<32xbf16> -> vector<16xf32>
        %parallel_loop3A_576 = arith.index_cast %parallel_loop3A_559 : i32 to index
        %parallel_loop3A_577 = arith.constant 32 : index
        %parallel_loop3A_578 = tpu.vector_load %arg12[%parallel_loop3A_576, %parallel_loop3A_577] {strides = array<i32>} : memref<128x128xf32, #tpu.memory_space<vmem>>, vector<16xf32>,
        tpu.vector_store %arg12[%parallel_loop3A_576, %parallel_loop3A_577], %parallel_loop3A_574 {strides = array<i32>} : memref<128x128xf32, #tpu.memory_space<vmem>>, vector<16xf32>,
        %parallel_loop3A_579 = arith.index_cast %parallel_loop3A_559 : i32 to index
        %parallel_loop3A_580 = arith.constant 48 : index
        %parallel_loop3A_581 = tpu.vector_load %arg12[%parallel_loop3A_579, %parallel_loop3A_580] {strides = array<i32>} : memref<128x128xf32, #tpu.memory_space<vmem>>, vector<16xf32>,
        tpu.vector_store %arg12[%parallel_loop3A_579, %parallel_loop3A_580], %parallel_loop3A_575 {strides = array<i32>} : memref<128x128xf32, #tpu.memory_space<vmem>>, vector<16xf32>,
        %parallel_loop3A_582 = arith.index_cast %parallel_loop3A_559 : i32 to index
        %parallel_loop3A_583 = arith.constant 64 : index
        %parallel_loop3A_584 = tpu.vector_load %arg11[%parallel_loop3A_582, %parallel_loop3A_583] {strides = array<i32>} : memref<128x128xbf16, #tpu.memory_space<vmem>>, vector<32xbf16>,
        %parallel_loop3A_585 = tpu.unpack_subelements %parallel_loop3A_584, 0 {pack_format = #tpu.pack_format<interleaved>} : vector<32xbf16> -> vector<16xf32>
        %parallel_loop3A_586 = tpu.unpack_subelements %parallel_loop3A_584, 1 {pack_format = #tpu.pack_format<interleaved>} : vector<32xbf16> -> vector<16xf32>
        %parallel_loop3A_587 = arith.index_cast %parallel_loop3A_559 : i32 to index
        %parallel_loop3A_588 = arith.constant 64 : index
        %parallel_loop3A_589 = tpu.vector_load %arg12[%parallel_loop3A_587, %parallel_loop3A_588] {strides = array<i32>} : memref<128x128xf32, #tpu.memory_space<vmem>>, vector<16xf32>,
        tpu.vector_store %arg12[%parallel_loop3A_587, %parallel_loop3A_588], %parallel_loop3A_585 {strides = array<i32>} : memref<128x128xf32, #tpu.memory_space<vmem>>, vector<16xf32>,
        %parallel_loop3A_590 = arith.index_cast %parallel_loop3A_559 : i32 to index
        %parallel_loop3A_591 = arith.constant 80 : index
        %parallel_loop3A_592 = tpu.vector_load %arg12[%parallel_loop3A_590, %parallel_loop3A_591] {strides = array<i32>} : memref<128x128xf32, #tpu.memory_space<vmem>>, vector<16xf32>,
        tpu.vector_store %arg12[%parallel_loop3A_590, %parallel_loop3A_591], %parallel_loop3A_586 {strides = array<i32>} : memref<128x128xf32, #tpu.memory_space<vmem>>, vector<16xf32>,
        %parallel_loop3A_593 = arith.index_cast %parallel_loop3A_559 : i32 to index
        %parallel_loop3A_594 = arith.constant 96 : index
        %parallel_loop3A_595 = tpu.vector_load %arg11[%parallel_loop3A_593, %parallel_loop3A_594] {strides = array<i32>} : memref<128x128xbf16, #tpu.memory_space<vmem>>, vector<32xbf16>,
        %parallel_loop3A_596 = tpu.unpack_subelements %parallel_loop3A_595, 0 {pack_format = #tpu.pack_format<interleaved>} : vector<32xbf16> -> vector<16xf32>
        %parallel_loop3A_597 = tpu.unpack_subelements %parallel_loop3A_595, 1 {pack_format = #tpu.pack_format<interleaved>} : vector<32xbf16> -> vector<16xf32>
        %parallel_loop3A_598 = arith.index_cast %parallel_loop3A_559 : i32 to index
        %parallel_loop3A_599 = arith.constant 96 : index
        %parallel_loop3A_600 = tpu.vector_load %arg12[%parallel_loop3A_598, %parallel_loop3A_599] {strides = array<i32>} : memref<128x128xf32, #tpu.memory_space<vmem>>, vector<16xf32>,
        tpu.vector_store %arg12[%parallel_loop3A_598, %parallel_loop3A_599], %parallel_loop3A_596 {strides = array<i32>} : memref<128x128xf32, #tpu.memory_space<vmem>>, vector<16xf32>,
        %parallel_loop3A_601 = arith.index_cast %parallel_loop3A_559 : i32 to index
        %parallel_loop3A_602 = arith.constant 112 : index
        %parallel_loop3A_603 = tpu.vector_load %arg12[%parallel_loop3A_601, %parallel_loop3A_602] {strides = array<i32>} : memref<128x128xf32, #tpu.memory_space<vmem>>, vector<16xf32>,
        tpu.vector_store %arg12[%parallel_loop3A_601, %parallel_loop3A_602], %parallel_loop3A_597 {strides = array<i32>} : memref<128x128xf32, #tpu.memory_space<vmem>>, vector<16xf32>,
      } {sc.loop_unroll_factor = 8 : i64, sc.parallel_access}
      %add3A_354 = arith.constant 2 : i32
      %add3A_355 = arith.addi %add3A_343, %add3A_354 : i32
      %lt3A_356 = arith.constant 80 : i32
      %lt3A_357 = arith.cmpi slt, %add3A_355, %lt3A_356 : i32
      %convert_element_type3A_358 = arith.extui %lt3A_357 : i1 to i32
      %cond3A_359 = arith.constant 0 : i32
      %cond3A_360 = arith.cmpi ne, %convert_element_type3A_358, %cond3A_359 : i32
      scf.if %cond3A_360 {
        %add3A_559 = arith.constant 2 : i32
        %add3A_560 = arith.addi %add3A_343, %add3A_559 : i32
        %add3A_561 = arith.addi %mul3A_5, %add3A_560 : i32
        %dma_wait3A_562 = arith.constant 3 : i32
        %dma_wait3A_563 = arith.constant 0 : i32
        %dma_wait3A_564 = tpu.memref_slice %arg8[%dma_wait3A_562, %dma_wait3A_563] : memref<4x128xi32, #tpu.memory_space<vmem>> -> memref<1x128xi32, #tpu.memory_space<vmem>>
        %dma_wait3A_565 = tpu.memref_squeeze %dma_wait3A_564 : memref<1x128xi32, #tpu.memory_space<vmem>> -> memref<128xi32, #tpu.memory_space<vmem>>
        %dma_wait3A_566 = arith.constant 0 : i32
        %dma_wait3A_567 = tpu.memref_slice %arg3[%add3A_561, %dma_wait3A_566] : memref<2560x128xi32, #tpu.memory_space<hbm>> -> memref<1x128xi32, #tpu.memory_space<hbm>>
        %dma_wait3A_568 = tpu.memref_squeeze %dma_wait3A_567 : memref<1x128xi32, #tpu.memory_space<hbm>> -> memref<128xi32, #tpu.memory_space<hbm>>
        %dma_wait3A_569 = arith.constant 0 : i32
        %dma_wait3A_570 = tpu.memref_slice %arg8[%dma_wait3A_562, %dma_wait3A_569] : memref<4x128xi32, #tpu.memory_space<vmem>> -> memref<1x128xi32, #tpu.memory_space<vmem>>
        %dma_wait3A_571 = tpu.memref_squeeze %dma_wait3A_570 : memref<1x128xi32, #tpu.memory_space<vmem>> -> memref<128xi32, #tpu.memory_space<vmem>>
        %dma_wait3A_572 = arith.constant 0 : i32
        %dma_wait3A_573 = tpu.memref_slice %arg3[%add3A_561, %dma_wait3A_572] : memref<2560x128xi32, #tpu.memory_space<hbm>> -> memref<1x128xi32, #tpu.memory_space<hbm>>
        %dma_wait3A_574 = tpu.memref_squeeze %dma_wait3A_573 : memref<1x128xi32, #tpu.memory_space<hbm>> -> memref<128xi32, #tpu.memory_space<hbm>>
        tpu.wait_dma2 semaphore(%arg21 : memref<!tpu.dma_semaphore, #tpu.memory_space<semaphore_mem>>) src(%dma_wait3A_574 : memref<128xi32, #tpu.memory_space<hbm>>) dst(%dma_wait3A_571 : memref<128xi32, #tpu.memory_space<vmem>>)
        %add3A_575 = arith.addi %mul3A_5, %add3A_560 : i32
        %dma_wait3A_576 = arith.constant 3 : i32
        %dma_wait3A_577 = arith.constant 0 : i32
        %dma_wait3A_578 = tpu.memref_slice %arg9[%dma_wait3A_576, %dma_wait3A_577] : memref<4x128xi32, #tpu.memory_space<vmem>> -> memref<1x128xi32, #tpu.memory_space<vmem>>
        %dma_wait3A_579 = tpu.memref_squeeze %dma_wait3A_578 : memref<1x128xi32, #tpu.memory_space<vmem>> -> memref<128xi32, #tpu.memory_space<vmem>>
        %dma_wait3A_580 = arith.constant 0 : i32
        %dma_wait3A_581 = tpu.memref_slice %arg4[%add3A_575, %dma_wait3A_580] : memref<2560x128xi32, #tpu.memory_space<hbm>> -> memref<1x128xi32, #tpu.memory_space<hbm>>
        %dma_wait3A_582 = tpu.memref_squeeze %dma_wait3A_581 : memref<1x128xi32, #tpu.memory_space<hbm>> -> memref<128xi32, #tpu.memory_space<hbm>>
        %dma_wait3A_583 = arith.constant 0 : i32
        %dma_wait3A_584 = tpu.memref_slice %arg9[%dma_wait3A_576, %dma_wait3A_583] : memref<4x128xi32, #tpu.memory_space<vmem>> -> memref<1x128xi32, #tpu.memory_space<vmem>>
        %dma_wait3A_585 = tpu.memref_squeeze %dma_wait3A_584 : memref<1x128xi32, #tpu.memory_space<vmem>> -> memref<128xi32, #tpu.memory_space<vmem>>
        %dma_wait3A_586 = arith.constant 0 : i32
        %dma_wait3A_587 = tpu.memref_slice %arg4[%add3A_575, %dma_wait3A_586] : memref<2560x128xi32, #tpu.memory_space<hbm>> -> memref<1x128xi32, #tpu.memory_space<hbm>>
        %dma_wait3A_588 = tpu.memref_squeeze %dma_wait3A_587 : memref<1x128xi32, #tpu.memory_space<hbm>> -> memref<128xi32, #tpu.memory_space<hbm>>
        tpu.wait_dma2 semaphore(%arg21 : memref<!tpu.dma_semaphore, #tpu.memory_space<semaphore_mem>>) src(%dma_wait3A_588 : memref<128xi32, #tpu.memory_space<hbm>>) dst(%dma_wait3A_585 : memref<128xi32, #tpu.memory_space<vmem>>)
        %dma_start3A_589 = arith.constant 3 : i32
        %dma_start3A_590 = arith.constant 0 : i32
        %dma_start3A_591 = tpu.memref_slice %arg8[%dma_start3A_589, %dma_start3A_590] : memref<4x128xi32, #tpu.memory_space<vmem>> -> memref<1x128xi32, #tpu.memory_space<vmem>>
        %dma_start3A_592 = tpu.memref_squeeze %dma_start3A_591 : memref<1x128xi32, #tpu.memory_space<vmem>> -> memref<128xi32, #tpu.memory_space<vmem>>
        %dma_start3A_593 = arith.constant 0 : i32
        %dma_start3A_594 = arith.constant 0 : i32
        %dma_start3A_595 = tpu.memref_slice %arg2[%dma_start3A_593, %dma_start3A_594] : memref<10000x128xbf16, #tpu.memory_space<hbm>> -> memref<10000x128xbf16, #tpu.memory_space<hbm>>
        tpu.enqueue_indirect_dma source(%dma_start3A_595 : memref<10000x128xbf16, #tpu.memory_space<hbm>>) target(%arg11 : memref<128x128xbf16, #tpu.memory_space<vmem>>) offsets(%dma_start3A_592 : memref<128xi32, #tpu.memory_space<vmem>>) semaphore(%arg15 : memref<!tpu.dma_semaphore, #tpu.memory_space<semaphore_mem>>)
      } else {
      }
      %dma_start3A_361 = arith.constant 1 : i32
      %dma_start3A_362 = arith.constant 0 : i32
      %dma_start3A_363 = tpu.memref_slice %arg9[%dma_start3A_361, %dma_start3A_362] : memref<4x128xi32, #tpu.memory_space<vmem>> -> memref<1x128xi32, #tpu.memory_space<vmem>>
      %dma_start3A_364 = tpu.memref_squeeze %dma_start3A_363 : memref<1x128xi32, #tpu.memory_space<vmem>> -> memref<128xi32, #tpu.memory_space<vmem>>
      %dma_start3A_365 = arith.constant 0 : i32
      %dma_start3A_366 = arith.constant 0 : i32
      %dma_start3A_367 = tpu.memref_slice %arg7[%dma_start3A_365, %dma_start3A_366] : memref<10112x128xf32, #tpu.memory_space<vmem_shared>> -> memref<10112x128xf32, #tpu.memory_space<vmem_shared>>
      tpu.enqueue_indirect_dma source(%arg12 : memref<128x128xf32, #tpu.memory_space<vmem>>) target(%dma_start3A_367 : memref<10112x128xf32, #tpu.memory_space<vmem_shared>>) offsets(%dma_start3A_364 : memref<128xi32, #tpu.memory_space<vmem>>) semaphore(%arg17 : memref<!tpu.dma_semaphore, #tpu.memory_space<semaphore_mem>>) {add = true}
      %get3A_368 = arith.constant 1 : i32
      %get3A_369 = arith.index_cast %get3A_368 : i32 to index
      %get3A_370 = arith.constant 0 : index
      %get3A_371 = tpu.vector_load %arg9[%get3A_369, %get3A_370] {strides = array<i32>} : memref<4x128xi32, #tpu.memory_space<vmem>>, vector<16xi32>,
      tpu.vector_store_idx %arg13[%get3A_371], %broadcast_in_dim3A_3 {add = true} : memref<10112xf32, #tpu.memory_space<vmem>>[vector<16xi32>], vector<16xf32>,
      %get3A_372 = arith.constant 1 : i32
      %get3A_373 = arith.index_cast %get3A_372 : i32 to index
      %get3A_374 = arith.constant 16 : index
      %get3A_375 = tpu.vector_load %arg9[%get3A_373, %get3A_374] {strides = array<i32>} : memref<4x128xi32, #tpu.memory_space<vmem>>, vector<16xi32>,
      tpu.vector_store_idx %arg13[%get3A_375], %broadcast_in_dim3A_3 {add = true} : memref<10112xf32, #tpu.memory_space<vmem>>[vector<16xi32>], vector<16xf32>,
      %get3A_376 = arith.constant 1 : i32
      %get3A_377 = arith.index_cast %get3A_376 : i32 to index
      %get3A_378 = arith.constant 32 : index
      %get3A_379 = tpu.vector_load %arg9[%get3A_377, %get3A_378] {strides = array<i32>} : memref<4x128xi32, #tpu.memory_space<vmem>>, vector<16xi32>,
      tpu.vector_store_idx %arg13[%get3A_379], %broadcast_in_dim3A_3 {add = true} : memref<10112xf32, #tpu.memory_space<vmem>>[vector<16xi32>], vector<16xf32>,
      %get3A_380 = arith.constant 1 : i32
      %get3A_381 = arith.index_cast %get3A_380 : i32 to index
      %get3A_382 = arith.constant 48 : index
      %get3A_383 = tpu.vector_load %arg9[%get3A_381, %get3A_382] {strides = array<i32>} : memref<4x128xi32, #tpu.memory_space<vmem>>, vector<16xi32>,
      tpu.vector_store_idx %arg13[%get3A_383], %broadcast_in_dim3A_3 {add = true} : memref<10112xf32, #tpu.memory_space<vmem>>[vector<16xi32>], vector<16xf32>,
      %get3A_384 = arith.constant 1 : i32
      %get3A_385 = arith.index_cast %get3A_384 : i32 to index
      %get3A_386 = arith.constant 64 : index
      %get3A_387 = tpu.vector_load %arg9[%get3A_385, %get3A_386] {strides = array<i32>} : memref<4x128xi32, #tpu.memory_space<vmem>>, vector<16xi32>,
      tpu.vector_store_idx %arg13[%get3A_387], %broadcast_in_dim3A_3 {add = true} : memref<10112xf32, #tpu.memory_space<vmem>>[vector<16xi32>], vector<16xf32>,
      %get3A_388 = arith.constant 1 : i32
      %get3A_389 = arith.index_cast %get3A_388 : i32 to index
      %get3A_390 = arith.constant 80 : index
      %get3A_391 = tpu.vector_load %arg9[%get3A_389, %get3A_390] {strides = array<i32>} : memref<4x128xi32, #tpu.memory_space<vmem>>, vector<16xi32>,
      tpu.vector_store_idx %arg13[%get3A_391], %broadcast_in_dim3A_3 {add = true} : memref<10112xf32, #tpu.memory_space<vmem>>[vector<16xi32>], vector<16xf32>,
      %get3A_392 = arith.constant 1 : i32
      %get3A_393 = arith.index_cast %get3A_392 : i32 to index
      %get3A_394 = arith.constant 96 : index
      %get3A_395 = tpu.vector_load %arg9[%get3A_393, %get3A_394] {strides = array<i32>} : memref<4x128xi32, #tpu.memory_space<vmem>>, vector<16xi32>,
      tpu.vector_store_idx %arg13[%get3A_395], %broadcast_in_dim3A_3 {add = true} : memref<10112xf32, #tpu.memory_space<vmem>>[vector<16xi32>], vector<16xf32>,
      %get3A_396 = arith.constant 1 : i32
      %get3A_397 = arith.index_cast %get3A_396 : i32 to index
      %get3A_398 = arith.constant 112 : index
      %get3A_399 = tpu.vector_load %arg9[%get3A_397, %get3A_398] {strides = array<i32>} : memref<4x128xi32, #tpu.memory_space<vmem>>, vector<16xi32>,
      tpu.vector_store_idx %arg13[%get3A_399], %broadcast_in_dim3A_3 {add = true} : memref<10112xf32, #tpu.memory_space<vmem>>[vector<16xi32>], vector<16xf32>,
      %dma_wait3A_400 = arith.constant 1 : i32
      %dma_wait3A_401 = arith.constant 0 : i32
      %dma_wait3A_402 = tpu.memref_slice %arg9[%dma_wait3A_400, %dma_wait3A_401] : memref<4x128xi32, #tpu.memory_space<vmem>> -> memref<1x128xi32, #tpu.memory_space<vmem>>
      %dma_wait3A_403 = tpu.memref_squeeze %dma_wait3A_402 : memref<1x128xi32, #tpu.memory_space<vmem>> -> memref<128xi32, #tpu.memory_space<vmem>>
      %dma_wait3A_404 = arith.constant 0 : i32
      %dma_wait3A_405 = arith.constant 0 : i32
      %dma_wait3A_406 = tpu.memref_slice %arg7[%dma_wait3A_404, %dma_wait3A_405] : memref<10112x128xf32, #tpu.memory_space<vmem_shared>> -> memref<10112x128xf32, #tpu.memory_space<vmem_shared>>
      tpu.wait_indirect_dma semaphore(%arg17 : memref<!tpu.dma_semaphore, #tpu.memory_space<semaphore_mem>>) src(%arg12 : memref<128x128xf32, #tpu.memory_space<vmem>>) dst(%dma_wait3A_406 : memref<10112x128xf32, #tpu.memory_space<vmem_shared>>)
      %add3A_407 = arith.constant 4 : i32
      %add3A_408 = arith.addi %add3A_343, %add3A_407 : i32
      %lt3A_409 = arith.constant 80 : i32
      %lt3A_410 = arith.cmpi slt, %add3A_408, %lt3A_409 : i32
      %convert_element_type3A_411 = arith.extui %lt3A_410 : i1 to i32
      %cond3A_412 = arith.constant 0 : i32
      %cond3A_413 = arith.cmpi ne, %convert_element_type3A_411, %cond3A_412 : i32
      scf.if %cond3A_413 {
        %add3A_559 = arith.constant 4 : i32
        %add3A_560 = arith.addi %add3A_343, %add3A_559 : i32
        %add3A_561 = arith.addi %mul3A_5, %add3A_560 : i32
        %dma_start3A_562 = arith.constant 1 : i32
        %dma_start3A_563 = arith.constant 0 : i32
        %dma_start3A_564 = tpu.memref_slice %arg8[%dma_start3A_562, %dma_start3A_563] : memref<4x128xi32, #tpu.memory_space<vmem>> -> memref<1x128xi32, #tpu.memory_space<vmem>>
        %dma_start3A_565 = tpu.memref_squeeze %dma_start3A_564 : memref<1x128xi32, #tpu.memory_space<vmem>> -> memref<128xi32, #tpu.memory_space<vmem>>
        %dma_start3A_566 = arith.constant 0 : i32
        %dma_start3A_567 = tpu.memref_slice %arg3[%add3A_561, %dma_start3A_566] : memref<2560x128xi32, #tpu.memory_space<hbm>> -> memref<1x128xi32, #tpu.memory_space<hbm>>
        %dma_start3A_568 = tpu.memref_squeeze %dma_start3A_567 : memref<1x128xi32, #tpu.memory_space<hbm>> -> memref<128xi32, #tpu.memory_space<hbm>>
        %dma_start3A_569 = arith.constant 0 : i32
        %dma_start3A_570 = tpu.memref_slice %arg8[%dma_start3A_562, %dma_start3A_569] : memref<4x128xi32, #tpu.memory_space<vmem>> -> memref<1x128xi32, #tpu.memory_space<vmem>>
        %dma_start3A_571 = tpu.memref_squeeze %dma_start3A_570 : memref<1x128xi32, #tpu.memory_space<vmem>> -> memref<128xi32, #tpu.memory_space<vmem>>
        %dma_start3A_572 = arith.constant 0 : i32
        %dma_start3A_573 = tpu.memref_slice %arg3[%add3A_561, %dma_start3A_572] : memref<2560x128xi32, #tpu.memory_space<hbm>> -> memref<1x128xi32, #tpu.memory_space<hbm>>
        %dma_start3A_574 = tpu.memref_squeeze %dma_start3A_573 : memref<1x128xi32, #tpu.memory_space<hbm>> -> memref<128xi32, #tpu.memory_space<hbm>>
        tpu.enqueue_dma source(%dma_start3A_574 : memref<128xi32, #tpu.memory_space<hbm>>) target(%dma_start3A_571 : memref<128xi32, #tpu.memory_space<vmem>>) target_semaphore(%arg19 : memref<!tpu.dma_semaphore, #tpu.memory_space<semaphore_mem>>)
        %add3A_575 = arith.addi %mul3A_5, %add3A_560 : i32
        %dma_start3A_576 = arith.constant 1 : i32
        %dma_start3A_577 = arith.constant 0 : i32
        %dma_start3A_578 = tpu.memref_slice %arg9[%dma_start3A_576, %dma_start3A_577] : memref<4x128xi32, #tpu.memory_space<vmem>> -> memref<1x128xi32, #tpu.memory_space<vmem>>
        %dma_start3A_579 = tpu.memref_squeeze %dma_start3A_578 : memref<1x128xi32, #tpu.memory_space<vmem>> -> memref<128xi32, #tpu.memory_space<vmem>>
        %dma_start3A_580 = arith.constant 0 : i32
        %dma_start3A_581 = tpu.memref_slice %arg4[%add3A_575, %dma_start3A_580] : memref<2560x128xi32, #tpu.memory_space<hbm>> -> memref<1x128xi32, #tpu.memory_space<hbm>>
        %dma_start3A_582 = tpu.memref_squeeze %dma_start3A_581 : memref<1x128xi32, #tpu.memory_space<hbm>> -> memref<128xi32, #tpu.memory_space<hbm>>
        %dma_start3A_583 = arith.constant 0 : i32
        %dma_start3A_584 = tpu.memref_slice %arg9[%dma_start3A_576, %dma_start3A_583] : memref<4x128xi32, #tpu.memory_space<vmem>> -> memref<1x128xi32, #tpu.memory_space<vmem>>
        %dma_start3A_585 = tpu.memref_squeeze %dma_start3A_584 : memref<1x128xi32, #tpu.memory_space<vmem>> -> memref<128xi32, #tpu.memory_space<vmem>>
        %dma_start3A_586 = arith.constant 0 : i32
        %dma_start3A_587 = tpu.memref_slice %arg4[%add3A_575, %dma_start3A_586] : memref<2560x128xi32, #tpu.memory_space<hbm>> -> memref<1x128xi32, #tpu.memory_space<hbm>>
        %dma_start3A_588 = tpu.memref_squeeze %dma_start3A_587 : memref<1x128xi32, #tpu.memory_space<hbm>> -> memref<128xi32, #tpu.memory_space<hbm>>
        tpu.enqueue_dma source(%dma_start3A_588 : memref<128xi32, #tpu.memory_space<hbm>>) target(%dma_start3A_585 : memref<128xi32, #tpu.memory_space<vmem>>) target_semaphore(%arg19 : memref<!tpu.dma_semaphore, #tpu.memory_space<semaphore_mem>>)
      } else {
      }
      %add3A_414 = arith.constant 2 : i32
      %add3A_415 = arith.addi %mul3A_273, %add3A_414 : i32
      %dma_wait3A_416 = arith.constant 2 : i32
      %dma_wait3A_417 = arith.constant 0 : i32
      %dma_wait3A_418 = tpu.memref_slice %arg8[%dma_wait3A_416, %dma_wait3A_417] : memref<4x128xi32, #tpu.memory_space<vmem>> -> memref<1x128xi32, #tpu.memory_space<vmem>>
      %dma_wait3A_419 = tpu.memref_squeeze %dma_wait3A_418 : memref<1x128xi32, #tpu.memory_space<vmem>> -> memref<128xi32, #tpu.memory_space<vmem>>
      %dma_wait3A_420 = arith.constant 0 : i32
      %dma_wait3A_421 = arith.constant 0 : i32
      %dma_wait3A_422 = tpu.memref_slice %arg2[%dma_wait3A_420, %dma_wait3A_421] : memref<10000x128xbf16, #tpu.memory_space<hbm>> -> memref<10000x128xbf16, #tpu.memory_space<hbm>>
      tpu.wait_indirect_dma semaphore(%arg14 : memref<!tpu.dma_semaphore, #tpu.memory_space<semaphore_mem>>) src(%dma_wait3A_422 : memref<10000x128xbf16, #tpu.memory_space<hbm>>) dst(%arg10 : memref<128x128xbf16, #tpu.memory_space<vmem>>)
      %parallel_loop3A_423 = arith.constant 0 : i32
      %parallel_loop3A_424 = arith.constant 128 : i32
      %parallel_loop3A_425 = arith.constant 1 : i32
      scf.for %parallel_loop3A_559 = %parallel_loop3A_423 to %parallel_loop3A_424 step %parallel_loop3A_425  : i32 {
        %parallel_loop3A_560 = arith.index_cast %parallel_loop3A_559 : i32 to index
        %parallel_loop3A_561 = arith.constant 0 : index
        %parallel_loop3A_562 = tpu.vector_load %arg10[%parallel_loop3A_560, %parallel_loop3A_561] {strides = array<i32>} : memref<128x128xbf16, #tpu.memory_space<vmem>>, vector<32xbf16>,
        %parallel_loop3A_563 = tpu.unpack_subelements %parallel_loop3A_562, 0 {pack_format = #tpu.pack_format<interleaved>} : vector<32xbf16> -> vector<16xf32>
        %parallel_loop3A_564 = tpu.unpack_subelements %parallel_loop3A_562, 1 {pack_format = #tpu.pack_format<interleaved>} : vector<32xbf16> -> vector<16xf32>
        %parallel_loop3A_565 = arith.index_cast %parallel_loop3A_559 : i32 to index
        %parallel_loop3A_566 = arith.constant 0 : index
        %parallel_loop3A_567 = tpu.vector_load %arg12[%parallel_loop3A_565, %parallel_loop3A_566] {strides = array<i32>} : memref<128x128xf32, #tpu.memory_space<vmem>>, vector<16xf32>,
        tpu.vector_store %arg12[%parallel_loop3A_565, %parallel_loop3A_566], %parallel_loop3A_563 {strides = array<i32>} : memref<128x128xf32, #tpu.memory_space<vmem>>, vector<16xf32>,
        %parallel_loop3A_568 = arith.index_cast %parallel_loop3A_559 : i32 to index
        %parallel_loop3A_569 = arith.constant 16 : index
        %parallel_loop3A_570 = tpu.vector_load %arg12[%parallel_loop3A_568, %parallel_loop3A_569] {strides = array<i32>} : memref<128x128xf32, #tpu.memory_space<vmem>>, vector<16xf32>,
        tpu.vector_store %arg12[%parallel_loop3A_568, %parallel_loop3A_569], %parallel_loop3A_564 {strides = array<i32>} : memref<128x128xf32, #tpu.memory_space<vmem>>, vector<16xf32>,
        %parallel_loop3A_571 = arith.index_cast %parallel_loop3A_559 : i32 to index
        %parallel_loop3A_572 = arith.constant 32 : index
        %parallel_loop3A_573 = tpu.vector_load %arg10[%parallel_loop3A_571, %parallel_loop3A_572] {strides = array<i32>} : memref<128x128xbf16, #tpu.memory_space<vmem>>, vector<32xbf16>,
        %parallel_loop3A_574 = tpu.unpack_subelements %parallel_loop3A_573, 0 {pack_format = #tpu.pack_format<interleaved>} : vector<32xbf16> -> vector<16xf32>
        %parallel_loop3A_575 = tpu.unpack_subelements %parallel_loop3A_573, 1 {pack_format = #tpu.pack_format<interleaved>} : vector<32xbf16> -> vector<16xf32>
        %parallel_loop3A_576 = arith.index_cast %parallel_loop3A_559 : i32 to index
        %parallel_loop3A_577 = arith.constant 32 : index
        %parallel_loop3A_578 = tpu.vector_load %arg12[%parallel_loop3A_576, %parallel_loop3A_577] {strides = array<i32>} : memref<128x128xf32, #tpu.memory_space<vmem>>, vector<16xf32>,
        tpu.vector_store %arg12[%parallel_loop3A_576, %parallel_loop3A_577], %parallel_loop3A_574 {strides = array<i32>} : memref<128x128xf32, #tpu.memory_space<vmem>>, vector<16xf32>,
        %parallel_loop3A_579 = arith.index_cast %parallel_loop3A_559 : i32 to index
        %parallel_loop3A_580 = arith.constant 48 : index
        %parallel_loop3A_581 = tpu.vector_load %arg12[%parallel_loop3A_579, %parallel_loop3A_580] {strides = array<i32>} : memref<128x128xf32, #tpu.memory_space<vmem>>, vector<16xf32>,
        tpu.vector_store %arg12[%parallel_loop3A_579, %parallel_loop3A_580], %parallel_loop3A_575 {strides = array<i32>} : memref<128x128xf32, #tpu.memory_space<vmem>>, vector<16xf32>,
        %parallel_loop3A_582 = arith.index_cast %parallel_loop3A_559 : i32 to index
        %parallel_loop3A_583 = arith.constant 64 : index
        %parallel_loop3A_584 = tpu.vector_load %arg10[%parallel_loop3A_582, %parallel_loop3A_583] {strides = array<i32>} : memref<128x128xbf16, #tpu.memory_space<vmem>>, vector<32xbf16>,
        %parallel_loop3A_585 = tpu.unpack_subelements %parallel_loop3A_584, 0 {pack_format = #tpu.pack_format<interleaved>} : vector<32xbf16> -> vector<16xf32>
        %parallel_loop3A_586 = tpu.unpack_subelements %parallel_loop3A_584, 1 {pack_format = #tpu.pack_format<interleaved>} : vector<32xbf16> -> vector<16xf32>
        %parallel_loop3A_587 = arith.index_cast %parallel_loop3A_559 : i32 to index
        %parallel_loop3A_588 = arith.constant 64 : index
        %parallel_loop3A_589 = tpu.vector_load %arg12[%parallel_loop3A_587, %parallel_loop3A_588] {strides = array<i32>} : memref<128x128xf32, #tpu.memory_space<vmem>>, vector<16xf32>,
        tpu.vector_store %arg12[%parallel_loop3A_587, %parallel_loop3A_588], %parallel_loop3A_585 {strides = array<i32>} : memref<128x128xf32, #tpu.memory_space<vmem>>, vector<16xf32>,
        %parallel_loop3A_590 = arith.index_cast %parallel_loop3A_559 : i32 to index
        %parallel_loop3A_591 = arith.constant 80 : index
        %parallel_loop3A_592 = tpu.vector_load %arg12[%parallel_loop3A_590, %parallel_loop3A_591] {strides = array<i32>} : memref<128x128xf32, #tpu.memory_space<vmem>>, vector<16xf32>,
        tpu.vector_store %arg12[%parallel_loop3A_590, %parallel_loop3A_591], %parallel_loop3A_586 {strides = array<i32>} : memref<128x128xf32, #tpu.memory_space<vmem>>, vector<16xf32>,
        %parallel_loop3A_593 = arith.index_cast %parallel_loop3A_559 : i32 to index
        %parallel_loop3A_594 = arith.constant 96 : index
        %parallel_loop3A_595 = tpu.vector_load %arg10[%parallel_loop3A_593, %parallel_loop3A_594] {strides = array<i32>} : memref<128x128xbf16, #tpu.memory_space<vmem>>, vector<32xbf16>,
        %parallel_loop3A_596 = tpu.unpack_subelements %parallel_loop3A_595, 0 {pack_format = #tpu.pack_format<interleaved>} : vector<32xbf16> -> vector<16xf32>
        %parallel_loop3A_597 = tpu.unpack_subelements %parallel_loop3A_595, 1 {pack_format = #tpu.pack_format<interleaved>} : vector<32xbf16> -> vector<16xf32>
        %parallel_loop3A_598 = arith.index_cast %parallel_loop3A_559 : i32 to index
        %parallel_loop3A_599 = arith.constant 96 : index
        %parallel_loop3A_600 = tpu.vector_load %arg12[%parallel_loop3A_598, %parallel_loop3A_599] {strides = array<i32>} : memref<128x128xf32, #tpu.memory_space<vmem>>, vector<16xf32>,
        tpu.vector_store %arg12[%parallel_loop3A_598, %parallel_loop3A_599], %parallel_loop3A_596 {strides = array<i32>} : memref<128x128xf32, #tpu.memory_space<vmem>>, vector<16xf32>,
        %parallel_loop3A_601 = arith.index_cast %parallel_loop3A_559 : i32 to index
        %parallel_loop3A_602 = arith.constant 112 : index
        %parallel_loop3A_603 = tpu.vector_load %arg12[%parallel_loop3A_601, %parallel_loop3A_602] {strides = array<i32>} : memref<128x128xf32, #tpu.memory_space<vmem>>, vector<16xf32>,
        tpu.vector_store %arg12[%parallel_loop3A_601, %parallel_loop3A_602], %parallel_loop3A_597 {strides = array<i32>} : memref<128x128xf32, #tpu.memory_space<vmem>>, vector<16xf32>,
      } {sc.loop_unroll_factor = 8 : i64, sc.parallel_access}
      %add3A_426 = arith.constant 2 : i32
      %add3A_427 = arith.addi %add3A_415, %add3A_426 : i32
      %lt3A_428 = arith.constant 80 : i32
      %lt3A_429 = arith.cmpi slt, %add3A_427, %lt3A_428 : i32
      %convert_element_type3A_430 = arith.extui %lt3A_429 : i1 to i32
      %cond3A_431 = arith.constant 0 : i32
      %cond3A_432 = arith.cmpi ne, %convert_element_type3A_430, %cond3A_431 : i32
      scf.if %cond3A_432 {
        %add3A_559 = arith.constant 2 : i32
        %add3A_560 = arith.addi %add3A_415, %add3A_559 : i32
        %add3A_561 = arith.addi %mul3A_5, %add3A_560 : i32
        %dma_wait3A_562 = arith.constant 0 : i32
        %dma_wait3A_563 = arith.constant 0 : i32
        %dma_wait3A_564 = tpu.memref_slice %arg8[%dma_wait3A_562, %dma_wait3A_563] : memref<4x128xi32, #tpu.memory_space<vmem>> -> memref<1x128xi32, #tpu.memory_space<vmem>>
        %dma_wait3A_565 = tpu.memref_squeeze %dma_wait3A_564 : memref<1x128xi32, #tpu.memory_space<vmem>> -> memref<128xi32, #tpu.memory_space<vmem>>
        %dma_wait3A_566 = arith.constant 0 : i32
        %dma_wait3A_567 = tpu.memref_slice %arg3[%add3A_561, %dma_wait3A_566] : memref<2560x128xi32, #tpu.memory_space<hbm>> -> memref<1x128xi32, #tpu.memory_space<hbm>>
        %dma_wait3A_568 = tpu.memref_squeeze %dma_wait3A_567 : memref<1x128xi32, #tpu.memory_space<hbm>> -> memref<128xi32, #tpu.memory_space<hbm>>
        %dma_wait3A_569 = arith.constant 0 : i32
        %dma_wait3A_570 = tpu.memref_slice %arg8[%dma_wait3A_562, %dma_wait3A_569] : memref<4x128xi32, #tpu.memory_space<vmem>> -> memref<1x128xi32, #tpu.memory_space<vmem>>
        %dma_wait3A_571 = tpu.memref_squeeze %dma_wait3A_570 : memref<1x128xi32, #tpu.memory_space<vmem>> -> memref<128xi32, #tpu.memory_space<vmem>>
        %dma_wait3A_572 = arith.constant 0 : i32
        %dma_wait3A_573 = tpu.memref_slice %arg3[%add3A_561, %dma_wait3A_572] : memref<2560x128xi32, #tpu.memory_space<hbm>> -> memref<1x128xi32, #tpu.memory_space<hbm>>
        %dma_wait3A_574 = tpu.memref_squeeze %dma_wait3A_573 : memref<1x128xi32, #tpu.memory_space<hbm>> -> memref<128xi32, #tpu.memory_space<hbm>>
        tpu.wait_dma2 semaphore(%arg18 : memref<!tpu.dma_semaphore, #tpu.memory_space<semaphore_mem>>) src(%dma_wait3A_574 : memref<128xi32, #tpu.memory_space<hbm>>) dst(%dma_wait3A_571 : memref<128xi32, #tpu.memory_space<vmem>>)
        %add3A_575 = arith.addi %mul3A_5, %add3A_560 : i32
        %dma_wait3A_576 = arith.constant 0 : i32
        %dma_wait3A_577 = arith.constant 0 : i32
        %dma_wait3A_578 = tpu.memref_slice %arg9[%dma_wait3A_576, %dma_wait3A_577] : memref<4x128xi32, #tpu.memory_space<vmem>> -> memref<1x128xi32, #tpu.memory_space<vmem>>
        %dma_wait3A_579 = tpu.memref_squeeze %dma_wait3A_578 : memref<1x128xi32, #tpu.memory_space<vmem>> -> memref<128xi32, #tpu.memory_space<vmem>>
        %dma_wait3A_580 = arith.constant 0 : i32
        %dma_wait3A_581 = tpu.memref_slice %arg4[%add3A_575, %dma_wait3A_580] : memref<2560x128xi32, #tpu.memory_space<hbm>> -> memref<1x128xi32, #tpu.memory_space<hbm>>
        %dma_wait3A_582 = tpu.memref_squeeze %dma_wait3A_581 : memref<1x128xi32, #tpu.memory_space<hbm>> -> memref<128xi32, #tpu.memory_space<hbm>>
        %dma_wait3A_583 = arith.constant 0 : i32
        %dma_wait3A_584 = tpu.memref_slice %arg9[%dma_wait3A_576, %dma_wait3A_583] : memref<4x128xi32, #tpu.memory_space<vmem>> -> memref<1x128xi32, #tpu.memory_space<vmem>>
        %dma_wait3A_585 = tpu.memref_squeeze %dma_wait3A_584 : memref<1x128xi32, #tpu.memory_space<vmem>> -> memref<128xi32, #tpu.memory_space<vmem>>
        %dma_wait3A_586 = arith.constant 0 : i32
        %dma_wait3A_587 = tpu.memref_slice %arg4[%add3A_575, %dma_wait3A_586] : memref<2560x128xi32, #tpu.memory_space<hbm>> -> memref<1x128xi32, #tpu.memory_space<hbm>>
        %dma_wait3A_588 = tpu.memref_squeeze %dma_wait3A_587 : memref<1x128xi32, #tpu.memory_space<hbm>> -> memref<128xi32, #tpu.memory_space<hbm>>
        tpu.wait_dma2 semaphore(%arg18 : memref<!tpu.dma_semaphore, #tpu.memory_space<semaphore_mem>>) src(%dma_wait3A_588 : memref<128xi32, #tpu.memory_space<hbm>>) dst(%dma_wait3A_585 : memref<128xi32, #tpu.memory_space<vmem>>)
        %dma_start3A_589 = arith.constant 0 : i32
        %dma_start3A_590 = arith.constant 0 : i32
        %dma_start3A_591 = tpu.memref_slice %arg8[%dma_start3A_589, %dma_start3A_590] : memref<4x128xi32, #tpu.memory_space<vmem>> -> memref<1x128xi32, #tpu.memory_space<vmem>>
        %dma_start3A_592 = tpu.memref_squeeze %dma_start3A_591 : memref<1x128xi32, #tpu.memory_space<vmem>> -> memref<128xi32, #tpu.memory_space<vmem>>
        %dma_start3A_593 = arith.constant 0 : i32
        %dma_start3A_594 = arith.constant 0 : i32
        %dma_start3A_595 = tpu.memref_slice %arg2[%dma_start3A_593, %dma_start3A_594] : memref<10000x128xbf16, #tpu.memory_space<hbm>> -> memref<10000x128xbf16, #tpu.memory_space<hbm>>
        tpu.enqueue_indirect_dma source(%dma_start3A_595 : memref<10000x128xbf16, #tpu.memory_space<hbm>>) target(%arg10 : memref<128x128xbf16, #tpu.memory_space<vmem>>) offsets(%dma_start3A_592 : memref<128xi32, #tpu.memory_space<vmem>>) semaphore(%arg14 : memref<!tpu.dma_semaphore, #tpu.memory_space<semaphore_mem>>)
      } else {
      }
      %dma_start3A_433 = arith.constant 2 : i32
      %dma_start3A_434 = arith.constant 0 : i32
      %dma_start3A_435 = tpu.memref_slice %arg9[%dma_start3A_433, %dma_start3A_434] : memref<4x128xi32, #tpu.memory_space<vmem>> -> memref<1x128xi32, #tpu.memory_space<vmem>>
      %dma_start3A_436 = tpu.memref_squeeze %dma_start3A_435 : memref<1x128xi32, #tpu.memory_space<vmem>> -> memref<128xi32, #tpu.memory_space<vmem>>
      %dma_start3A_437 = arith.constant 0 : i32
      %dma_start3A_438 = arith.constant 0 : i32
      %dma_start3A_439 = tpu.memref_slice %arg7[%dma_start3A_437, %dma_start3A_438] : memref<10112x128xf32, #tpu.memory_space<vmem_shared>> -> memref<10112x128xf32, #tpu.memory_space<vmem_shared>>
      tpu.enqueue_indirect_dma source(%arg12 : memref<128x128xf32, #tpu.memory_space<vmem>>) target(%dma_start3A_439 : memref<10112x128xf32, #tpu.memory_space<vmem_shared>>) offsets(%dma_start3A_436 : memref<128xi32, #tpu.memory_space<vmem>>) semaphore(%arg16 : memref<!tpu.dma_semaphore, #tpu.memory_space<semaphore_mem>>) {add = true}
      %get3A_440 = arith.constant 2 : i32
      %get3A_441 = arith.index_cast %get3A_440 : i32 to index
      %get3A_442 = arith.constant 0 : index
      %get3A_443 = tpu.vector_load %arg9[%get3A_441, %get3A_442] {strides = array<i32>} : memref<4x128xi32, #tpu.memory_space<vmem>>, vector<16xi32>,
      tpu.vector_store_idx %arg13[%get3A_443], %broadcast_in_dim3A_3 {add = true} : memref<10112xf32, #tpu.memory_space<vmem>>[vector<16xi32>], vector<16xf32>,
      %get3A_444 = arith.constant 2 : i32
      %get3A_445 = arith.index_cast %get3A_444 : i32 to index
      %get3A_446 = arith.constant 16 : index
      %get3A_447 = tpu.vector_load %arg9[%get3A_445, %get3A_446] {strides = array<i32>} : memref<4x128xi32, #tpu.memory_space<vmem>>, vector<16xi32>,
      tpu.vector_store_idx %arg13[%get3A_447], %broadcast_in_dim3A_3 {add = true} : memref<10112xf32, #tpu.memory_space<vmem>>[vector<16xi32>], vector<16xf32>,
      %get3A_448 = arith.constant 2 : i32
      %get3A_449 = arith.index_cast %get3A_448 : i32 to index
      %get3A_450 = arith.constant 32 : index
      %get3A_451 = tpu.vector_load %arg9[%get3A_449, %get3A_450] {strides = array<i32>} : memref<4x128xi32, #tpu.memory_space<vmem>>, vector<16xi32>,
      tpu.vector_store_idx %arg13[%get3A_451], %broadcast_in_dim3A_3 {add = true} : memref<10112xf32, #tpu.memory_space<vmem>>[vector<16xi32>], vector<16xf32>,
      %get3A_452 = arith.constant 2 : i32
      %get3A_453 = arith.index_cast %get3A_452 : i32 to index
      %get3A_454 = arith.constant 48 : index
      %get3A_455 = tpu.vector_load %arg9[%get3A_453, %get3A_454] {strides = array<i32>} : memref<4x128xi32, #tpu.memory_space<vmem>>, vector<16xi32>,
      tpu.vector_store_idx %arg13[%get3A_455], %broadcast_in_dim3A_3 {add = true} : memref<10112xf32, #tpu.memory_space<vmem>>[vector<16xi32>], vector<16xf32>,
      %get3A_456 = arith.constant 2 : i32
      %get3A_457 = arith.index_cast %get3A_456 : i32 to index
      %get3A_458 = arith.constant 64 : index
      %get3A_459 = tpu.vector_load %arg9[%get3A_457, %get3A_458] {strides = array<i32>} : memref<4x128xi32, #tpu.memory_space<vmem>>, vector<16xi32>,
      tpu.vector_store_idx %arg13[%get3A_459], %broadcast_in_dim3A_3 {add = true} : memref<10112xf32, #tpu.memory_space<vmem>>[vector<16xi32>], vector<16xf32>,
      %get3A_460 = arith.constant 2 : i32
      %get3A_461 = arith.index_cast %get3A_460 : i32 to index
      %get3A_462 = arith.constant 80 : index
      %get3A_463 = tpu.vector_load %arg9[%get3A_461, %get3A_462] {strides = array<i32>} : memref<4x128xi32, #tpu.memory_space<vmem>>, vector<16xi32>,
      tpu.vector_store_idx %arg13[%get3A_463], %broadcast_in_dim3A_3 {add = true} : memref<10112xf32, #tpu.memory_space<vmem>>[vector<16xi32>], vector<16xf32>,
      %get3A_464 = arith.constant 2 : i32
      %get3A_465 = arith.index_cast %get3A_464 : i32 to index
      %get3A_466 = arith.constant 96 : index
      %get3A_467 = tpu.vector_load %arg9[%get3A_465, %get3A_466] {strides = array<i32>} : memref<4x128xi32, #tpu.memory_space<vmem>>, vector<16xi32>,
      tpu.vector_store_idx %arg13[%get3A_467], %broadcast_in_dim3A_3 {add = true} : memref<10112xf32, #tpu.memory_space<vmem>>[vector<16xi32>], vector<16xf32>,
      %get3A_468 = arith.constant 2 : i32
      %get3A_469 = arith.index_cast %get3A_468 : i32 to index
      %get3A_470 = arith.constant 112 : index
      %get3A_471 = tpu.vector_load %arg9[%get3A_469, %get3A_470] {strides = array<i32>} : memref<4x128xi32, #tpu.memory_space<vmem>>, vector<16xi32>,
      tpu.vector_store_idx %arg13[%get3A_471], %broadcast_in_dim3A_3 {add = true} : memref<10112xf32, #tpu.memory_space<vmem>>[vector<16xi32>], vector<16xf32>,
      %dma_wait3A_472 = arith.constant 2 : i32
      %dma_wait3A_473 = arith.constant 0 : i32
      %dma_wait3A_474 = tpu.memref_slice %arg9[%dma_wait3A_472, %dma_wait3A_473] : memref<4x128xi32, #tpu.memory_space<vmem>> -> memref<1x128xi32, #tpu.memory_space<vmem>>
      %dma_wait3A_475 = tpu.memref_squeeze %dma_wait3A_474 : memref<1x128xi32, #tpu.memory_space<vmem>> -> memref<128xi32, #tpu.memory_space<vmem>>
      %dma_wait3A_476 = arith.constant 0 : i32
      %dma_wait3A_477 = arith.constant 0 : i32
      %dma_wait3A_478 = tpu.memref_slice %arg7[%dma_wait3A_476, %dma_wait3A_477] : memref<10112x128xf32, #tpu.memory_space<vmem_shared>> -> memref<10112x128xf32, #tpu.memory_space<vmem_shared>>
      tpu.wait_indirect_dma semaphore(%arg16 : memref<!tpu.dma_semaphore, #tpu.memory_space<semaphore_mem>>) src(%arg12 : memref<128x128xf32, #tpu.memory_space<vmem>>) dst(%dma_wait3A_478 : memref<10112x128xf32, #tpu.memory_space<vmem_shared>>)
      %add3A_479 = arith.constant 4 : i32
      %add3A_480 = arith.addi %add3A_415, %add3A_479 : i32
      %lt3A_481 = arith.constant 80 : i32
      %lt3A_482 = arith.cmpi slt, %add3A_480, %lt3A_481 : i32
      %convert_element_type3A_483 = arith.extui %lt3A_482 : i1 to i32
      %cond3A_484 = arith.constant 0 : i32
      %cond3A_485 = arith.cmpi ne, %convert_element_type3A_483, %cond3A_484 : i32
      scf.if %cond3A_485 {
        %add3A_559 = arith.constant 4 : i32
        %add3A_560 = arith.addi %add3A_415, %add3A_559 : i32
        %add3A_561 = arith.addi %mul3A_5, %add3A_560 : i32
        %dma_start3A_562 = arith.constant 2 : i32
        %dma_start3A_563 = arith.constant 0 : i32
        %dma_start3A_564 = tpu.memref_slice %arg8[%dma_start3A_562, %dma_start3A_563] : memref<4x128xi32, #tpu.memory_space<vmem>> -> memref<1x128xi32, #tpu.memory_space<vmem>>
        %dma_start3A_565 = tpu.memref_squeeze %dma_start3A_564 : memref<1x128xi32, #tpu.memory_space<vmem>> -> memref<128xi32, #tpu.memory_space<vmem>>
        %dma_start3A_566 = arith.constant 0 : i32
        %dma_start3A_567 = tpu.memref_slice %arg3[%add3A_561, %dma_start3A_566] : memref<2560x128xi32, #tpu.memory_space<hbm>> -> memref<1x128xi32, #tpu.memory_space<hbm>>
        %dma_start3A_568 = tpu.memref_squeeze %dma_start3A_567 : memref<1x128xi32, #tpu.memory_space<hbm>> -> memref<128xi32, #tpu.memory_space<hbm>>
        %dma_start3A_569 = arith.constant 0 : i32
        %dma_start3A_570 = tpu.memref_slice %arg8[%dma_start3A_562, %dma_start3A_569] : memref<4x128xi32, #tpu.memory_space<vmem>> -> memref<1x128xi32, #tpu.memory_space<vmem>>
        %dma_start3A_571 = tpu.memref_squeeze %dma_start3A_570 : memref<1x128xi32, #tpu.memory_space<vmem>> -> memref<128xi32, #tpu.memory_space<vmem>>
        %dma_start3A_572 = arith.constant 0 : i32
        %dma_start3A_573 = tpu.memref_slice %arg3[%add3A_561, %dma_start3A_572] : memref<2560x128xi32, #tpu.memory_space<hbm>> -> memref<1x128xi32, #tpu.memory_space<hbm>>
        %dma_start3A_574 = tpu.memref_squeeze %dma_start3A_573 : memref<1x128xi32, #tpu.memory_space<hbm>> -> memref<128xi32, #tpu.memory_space<hbm>>
        tpu.enqueue_dma source(%dma_start3A_574 : memref<128xi32, #tpu.memory_space<hbm>>) target(%dma_start3A_571 : memref<128xi32, #tpu.memory_space<vmem>>) target_semaphore(%arg20 : memref<!tpu.dma_semaphore, #tpu.memory_space<semaphore_mem>>)
        %add3A_575 = arith.addi %mul3A_5, %add3A_560 : i32
        %dma_start3A_576 = arith.constant 2 : i32
        %dma_start3A_577 = arith.constant 0 : i32
        %dma_start3A_578 = tpu.memref_slice %arg9[%dma_start3A_576, %dma_start3A_577] : memref<4x128xi32, #tpu.memory_space<vmem>> -> memref<1x128xi32, #tpu.memory_space<vmem>>
        %dma_start3A_579 = tpu.memref_squeeze %dma_start3A_578 : memref<1x128xi32, #tpu.memory_space<vmem>> -> memref<128xi32, #tpu.memory_space<vmem>>
        %dma_start3A_580 = arith.constant 0 : i32
        %dma_start3A_581 = tpu.memref_slice %arg4[%add3A_575, %dma_start3A_580] : memref<2560x128xi32, #tpu.memory_space<hbm>> -> memref<1x128xi32, #tpu.memory_space<hbm>>
        %dma_start3A_582 = tpu.memref_squeeze %dma_start3A_581 : memref<1x128xi32, #tpu.memory_space<hbm>> -> memref<128xi32, #tpu.memory_space<hbm>>
        %dma_start3A_583 = arith.constant 0 : i32
        %dma_start3A_584 = tpu.memref_slice %arg9[%dma_start3A_576, %dma_start3A_583] : memref<4x128xi32, #tpu.memory_space<vmem>> -> memref<1x128xi32, #tpu.memory_space<vmem>>
        %dma_start3A_585 = tpu.memref_squeeze %dma_start3A_584 : memref<1x128xi32, #tpu.memory_space<vmem>> -> memref<128xi32, #tpu.memory_space<vmem>>
        %dma_start3A_586 = arith.constant 0 : i32
        %dma_start3A_587 = tpu.memref_slice %arg4[%add3A_575, %dma_start3A_586] : memref<2560x128xi32, #tpu.memory_space<hbm>> -> memref<1x128xi32, #tpu.memory_space<hbm>>
        %dma_start3A_588 = tpu.memref_squeeze %dma_start3A_587 : memref<1x128xi32, #tpu.memory_space<hbm>> -> memref<128xi32, #tpu.memory_space<hbm>>
        tpu.enqueue_dma source(%dma_start3A_588 : memref<128xi32, #tpu.memory_space<hbm>>) target(%dma_start3A_585 : memref<128xi32, #tpu.memory_space<vmem>>) target_semaphore(%arg20 : memref<!tpu.dma_semaphore, #tpu.memory_space<semaphore_mem>>)
      } else {
      }
      %add3A_486 = arith.constant 3 : i32
      %add3A_487 = arith.addi %mul3A_273, %add3A_486 : i32
      %dma_wait3A_488 = arith.constant 3 : i32
      %dma_wait3A_489 = arith.constant 0 : i32
      %dma_wait3A_490 = tpu.memref_slice %arg8[%dma_wait3A_488, %dma_wait3A_489] : memref<4x128xi32, #tpu.memory_space<vmem>> -> memref<1x128xi32, #tpu.memory_space<vmem>>
      %dma_wait3A_491 = tpu.memref_squeeze %dma_wait3A_490 : memref<1x128xi32, #tpu.memory_space<vmem>> -> memref<128xi32, #tpu.memory_space<vmem>>
      %dma_wait3A_492 = arith.constant 0 : i32
      %dma_wait3A_493 = arith.constant 0 : i32
      %dma_wait3A_494 = tpu.memref_slice %arg2[%dma_wait3A_492, %dma_wait3A_493] : memref<10000x128xbf16, #tpu.memory_space<hbm>> -> memref<10000x128xbf16, #tpu.memory_space<hbm>>
      tpu.wait_indirect_dma semaphore(%arg15 : memref<!tpu.dma_semaphore, #tpu.memory_space<semaphore_mem>>) src(%dma_wait3A_494 : memref<10000x128xbf16, #tpu.memory_space<hbm>>) dst(%arg11 : memref<128x128xbf16, #tpu.memory_space<vmem>>)
      %parallel_loop3A_495 = arith.constant 0 : i32
      %parallel_loop3A_496 = arith.constant 128 : i32
      %parallel_loop3A_497 = arith.constant 1 : i32
      scf.for %parallel_loop3A_559 = %parallel_loop3A_495 to %parallel_loop3A_496 step %parallel_loop3A_497  : i32 {
        %parallel_loop3A_560 = arith.index_cast %parallel_loop3A_559 : i32 to index
        %parallel_loop3A_561 = arith.constant 0 : index
        %parallel_loop3A_562 = tpu.vector_load %arg11[%parallel_loop3A_560, %parallel_loop3A_561] {strides = array<i32>} : memref<128x128xbf16, #tpu.memory_space<vmem>>, vector<32xbf16>,
        %parallel_loop3A_563 = tpu.unpack_subelements %parallel_loop3A_562, 0 {pack_format = #tpu.pack_format<interleaved>} : vector<32xbf16> -> vector<16xf32>
        %parallel_loop3A_564 = tpu.unpack_subelements %parallel_loop3A_562, 1 {pack_format = #tpu.pack_format<interleaved>} : vector<32xbf16> -> vector<16xf32>
        %parallel_loop3A_565 = arith.index_cast %parallel_loop3A_559 : i32 to index
        %parallel_loop3A_566 = arith.constant 0 : index
        %parallel_loop3A_567 = tpu.vector_load %arg12[%parallel_loop3A_565, %parallel_loop3A_566] {strides = array<i32>} : memref<128x128xf32, #tpu.memory_space<vmem>>, vector<16xf32>,
        tpu.vector_store %arg12[%parallel_loop3A_565, %parallel_loop3A_566], %parallel_loop3A_563 {strides = array<i32>} : memref<128x128xf32, #tpu.memory_space<vmem>>, vector<16xf32>,
        %parallel_loop3A_568 = arith.index_cast %parallel_loop3A_559 : i32 to index
        %parallel_loop3A_569 = arith.constant 16 : index
        %parallel_loop3A_570 = tpu.vector_load %arg12[%parallel_loop3A_568, %parallel_loop3A_569] {strides = array<i32>} : memref<128x128xf32, #tpu.memory_space<vmem>>, vector<16xf32>,
        tpu.vector_store %arg12[%parallel_loop3A_568, %parallel_loop3A_569], %parallel_loop3A_564 {strides = array<i32>} : memref<128x128xf32, #tpu.memory_space<vmem>>, vector<16xf32>,
        %parallel_loop3A_571 = arith.index_cast %parallel_loop3A_559 : i32 to index
        %parallel_loop3A_572 = arith.constant 32 : index
        %parallel_loop3A_573 = tpu.vector_load %arg11[%parallel_loop3A_571, %parallel_loop3A_572] {strides = array<i32>} : memref<128x128xbf16, #tpu.memory_space<vmem>>, vector<32xbf16>,
        %parallel_loop3A_574 = tpu.unpack_subelements %parallel_loop3A_573, 0 {pack_format = #tpu.pack_format<interleaved>} : vector<32xbf16> -> vector<16xf32>
        %parallel_loop3A_575 = tpu.unpack_subelements %parallel_loop3A_573, 1 {pack_format = #tpu.pack_format<interleaved>} : vector<32xbf16> -> vector<16xf32>
        %parallel_loop3A_576 = arith.index_cast %parallel_loop3A_559 : i32 to index
        %parallel_loop3A_577 = arith.constant 32 : index
        %parallel_loop3A_578 = tpu.vector_load %arg12[%parallel_loop3A_576, %parallel_loop3A_577] {strides = array<i32>} : memref<128x128xf32, #tpu.memory_space<vmem>>, vector<16xf32>,
        tpu.vector_store %arg12[%parallel_loop3A_576, %parallel_loop3A_577], %parallel_loop3A_574 {strides = array<i32>} : memref<128x128xf32, #tpu.memory_space<vmem>>, vector<16xf32>,
        %parallel_loop3A_579 = arith.index_cast %parallel_loop3A_559 : i32 to index
        %parallel_loop3A_580 = arith.constant 48 : index
        %parallel_loop3A_581 = tpu.vector_load %arg12[%parallel_loop3A_579, %parallel_loop3A_580] {strides = array<i32>} : memref<128x128xf32, #tpu.memory_space<vmem>>, vector<16xf32>,
        tpu.vector_store %arg12[%parallel_loop3A_579, %parallel_loop3A_580], %parallel_loop3A_575 {strides = array<i32>} : memref<128x128xf32, #tpu.memory_space<vmem>>, vector<16xf32>,
        %parallel_loop3A_582 = arith.index_cast %parallel_loop3A_559 : i32 to index
        %parallel_loop3A_583 = arith.constant 64 : index
        %parallel_loop3A_584 = tpu.vector_load %arg11[%parallel_loop3A_582, %parallel_loop3A_583] {strides = array<i32>} : memref<128x128xbf16, #tpu.memory_space<vmem>>, vector<32xbf16>,
        %parallel_loop3A_585 = tpu.unpack_subelements %parallel_loop3A_584, 0 {pack_format = #tpu.pack_format<interleaved>} : vector<32xbf16> -> vector<16xf32>
        %parallel_loop3A_586 = tpu.unpack_subelements %parallel_loop3A_584, 1 {pack_format = #tpu.pack_format<interleaved>} : vector<32xbf16> -> vector<16xf32>
        %parallel_loop3A_587 = arith.index_cast %parallel_loop3A_559 : i32 to index
        %parallel_loop3A_588 = arith.constant 64 : index
        %parallel_loop3A_589 = tpu.vector_load %arg12[%parallel_loop3A_587, %parallel_loop3A_588] {strides = array<i32>} : memref<128x128xf32, #tpu.memory_space<vmem>>, vector<16xf32>,
        tpu.vector_store %arg12[%parallel_loop3A_587, %parallel_loop3A_588], %parallel_loop3A_585 {strides = array<i32>} : memref<128x128xf32, #tpu.memory_space<vmem>>, vector<16xf32>,
        %parallel_loop3A_590 = arith.index_cast %parallel_loop3A_559 : i32 to index
        %parallel_loop3A_591 = arith.constant 80 : index
        %parallel_loop3A_592 = tpu.vector_load %arg12[%parallel_loop3A_590, %parallel_loop3A_591] {strides = array<i32>} : memref<128x128xf32, #tpu.memory_space<vmem>>, vector<16xf32>,
        tpu.vector_store %arg12[%parallel_loop3A_590, %parallel_loop3A_591], %parallel_loop3A_586 {strides = array<i32>} : memref<128x128xf32, #tpu.memory_space<vmem>>, vector<16xf32>,
        %parallel_loop3A_593 = arith.index_cast %parallel_loop3A_559 : i32 to index
        %parallel_loop3A_594 = arith.constant 96 : index
        %parallel_loop3A_595 = tpu.vector_load %arg11[%parallel_loop3A_593, %parallel_loop3A_594] {strides = array<i32>} : memref<128x128xbf16, #tpu.memory_space<vmem>>, vector<32xbf16>,
        %parallel_loop3A_596 = tpu.unpack_subelements %parallel_loop3A_595, 0 {pack_format = #tpu.pack_format<interleaved>} : vector<32xbf16> -> vector<16xf32>
        %parallel_loop3A_597 = tpu.unpack_subelements %parallel_loop3A_595, 1 {pack_format = #tpu.pack_format<interleaved>} : vector<32xbf16> -> vector<16xf32>
        %parallel_loop3A_598 = arith.index_cast %parallel_loop3A_559 : i32 to index
        %parallel_loop3A_599 = arith.constant 96 : index
        %parallel_loop3A_600 = tpu.vector_load %arg12[%parallel_loop3A_598, %parallel_loop3A_599] {strides = array<i32>} : memref<128x128xf32, #tpu.memory_space<vmem>>, vector<16xf32>,
        tpu.vector_store %arg12[%parallel_loop3A_598, %parallel_loop3A_599], %parallel_loop3A_596 {strides = array<i32>} : memref<128x128xf32, #tpu.memory_space<vmem>>, vector<16xf32>,
        %parallel_loop3A_601 = arith.index_cast %parallel_loop3A_559 : i32 to index
        %parallel_loop3A_602 = arith.constant 112 : index
        %parallel_loop3A_603 = tpu.vector_load %arg12[%parallel_loop3A_601, %parallel_loop3A_602] {strides = array<i32>} : memref<128x128xf32, #tpu.memory_space<vmem>>, vector<16xf32>,
        tpu.vector_store %arg12[%parallel_loop3A_601, %parallel_loop3A_602], %parallel_loop3A_597 {strides = array<i32>} : memref<128x128xf32, #tpu.memory_space<vmem>>, vector<16xf32>,
      } {sc.loop_unroll_factor = 8 : i64, sc.parallel_access}
      %add3A_498 = arith.constant 2 : i32
      %add3A_499 = arith.addi %add3A_487, %add3A_498 : i32
      %lt3A_500 = arith.constant 80 : i32
      %lt3A_501 = arith.cmpi slt, %add3A_499, %lt3A_500 : i32
      %convert_element_type3A_502 = arith.extui %lt3A_501 : i1 to i32
      %cond3A_503 = arith.constant 0 : i32
      %cond3A_504 = arith.cmpi ne, %convert_element_type3A_502, %cond3A_503 : i32
      scf.if %cond3A_504 {
        %add3A_559 = arith.constant 2 : i32
        %add3A_560 = arith.addi %add3A_487, %add3A_559 : i32
        %add3A_561 = arith.addi %mul3A_5, %add3A_560 : i32
        %dma_wait3A_562 = arith.constant 1 : i32
        %dma_wait3A_563 = arith.constant 0 : i32
        %dma_wait3A_564 = tpu.memref_slice %arg8[%dma_wait3A_562, %dma_wait3A_563] : memref<4x128xi32, #tpu.memory_space<vmem>> -> memref<1x128xi32, #tpu.memory_space<vmem>>
        %dma_wait3A_565 = tpu.memref_squeeze %dma_wait3A_564 : memref<1x128xi32, #tpu.memory_space<vmem>> -> memref<128xi32, #tpu.memory_space<vmem>>
        %dma_wait3A_566 = arith.constant 0 : i32
        %dma_wait3A_567 = tpu.memref_slice %arg3[%add3A_561, %dma_wait3A_566] : memref<2560x128xi32, #tpu.memory_space<hbm>> -> memref<1x128xi32, #tpu.memory_space<hbm>>
        %dma_wait3A_568 = tpu.memref_squeeze %dma_wait3A_567 : memref<1x128xi32, #tpu.memory_space<hbm>> -> memref<128xi32, #tpu.memory_space<hbm>>
        %dma_wait3A_569 = arith.constant 0 : i32
        %dma_wait3A_570 = tpu.memref_slice %arg8[%dma_wait3A_562, %dma_wait3A_569] : memref<4x128xi32, #tpu.memory_space<vmem>> -> memref<1x128xi32, #tpu.memory_space<vmem>>
        %dma_wait3A_571 = tpu.memref_squeeze %dma_wait3A_570 : memref<1x128xi32, #tpu.memory_space<vmem>> -> memref<128xi32, #tpu.memory_space<vmem>>
        %dma_wait3A_572 = arith.constant 0 : i32
        %dma_wait3A_573 = tpu.memref_slice %arg3[%add3A_561, %dma_wait3A_572] : memref<2560x128xi32, #tpu.memory_space<hbm>> -> memref<1x128xi32, #tpu.memory_space<hbm>>
        %dma_wait3A_574 = tpu.memref_squeeze %dma_wait3A_573 : memref<1x128xi32, #tpu.memory_space<hbm>> -> memref<128xi32, #tpu.memory_space<hbm>>
        tpu.wait_dma2 semaphore(%arg19 : memref<!tpu.dma_semaphore, #tpu.memory_space<semaphore_mem>>) src(%dma_wait3A_574 : memref<128xi32, #tpu.memory_space<hbm>>) dst(%dma_wait3A_571 : memref<128xi32, #tpu.memory_space<vmem>>)
        %add3A_575 = arith.addi %mul3A_5, %add3A_560 : i32
        %dma_wait3A_576 = arith.constant 1 : i32
        %dma_wait3A_577 = arith.constant 0 : i32
        %dma_wait3A_578 = tpu.memref_slice %arg9[%dma_wait3A_576, %dma_wait3A_577] : memref<4x128xi32, #tpu.memory_space<vmem>> -> memref<1x128xi32, #tpu.memory_space<vmem>>
        %dma_wait3A_579 = tpu.memref_squeeze %dma_wait3A_578 : memref<1x128xi32, #tpu.memory_space<vmem>> -> memref<128xi32, #tpu.memory_space<vmem>>
        %dma_wait3A_580 = arith.constant 0 : i32
        %dma_wait3A_581 = tpu.memref_slice %arg4[%add3A_575, %dma_wait3A_580] : memref<2560x128xi32, #tpu.memory_space<hbm>> -> memref<1x128xi32, #tpu.memory_space<hbm>>
        %dma_wait3A_582 = tpu.memref_squeeze %dma_wait3A_581 : memref<1x128xi32, #tpu.memory_space<hbm>> -> memref<128xi32, #tpu.memory_space<hbm>>
        %dma_wait3A_583 = arith.constant 0 : i32
        %dma_wait3A_584 = tpu.memref_slice %arg9[%dma_wait3A_576, %dma_wait3A_583] : memref<4x128xi32, #tpu.memory_space<vmem>> -> memref<1x128xi32, #tpu.memory_space<vmem>>
        %dma_wait3A_585 = tpu.memref_squeeze %dma_wait3A_584 : memref<1x128xi32, #tpu.memory_space<vmem>> -> memref<128xi32, #tpu.memory_space<vmem>>
        %dma_wait3A_586 = arith.constant 0 : i32
        %dma_wait3A_587 = tpu.memref_slice %arg4[%add3A_575, %dma_wait3A_586] : memref<2560x128xi32, #tpu.memory_space<hbm>> -> memref<1x128xi32, #tpu.memory_space<hbm>>
        %dma_wait3A_588 = tpu.memref_squeeze %dma_wait3A_587 : memref<1x128xi32, #tpu.memory_space<hbm>> -> memref<128xi32, #tpu.memory_space<hbm>>
        tpu.wait_dma2 semaphore(%arg19 : memref<!tpu.dma_semaphore, #tpu.memory_space<semaphore_mem>>) src(%dma_wait3A_588 : memref<128xi32, #tpu.memory_space<hbm>>) dst(%dma_wait3A_585 : memref<128xi32, #tpu.memory_space<vmem>>)
        %dma_start3A_589 = arith.constant 1 : i32
        %dma_start3A_590 = arith.constant 0 : i32
        %dma_start3A_591 = tpu.memref_slice %arg8[%dma_start3A_589, %dma_start3A_590] : memref<4x128xi32, #tpu.memory_space<vmem>> -> memref<1x128xi32, #tpu.memory_space<vmem>>
        %dma_start3A_592 = tpu.memref_squeeze %dma_start3A_591 : memref<1x128xi32, #tpu.memory_space<vmem>> -> memref<128xi32, #tpu.memory_space<vmem>>
        %dma_start3A_593 = arith.constant 0 : i32
        %dma_start3A_594 = arith.constant 0 : i32
        %dma_start3A_595 = tpu.memref_slice %arg2[%dma_start3A_593, %dma_start3A_594] : memref<10000x128xbf16, #tpu.memory_space<hbm>> -> memref<10000x128xbf16, #tpu.memory_space<hbm>>
        tpu.enqueue_indirect_dma source(%dma_start3A_595 : memref<10000x128xbf16, #tpu.memory_space<hbm>>) target(%arg11 : memref<128x128xbf16, #tpu.memory_space<vmem>>) offsets(%dma_start3A_592 : memref<128xi32, #tpu.memory_space<vmem>>) semaphore(%arg15 : memref<!tpu.dma_semaphore, #tpu.memory_space<semaphore_mem>>)
      } else {
      }
      %dma_start3A_505 = arith.constant 3 : i32
      %dma_start3A_506 = arith.constant 0 : i32
      %dma_start3A_507 = tpu.memref_slice %arg9[%dma_start3A_505, %dma_start3A_506] : memref<4x128xi32, #tpu.memory_space<vmem>> -> memref<1x128xi32, #tpu.memory_space<vmem>>
      %dma_start3A_508 = tpu.memref_squeeze %dma_start3A_507 : memref<1x128xi32, #tpu.memory_space<vmem>> -> memref<128xi32, #tpu.memory_space<vmem>>
      %dma_start3A_509 = arith.constant 0 : i32
      %dma_start3A_510 = arith.constant 0 : i32
      %dma_start3A_511 = tpu.memref_slice %arg7[%dma_start3A_509, %dma_start3A_510] : memref<10112x128xf32, #tpu.memory_space<vmem_shared>> -> memref<10112x128xf32, #tpu.memory_space<vmem_shared>>
      tpu.enqueue_indirect_dma source(%arg12 : memref<128x128xf32, #tpu.memory_space<vmem>>) target(%dma_start3A_511 : memref<10112x128xf32, #tpu.memory_space<vmem_shared>>) offsets(%dma_start3A_508 : memref<128xi32, #tpu.memory_space<vmem>>) semaphore(%arg17 : memref<!tpu.dma_semaphore, #tpu.memory_space<semaphore_mem>>) {add = true}
      %get3A_512 = arith.constant 3 : i32
      %get3A_513 = arith.index_cast %get3A_512 : i32 to index
      %get3A_514 = arith.constant 0 : index
      %get3A_515 = tpu.vector_load %arg9[%get3A_513, %get3A_514] {strides = array<i32>} : memref<4x128xi32, #tpu.memory_space<vmem>>, vector<16xi32>,
      tpu.vector_store_idx %arg13[%get3A_515], %broadcast_in_dim3A_3 {add = true} : memref<10112xf32, #tpu.memory_space<vmem>>[vector<16xi32>], vector<16xf32>,
      %get3A_516 = arith.constant 3 : i32
      %get3A_517 = arith.index_cast %get3A_516 : i32 to index
      %get3A_518 = arith.constant 16 : index
      %get3A_519 = tpu.vector_load %arg9[%get3A_517, %get3A_518] {strides = array<i32>} : memref<4x128xi32, #tpu.memory_space<vmem>>, vector<16xi32>,
      tpu.vector_store_idx %arg13[%get3A_519], %broadcast_in_dim3A_3 {add = true} : memref<10112xf32, #tpu.memory_space<vmem>>[vector<16xi32>], vector<16xf32>,
      %get3A_520 = arith.constant 3 : i32
      %get3A_521 = arith.index_cast %get3A_520 : i32 to index
      %get3A_522 = arith.constant 32 : index
      %get3A_523 = tpu.vector_load %arg9[%get3A_521, %get3A_522] {strides = array<i32>} : memref<4x128xi32, #tpu.memory_space<vmem>>, vector<16xi32>,
      tpu.vector_store_idx %arg13[%get3A_523], %broadcast_in_dim3A_3 {add = true} : memref<10112xf32, #tpu.memory_space<vmem>>[vector<16xi32>], vector<16xf32>,
      %get3A_524 = arith.constant 3 : i32
      %get3A_525 = arith.index_cast %get3A_524 : i32 to index
      %get3A_526 = arith.constant 48 : index
      %get3A_527 = tpu.vector_load %arg9[%get3A_525, %get3A_526] {strides = array<i32>} : memref<4x128xi32, #tpu.memory_space<vmem>>, vector<16xi32>,
      tpu.vector_store_idx %arg13[%get3A_527], %broadcast_in_dim3A_3 {add = true} : memref<10112xf32, #tpu.memory_space<vmem>>[vector<16xi32>], vector<16xf32>,
      %get3A_528 = arith.constant 3 : i32
      %get3A_529 = arith.index_cast %get3A_528 : i32 to index
      %get3A_530 = arith.constant 64 : index
      %get3A_531 = tpu.vector_load %arg9[%get3A_529, %get3A_530] {strides = array<i32>} : memref<4x128xi32, #tpu.memory_space<vmem>>, vector<16xi32>,
      tpu.vector_store_idx %arg13[%get3A_531], %broadcast_in_dim3A_3 {add = true} : memref<10112xf32, #tpu.memory_space<vmem>>[vector<16xi32>], vector<16xf32>,
      %get3A_532 = arith.constant 3 : i32
      %get3A_533 = arith.index_cast %get3A_532 : i32 to index
      %get3A_534 = arith.constant 80 : index
      %get3A_535 = tpu.vector_load %arg9[%get3A_533, %get3A_534] {strides = array<i32>} : memref<4x128xi32, #tpu.memory_space<vmem>>, vector<16xi32>,
      tpu.vector_store_idx %arg13[%get3A_535], %broadcast_in_dim3A_3 {add = true} : memref<10112xf32, #tpu.memory_space<vmem>>[vector<16xi32>], vector<16xf32>,
      %get3A_536 = arith.constant 3 : i32
      %get3A_537 = arith.index_cast %get3A_536 : i32 to index
      %get3A_538 = arith.constant 96 : index
      %get3A_539 = tpu.vector_load %arg9[%get3A_537, %get3A_538] {strides = array<i32>} : memref<4x128xi32, #tpu.memory_space<vmem>>, vector<16xi32>,
      tpu.vector_store_idx %arg13[%get3A_539], %broadcast_in_dim3A_3 {add = true} : memref<10112xf32, #tpu.memory_space<vmem>>[vector<16xi32>], vector<16xf32>,
      %get3A_540 = arith.constant 3 : i32
      %get3A_541 = arith.index_cast %get3A_540 : i32 to index
      %get3A_542 = arith.constant 112 : index
      %get3A_543 = tpu.vector_load %arg9[%get3A_541, %get3A_542] {strides = array<i32>} : memref<4x128xi32, #tpu.memory_space<vmem>>, vector<16xi32>,
      tpu.vector_store_idx %arg13[%get3A_543], %broadcast_in_dim3A_3 {add = true} : memref<10112xf32, #tpu.memory_space<vmem>>[vector<16xi32>], vector<16xf32>,
      %dma_wait3A_544 = arith.constant 3 : i32
      %dma_wait3A_545 = arith.constant 0 : i32
      %dma_wait3A_546 = tpu.memref_slice %arg9[%dma_wait3A_544, %dma_wait3A_545] : memref<4x128xi32, #tpu.memory_space<vmem>> -> memref<1x128xi32, #tpu.memory_space<vmem>>
      %dma_wait3A_547 = tpu.memref_squeeze %dma_wait3A_546 : memref<1x128xi32, #tpu.memory_space<vmem>> -> memref<128xi32, #tpu.memory_space<vmem>>
      %dma_wait3A_548 = arith.constant 0 : i32
      %dma_wait3A_549 = arith.constant 0 : i32
      %dma_wait3A_550 = tpu.memref_slice %arg7[%dma_wait3A_548, %dma_wait3A_549] : memref<10112x128xf32, #tpu.memory_space<vmem_shared>> -> memref<10112x128xf32, #tpu.memory_space<vmem_shared>>
      tpu.wait_indirect_dma semaphore(%arg17 : memref<!tpu.dma_semaphore, #tpu.memory_space<semaphore_mem>>) src(%arg12 : memref<128x128xf32, #tpu.memory_space<vmem>>) dst(%dma_wait3A_550 : memref<10112x128xf32, #tpu.memory_space<vmem_shared>>)
      %add3A_551 = arith.constant 4 : i32
      %add3A_552 = arith.addi %add3A_487, %add3A_551 : i32
      %lt3A_553 = arith.constant 80 : i32
      %lt3A_554 = arith.cmpi slt, %add3A_552, %lt3A_553 : i32
      %convert_element_type3A_555 = arith.extui %lt3A_554 : i1 to i32
      %cond3A_556 = arith.constant 0 : i32
      %cond3A_557 = arith.cmpi ne, %convert_element_type3A_555, %cond3A_556 : i32
      scf.if %cond3A_557 {
        %add3A_559 = arith.constant 4 : i32
        %add3A_560 = arith.addi %add3A_487, %add3A_559 : i32
        %add3A_561 = arith.addi %mul3A_5, %add3A_560 : i32
        %dma_start3A_562 = arith.constant 3 : i32
        %dma_start3A_563 = arith.constant 0 : i32
        %dma_start3A_564 = tpu.memref_slice %arg8[%dma_start3A_562, %dma_start3A_563] : memref<4x128xi32, #tpu.memory_space<vmem>> -> memref<1x128xi32, #tpu.memory_space<vmem>>
        %dma_start3A_565 = tpu.memref_squeeze %dma_start3A_564 : memref<1x128xi32, #tpu.memory_space<vmem>> -> memref<128xi32, #tpu.memory_space<vmem>>
        %dma_start3A_566 = arith.constant 0 : i32
        %dma_start3A_567 = tpu.memref_slice %arg3[%add3A_561, %dma_start3A_566] : memref<2560x128xi32, #tpu.memory_space<hbm>> -> memref<1x128xi32, #tpu.memory_space<hbm>>
        %dma_start3A_568 = tpu.memref_squeeze %dma_start3A_567 : memref<1x128xi32, #tpu.memory_space<hbm>> -> memref<128xi32, #tpu.memory_space<hbm>>
        %dma_start3A_569 = arith.constant 0 : i32
        %dma_start3A_570 = tpu.memref_slice %arg8[%dma_start3A_562, %dma_start3A_569] : memref<4x128xi32, #tpu.memory_space<vmem>> -> memref<1x128xi32, #tpu.memory_space<vmem>>
        %dma_start3A_571 = tpu.memref_squeeze %dma_start3A_570 : memref<1x128xi32, #tpu.memory_space<vmem>> -> memref<128xi32, #tpu.memory_space<vmem>>
        %dma_start3A_572 = arith.constant 0 : i32
        %dma_start3A_573 = tpu.memref_slice %arg3[%add3A_561, %dma_start3A_572] : memref<2560x128xi32, #tpu.memory_space<hbm>> -> memref<1x128xi32, #tpu.memory_space<hbm>>
        %dma_start3A_574 = tpu.memref_squeeze %dma_start3A_573 : memref<1x128xi32, #tpu.memory_space<hbm>> -> memref<128xi32, #tpu.memory_space<hbm>>
        tpu.enqueue_dma source(%dma_start3A_574 : memref<128xi32, #tpu.memory_space<hbm>>) target(%dma_start3A_571 : memref<128xi32, #tpu.memory_space<vmem>>) target_semaphore(%arg21 : memref<!tpu.dma_semaphore, #tpu.memory_space<semaphore_mem>>)
        %add3A_575 = arith.addi %mul3A_5, %add3A_560 : i32
        %dma_start3A_576 = arith.constant 3 : i32
        %dma_start3A_577 = arith.constant 0 : i32
        %dma_start3A_578 = tpu.memref_slice %arg9[%dma_start3A_576, %dma_start3A_577] : memref<4x128xi32, #tpu.memory_space<vmem>> -> memref<1x128xi32, #tpu.memory_space<vmem>>
        %dma_start3A_579 = tpu.memref_squeeze %dma_start3A_578 : memref<1x128xi32, #tpu.memory_space<vmem>> -> memref<128xi32, #tpu.memory_space<vmem>>
        %dma_start3A_580 = arith.constant 0 : i32
        %dma_start3A_581 = tpu.memref_slice %arg4[%add3A_575, %dma_start3A_580] : memref<2560x128xi32, #tpu.memory_space<hbm>> -> memref<1x128xi32, #tpu.memory_space<hbm>>
        %dma_start3A_582 = tpu.memref_squeeze %dma_start3A_581 : memref<1x128xi32, #tpu.memory_space<hbm>> -> memref<128xi32, #tpu.memory_space<hbm>>
        %dma_start3A_583 = arith.constant 0 : i32
        %dma_start3A_584 = tpu.memref_slice %arg9[%dma_start3A_576, %dma_start3A_583] : memref<4x128xi32, #tpu.memory_space<vmem>> -> memref<1x128xi32, #tpu.memory_space<vmem>>
        %dma_start3A_585 = tpu.memref_squeeze %dma_start3A_584 : memref<1x128xi32, #tpu.memory_space<vmem>> -> memref<128xi32, #tpu.memory_space<vmem>>
        %dma_start3A_586 = arith.constant 0 : i32
        %dma_start3A_587 = tpu.memref_slice %arg4[%add3A_575, %dma_start3A_586] : memref<2560x128xi32, #tpu.memory_space<hbm>> -> memref<1x128xi32, #tpu.memory_space<hbm>>
        %dma_start3A_588 = tpu.memref_squeeze %dma_start3A_587 : memref<1x128xi32, #tpu.memory_space<hbm>> -> memref<128xi32, #tpu.memory_space<hbm>>
        tpu.enqueue_dma source(%dma_start3A_588 : memref<128xi32, #tpu.memory_space<hbm>>) target(%dma_start3A_585 : memref<128xi32, #tpu.memory_space<vmem>>) target_semaphore(%arg21 : memref<!tpu.dma_semaphore, #tpu.memory_space<semaphore_mem>>)
      } else {
      }
      %scan3A_558 = arith.constant 0 : i32
      scf.yield %scan3A_558 : i32
    }
    %scan3A_237 = arith.constant 20 : i32
    %barrier3A_238 = arith.constant 0 : index
    tpu.barrier barrier_id(%barrier3A_238)
    %add3A_239 = arith.constant 0 : i32
    %add3A_240 = arith.addi %arg1, %add3A_239 : i32
    %mul3A_241 = arith.constant 128 : i32
    %mul3A_242 = arith.muli %add3A_240, %mul3A_241 : i32
    %mul3A_243 = arith.constant 128 : i32
    %mul3A_244 = arith.muli %add3A_240, %mul3A_243 : i32
    "tpu.region"() ({
      %run_scoped3A = tpu.sem_alloc : memref<!tpu.dma_semaphore, #tpu.memory_space<semaphore_mem>>
      %dma_start3A_270 = arith.constant 0 : i32
      %dma_start3A_271 = tpu.memref_slice %arg5[%arg0, %mul3A_244, %dma_start3A_270] : memref<2x10112x128xf32, #tpu.memory_space<hbm>> -> memref<1x128x128xf32, #tpu.memory_space<hbm>>
      %dma_start3A_272 = tpu.memref_squeeze %dma_start3A_271 : memref<1x128x128xf32, #tpu.memory_space<hbm>> -> memref<128x128xf32, #tpu.memory_space<hbm>>
      %dma_start3A_273 = arith.constant 0 : i32
      %dma_start3A_274 = tpu.memref_slice %arg7[%mul3A_242, %dma_start3A_273] : memref<10112x128xf32, #tpu.memory_space<vmem_shared>> -> memref<128x128xf32, #tpu.memory_space<vmem_shared>>
      tpu.enqueue_dma source(%dma_start3A_274 : memref<128x128xf32, #tpu.memory_space<vmem_shared>>) target(%dma_start3A_272 : memref<128x128xf32, #tpu.memory_space<hbm>>) target_semaphore(%run_scoped3A : memref<!tpu.dma_semaphore, #tpu.memory_space<semaphore_mem>>)
      %dma_wait3A_275 = arith.constant 0 : i32
      %dma_wait3A_276 = tpu.memref_slice %arg5[%arg0, %mul3A_244, %dma_wait3A_275] : memref<2x10112x128xf32, #tpu.memory_space<hbm>> -> memref<1x128x128xf32, #tpu.memory_space<hbm>>
      %dma_wait3A_277 = tpu.memref_squeeze %dma_wait3A_276 : memref<1x128x128xf32, #tpu.memory_space<hbm>> -> memref<128x128xf32, #tpu.memory_space<hbm>>
      %dma_wait3A_278 = arith.constant 0 : i32
      %dma_wait3A_279 = tpu.memref_slice %arg7[%mul3A_242, %dma_wait3A_278] : memref<10112x128xf32, #tpu.memory_space<vmem_shared>> -> memref<128x128xf32, #tpu.memory_space<vmem_shared>>
      tpu.wait_dma2 semaphore(%run_scoped3A : memref<!tpu.dma_semaphore, #tpu.memory_space<semaphore_mem>>) src(%dma_wait3A_279 : memref<128x128xf32, #tpu.memory_space<vmem_shared>>) dst(%dma_wait3A_277 : memref<128x128xf32, #tpu.memory_space<hbm>>)
      tpu.yield
    }) : () -> ()
    %add3A_245 = arith.constant 16 : i32
    %add3A_246 = arith.addi %arg1, %add3A_245 : i32
    %mul3A_247 = arith.constant 128 : i32
    %mul3A_248 = arith.muli %add3A_246, %mul3A_247 : i32
    %mul3A_249 = arith.constant 128 : i32
    %mul3A_250 = arith.muli %add3A_246, %mul3A_249 : i32
    "tpu.region"() ({
      %run_scoped3A = tpu.sem_alloc : memref<!tpu.dma_semaphore, #tpu.memory_space<semaphore_mem>>
      %dma_start3A_270 = arith.constant 0 : i32
      %dma_start3A_271 = tpu.memref_slice %arg5[%arg0, %mul3A_250, %dma_start3A_270] : memref<2x10112x128xf32, #tpu.memory_space<hbm>> -> memref<1x128x128xf32, #tpu.memory_space<hbm>>
      %dma_start3A_272 = tpu.memref_squeeze %dma_start3A_271 : memref<1x128x128xf32, #tpu.memory_space<hbm>> -> memref<128x128xf32, #tpu.memory_space<hbm>>
      %dma_start3A_273 = arith.constant 0 : i32
      %dma_start3A_274 = tpu.memref_slice %arg7[%mul3A_248, %dma_start3A_273] : memref<10112x128xf32, #tpu.memory_space<vmem_shared>> -> memref<128x128xf32, #tpu.memory_space<vmem_shared>>
      tpu.enqueue_dma source(%dma_start3A_274 : memref<128x128xf32, #tpu.memory_space<vmem_shared>>) target(%dma_start3A_272 : memref<128x128xf32, #tpu.memory_space<hbm>>) target_semaphore(%run_scoped3A : memref<!tpu.dma_semaphore, #tpu.memory_space<semaphore_mem>>)
      %dma_wait3A_275 = arith.constant 0 : i32
      %dma_wait3A_276 = tpu.memref_slice %arg5[%arg0, %mul3A_250, %dma_wait3A_275] : memref<2x10112x128xf32, #tpu.memory_space<hbm>> -> memref<1x128x128xf32, #tpu.memory_space<hbm>>
      %dma_wait3A_277 = tpu.memref_squeeze %dma_wait3A_276 : memref<1x128x128xf32, #tpu.memory_space<hbm>> -> memref<128x128xf32, #tpu.memory_space<hbm>>
      %dma_wait3A_278 = arith.constant 0 : i32
      %dma_wait3A_279 = tpu.memref_slice %arg7[%mul3A_248, %dma_wait3A_278] : memref<10112x128xf32, #tpu.memory_space<vmem_shared>> -> memref<128x128xf32, #tpu.memory_space<vmem_shared>>
      tpu.wait_dma2 semaphore(%run_scoped3A : memref<!tpu.dma_semaphore, #tpu.memory_space<semaphore_mem>>) src(%dma_wait3A_279 : memref<128x128xf32, #tpu.memory_space<vmem_shared>>) dst(%dma_wait3A_277 : memref<128x128xf32, #tpu.memory_space<hbm>>)
      tpu.yield
    }) : () -> ()
    %add3A_251 = arith.constant 32 : i32
    %add3A_252 = arith.addi %arg1, %add3A_251 : i32
    %mul3A_253 = arith.constant 128 : i32
    %mul3A_254 = arith.muli %add3A_252, %mul3A_253 : i32
    %mul3A_255 = arith.constant 128 : i32
    %mul3A_256 = arith.muli %add3A_252, %mul3A_255 : i32
    "tpu.region"() ({
      %run_scoped3A = tpu.sem_alloc : memref<!tpu.dma_semaphore, #tpu.memory_space<semaphore_mem>>
      %dma_start3A_270 = arith.constant 0 : i32
      %dma_start3A_271 = tpu.memref_slice %arg5[%arg0, %mul3A_256, %dma_start3A_270] : memref<2x10112x128xf32, #tpu.memory_space<hbm>> -> memref<1x128x128xf32, #tpu.memory_space<hbm>>
      %dma_start3A_272 = tpu.memref_squeeze %dma_start3A_271 : memref<1x128x128xf32, #tpu.memory_space<hbm>> -> memref<128x128xf32, #tpu.memory_space<hbm>>
      %dma_start3A_273 = arith.constant 0 : i32
      %dma_start3A_274 = tpu.memref_slice %arg7[%mul3A_254, %dma_start3A_273] : memref<10112x128xf32, #tpu.memory_space<vmem_shared>> -> memref<128x128xf32, #tpu.memory_space<vmem_shared>>
      tpu.enqueue_dma source(%dma_start3A_274 : memref<128x128xf32, #tpu.memory_space<vmem_shared>>) target(%dma_start3A_272 : memref<128x128xf32, #tpu.memory_space<hbm>>) target_semaphore(%run_scoped3A : memref<!tpu.dma_semaphore, #tpu.memory_space<semaphore_mem>>)
      %dma_wait3A_275 = arith.constant 0 : i32
      %dma_wait3A_276 = tpu.memref_slice %arg5[%arg0, %mul3A_256, %dma_wait3A_275] : memref<2x10112x128xf32, #tpu.memory_space<hbm>> -> memref<1x128x128xf32, #tpu.memory_space<hbm>>
      %dma_wait3A_277 = tpu.memref_squeeze %dma_wait3A_276 : memref<1x128x128xf32, #tpu.memory_space<hbm>> -> memref<128x128xf32, #tpu.memory_space<hbm>>
      %dma_wait3A_278 = arith.constant 0 : i32
      %dma_wait3A_279 = tpu.memref_slice %arg7[%mul3A_254, %dma_wait3A_278] : memref<10112x128xf32, #tpu.memory_space<vmem_shared>> -> memref<128x128xf32, #tpu.memory_space<vmem_shared>>
      tpu.wait_dma2 semaphore(%run_scoped3A : memref<!tpu.dma_semaphore, #tpu.memory_space<semaphore_mem>>) src(%dma_wait3A_279 : memref<128x128xf32, #tpu.memory_space<vmem_shared>>) dst(%dma_wait3A_277 : memref<128x128xf32, #tpu.memory_space<hbm>>)
      tpu.yield
    }) : () -> ()
    %add3A_257 = arith.constant 48 : i32
    %add3A_258 = arith.addi %arg1, %add3A_257 : i32
    %mul3A_259 = arith.constant 128 : i32
    %mul3A_260 = arith.muli %add3A_258, %mul3A_259 : i32
    %mul3A_261 = arith.constant 128 : i32
    %mul3A_262 = arith.muli %add3A_258, %mul3A_261 : i32
    "tpu.region"() ({
      %run_scoped3A = tpu.sem_alloc : memref<!tpu.dma_semaphore, #tpu.memory_space<semaphore_mem>>
      %dma_start3A_270 = arith.constant 0 : i32
      %dma_start3A_271 = tpu.memref_slice %arg5[%arg0, %mul3A_262, %dma_start3A_270] : memref<2x10112x128xf32, #tpu.memory_space<hbm>> -> memref<1x128x128xf32, #tpu.memory_space<hbm>>
      %dma_start3A_272 = tpu.memref_squeeze %dma_start3A_271 : memref<1x128x128xf32, #tpu.memory_space<hbm>> -> memref<128x128xf32, #tpu.memory_space<hbm>>
      %dma_start3A_273 = arith.constant 0 : i32
      %dma_start3A_274 = tpu.memref_slice %arg7[%mul3A_260, %dma_start3A_273] : memref<10112x128xf32, #tpu.memory_space<vmem_shared>> -> memref<128x128xf32, #tpu.memory_space<vmem_shared>>
      tpu.enqueue_dma source(%dma_start3A_274 : memref<128x128xf32, #tpu.memory_space<vmem_shared>>) target(%dma_start3A_272 : memref<128x128xf32, #tpu.memory_space<hbm>>) target_semaphore(%run_scoped3A : memref<!tpu.dma_semaphore, #tpu.memory_space<semaphore_mem>>)
      %dma_wait3A_275 = arith.constant 0 : i32
      %dma_wait3A_276 = tpu.memref_slice %arg5[%arg0, %mul3A_262, %dma_wait3A_275] : memref<2x10112x128xf32, #tpu.memory_space<hbm>> -> memref<1x128x128xf32, #tpu.memory_space<hbm>>
      %dma_wait3A_277 = tpu.memref_squeeze %dma_wait3A_276 : memref<1x128x128xf32, #tpu.memory_space<hbm>> -> memref<128x128xf32, #tpu.memory_space<hbm>>
      %dma_wait3A_278 = arith.constant 0 : i32
      %dma_wait3A_279 = tpu.memref_slice %arg7[%mul3A_260, %dma_wait3A_278] : memref<10112x128xf32, #tpu.memory_space<vmem_shared>> -> memref<128x128xf32, #tpu.memory_space<vmem_shared>>
      tpu.wait_dma2 semaphore(%run_scoped3A : memref<!tpu.dma_semaphore, #tpu.memory_space<semaphore_mem>>) src(%dma_wait3A_279 : memref<128x128xf32, #tpu.memory_space<vmem_shared>>) dst(%dma_wait3A_277 : memref<128x128xf32, #tpu.memory_space<hbm>>)
      tpu.yield
    }) : () -> ()
    %add3A_263 = arith.constant 64 : i32
    %add3A_264 = arith.addi %arg1, %add3A_263 : i32
    %lt3A_265 = arith.constant 79 : i32
    %lt3A_266 = arith.cmpi slt, %add3A_264, %lt3A_265 : i32
    %convert_element_type3A_267 = arith.extui %lt3A_266 : i1 to i32
    %cond3A_268 = arith.constant 0 : i32
    %cond3A_269 = arith.cmpi ne, %convert_element_type3A_267, %cond3A_268 : i32
    scf.if %cond3A_269 {
      %mul3A_270 = arith.constant 128 : i32
      %mul3A_271 = arith.muli %add3A_264, %mul3A_270 : i32
      %mul3A_272 = arith.constant 128 : i32
      %mul3A_273 = arith.muli %add3A_264, %mul3A_272 : i32
      "tpu.region"() ({
        %run_scoped3A = tpu.sem_alloc : memref<!tpu.dma_semaphore, #tpu.memory_space<semaphore_mem>>
        %dma_start3A_274 = arith.constant 0 : i32
        %dma_start3A_275 = tpu.memref_slice %arg5[%arg0, %mul3A_273, %dma_start3A_274] : memref<2x10112x128xf32, #tpu.memory_space<hbm>> -> memref<1x128x128xf32, #tpu.memory_space<hbm>>
        %dma_start3A_276 = tpu.memref_squeeze %dma_start3A_275 : memref<1x128x128xf32, #tpu.memory_space<hbm>> -> memref<128x128xf32, #tpu.memory_space<hbm>>
        %dma_start3A_277 = arith.constant 0 : i32
        %dma_start3A_278 = tpu.memref_slice %arg7[%mul3A_271, %dma_start3A_277] : memref<10112x128xf32, #tpu.memory_space<vmem_shared>> -> memref<128x128xf32, #tpu.memory_space<vmem_shared>>
        tpu.enqueue_dma source(%dma_start3A_278 : memref<128x128xf32, #tpu.memory_space<vmem_shared>>) target(%dma_start3A_276 : memref<128x128xf32, #tpu.memory_space<hbm>>) target_semaphore(%run_scoped3A : memref<!tpu.dma_semaphore, #tpu.memory_space<semaphore_mem>>)
        %dma_wait3A_279 = arith.constant 0 : i32
        %dma_wait3A_280 = tpu.memref_slice %arg5[%arg0, %mul3A_273, %dma_wait3A_279] : memref<2x10112x128xf32, #tpu.memory_space<hbm>> -> memref<1x128x128xf32, #tpu.memory_space<hbm>>
        %dma_wait3A_281 = tpu.memref_squeeze %dma_wait3A_280 : memref<1x128x128xf32, #tpu.memory_space<hbm>> -> memref<128x128xf32, #tpu.memory_space<hbm>>
        %dma_wait3A_282 = arith.constant 0 : i32
        %dma_wait3A_283 = tpu.memref_slice %arg7[%mul3A_271, %dma_wait3A_282] : memref<10112x128xf32, #tpu.memory_space<vmem_shared>> -> memref<128x128xf32, #tpu.memory_space<vmem_shared>>
        tpu.wait_dma2 semaphore(%run_scoped3A : memref<!tpu.dma_semaphore, #tpu.memory_space<semaphore_mem>>) src(%dma_wait3A_283 : memref<128x128xf32, #tpu.memory_space<vmem_shared>>) dst(%dma_wait3A_281 : memref<128x128xf32, #tpu.memory_space<hbm>>)
        tpu.yield
      }) : () -> ()
    } else {
    }
    "tpu.region"() ({
      %run_scoped3A = tpu.sem_alloc : memref<!tpu.dma_semaphore, #tpu.memory_space<semaphore_mem>>
      %dma_start3A_270 = arith.constant 0 : i32
      %dma_start3A_271 = tpu.memref_slice %arg6[%add3A, %dma_start3A_270] : memref<32x10112xf32, #tpu.memory_space<hbm>> -> memref<1x10112xf32, #tpu.memory_space<hbm>>
      %dma_start3A_272 = tpu.memref_squeeze %dma_start3A_271 : memref<1x10112xf32, #tpu.memory_space<hbm>> -> memref<10112xf32, #tpu.memory_space<hbm>>
      %dma_start3A_273 = arith.constant 0 : i32
      %dma_start3A_274 = tpu.memref_slice %arg6[%add3A, %dma_start3A_273] : memref<32x10112xf32, #tpu.memory_space<hbm>> -> memref<1x10112xf32, #tpu.memory_space<hbm>>
      %dma_start3A_275 = tpu.memref_squeeze %dma_start3A_274 : memref<1x10112xf32, #tpu.memory_space<hbm>> -> memref<10112xf32, #tpu.memory_space<hbm>>
      tpu.enqueue_dma source(%arg13 : memref<10112xf32, #tpu.memory_space<vmem>>) target(%dma_start3A_275 : memref<10112xf32, #tpu.memory_space<hbm>>) target_semaphore(%run_scoped3A : memref<!tpu.dma_semaphore, #tpu.memory_space<semaphore_mem>>)
      %dma_wait3A_276 = arith.constant 0 : i32
      %dma_wait3A_277 = tpu.memref_slice %arg6[%add3A, %dma_wait3A_276] : memref<32x10112xf32, #tpu.memory_space<hbm>> -> memref<1x10112xf32, #tpu.memory_space<hbm>>
      %dma_wait3A_278 = tpu.memref_squeeze %dma_wait3A_277 : memref<1x10112xf32, #tpu.memory_space<hbm>> -> memref<10112xf32, #tpu.memory_space<hbm>>
      %dma_wait3A_279 = arith.constant 0 : i32
      %dma_wait3A_280 = tpu.memref_slice %arg6[%add3A, %dma_wait3A_279] : memref<32x10112xf32, #tpu.memory_space<hbm>> -> memref<1x10112xf32, #tpu.memory_space<hbm>>
      %dma_wait3A_281 = tpu.memref_squeeze %dma_wait3A_280 : memref<1x10112xf32, #tpu.memory_space<hbm>> -> memref<10112xf32, #tpu.memory_space<hbm>>
      tpu.wait_dma2 semaphore(%run_scoped3A : memref<!tpu.dma_semaphore, #tpu.memory_space<semaphore_mem>>) src(%arg13 : memref<10112xf32, #tpu.memory_space<vmem>>) dst(%dma_wait3A_281 : memref<10112xf32, #tpu.memory_space<hbm>>)
      tpu.yield
    }) : () -> ()
    return
  }
}

#map = affine_map<(d0, d1) -> (0, 0)>
#map1 = affine_map<(d0, d1) -> (0, 0, 0)>
module attributes {stable_mosaic.version = 14 : i64} {
  func.func @body(%arg0: i32, %arg1: i32, %arg2: memref<10000x128xbf16, #tpu.memory_space<hbm>>, %arg3: memref<2560x128xi32, #tpu.memory_space<hbm>>, %arg4: memref<2560x128xi32, #tpu.memory_space<hbm>>, %arg5: memref<2x10112x128xf32, #tpu.memory_space<hbm>>, %arg6: memref<10112x128xf32, #tpu.memory_space<vmem_shared>>, %arg7: memref<4x128xi32, #tpu.memory_space<vmem>>, %arg8: memref<4x128xi32, #tpu.memory_space<vmem>>, %arg9: memref<128x128xbf16, #tpu.memory_space<vmem>>, %arg10: memref<128x128xbf16, #tpu.memory_space<vmem>>, %arg11: memref<128x128xf32, #tpu.memory_space<vmem>>, %arg12: memref<16xf32, #tpu.memory_space<vmem>>, %arg13: memref<!tpu.dma_semaphore, #tpu.memory_space<semaphore_mem>>, %arg14: memref<!tpu.dma_semaphore, #tpu.memory_space<semaphore_mem>>, %arg15: memref<!tpu.dma_semaphore, #tpu.memory_space<semaphore_mem>>, %arg16: memref<!tpu.dma_semaphore, #tpu.memory_space<semaphore_mem>>, %arg17: memref<!tpu.dma_semaphore, #tpu.memory_space<semaphore_mem>>, %arg18: memref<!tpu.dma_semaphore, #tpu.memory_space<semaphore_mem>>, %arg19: memref<!tpu.dma_semaphore, #tpu.memory_space<semaphore_mem>>, %arg20: memref<!tpu.dma_semaphore, #tpu.memory_space<semaphore_mem>>) attributes {dimension_semantics = [#tpu.dimension_semantics<core_parallel>, #tpu.dimension_semantics<subcore_parallel>], iteration_bounds = array<i64: 2, 16>, scalar_prefetch = 0 : i64, scratch_operands = 15 : i64, tpu.core_type = #tpu.core_type<sc_vector_subcore>, window_params = [{transform_indices = #map}, {transform_indices = #map}, {transform_indices = #map}, {transform_indices = #map1}]} {
    %mul3A = arith.constant 16 : i32
    %mul3A_0 = arith.muli %arg0, %mul3A : i32
    %add3A = arith.addi %mul3A_0, %arg1 : i32
    %broadcast_in_dim3A = arith.constant 0.000000e+00 : f32
    %broadcast_in_dim3A_1 = vector.broadcast %broadcast_in_dim3A : f32 to vector<16xf32>
    %broadcast_in_dim3A_2 = arith.constant 1.000000e+00 : f32
    %broadcast_in_dim3A_3 = vector.broadcast %broadcast_in_dim3A_2 : f32 to vector<16xf32>
    %mul3A_4 = arith.constant 80 : i32
    %mul3A_5 = arith.muli %add3A, %mul3A_4 : i32
    %add3A_6 = arith.constant 0 : i32
    %add3A_7 = arith.addi %mul3A_5, %add3A_6 : i32
    %dma_start3A = arith.constant 0 : i32
    %dma_start3A_8 = arith.constant 0 : i32
    %dma_start3A_9 = tpu.memref_slice %arg7[%dma_start3A, %dma_start3A_8] : memref<4x128xi32, #tpu.memory_space<vmem>> -> memref<1x128xi32, #tpu.memory_space<vmem>>
    %dma_start3A_10 = tpu.memref_squeeze %dma_start3A_9 : memref<1x128xi32, #tpu.memory_space<vmem>> -> memref<128xi32, #tpu.memory_space<vmem>>
    %dma_start3A_11 = arith.constant 0 : i32
    %dma_start3A_12 = tpu.memref_slice %arg3[%add3A_7, %dma_start3A_11] : memref<2560x128xi32, #tpu.memory_space<hbm>> -> memref<1x128xi32, #tpu.memory_space<hbm>>
    %dma_start3A_13 = tpu.memref_squeeze %dma_start3A_12 : memref<1x128xi32, #tpu.memory_space<hbm>> -> memref<128xi32, #tpu.memory_space<hbm>>
    %dma_start3A_14 = arith.constant 0 : i32
    %dma_start3A_15 = tpu.memref_slice %arg7[%dma_start3A, %dma_start3A_14] : memref<4x128xi32, #tpu.memory_space<vmem>> -> memref<1x128xi32, #tpu.memory_space<vmem>>
    %dma_start3A_16 = tpu.memref_squeeze %dma_start3A_15 : memref<1x128xi32, #tpu.memory_space<vmem>> -> memref<128xi32, #tpu.memory_space<vmem>>
    %dma_start3A_17 = arith.constant 0 : i32
    %dma_start3A_18 = tpu.memref_slice %arg3[%add3A_7, %dma_start3A_17] : memref<2560x128xi32, #tpu.memory_space<hbm>> -> memref<1x128xi32, #tpu.memory_space<hbm>>
    %dma_start3A_19 = tpu.memref_squeeze %dma_start3A_18 : memref<1x128xi32, #tpu.memory_space<hbm>> -> memref<128xi32, #tpu.memory_space<hbm>>
    tpu.enqueue_dma source(%dma_start3A_19 : memref<128xi32, #tpu.memory_space<hbm>>) target(%dma_start3A_16 : memref<128xi32, #tpu.memory_space<vmem>>) target_semaphore(%arg17 : memref<!tpu.dma_semaphore, #tpu.memory_space<semaphore_mem>>)
    %add3A_20 = arith.constant 0 : i32
    %add3A_21 = arith.addi %mul3A_5, %add3A_20 : i32
    %dma_start3A_22 = arith.constant 0 : i32
    %dma_start3A_23 = arith.constant 0 : i32
    %dma_start3A_24 = tpu.memref_slice %arg8[%dma_start3A_22, %dma_start3A_23] : memref<4x128xi32, #tpu.memory_space<vmem>> -> memref<1x128xi32, #tpu.memory_space<vmem>>
    %dma_start3A_25 = tpu.memref_squeeze %dma_start3A_24 : memref<1x128xi32, #tpu.memory_space<vmem>> -> memref<128xi32, #tpu.memory_space<vmem>>
    %dma_start3A_26 = arith.constant 0 : i32
    %dma_start3A_27 = tpu.memref_slice %arg4[%add3A_21, %dma_start3A_26] : memref<2560x128xi32, #tpu.memory_space<hbm>> -> memref<1x128xi32, #tpu.memory_space<hbm>>
    %dma_start3A_28 = tpu.memref_squeeze %dma_start3A_27 : memref<1x128xi32, #tpu.memory_space<hbm>> -> memref<128xi32, #tpu.memory_space<hbm>>
    %dma_start3A_29 = arith.constant 0 : i32
    %dma_start3A_30 = tpu.memref_slice %arg8[%dma_start3A_22, %dma_start3A_29] : memref<4x128xi32, #tpu.memory_space<vmem>> -> memref<1x128xi32, #tpu.memory_space<vmem>>
    %dma_start3A_31 = tpu.memref_squeeze %dma_start3A_30 : memref<1x128xi32, #tpu.memory_space<vmem>> -> memref<128xi32, #tpu.memory_space<vmem>>
    %dma_start3A_32 = arith.constant 0 : i32
    %dma_start3A_33 = tpu.memref_slice %arg4[%add3A_21, %dma_start3A_32] : memref<2560x128xi32, #tpu.memory_space<hbm>> -> memref<1x128xi32, #tpu.memory_space<hbm>>
    %dma_start3A_34 = tpu.memref_squeeze %dma_start3A_33 : memref<1x128xi32, #tpu.memory_space<hbm>> -> memref<128xi32, #tpu.memory_space<hbm>>
    tpu.enqueue_dma source(%dma_start3A_34 : memref<128xi32, #tpu.memory_space<hbm>>) target(%dma_start3A_31 : memref<128xi32, #tpu.memory_space<vmem>>) target_semaphore(%arg17 : memref<!tpu.dma_semaphore, #tpu.memory_space<semaphore_mem>>)
    %add3A_35 = arith.constant 1 : i32
    %add3A_36 = arith.addi %mul3A_5, %add3A_35 : i32
    %dma_start3A_37 = arith.constant 1 : i32
    %dma_start3A_38 = arith.constant 0 : i32
    %dma_start3A_39 = tpu.memref_slice %arg7[%dma_start3A_37, %dma_start3A_38] : memref<4x128xi32, #tpu.memory_space<vmem>> -> memref<1x128xi32, #tpu.memory_space<vmem>>
    %dma_start3A_40 = tpu.memref_squeeze %dma_start3A_39 : memref<1x128xi32, #tpu.memory_space<vmem>> -> memref<128xi32, #tpu.memory_space<vmem>>
    %dma_start3A_41 = arith.constant 0 : i32
    %dma_start3A_42 = tpu.memref_slice %arg3[%add3A_36, %dma_start3A_41] : memref<2560x128xi32, #tpu.memory_space<hbm>> -> memref<1x128xi32, #tpu.memory_space<hbm>>
    %dma_start3A_43 = tpu.memref_squeeze %dma_start3A_42 : memref<1x128xi32, #tpu.memory_space<hbm>> -> memref<128xi32, #tpu.memory_space<hbm>>
    %dma_start3A_44 = arith.constant 0 : i32
    %dma_start3A_45 = tpu.memref_slice %arg7[%dma_start3A_37, %dma_start3A_44] : memref<4x128xi32, #tpu.memory_space<vmem>> -> memref<1x128xi32, #tpu.memory_space<vmem>>
    %dma_start3A_46 = tpu.memref_squeeze %dma_start3A_45 : memref<1x128xi32, #tpu.memory_space<vmem>> -> memref<128xi32, #tpu.memory_space<vmem>>
    %dma_start3A_47 = arith.constant 0 : i32
    %dma_start3A_48 = tpu.memref_slice %arg3[%add3A_36, %dma_start3A_47] : memref<2560x128xi32, #tpu.memory_space<hbm>> -> memref<1x128xi32, #tpu.memory_space<hbm>>
    %dma_start3A_49 = tpu.memref_squeeze %dma_start3A_48 : memref<1x128xi32, #tpu.memory_space<hbm>> -> memref<128xi32, #tpu.memory_space<hbm>>
    tpu.enqueue_dma source(%dma_start3A_49 : memref<128xi32, #tpu.memory_space<hbm>>) target(%dma_start3A_46 : memref<128xi32, #tpu.memory_space<vmem>>) target_semaphore(%arg18 : memref<!tpu.dma_semaphore, #tpu.memory_space<semaphore_mem>>)
    %add3A_50 = arith.constant 1 : i32
    %add3A_51 = arith.addi %mul3A_5, %add3A_50 : i32
    %dma_start3A_52 = arith.constant 1 : i32
    %dma_start3A_53 = arith.constant 0 : i32
    %dma_start3A_54 = tpu.memref_slice %arg8[%dma_start3A_52, %dma_start3A_53] : memref<4x128xi32, #tpu.memory_space<vmem>> -> memref<1x128xi32, #tpu.memory_space<vmem>>
    %dma_start3A_55 = tpu.memref_squeeze %dma_start3A_54 : memref<1x128xi32, #tpu.memory_space<vmem>> -> memref<128xi32, #tpu.memory_space<vmem>>
    %dma_start3A_56 = arith.constant 0 : i32
    %dma_start3A_57 = tpu.memref_slice %arg4[%add3A_51, %dma_start3A_56] : memref<2560x128xi32, #tpu.memory_space<hbm>> -> memref<1x128xi32, #tpu.memory_space<hbm>>
    %dma_start3A_58 = tpu.memref_squeeze %dma_start3A_57 : memref<1x128xi32, #tpu.memory_space<hbm>> -> memref<128xi32, #tpu.memory_space<hbm>>
    %dma_start3A_59 = arith.constant 0 : i32
    %dma_start3A_60 = tpu.memref_slice %arg8[%dma_start3A_52, %dma_start3A_59] : memref<4x128xi32, #tpu.memory_space<vmem>> -> memref<1x128xi32, #tpu.memory_space<vmem>>
    %dma_start3A_61 = tpu.memref_squeeze %dma_start3A_60 : memref<1x128xi32, #tpu.memory_space<vmem>> -> memref<128xi32, #tpu.memory_space<vmem>>
    %dma_start3A_62 = arith.constant 0 : i32
    %dma_start3A_63 = tpu.memref_slice %arg4[%add3A_51, %dma_start3A_62] : memref<2560x128xi32, #tpu.memory_space<hbm>> -> memref<1x128xi32, #tpu.memory_space<hbm>>
    %dma_start3A_64 = tpu.memref_squeeze %dma_start3A_63 : memref<1x128xi32, #tpu.memory_space<hbm>> -> memref<128xi32, #tpu.memory_space<hbm>>
    tpu.enqueue_dma source(%dma_start3A_64 : memref<128xi32, #tpu.memory_space<hbm>>) target(%dma_start3A_61 : memref<128xi32, #tpu.memory_space<vmem>>) target_semaphore(%arg18 : memref<!tpu.dma_semaphore, #tpu.memory_space<semaphore_mem>>)
    %add3A_65 = arith.constant 2 : i32
    %add3A_66 = arith.addi %mul3A_5, %add3A_65 : i32
    %dma_start3A_67 = arith.constant 2 : i32
    %dma_start3A_68 = arith.constant 0 : i32
    %dma_start3A_69 = tpu.memref_slice %arg7[%dma_start3A_67, %dma_start3A_68] : memref<4x128xi32, #tpu.memory_space<vmem>> -> memref<1x128xi32, #tpu.memory_space<vmem>>
    %dma_start3A_70 = tpu.memref_squeeze %dma_start3A_69 : memref<1x128xi32, #tpu.memory_space<vmem>> -> memref<128xi32, #tpu.memory_space<vmem>>
    %dma_start3A_71 = arith.constant 0 : i32
    %dma_start3A_72 = tpu.memref_slice %arg3[%add3A_66, %dma_start3A_71] : memref<2560x128xi32, #tpu.memory_space<hbm>> -> memref<1x128xi32, #tpu.memory_space<hbm>>
    %dma_start3A_73 = tpu.memref_squeeze %dma_start3A_72 : memref<1x128xi32, #tpu.memory_space<hbm>> -> memref<128xi32, #tpu.memory_space<hbm>>
    %dma_start3A_74 = arith.constant 0 : i32
    %dma_start3A_75 = tpu.memref_slice %arg7[%dma_start3A_67, %dma_start3A_74] : memref<4x128xi32, #tpu.memory_space<vmem>> -> memref<1x128xi32, #tpu.memory_space<vmem>>
    %dma_start3A_76 = tpu.memref_squeeze %dma_start3A_75 : memref<1x128xi32, #tpu.memory_space<vmem>> -> memref<128xi32, #tpu.memory_space<vmem>>
    %dma_start3A_77 = arith.constant 0 : i32
    %dma_start3A_78 = tpu.memref_slice %arg3[%add3A_66, %dma_start3A_77] : memref<2560x128xi32, #tpu.memory_space<hbm>> -> memref<1x128xi32, #tpu.memory_space<hbm>>
    %dma_start3A_79 = tpu.memref_squeeze %dma_start3A_78 : memref<1x128xi32, #tpu.memory_space<hbm>> -> memref<128xi32, #tpu.memory_space<hbm>>
    tpu.enqueue_dma source(%dma_start3A_79 : memref<128xi32, #tpu.memory_space<hbm>>) target(%dma_start3A_76 : memref<128xi32, #tpu.memory_space<vmem>>) target_semaphore(%arg19 : memref<!tpu.dma_semaphore, #tpu.memory_space<semaphore_mem>>)
    %add3A_80 = arith.constant 2 : i32
    %add3A_81 = arith.addi %mul3A_5, %add3A_80 : i32
    %dma_start3A_82 = arith.constant 2 : i32
    %dma_start3A_83 = arith.constant 0 : i32
    %dma_start3A_84 = tpu.memref_slice %arg8[%dma_start3A_82, %dma_start3A_83] : memref<4x128xi32, #tpu.memory_space<vmem>> -> memref<1x128xi32, #tpu.memory_space<vmem>>
    %dma_start3A_85 = tpu.memref_squeeze %dma_start3A_84 : memref<1x128xi32, #tpu.memory_space<vmem>> -> memref<128xi32, #tpu.memory_space<vmem>>
    %dma_start3A_86 = arith.constant 0 : i32
    %dma_start3A_87 = tpu.memref_slice %arg4[%add3A_81, %dma_start3A_86] : memref<2560x128xi32, #tpu.memory_space<hbm>> -> memref<1x128xi32, #tpu.memory_space<hbm>>
    %dma_start3A_88 = tpu.memref_squeeze %dma_start3A_87 : memref<1x128xi32, #tpu.memory_space<hbm>> -> memref<128xi32, #tpu.memory_space<hbm>>
    %dma_start3A_89 = arith.constant 0 : i32
    %dma_start3A_90 = tpu.memref_slice %arg8[%dma_start3A_82, %dma_start3A_89] : memref<4x128xi32, #tpu.memory_space<vmem>> -> memref<1x128xi32, #tpu.memory_space<vmem>>
    %dma_start3A_91 = tpu.memref_squeeze %dma_start3A_90 : memref<1x128xi32, #tpu.memory_space<vmem>> -> memref<128xi32, #tpu.memory_space<vmem>>
    %dma_start3A_92 = arith.constant 0 : i32
    %dma_start3A_93 = tpu.memref_slice %arg4[%add3A_81, %dma_start3A_92] : memref<2560x128xi32, #tpu.memory_space<hbm>> -> memref<1x128xi32, #tpu.memory_space<hbm>>
    %dma_start3A_94 = tpu.memref_squeeze %dma_start3A_93 : memref<1x128xi32, #tpu.memory_space<hbm>> -> memref<128xi32, #tpu.memory_space<hbm>>
    tpu.enqueue_dma source(%dma_start3A_94 : memref<128xi32, #tpu.memory_space<hbm>>) target(%dma_start3A_91 : memref<128xi32, #tpu.memory_space<vmem>>) target_semaphore(%arg19 : memref<!tpu.dma_semaphore, #tpu.memory_space<semaphore_mem>>)
    %add3A_95 = arith.constant 3 : i32
    %add3A_96 = arith.addi %mul3A_5, %add3A_95 : i32
    %dma_start3A_97 = arith.constant 3 : i32
    %dma_start3A_98 = arith.constant 0 : i32
    %dma_start3A_99 = tpu.memref_slice %arg7[%dma_start3A_97, %dma_start3A_98] : memref<4x128xi32, #tpu.memory_space<vmem>> -> memref<1x128xi32, #tpu.memory_space<vmem>>
    %dma_start3A_100 = tpu.memref_squeeze %dma_start3A_99 : memref<1x128xi32, #tpu.memory_space<vmem>> -> memref<128xi32, #tpu.memory_space<vmem>>
    %dma_start3A_101 = arith.constant 0 : i32
    %dma_start3A_102 = tpu.memref_slice %arg3[%add3A_96, %dma_start3A_101] : memref<2560x128xi32, #tpu.memory_space<hbm>> -> memref<1x128xi32, #tpu.memory_space<hbm>>
    %dma_start3A_103 = tpu.memref_squeeze %dma_start3A_102 : memref<1x128xi32, #tpu.memory_space<hbm>> -> memref<128xi32, #tpu.memory_space<hbm>>
    %dma_start3A_104 = arith.constant 0 : i32
    %dma_start3A_105 = tpu.memref_slice %arg7[%dma_start3A_97, %dma_start3A_104] : memref<4x128xi32, #tpu.memory_space<vmem>> -> memref<1x128xi32, #tpu.memory_space<vmem>>
    %dma_start3A_106 = tpu.memref_squeeze %dma_start3A_105 : memref<1x128xi32, #tpu.memory_space<vmem>> -> memref<128xi32, #tpu.memory_space<vmem>>
    %dma_start3A_107 = arith.constant 0 : i32
    %dma_start3A_108 = tpu.memref_slice %arg3[%add3A_96, %dma_start3A_107] : memref<2560x128xi32, #tpu.memory_space<hbm>> -> memref<1x128xi32, #tpu.memory_space<hbm>>
    %dma_start3A_109 = tpu.memref_squeeze %dma_start3A_108 : memref<1x128xi32, #tpu.memory_space<hbm>> -> memref<128xi32, #tpu.memory_space<hbm>>
    tpu.enqueue_dma source(%dma_start3A_109 : memref<128xi32, #tpu.memory_space<hbm>>) target(%dma_start3A_106 : memref<128xi32, #tpu.memory_space<vmem>>) target_semaphore(%arg20 : memref<!tpu.dma_semaphore, #tpu.memory_space<semaphore_mem>>)
    %add3A_110 = arith.constant 3 : i32
    %add3A_111 = arith.addi %mul3A_5, %add3A_110 : i32
    %dma_start3A_112 = arith.constant 3 : i32
    %dma_start3A_113 = arith.constant 0 : i32
    %dma_start3A_114 = tpu.memref_slice %arg8[%dma_start3A_112, %dma_start3A_113] : memref<4x128xi32, #tpu.memory_space<vmem>> -> memref<1x128xi32, #tpu.memory_space<vmem>>
    %dma_start3A_115 = tpu.memref_squeeze %dma_start3A_114 : memref<1x128xi32, #tpu.memory_space<vmem>> -> memref<128xi32, #tpu.memory_space<vmem>>
    %dma_start3A_116 = arith.constant 0 : i32
    %dma_start3A_117 = tpu.memref_slice %arg4[%add3A_111, %dma_start3A_116] : memref<2560x128xi32, #tpu.memory_space<hbm>> -> memref<1x128xi32, #tpu.memory_space<hbm>>
    %dma_start3A_118 = tpu.memref_squeeze %dma_start3A_117 : memref<1x128xi32, #tpu.memory_space<hbm>> -> memref<128xi32, #tpu.memory_space<hbm>>
    %dma_start3A_119 = arith.constant 0 : i32
    %dma_start3A_120 = tpu.memref_slice %arg8[%dma_start3A_112, %dma_start3A_119] : memref<4x128xi32, #tpu.memory_space<vmem>> -> memref<1x128xi32, #tpu.memory_space<vmem>>
    %dma_start3A_121 = tpu.memref_squeeze %dma_start3A_120 : memref<1x128xi32, #tpu.memory_space<vmem>> -> memref<128xi32, #tpu.memory_space<vmem>>
    %dma_start3A_122 = arith.constant 0 : i32
    %dma_start3A_123 = tpu.memref_slice %arg4[%add3A_111, %dma_start3A_122] : memref<2560x128xi32, #tpu.memory_space<hbm>> -> memref<1x128xi32, #tpu.memory_space<hbm>>
    %dma_start3A_124 = tpu.memref_squeeze %dma_start3A_123 : memref<1x128xi32, #tpu.memory_space<hbm>> -> memref<128xi32, #tpu.memory_space<hbm>>
    tpu.enqueue_dma source(%dma_start3A_124 : memref<128xi32, #tpu.memory_space<hbm>>) target(%dma_start3A_121 : memref<128xi32, #tpu.memory_space<vmem>>) target_semaphore(%arg20 : memref<!tpu.dma_semaphore, #tpu.memory_space<semaphore_mem>>)
    %scan3A = arith.constant 0 : i32
    %scan3A_125 = arith.constant 0 : i32
    %scan3A_126 = arith.constant 128 : i32
    %scan3A_127 = arith.addi %scan3A_125, %scan3A_126 : i32
    %scan3A_128 = arith.constant 1 : i32
    %scan3A_129 = scf.for %scan3A_263 = %scan3A_125 to %scan3A_127 step %scan3A_128 iter_args(%scan3A_264 = %scan3A) -> (i32)  : i32 {
      %swap3A = arith.index_cast %scan3A_263 : i32 to index
      %swap3A_265 = arith.constant 0 : index
      %swap3A_266 = tpu.vector_load %arg11[%swap3A, %swap3A_265] {strides = array<i32>} : memref<128x128xf32, #tpu.memory_space<vmem>>, vector<16xf32>,
      tpu.vector_store %arg11[%swap3A, %swap3A_265], %broadcast_in_dim3A_1 {strides = array<i32>} : memref<128x128xf32, #tpu.memory_space<vmem>>, vector<16xf32>,
      %swap3A_267 = arith.index_cast %scan3A_263 : i32 to index
      %swap3A_268 = arith.constant 16 : index
      %swap3A_269 = tpu.vector_load %arg11[%swap3A_267, %swap3A_268] {strides = array<i32>} : memref<128x128xf32, #tpu.memory_space<vmem>>, vector<16xf32>,
      tpu.vector_store %arg11[%swap3A_267, %swap3A_268], %broadcast_in_dim3A_1 {strides = array<i32>} : memref<128x128xf32, #tpu.memory_space<vmem>>, vector<16xf32>,
      %swap3A_270 = arith.index_cast %scan3A_263 : i32 to index
      %swap3A_271 = arith.constant 32 : index
      %swap3A_272 = tpu.vector_load %arg11[%swap3A_270, %swap3A_271] {strides = array<i32>} : memref<128x128xf32, #tpu.memory_space<vmem>>, vector<16xf32>,
      tpu.vector_store %arg11[%swap3A_270, %swap3A_271], %broadcast_in_dim3A_1 {strides = array<i32>} : memref<128x128xf32, #tpu.memory_space<vmem>>, vector<16xf32>,
      %swap3A_273 = arith.index_cast %scan3A_263 : i32 to index
      %swap3A_274 = arith.constant 48 : index
      %swap3A_275 = tpu.vector_load %arg11[%swap3A_273, %swap3A_274] {strides = array<i32>} : memref<128x128xf32, #tpu.memory_space<vmem>>, vector<16xf32>,
      tpu.vector_store %arg11[%swap3A_273, %swap3A_274], %broadcast_in_dim3A_1 {strides = array<i32>} : memref<128x128xf32, #tpu.memory_space<vmem>>, vector<16xf32>,
      %swap3A_276 = arith.index_cast %scan3A_263 : i32 to index
      %swap3A_277 = arith.constant 64 : index
      %swap3A_278 = tpu.vector_load %arg11[%swap3A_276, %swap3A_277] {strides = array<i32>} : memref<128x128xf32, #tpu.memory_space<vmem>>, vector<16xf32>,
      tpu.vector_store %arg11[%swap3A_276, %swap3A_277], %broadcast_in_dim3A_1 {strides = array<i32>} : memref<128x128xf32, #tpu.memory_space<vmem>>, vector<16xf32>,
      %swap3A_279 = arith.index_cast %scan3A_263 : i32 to index
      %swap3A_280 = arith.constant 80 : index
      %swap3A_281 = tpu.vector_load %arg11[%swap3A_279, %swap3A_280] {strides = array<i32>} : memref<128x128xf32, #tpu.memory_space<vmem>>, vector<16xf32>,
      tpu.vector_store %arg11[%swap3A_279, %swap3A_280], %broadcast_in_dim3A_1 {strides = array<i32>} : memref<128x128xf32, #tpu.memory_space<vmem>>, vector<16xf32>,
      %swap3A_282 = arith.index_cast %scan3A_263 : i32 to index
      %swap3A_283 = arith.constant 96 : index
      %swap3A_284 = tpu.vector_load %arg11[%swap3A_282, %swap3A_283] {strides = array<i32>} : memref<128x128xf32, #tpu.memory_space<vmem>>, vector<16xf32>,
      tpu.vector_store %arg11[%swap3A_282, %swap3A_283], %broadcast_in_dim3A_1 {strides = array<i32>} : memref<128x128xf32, #tpu.memory_space<vmem>>, vector<16xf32>,
      %swap3A_285 = arith.index_cast %scan3A_263 : i32 to index
      %swap3A_286 = arith.constant 112 : index
      %swap3A_287 = tpu.vector_load %arg11[%swap3A_285, %swap3A_286] {strides = array<i32>} : memref<128x128xf32, #tpu.memory_space<vmem>>, vector<16xf32>,
      tpu.vector_store %arg11[%swap3A_285, %swap3A_286], %broadcast_in_dim3A_1 {strides = array<i32>} : memref<128x128xf32, #tpu.memory_space<vmem>>, vector<16xf32>,
      %scan3A_288 = arith.constant 0 : i32
      scf.yield %scan3A_288 : i32
    }
    %scan3A_130 = arith.constant 128 : i32
    %add3A_131 = arith.constant 0 : i32
    %add3A_132 = arith.addi %arg1, %add3A_131 : i32
    %mul3A_133 = arith.constant 128 : i32
    %mul3A_134 = arith.muli %add3A_132, %mul3A_133 : i32
    "tpu.region"() ({
      %run_scoped3A = tpu.sem_alloc : memref<!tpu.dma_semaphore, #tpu.memory_space<semaphore_mem>>
      %dma_start3A_263 = arith.constant 0 : i32
      %dma_start3A_264 = tpu.memref_slice %arg6[%mul3A_134, %dma_start3A_263] : memref<10112x128xf32, #tpu.memory_space<vmem_shared>> -> memref<128x128xf32, #tpu.memory_space<vmem_shared>>
      %dma_start3A_265 = arith.constant 0 : i32
      %dma_start3A_266 = tpu.memref_slice %arg6[%mul3A_134, %dma_start3A_265] : memref<10112x128xf32, #tpu.memory_space<vmem_shared>> -> memref<128x128xf32, #tpu.memory_space<vmem_shared>>
      tpu.enqueue_dma source(%arg11 : memref<128x128xf32, #tpu.memory_space<vmem>>) target(%dma_start3A_266 : memref<128x128xf32, #tpu.memory_space<vmem_shared>>) target_semaphore(%run_scoped3A : memref<!tpu.dma_semaphore, #tpu.memory_space<semaphore_mem>>)
      %dma_wait3A_267 = arith.constant 0 : i32
      %dma_wait3A_268 = tpu.memref_slice %arg6[%mul3A_134, %dma_wait3A_267] : memref<10112x128xf32, #tpu.memory_space<vmem_shared>> -> memref<128x128xf32, #tpu.memory_space<vmem_shared>>
      %dma_wait3A_269 = arith.constant 0 : i32
      %dma_wait3A_270 = tpu.memref_slice %arg6[%mul3A_134, %dma_wait3A_269] : memref<10112x128xf32, #tpu.memory_space<vmem_shared>> -> memref<128x128xf32, #tpu.memory_space<vmem_shared>>
      tpu.wait_dma2 semaphore(%run_scoped3A : memref<!tpu.dma_semaphore, #tpu.memory_space<semaphore_mem>>) src(%arg11 : memref<128x128xf32, #tpu.memory_space<vmem>>) dst(%dma_wait3A_270 : memref<128x128xf32, #tpu.memory_space<vmem_shared>>)
      tpu.yield
    }) : () -> ()
    %add3A_135 = arith.constant 16 : i32
    %add3A_136 = arith.addi %arg1, %add3A_135 : i32
    %mul3A_137 = arith.constant 128 : i32
    %mul3A_138 = arith.muli %add3A_136, %mul3A_137 : i32
    "tpu.region"() ({
      %run_scoped3A = tpu.sem_alloc : memref<!tpu.dma_semaphore, #tpu.memory_space<semaphore_mem>>
      %dma_start3A_263 = arith.constant 0 : i32
      %dma_start3A_264 = tpu.memref_slice %arg6[%mul3A_138, %dma_start3A_263] : memref<10112x128xf32, #tpu.memory_space<vmem_shared>> -> memref<128x128xf32, #tpu.memory_space<vmem_shared>>
      %dma_start3A_265 = arith.constant 0 : i32
      %dma_start3A_266 = tpu.memref_slice %arg6[%mul3A_138, %dma_start3A_265] : memref<10112x128xf32, #tpu.memory_space<vmem_shared>> -> memref<128x128xf32, #tpu.memory_space<vmem_shared>>
      tpu.enqueue_dma source(%arg11 : memref<128x128xf32, #tpu.memory_space<vmem>>) target(%dma_start3A_266 : memref<128x128xf32, #tpu.memory_space<vmem_shared>>) target_semaphore(%run_scoped3A : memref<!tpu.dma_semaphore, #tpu.memory_space<semaphore_mem>>)
      %dma_wait3A_267 = arith.constant 0 : i32
      %dma_wait3A_268 = tpu.memref_slice %arg6[%mul3A_138, %dma_wait3A_267] : memref<10112x128xf32, #tpu.memory_space<vmem_shared>> -> memref<128x128xf32, #tpu.memory_space<vmem_shared>>
      %dma_wait3A_269 = arith.constant 0 : i32
      %dma_wait3A_270 = tpu.memref_slice %arg6[%mul3A_138, %dma_wait3A_269] : memref<10112x128xf32, #tpu.memory_space<vmem_shared>> -> memref<128x128xf32, #tpu.memory_space<vmem_shared>>
      tpu.wait_dma2 semaphore(%run_scoped3A : memref<!tpu.dma_semaphore, #tpu.memory_space<semaphore_mem>>) src(%arg11 : memref<128x128xf32, #tpu.memory_space<vmem>>) dst(%dma_wait3A_270 : memref<128x128xf32, #tpu.memory_space<vmem_shared>>)
      tpu.yield
    }) : () -> ()
    %add3A_139 = arith.constant 32 : i32
    %add3A_140 = arith.addi %arg1, %add3A_139 : i32
    %mul3A_141 = arith.constant 128 : i32
    %mul3A_142 = arith.muli %add3A_140, %mul3A_141 : i32
    "tpu.region"() ({
      %run_scoped3A = tpu.sem_alloc : memref<!tpu.dma_semaphore, #tpu.memory_space<semaphore_mem>>
      %dma_start3A_263 = arith.constant 0 : i32
      %dma_start3A_264 = tpu.memref_slice %arg6[%mul3A_142, %dma_start3A_263] : memref<10112x128xf32, #tpu.memory_space<vmem_shared>> -> memref<128x128xf32, #tpu.memory_space<vmem_shared>>
      %dma_start3A_265 = arith.constant 0 : i32
      %dma_start3A_266 = tpu.memref_slice %arg6[%mul3A_142, %dma_start3A_265] : memref<10112x128xf32, #tpu.memory_space<vmem_shared>> -> memref<128x128xf32, #tpu.memory_space<vmem_shared>>
      tpu.enqueue_dma source(%arg11 : memref<128x128xf32, #tpu.memory_space<vmem>>) target(%dma_start3A_266 : memref<128x128xf32, #tpu.memory_space<vmem_shared>>) target_semaphore(%run_scoped3A : memref<!tpu.dma_semaphore, #tpu.memory_space<semaphore_mem>>)
      %dma_wait3A_267 = arith.constant 0 : i32
      %dma_wait3A_268 = tpu.memref_slice %arg6[%mul3A_142, %dma_wait3A_267] : memref<10112x128xf32, #tpu.memory_space<vmem_shared>> -> memref<128x128xf32, #tpu.memory_space<vmem_shared>>
      %dma_wait3A_269 = arith.constant 0 : i32
      %dma_wait3A_270 = tpu.memref_slice %arg6[%mul3A_142, %dma_wait3A_269] : memref<10112x128xf32, #tpu.memory_space<vmem_shared>> -> memref<128x128xf32, #tpu.memory_space<vmem_shared>>
      tpu.wait_dma2 semaphore(%run_scoped3A : memref<!tpu.dma_semaphore, #tpu.memory_space<semaphore_mem>>) src(%arg11 : memref<128x128xf32, #tpu.memory_space<vmem>>) dst(%dma_wait3A_270 : memref<128x128xf32, #tpu.memory_space<vmem_shared>>)
      tpu.yield
    }) : () -> ()
    %add3A_143 = arith.constant 48 : i32
    %add3A_144 = arith.addi %arg1, %add3A_143 : i32
    %mul3A_145 = arith.constant 128 : i32
    %mul3A_146 = arith.muli %add3A_144, %mul3A_145 : i32
    "tpu.region"() ({
      %run_scoped3A = tpu.sem_alloc : memref<!tpu.dma_semaphore, #tpu.memory_space<semaphore_mem>>
      %dma_start3A_263 = arith.constant 0 : i32
      %dma_start3A_264 = tpu.memref_slice %arg6[%mul3A_146, %dma_start3A_263] : memref<10112x128xf32, #tpu.memory_space<vmem_shared>> -> memref<128x128xf32, #tpu.memory_space<vmem_shared>>
      %dma_start3A_265 = arith.constant 0 : i32
      %dma_start3A_266 = tpu.memref_slice %arg6[%mul3A_146, %dma_start3A_265] : memref<10112x128xf32, #tpu.memory_space<vmem_shared>> -> memref<128x128xf32, #tpu.memory_space<vmem_shared>>
      tpu.enqueue_dma source(%arg11 : memref<128x128xf32, #tpu.memory_space<vmem>>) target(%dma_start3A_266 : memref<128x128xf32, #tpu.memory_space<vmem_shared>>) target_semaphore(%run_scoped3A : memref<!tpu.dma_semaphore, #tpu.memory_space<semaphore_mem>>)
      %dma_wait3A_267 = arith.constant 0 : i32
      %dma_wait3A_268 = tpu.memref_slice %arg6[%mul3A_146, %dma_wait3A_267] : memref<10112x128xf32, #tpu.memory_space<vmem_shared>> -> memref<128x128xf32, #tpu.memory_space<vmem_shared>>
      %dma_wait3A_269 = arith.constant 0 : i32
      %dma_wait3A_270 = tpu.memref_slice %arg6[%mul3A_146, %dma_wait3A_269] : memref<10112x128xf32, #tpu.memory_space<vmem_shared>> -> memref<128x128xf32, #tpu.memory_space<vmem_shared>>
      tpu.wait_dma2 semaphore(%run_scoped3A : memref<!tpu.dma_semaphore, #tpu.memory_space<semaphore_mem>>) src(%arg11 : memref<128x128xf32, #tpu.memory_space<vmem>>) dst(%dma_wait3A_270 : memref<128x128xf32, #tpu.memory_space<vmem_shared>>)
      tpu.yield
    }) : () -> ()
    %add3A_147 = arith.constant 64 : i32
    %add3A_148 = arith.addi %arg1, %add3A_147 : i32
    %lt3A = arith.constant 79 : i32
    %lt3A_149 = arith.cmpi slt, %add3A_148, %lt3A : i32
    %convert_element_type3A = arith.extui %lt3A_149 : i1 to i32
    %cond3A = arith.constant 0 : i32
    %cond3A_150 = arith.cmpi ne, %convert_element_type3A, %cond3A : i32
    scf.if %cond3A_150 {
      %mul3A_263 = arith.constant 128 : i32
      %mul3A_264 = arith.muli %add3A_148, %mul3A_263 : i32
      "tpu.region"() ({
        %run_scoped3A = tpu.sem_alloc : memref<!tpu.dma_semaphore, #tpu.memory_space<semaphore_mem>>
        %dma_start3A_265 = arith.constant 0 : i32
        %dma_start3A_266 = tpu.memref_slice %arg6[%mul3A_264, %dma_start3A_265] : memref<10112x128xf32, #tpu.memory_space<vmem_shared>> -> memref<128x128xf32, #tpu.memory_space<vmem_shared>>
        %dma_start3A_267 = arith.constant 0 : i32
        %dma_start3A_268 = tpu.memref_slice %arg6[%mul3A_264, %dma_start3A_267] : memref<10112x128xf32, #tpu.memory_space<vmem_shared>> -> memref<128x128xf32, #tpu.memory_space<vmem_shared>>
        tpu.enqueue_dma source(%arg11 : memref<128x128xf32, #tpu.memory_space<vmem>>) target(%dma_start3A_268 : memref<128x128xf32, #tpu.memory_space<vmem_shared>>) target_semaphore(%run_scoped3A : memref<!tpu.dma_semaphore, #tpu.memory_space<semaphore_mem>>)
        %dma_wait3A_269 = arith.constant 0 : i32
        %dma_wait3A_270 = tpu.memref_slice %arg6[%mul3A_264, %dma_wait3A_269] : memref<10112x128xf32, #tpu.memory_space<vmem_shared>> -> memref<128x128xf32, #tpu.memory_space<vmem_shared>>
        %dma_wait3A_271 = arith.constant 0 : i32
        %dma_wait3A_272 = tpu.memref_slice %arg6[%mul3A_264, %dma_wait3A_271] : memref<10112x128xf32, #tpu.memory_space<vmem_shared>> -> memref<128x128xf32, #tpu.memory_space<vmem_shared>>
        tpu.wait_dma2 semaphore(%run_scoped3A : memref<!tpu.dma_semaphore, #tpu.memory_space<semaphore_mem>>) src(%arg11 : memref<128x128xf32, #tpu.memory_space<vmem>>) dst(%dma_wait3A_272 : memref<128x128xf32, #tpu.memory_space<vmem_shared>>)
        tpu.yield
      }) : () -> ()
    } else {
    }
    %barrier3A = arith.constant 0 : index
    tpu.barrier barrier_id(%barrier3A)
    %add3A_151 = arith.constant 0 : i32
    %add3A_152 = arith.addi %mul3A_5, %add3A_151 : i32
    %dma_wait3A = arith.constant 0 : i32
    %dma_wait3A_153 = arith.constant 0 : i32
    %dma_wait3A_154 = tpu.memref_slice %arg7[%dma_wait3A, %dma_wait3A_153] : memref<4x128xi32, #tpu.memory_space<vmem>> -> memref<1x128xi32, #tpu.memory_space<vmem>>
    %dma_wait3A_155 = tpu.memref_squeeze %dma_wait3A_154 : memref<1x128xi32, #tpu.memory_space<vmem>> -> memref<128xi32, #tpu.memory_space<vmem>>
    %dma_wait3A_156 = arith.constant 0 : i32
    %dma_wait3A_157 = tpu.memref_slice %arg3[%add3A_152, %dma_wait3A_156] : memref<2560x128xi32, #tpu.memory_space<hbm>> -> memref<1x128xi32, #tpu.memory_space<hbm>>
    %dma_wait3A_158 = tpu.memref_squeeze %dma_wait3A_157 : memref<1x128xi32, #tpu.memory_space<hbm>> -> memref<128xi32, #tpu.memory_space<hbm>>
    %dma_wait3A_159 = arith.constant 0 : i32
    %dma_wait3A_160 = tpu.memref_slice %arg7[%dma_wait3A, %dma_wait3A_159] : memref<4x128xi32, #tpu.memory_space<vmem>> -> memref<1x128xi32, #tpu.memory_space<vmem>>
    %dma_wait3A_161 = tpu.memref_squeeze %dma_wait3A_160 : memref<1x128xi32, #tpu.memory_space<vmem>> -> memref<128xi32, #tpu.memory_space<vmem>>
    %dma_wait3A_162 = arith.constant 0 : i32
    %dma_wait3A_163 = tpu.memref_slice %arg3[%add3A_152, %dma_wait3A_162] : memref<2560x128xi32, #tpu.memory_space<hbm>> -> memref<1x128xi32, #tpu.memory_space<hbm>>
    %dma_wait3A_164 = tpu.memref_squeeze %dma_wait3A_163 : memref<1x128xi32, #tpu.memory_space<hbm>> -> memref<128xi32, #tpu.memory_space<hbm>>
    tpu.wait_dma2 semaphore(%arg17 : memref<!tpu.dma_semaphore, #tpu.memory_space<semaphore_mem>>) src(%dma_wait3A_164 : memref<128xi32, #tpu.memory_space<hbm>>) dst(%dma_wait3A_161 : memref<128xi32, #tpu.memory_space<vmem>>)
    %add3A_165 = arith.constant 0 : i32
    %add3A_166 = arith.addi %mul3A_5, %add3A_165 : i32
    %dma_wait3A_167 = arith.constant 0 : i32
    %dma_wait3A_168 = arith.constant 0 : i32
    %dma_wait3A_169 = tpu.memref_slice %arg8[%dma_wait3A_167, %dma_wait3A_168] : memref<4x128xi32, #tpu.memory_space<vmem>> -> memref<1x128xi32, #tpu.memory_space<vmem>>
    %dma_wait3A_170 = tpu.memref_squeeze %dma_wait3A_169 : memref<1x128xi32, #tpu.memory_space<vmem>> -> memref<128xi32, #tpu.memory_space<vmem>>
    %dma_wait3A_171 = arith.constant 0 : i32
    %dma_wait3A_172 = tpu.memref_slice %arg4[%add3A_166, %dma_wait3A_171] : memref<2560x128xi32, #tpu.memory_space<hbm>> -> memref<1x128xi32, #tpu.memory_space<hbm>>
    %dma_wait3A_173 = tpu.memref_squeeze %dma_wait3A_172 : memref<1x128xi32, #tpu.memory_space<hbm>> -> memref<128xi32, #tpu.memory_space<hbm>>
    %dma_wait3A_174 = arith.constant 0 : i32
    %dma_wait3A_175 = tpu.memref_slice %arg8[%dma_wait3A_167, %dma_wait3A_174] : memref<4x128xi32, #tpu.memory_space<vmem>> -> memref<1x128xi32, #tpu.memory_space<vmem>>
    %dma_wait3A_176 = tpu.memref_squeeze %dma_wait3A_175 : memref<1x128xi32, #tpu.memory_space<vmem>> -> memref<128xi32, #tpu.memory_space<vmem>>
    %dma_wait3A_177 = arith.constant 0 : i32
    %dma_wait3A_178 = tpu.memref_slice %arg4[%add3A_166, %dma_wait3A_177] : memref<2560x128xi32, #tpu.memory_space<hbm>> -> memref<1x128xi32, #tpu.memory_space<hbm>>
    %dma_wait3A_179 = tpu.memref_squeeze %dma_wait3A_178 : memref<1x128xi32, #tpu.memory_space<hbm>> -> memref<128xi32, #tpu.memory_space<hbm>>
    tpu.wait_dma2 semaphore(%arg17 : memref<!tpu.dma_semaphore, #tpu.memory_space<semaphore_mem>>) src(%dma_wait3A_179 : memref<128xi32, #tpu.memory_space<hbm>>) dst(%dma_wait3A_176 : memref<128xi32, #tpu.memory_space<vmem>>)
    %dma_start3A_180 = arith.constant 0 : i32
    %dma_start3A_181 = arith.constant 0 : i32
    %dma_start3A_182 = tpu.memref_slice %arg7[%dma_start3A_180, %dma_start3A_181] : memref<4x128xi32, #tpu.memory_space<vmem>> -> memref<1x128xi32, #tpu.memory_space<vmem>>
    %dma_start3A_183 = tpu.memref_squeeze %dma_start3A_182 : memref<1x128xi32, #tpu.memory_space<vmem>> -> memref<128xi32, #tpu.memory_space<vmem>>
    %dma_start3A_184 = arith.constant 0 : i32
    %dma_start3A_185 = arith.constant 0 : i32
    %dma_start3A_186 = tpu.memref_slice %arg2[%dma_start3A_184, %dma_start3A_185] : memref<10000x128xbf16, #tpu.memory_space<hbm>> -> memref<10000x128xbf16, #tpu.memory_space<hbm>>
    tpu.enqueue_indirect_dma source(%dma_start3A_186 : memref<10000x128xbf16, #tpu.memory_space<hbm>>) target(%arg9 : memref<128x128xbf16, #tpu.memory_space<vmem>>) offsets(%dma_start3A_183 : memref<128xi32, #tpu.memory_space<vmem>>) semaphore(%arg13 : memref<!tpu.dma_semaphore, #tpu.memory_space<semaphore_mem>>)
    %add3A_187 = arith.constant 1 : i32
    %add3A_188 = arith.addi %mul3A_5, %add3A_187 : i32
    %dma_wait3A_189 = arith.constant 1 : i32
    %dma_wait3A_190 = arith.constant 0 : i32
    %dma_wait3A_191 = tpu.memref_slice %arg7[%dma_wait3A_189, %dma_wait3A_190] : memref<4x128xi32, #tpu.memory_space<vmem>> -> memref<1x128xi32, #tpu.memory_space<vmem>>
    %dma_wait3A_192 = tpu.memref_squeeze %dma_wait3A_191 : memref<1x128xi32, #tpu.memory_space<vmem>> -> memref<128xi32, #tpu.memory_space<vmem>>
    %dma_wait3A_193 = arith.constant 0 : i32
    %dma_wait3A_194 = tpu.memref_slice %arg3[%add3A_188, %dma_wait3A_193] : memref<2560x128xi32, #tpu.memory_space<hbm>> -> memref<1x128xi32, #tpu.memory_space<hbm>>
    %dma_wait3A_195 = tpu.memref_squeeze %dma_wait3A_194 : memref<1x128xi32, #tpu.memory_space<hbm>> -> memref<128xi32, #tpu.memory_space<hbm>>
    %dma_wait3A_196 = arith.constant 0 : i32
    %dma_wait3A_197 = tpu.memref_slice %arg7[%dma_wait3A_189, %dma_wait3A_196] : memref<4x128xi32, #tpu.memory_space<vmem>> -> memref<1x128xi32, #tpu.memory_space<vmem>>
    %dma_wait3A_198 = tpu.memref_squeeze %dma_wait3A_197 : memref<1x128xi32, #tpu.memory_space<vmem>> -> memref<128xi32, #tpu.memory_space<vmem>>
    %dma_wait3A_199 = arith.constant 0 : i32
    %dma_wait3A_200 = tpu.memref_slice %arg3[%add3A_188, %dma_wait3A_199] : memref<2560x128xi32, #tpu.memory_space<hbm>> -> memref<1x128xi32, #tpu.memory_space<hbm>>
    %dma_wait3A_201 = tpu.memref_squeeze %dma_wait3A_200 : memref<1x128xi32, #tpu.memory_space<hbm>> -> memref<128xi32, #tpu.memory_space<hbm>>
    tpu.wait_dma2 semaphore(%arg18 : memref<!tpu.dma_semaphore, #tpu.memory_space<semaphore_mem>>) src(%dma_wait3A_201 : memref<128xi32, #tpu.memory_space<hbm>>) dst(%dma_wait3A_198 : memref<128xi32, #tpu.memory_space<vmem>>)
    %add3A_202 = arith.constant 1 : i32
    %add3A_203 = arith.addi %mul3A_5, %add3A_202 : i32
    %dma_wait3A_204 = arith.constant 1 : i32
    %dma_wait3A_205 = arith.constant 0 : i32
    %dma_wait3A_206 = tpu.memref_slice %arg8[%dma_wait3A_204, %dma_wait3A_205] : memref<4x128xi32, #tpu.memory_space<vmem>> -> memref<1x128xi32, #tpu.memory_space<vmem>>
    %dma_wait3A_207 = tpu.memref_squeeze %dma_wait3A_206 : memref<1x128xi32, #tpu.memory_space<vmem>> -> memref<128xi32, #tpu.memory_space<vmem>>
    %dma_wait3A_208 = arith.constant 0 : i32
    %dma_wait3A_209 = tpu.memref_slice %arg4[%add3A_203, %dma_wait3A_208] : memref<2560x128xi32, #tpu.memory_space<hbm>> -> memref<1x128xi32, #tpu.memory_space<hbm>>
    %dma_wait3A_210 = tpu.memref_squeeze %dma_wait3A_209 : memref<1x128xi32, #tpu.memory_space<hbm>> -> memref<128xi32, #tpu.memory_space<hbm>>
    %dma_wait3A_211 = arith.constant 0 : i32
    %dma_wait3A_212 = tpu.memref_slice %arg8[%dma_wait3A_204, %dma_wait3A_211] : memref<4x128xi32, #tpu.memory_space<vmem>> -> memref<1x128xi32, #tpu.memory_space<vmem>>
    %dma_wait3A_213 = tpu.memref_squeeze %dma_wait3A_212 : memref<1x128xi32, #tpu.memory_space<vmem>> -> memref<128xi32, #tpu.memory_space<vmem>>
    %dma_wait3A_214 = arith.constant 0 : i32
    %dma_wait3A_215 = tpu.memref_slice %arg4[%add3A_203, %dma_wait3A_214] : memref<2560x128xi32, #tpu.memory_space<hbm>> -> memref<1x128xi32, #tpu.memory_space<hbm>>
    %dma_wait3A_216 = tpu.memref_squeeze %dma_wait3A_215 : memref<1x128xi32, #tpu.memory_space<hbm>> -> memref<128xi32, #tpu.memory_space<hbm>>
    tpu.wait_dma2 semaphore(%arg18 : memref<!tpu.dma_semaphore, #tpu.memory_space<semaphore_mem>>) src(%dma_wait3A_216 : memref<128xi32, #tpu.memory_space<hbm>>) dst(%dma_wait3A_213 : memref<128xi32, #tpu.memory_space<vmem>>)
    %dma_start3A_217 = arith.constant 1 : i32
    %dma_start3A_218 = arith.constant 0 : i32
    %dma_start3A_219 = tpu.memref_slice %arg7[%dma_start3A_217, %dma_start3A_218] : memref<4x128xi32, #tpu.memory_space<vmem>> -> memref<1x128xi32, #tpu.memory_space<vmem>>
    %dma_start3A_220 = tpu.memref_squeeze %dma_start3A_219 : memref<1x128xi32, #tpu.memory_space<vmem>> -> memref<128xi32, #tpu.memory_space<vmem>>
    %dma_start3A_221 = arith.constant 0 : i32
    %dma_start3A_222 = arith.constant 0 : i32
    %dma_start3A_223 = tpu.memref_slice %arg2[%dma_start3A_221, %dma_start3A_222] : memref<10000x128xbf16, #tpu.memory_space<hbm>> -> memref<10000x128xbf16, #tpu.memory_space<hbm>>
    tpu.enqueue_indirect_dma source(%dma_start3A_223 : memref<10000x128xbf16, #tpu.memory_space<hbm>>) target(%arg10 : memref<128x128xbf16, #tpu.memory_space<vmem>>) offsets(%dma_start3A_220 : memref<128xi32, #tpu.memory_space<vmem>>) semaphore(%arg14 : memref<!tpu.dma_semaphore, #tpu.memory_space<semaphore_mem>>)
    %scan3A_224 = arith.constant 0 : i32
    %scan3A_225 = arith.constant 0 : i32
    %scan3A_226 = arith.constant 20 : i32
    %scan3A_227 = arith.addi %scan3A_225, %scan3A_226 : i32
    %scan3A_228 = arith.constant 1 : i32
    %scan3A_229 = scf.for %scan3A_263 = %scan3A_225 to %scan3A_227 step %scan3A_228 iter_args(%scan3A_264 = %scan3A_224) -> (i32)  : i32 {
      %mul3A_265 = arith.constant 4 : i32
      %mul3A_266 = arith.muli %mul3A_265, %scan3A_263 : i32
      %dma_wait3A_267 = arith.constant 0 : i32
      %dma_wait3A_268 = arith.constant 0 : i32
      %dma_wait3A_269 = tpu.memref_slice %arg7[%dma_wait3A_267, %dma_wait3A_268] : memref<4x128xi32, #tpu.memory_space<vmem>> -> memref<1x128xi32, #tpu.memory_space<vmem>>
      %dma_wait3A_270 = tpu.memref_squeeze %dma_wait3A_269 : memref<1x128xi32, #tpu.memory_space<vmem>> -> memref<128xi32, #tpu.memory_space<vmem>>
      %dma_wait3A_271 = arith.constant 0 : i32
      %dma_wait3A_272 = arith.constant 0 : i32
      %dma_wait3A_273 = tpu.memref_slice %arg2[%dma_wait3A_271, %dma_wait3A_272] : memref<10000x128xbf16, #tpu.memory_space<hbm>> -> memref<10000x128xbf16, #tpu.memory_space<hbm>>
      tpu.wait_indirect_dma semaphore(%arg13 : memref<!tpu.dma_semaphore, #tpu.memory_space<semaphore_mem>>) src(%dma_wait3A_273 : memref<10000x128xbf16, #tpu.memory_space<hbm>>) dst(%arg9 : memref<128x128xbf16, #tpu.memory_space<vmem>>)
      %parallel_loop3A = arith.constant 0 : i32
      %parallel_loop3A_274 = arith.constant 128 : i32
      %parallel_loop3A_275 = arith.constant 1 : i32
      scf.for %parallel_loop3A_425 = %parallel_loop3A to %parallel_loop3A_274 step %parallel_loop3A_275  : i32 {
        %parallel_loop3A_426 = arith.index_cast %parallel_loop3A_425 : i32 to index
        %parallel_loop3A_427 = arith.constant 0 : index
        %parallel_loop3A_428 = tpu.vector_load %arg9[%parallel_loop3A_426, %parallel_loop3A_427] {strides = array<i32>} : memref<128x128xbf16, #tpu.memory_space<vmem>>, vector<32xbf16>,
        %parallel_loop3A_429 = tpu.unpack_subelements %parallel_loop3A_428, 0 {pack_format = #tpu.pack_format<interleaved>} : vector<32xbf16> -> vector<16xf32>
        %parallel_loop3A_430 = tpu.unpack_subelements %parallel_loop3A_428, 1 {pack_format = #tpu.pack_format<interleaved>} : vector<32xbf16> -> vector<16xf32>
        %parallel_loop3A_431 = arith.index_cast %parallel_loop3A_425 : i32 to index
        %parallel_loop3A_432 = arith.constant 0 : index
        %parallel_loop3A_433 = tpu.vector_load %arg11[%parallel_loop3A_431, %parallel_loop3A_432] {strides = array<i32>} : memref<128x128xf32, #tpu.memory_space<vmem>>, vector<16xf32>,
        tpu.vector_store %arg11[%parallel_loop3A_431, %parallel_loop3A_432], %parallel_loop3A_429 {strides = array<i32>} : memref<128x128xf32, #tpu.memory_space<vmem>>, vector<16xf32>,
        %parallel_loop3A_434 = arith.index_cast %parallel_loop3A_425 : i32 to index
        %parallel_loop3A_435 = arith.constant 16 : index
        %parallel_loop3A_436 = tpu.vector_load %arg11[%parallel_loop3A_434, %parallel_loop3A_435] {strides = array<i32>} : memref<128x128xf32, #tpu.memory_space<vmem>>, vector<16xf32>,
        tpu.vector_store %arg11[%parallel_loop3A_434, %parallel_loop3A_435], %parallel_loop3A_430 {strides = array<i32>} : memref<128x128xf32, #tpu.memory_space<vmem>>, vector<16xf32>,
        %parallel_loop3A_437 = arith.index_cast %parallel_loop3A_425 : i32 to index
        %parallel_loop3A_438 = arith.constant 32 : index
        %parallel_loop3A_439 = tpu.vector_load %arg9[%parallel_loop3A_437, %parallel_loop3A_438] {strides = array<i32>} : memref<128x128xbf16, #tpu.memory_space<vmem>>, vector<32xbf16>,
        %parallel_loop3A_440 = tpu.unpack_subelements %parallel_loop3A_439, 0 {pack_format = #tpu.pack_format<interleaved>} : vector<32xbf16> -> vector<16xf32>
        %parallel_loop3A_441 = tpu.unpack_subelements %parallel_loop3A_439, 1 {pack_format = #tpu.pack_format<interleaved>} : vector<32xbf16> -> vector<16xf32>
        %parallel_loop3A_442 = arith.index_cast %parallel_loop3A_425 : i32 to index
        %parallel_loop3A_443 = arith.constant 32 : index
        %parallel_loop3A_444 = tpu.vector_load %arg11[%parallel_loop3A_442, %parallel_loop3A_443] {strides = array<i32>} : memref<128x128xf32, #tpu.memory_space<vmem>>, vector<16xf32>,
        tpu.vector_store %arg11[%parallel_loop3A_442, %parallel_loop3A_443], %parallel_loop3A_440 {strides = array<i32>} : memref<128x128xf32, #tpu.memory_space<vmem>>, vector<16xf32>,
        %parallel_loop3A_445 = arith.index_cast %parallel_loop3A_425 : i32 to index
        %parallel_loop3A_446 = arith.constant 48 : index
        %parallel_loop3A_447 = tpu.vector_load %arg11[%parallel_loop3A_445, %parallel_loop3A_446] {strides = array<i32>} : memref<128x128xf32, #tpu.memory_space<vmem>>, vector<16xf32>,
        tpu.vector_store %arg11[%parallel_loop3A_445, %parallel_loop3A_446], %parallel_loop3A_441 {strides = array<i32>} : memref<128x128xf32, #tpu.memory_space<vmem>>, vector<16xf32>,
        %parallel_loop3A_448 = arith.index_cast %parallel_loop3A_425 : i32 to index
        %parallel_loop3A_449 = arith.constant 64 : index
        %parallel_loop3A_450 = tpu.vector_load %arg9[%parallel_loop3A_448, %parallel_loop3A_449] {strides = array<i32>} : memref<128x128xbf16, #tpu.memory_space<vmem>>, vector<32xbf16>,
        %parallel_loop3A_451 = tpu.unpack_subelements %parallel_loop3A_450, 0 {pack_format = #tpu.pack_format<interleaved>} : vector<32xbf16> -> vector<16xf32>
        %parallel_loop3A_452 = tpu.unpack_subelements %parallel_loop3A_450, 1 {pack_format = #tpu.pack_format<interleaved>} : vector<32xbf16> -> vector<16xf32>
        %parallel_loop3A_453 = arith.index_cast %parallel_loop3A_425 : i32 to index
        %parallel_loop3A_454 = arith.constant 64 : index
        %parallel_loop3A_455 = tpu.vector_load %arg11[%parallel_loop3A_453, %parallel_loop3A_454] {strides = array<i32>} : memref<128x128xf32, #tpu.memory_space<vmem>>, vector<16xf32>,
        tpu.vector_store %arg11[%parallel_loop3A_453, %parallel_loop3A_454], %parallel_loop3A_451 {strides = array<i32>} : memref<128x128xf32, #tpu.memory_space<vmem>>, vector<16xf32>,
        %parallel_loop3A_456 = arith.index_cast %parallel_loop3A_425 : i32 to index
        %parallel_loop3A_457 = arith.constant 80 : index
        %parallel_loop3A_458 = tpu.vector_load %arg11[%parallel_loop3A_456, %parallel_loop3A_457] {strides = array<i32>} : memref<128x128xf32, #tpu.memory_space<vmem>>, vector<16xf32>,
        tpu.vector_store %arg11[%parallel_loop3A_456, %parallel_loop3A_457], %parallel_loop3A_452 {strides = array<i32>} : memref<128x128xf32, #tpu.memory_space<vmem>>, vector<16xf32>,
        %parallel_loop3A_459 = arith.index_cast %parallel_loop3A_425 : i32 to index
        %parallel_loop3A_460 = arith.constant 96 : index
        %parallel_loop3A_461 = tpu.vector_load %arg9[%parallel_loop3A_459, %parallel_loop3A_460] {strides = array<i32>} : memref<128x128xbf16, #tpu.memory_space<vmem>>, vector<32xbf16>,
        %parallel_loop3A_462 = tpu.unpack_subelements %parallel_loop3A_461, 0 {pack_format = #tpu.pack_format<interleaved>} : vector<32xbf16> -> vector<16xf32>
        %parallel_loop3A_463 = tpu.unpack_subelements %parallel_loop3A_461, 1 {pack_format = #tpu.pack_format<interleaved>} : vector<32xbf16> -> vector<16xf32>
        %parallel_loop3A_464 = arith.index_cast %parallel_loop3A_425 : i32 to index
        %parallel_loop3A_465 = arith.constant 96 : index
        %parallel_loop3A_466 = tpu.vector_load %arg11[%parallel_loop3A_464, %parallel_loop3A_465] {strides = array<i32>} : memref<128x128xf32, #tpu.memory_space<vmem>>, vector<16xf32>,
        tpu.vector_store %arg11[%parallel_loop3A_464, %parallel_loop3A_465], %parallel_loop3A_462 {strides = array<i32>} : memref<128x128xf32, #tpu.memory_space<vmem>>, vector<16xf32>,
        %parallel_loop3A_467 = arith.index_cast %parallel_loop3A_425 : i32 to index
        %parallel_loop3A_468 = arith.constant 112 : index
        %parallel_loop3A_469 = tpu.vector_load %arg11[%parallel_loop3A_467, %parallel_loop3A_468] {strides = array<i32>} : memref<128x128xf32, #tpu.memory_space<vmem>>, vector<16xf32>,
        tpu.vector_store %arg11[%parallel_loop3A_467, %parallel_loop3A_468], %parallel_loop3A_463 {strides = array<i32>} : memref<128x128xf32, #tpu.memory_space<vmem>>, vector<16xf32>,
      } {sc.loop_unroll_factor = 8 : i64, sc.parallel_access}
      %add3A_276 = arith.constant 2 : i32
      %add3A_277 = arith.addi %mul3A_266, %add3A_276 : i32
      %lt3A_278 = arith.constant 80 : i32
      %lt3A_279 = arith.cmpi slt, %add3A_277, %lt3A_278 : i32
      %convert_element_type3A_280 = arith.extui %lt3A_279 : i1 to i32
      %cond3A_281 = arith.constant 0 : i32
      %cond3A_282 = arith.cmpi ne, %convert_element_type3A_280, %cond3A_281 : i32
      scf.if %cond3A_282 {
        %add3A_425 = arith.constant 2 : i32
        %add3A_426 = arith.addi %mul3A_266, %add3A_425 : i32
        %add3A_427 = arith.addi %mul3A_5, %add3A_426 : i32
        %dma_wait3A_428 = arith.constant 2 : i32
        %dma_wait3A_429 = arith.constant 0 : i32
        %dma_wait3A_430 = tpu.memref_slice %arg7[%dma_wait3A_428, %dma_wait3A_429] : memref<4x128xi32, #tpu.memory_space<vmem>> -> memref<1x128xi32, #tpu.memory_space<vmem>>
        %dma_wait3A_431 = tpu.memref_squeeze %dma_wait3A_430 : memref<1x128xi32, #tpu.memory_space<vmem>> -> memref<128xi32, #tpu.memory_space<vmem>>
        %dma_wait3A_432 = arith.constant 0 : i32
        %dma_wait3A_433 = tpu.memref_slice %arg3[%add3A_427, %dma_wait3A_432] : memref<2560x128xi32, #tpu.memory_space<hbm>> -> memref<1x128xi32, #tpu.memory_space<hbm>>
        %dma_wait3A_434 = tpu.memref_squeeze %dma_wait3A_433 : memref<1x128xi32, #tpu.memory_space<hbm>> -> memref<128xi32, #tpu.memory_space<hbm>>
        %dma_wait3A_435 = arith.constant 0 : i32
        %dma_wait3A_436 = tpu.memref_slice %arg7[%dma_wait3A_428, %dma_wait3A_435] : memref<4x128xi32, #tpu.memory_space<vmem>> -> memref<1x128xi32, #tpu.memory_space<vmem>>
        %dma_wait3A_437 = tpu.memref_squeeze %dma_wait3A_436 : memref<1x128xi32, #tpu.memory_space<vmem>> -> memref<128xi32, #tpu.memory_space<vmem>>
        %dma_wait3A_438 = arith.constant 0 : i32
        %dma_wait3A_439 = tpu.memref_slice %arg3[%add3A_427, %dma_wait3A_438] : memref<2560x128xi32, #tpu.memory_space<hbm>> -> memref<1x128xi32, #tpu.memory_space<hbm>>
        %dma_wait3A_440 = tpu.memref_squeeze %dma_wait3A_439 : memref<1x128xi32, #tpu.memory_space<hbm>> -> memref<128xi32, #tpu.memory_space<hbm>>
        tpu.wait_dma2 semaphore(%arg19 : memref<!tpu.dma_semaphore, #tpu.memory_space<semaphore_mem>>) src(%dma_wait3A_440 : memref<128xi32, #tpu.memory_space<hbm>>) dst(%dma_wait3A_437 : memref<128xi32, #tpu.memory_space<vmem>>)
        %add3A_441 = arith.addi %mul3A_5, %add3A_426 : i32
        %dma_wait3A_442 = arith.constant 2 : i32
        %dma_wait3A_443 = arith.constant 0 : i32
        %dma_wait3A_444 = tpu.memref_slice %arg8[%dma_wait3A_442, %dma_wait3A_443] : memref<4x128xi32, #tpu.memory_space<vmem>> -> memref<1x128xi32, #tpu.memory_space<vmem>>
        %dma_wait3A_445 = tpu.memref_squeeze %dma_wait3A_444 : memref<1x128xi32, #tpu.memory_space<vmem>> -> memref<128xi32, #tpu.memory_space<vmem>>
        %dma_wait3A_446 = arith.constant 0 : i32
        %dma_wait3A_447 = tpu.memref_slice %arg4[%add3A_441, %dma_wait3A_446] : memref<2560x128xi32, #tpu.memory_space<hbm>> -> memref<1x128xi32, #tpu.memory_space<hbm>>
        %dma_wait3A_448 = tpu.memref_squeeze %dma_wait3A_447 : memref<1x128xi32, #tpu.memory_space<hbm>> -> memref<128xi32, #tpu.memory_space<hbm>>
        %dma_wait3A_449 = arith.constant 0 : i32
        %dma_wait3A_450 = tpu.memref_slice %arg8[%dma_wait3A_442, %dma_wait3A_449] : memref<4x128xi32, #tpu.memory_space<vmem>> -> memref<1x128xi32, #tpu.memory_space<vmem>>
        %dma_wait3A_451 = tpu.memref_squeeze %dma_wait3A_450 : memref<1x128xi32, #tpu.memory_space<vmem>> -> memref<128xi32, #tpu.memory_space<vmem>>
        %dma_wait3A_452 = arith.constant 0 : i32
        %dma_wait3A_453 = tpu.memref_slice %arg4[%add3A_441, %dma_wait3A_452] : memref<2560x128xi32, #tpu.memory_space<hbm>> -> memref<1x128xi32, #tpu.memory_space<hbm>>
        %dma_wait3A_454 = tpu.memref_squeeze %dma_wait3A_453 : memref<1x128xi32, #tpu.memory_space<hbm>> -> memref<128xi32, #tpu.memory_space<hbm>>
        tpu.wait_dma2 semaphore(%arg19 : memref<!tpu.dma_semaphore, #tpu.memory_space<semaphore_mem>>) src(%dma_wait3A_454 : memref<128xi32, #tpu.memory_space<hbm>>) dst(%dma_wait3A_451 : memref<128xi32, #tpu.memory_space<vmem>>)
        %dma_start3A_455 = arith.constant 2 : i32
        %dma_start3A_456 = arith.constant 0 : i32
        %dma_start3A_457 = tpu.memref_slice %arg7[%dma_start3A_455, %dma_start3A_456] : memref<4x128xi32, #tpu.memory_space<vmem>> -> memref<1x128xi32, #tpu.memory_space<vmem>>
        %dma_start3A_458 = tpu.memref_squeeze %dma_start3A_457 : memref<1x128xi32, #tpu.memory_space<vmem>> -> memref<128xi32, #tpu.memory_space<vmem>>
        %dma_start3A_459 = arith.constant 0 : i32
        %dma_start3A_460 = arith.constant 0 : i32
        %dma_start3A_461 = tpu.memref_slice %arg2[%dma_start3A_459, %dma_start3A_460] : memref<10000x128xbf16, #tpu.memory_space<hbm>> -> memref<10000x128xbf16, #tpu.memory_space<hbm>>
        tpu.enqueue_indirect_dma source(%dma_start3A_461 : memref<10000x128xbf16, #tpu.memory_space<hbm>>) target(%arg9 : memref<128x128xbf16, #tpu.memory_space<vmem>>) offsets(%dma_start3A_458 : memref<128xi32, #tpu.memory_space<vmem>>) semaphore(%arg13 : memref<!tpu.dma_semaphore, #tpu.memory_space<semaphore_mem>>)
      } else {
      }
      %dma_start3A_283 = arith.constant 0 : i32
      %dma_start3A_284 = arith.constant 0 : i32
      %dma_start3A_285 = tpu.memref_slice %arg8[%dma_start3A_283, %dma_start3A_284] : memref<4x128xi32, #tpu.memory_space<vmem>> -> memref<1x128xi32, #tpu.memory_space<vmem>>
      %dma_start3A_286 = tpu.memref_squeeze %dma_start3A_285 : memref<1x128xi32, #tpu.memory_space<vmem>> -> memref<128xi32, #tpu.memory_space<vmem>>
      %dma_start3A_287 = arith.constant 0 : i32
      %dma_start3A_288 = arith.constant 0 : i32
      %dma_start3A_289 = tpu.memref_slice %arg6[%dma_start3A_287, %dma_start3A_288] : memref<10112x128xf32, #tpu.memory_space<vmem_shared>> -> memref<10112x128xf32, #tpu.memory_space<vmem_shared>>
      tpu.enqueue_indirect_dma source(%arg11 : memref<128x128xf32, #tpu.memory_space<vmem>>) target(%dma_start3A_289 : memref<10112x128xf32, #tpu.memory_space<vmem_shared>>) offsets(%dma_start3A_286 : memref<128xi32, #tpu.memory_space<vmem>>) semaphore(%arg15 : memref<!tpu.dma_semaphore, #tpu.memory_space<semaphore_mem>>) {add = true}
      %dma_wait3A_290 = arith.constant 0 : i32
      %dma_wait3A_291 = arith.constant 0 : i32
      %dma_wait3A_292 = tpu.memref_slice %arg8[%dma_wait3A_290, %dma_wait3A_291] : memref<4x128xi32, #tpu.memory_space<vmem>> -> memref<1x128xi32, #tpu.memory_space<vmem>>
      %dma_wait3A_293 = tpu.memref_squeeze %dma_wait3A_292 : memref<1x128xi32, #tpu.memory_space<vmem>> -> memref<128xi32, #tpu.memory_space<vmem>>
      %dma_wait3A_294 = arith.constant 0 : i32
      %dma_wait3A_295 = arith.constant 0 : i32
      %dma_wait3A_296 = tpu.memref_slice %arg6[%dma_wait3A_294, %dma_wait3A_295] : memref<10112x128xf32, #tpu.memory_space<vmem_shared>> -> memref<10112x128xf32, #tpu.memory_space<vmem_shared>>
      tpu.wait_indirect_dma semaphore(%arg15 : memref<!tpu.dma_semaphore, #tpu.memory_space<semaphore_mem>>) src(%arg11 : memref<128x128xf32, #tpu.memory_space<vmem>>) dst(%dma_wait3A_296 : memref<10112x128xf32, #tpu.memory_space<vmem_shared>>)
      %add3A_297 = arith.constant 4 : i32
      %add3A_298 = arith.addi %mul3A_266, %add3A_297 : i32
      %lt3A_299 = arith.constant 80 : i32
      %lt3A_300 = arith.cmpi slt, %add3A_298, %lt3A_299 : i32
      %convert_element_type3A_301 = arith.extui %lt3A_300 : i1 to i32
      %cond3A_302 = arith.constant 0 : i32
      %cond3A_303 = arith.cmpi ne, %convert_element_type3A_301, %cond3A_302 : i32
      scf.if %cond3A_303 {
        %add3A_425 = arith.constant 4 : i32
        %add3A_426 = arith.addi %mul3A_266, %add3A_425 : i32
        %add3A_427 = arith.addi %mul3A_5, %add3A_426 : i32
        %dma_start3A_428 = arith.constant 0 : i32
        %dma_start3A_429 = arith.constant 0 : i32
        %dma_start3A_430 = tpu.memref_slice %arg7[%dma_start3A_428, %dma_start3A_429] : memref<4x128xi32, #tpu.memory_space<vmem>> -> memref<1x128xi32, #tpu.memory_space<vmem>>
        %dma_start3A_431 = tpu.memref_squeeze %dma_start3A_430 : memref<1x128xi32, #tpu.memory_space<vmem>> -> memref<128xi32, #tpu.memory_space<vmem>>
        %dma_start3A_432 = arith.constant 0 : i32
        %dma_start3A_433 = tpu.memref_slice %arg3[%add3A_427, %dma_start3A_432] : memref<2560x128xi32, #tpu.memory_space<hbm>> -> memref<1x128xi32, #tpu.memory_space<hbm>>
        %dma_start3A_434 = tpu.memref_squeeze %dma_start3A_433 : memref<1x128xi32, #tpu.memory_space<hbm>> -> memref<128xi32, #tpu.memory_space<hbm>>
        %dma_start3A_435 = arith.constant 0 : i32
        %dma_start3A_436 = tpu.memref_slice %arg7[%dma_start3A_428, %dma_start3A_435] : memref<4x128xi32, #tpu.memory_space<vmem>> -> memref<1x128xi32, #tpu.memory_space<vmem>>
        %dma_start3A_437 = tpu.memref_squeeze %dma_start3A_436 : memref<1x128xi32, #tpu.memory_space<vmem>> -> memref<128xi32, #tpu.memory_space<vmem>>
        %dma_start3A_438 = arith.constant 0 : i32
        %dma_start3A_439 = tpu.memref_slice %arg3[%add3A_427, %dma_start3A_438] : memref<2560x128xi32, #tpu.memory_space<hbm>> -> memref<1x128xi32, #tpu.memory_space<hbm>>
        %dma_start3A_440 = tpu.memref_squeeze %dma_start3A_439 : memref<1x128xi32, #tpu.memory_space<hbm>> -> memref<128xi32, #tpu.memory_space<hbm>>
        tpu.enqueue_dma source(%dma_start3A_440 : memref<128xi32, #tpu.memory_space<hbm>>) target(%dma_start3A_437 : memref<128xi32, #tpu.memory_space<vmem>>) target_semaphore(%arg17 : memref<!tpu.dma_semaphore, #tpu.memory_space<semaphore_mem>>)
        %add3A_441 = arith.addi %mul3A_5, %add3A_426 : i32
        %dma_start3A_442 = arith.constant 0 : i32
        %dma_start3A_443 = arith.constant 0 : i32
        %dma_start3A_444 = tpu.memref_slice %arg8[%dma_start3A_442, %dma_start3A_443] : memref<4x128xi32, #tpu.memory_space<vmem>> -> memref<1x128xi32, #tpu.memory_space<vmem>>
        %dma_start3A_445 = tpu.memref_squeeze %dma_start3A_444 : memref<1x128xi32, #tpu.memory_space<vmem>> -> memref<128xi32, #tpu.memory_space<vmem>>
        %dma_start3A_446 = arith.constant 0 : i32
        %dma_start3A_447 = tpu.memref_slice %arg4[%add3A_441, %dma_start3A_446] : memref<2560x128xi32, #tpu.memory_space<hbm>> -> memref<1x128xi32, #tpu.memory_space<hbm>>
        %dma_start3A_448 = tpu.memref_squeeze %dma_start3A_447 : memref<1x128xi32, #tpu.memory_space<hbm>> -> memref<128xi32, #tpu.memory_space<hbm>>
        %dma_start3A_449 = arith.constant 0 : i32
        %dma_start3A_450 = tpu.memref_slice %arg8[%dma_start3A_442, %dma_start3A_449] : memref<4x128xi32, #tpu.memory_space<vmem>> -> memref<1x128xi32, #tpu.memory_space<vmem>>
        %dma_start3A_451 = tpu.memref_squeeze %dma_start3A_450 : memref<1x128xi32, #tpu.memory_space<vmem>> -> memref<128xi32, #tpu.memory_space<vmem>>
        %dma_start3A_452 = arith.constant 0 : i32
        %dma_start3A_453 = tpu.memref_slice %arg4[%add3A_441, %dma_start3A_452] : memref<2560x128xi32, #tpu.memory_space<hbm>> -> memref<1x128xi32, #tpu.memory_space<hbm>>
        %dma_start3A_454 = tpu.memref_squeeze %dma_start3A_453 : memref<1x128xi32, #tpu.memory_space<hbm>> -> memref<128xi32, #tpu.memory_space<hbm>>
        tpu.enqueue_dma source(%dma_start3A_454 : memref<128xi32, #tpu.memory_space<hbm>>) target(%dma_start3A_451 : memref<128xi32, #tpu.memory_space<vmem>>) target_semaphore(%arg17 : memref<!tpu.dma_semaphore, #tpu.memory_space<semaphore_mem>>)
      } else {
      }
      %add3A_304 = arith.constant 1 : i32
      %add3A_305 = arith.addi %mul3A_266, %add3A_304 : i32
      %dma_wait3A_306 = arith.constant 1 : i32
      %dma_wait3A_307 = arith.constant 0 : i32
      %dma_wait3A_308 = tpu.memref_slice %arg7[%dma_wait3A_306, %dma_wait3A_307] : memref<4x128xi32, #tpu.memory_space<vmem>> -> memref<1x128xi32, #tpu.memory_space<vmem>>
      %dma_wait3A_309 = tpu.memref_squeeze %dma_wait3A_308 : memref<1x128xi32, #tpu.memory_space<vmem>> -> memref<128xi32, #tpu.memory_space<vmem>>
      %dma_wait3A_310 = arith.constant 0 : i32
      %dma_wait3A_311 = arith.constant 0 : i32
      %dma_wait3A_312 = tpu.memref_slice %arg2[%dma_wait3A_310, %dma_wait3A_311] : memref<10000x128xbf16, #tpu.memory_space<hbm>> -> memref<10000x128xbf16, #tpu.memory_space<hbm>>
      tpu.wait_indirect_dma semaphore(%arg14 : memref<!tpu.dma_semaphore, #tpu.memory_space<semaphore_mem>>) src(%dma_wait3A_312 : memref<10000x128xbf16, #tpu.memory_space<hbm>>) dst(%arg10 : memref<128x128xbf16, #tpu.memory_space<vmem>>)
      %parallel_loop3A_313 = arith.constant 0 : i32
      %parallel_loop3A_314 = arith.constant 128 : i32
      %parallel_loop3A_315 = arith.constant 1 : i32
      scf.for %parallel_loop3A_425 = %parallel_loop3A_313 to %parallel_loop3A_314 step %parallel_loop3A_315  : i32 {
        %parallel_loop3A_426 = arith.index_cast %parallel_loop3A_425 : i32 to index
        %parallel_loop3A_427 = arith.constant 0 : index
        %parallel_loop3A_428 = tpu.vector_load %arg10[%parallel_loop3A_426, %parallel_loop3A_427] {strides = array<i32>} : memref<128x128xbf16, #tpu.memory_space<vmem>>, vector<32xbf16>,
        %parallel_loop3A_429 = tpu.unpack_subelements %parallel_loop3A_428, 0 {pack_format = #tpu.pack_format<interleaved>} : vector<32xbf16> -> vector<16xf32>
        %parallel_loop3A_430 = tpu.unpack_subelements %parallel_loop3A_428, 1 {pack_format = #tpu.pack_format<interleaved>} : vector<32xbf16> -> vector<16xf32>
        %parallel_loop3A_431 = arith.index_cast %parallel_loop3A_425 : i32 to index
        %parallel_loop3A_432 = arith.constant 0 : index
        %parallel_loop3A_433 = tpu.vector_load %arg11[%parallel_loop3A_431, %parallel_loop3A_432] {strides = array<i32>} : memref<128x128xf32, #tpu.memory_space<vmem>>, vector<16xf32>,
        tpu.vector_store %arg11[%parallel_loop3A_431, %parallel_loop3A_432], %parallel_loop3A_429 {strides = array<i32>} : memref<128x128xf32, #tpu.memory_space<vmem>>, vector<16xf32>,
        %parallel_loop3A_434 = arith.index_cast %parallel_loop3A_425 : i32 to index
        %parallel_loop3A_435 = arith.constant 16 : index
        %parallel_loop3A_436 = tpu.vector_load %arg11[%parallel_loop3A_434, %parallel_loop3A_435] {strides = array<i32>} : memref<128x128xf32, #tpu.memory_space<vmem>>, vector<16xf32>,
        tpu.vector_store %arg11[%parallel_loop3A_434, %parallel_loop3A_435], %parallel_loop3A_430 {strides = array<i32>} : memref<128x128xf32, #tpu.memory_space<vmem>>, vector<16xf32>,
        %parallel_loop3A_437 = arith.index_cast %parallel_loop3A_425 : i32 to index
        %parallel_loop3A_438 = arith.constant 32 : index
        %parallel_loop3A_439 = tpu.vector_load %arg10[%parallel_loop3A_437, %parallel_loop3A_438] {strides = array<i32>} : memref<128x128xbf16, #tpu.memory_space<vmem>>, vector<32xbf16>,
        %parallel_loop3A_440 = tpu.unpack_subelements %parallel_loop3A_439, 0 {pack_format = #tpu.pack_format<interleaved>} : vector<32xbf16> -> vector<16xf32>
        %parallel_loop3A_441 = tpu.unpack_subelements %parallel_loop3A_439, 1 {pack_format = #tpu.pack_format<interleaved>} : vector<32xbf16> -> vector<16xf32>
        %parallel_loop3A_442 = arith.index_cast %parallel_loop3A_425 : i32 to index
        %parallel_loop3A_443 = arith.constant 32 : index
        %parallel_loop3A_444 = tpu.vector_load %arg11[%parallel_loop3A_442, %parallel_loop3A_443] {strides = array<i32>} : memref<128x128xf32, #tpu.memory_space<vmem>>, vector<16xf32>,
        tpu.vector_store %arg11[%parallel_loop3A_442, %parallel_loop3A_443], %parallel_loop3A_440 {strides = array<i32>} : memref<128x128xf32, #tpu.memory_space<vmem>>, vector<16xf32>,
        %parallel_loop3A_445 = arith.index_cast %parallel_loop3A_425 : i32 to index
        %parallel_loop3A_446 = arith.constant 48 : index
        %parallel_loop3A_447 = tpu.vector_load %arg11[%parallel_loop3A_445, %parallel_loop3A_446] {strides = array<i32>} : memref<128x128xf32, #tpu.memory_space<vmem>>, vector<16xf32>,
        tpu.vector_store %arg11[%parallel_loop3A_445, %parallel_loop3A_446], %parallel_loop3A_441 {strides = array<i32>} : memref<128x128xf32, #tpu.memory_space<vmem>>, vector<16xf32>,
        %parallel_loop3A_448 = arith.index_cast %parallel_loop3A_425 : i32 to index
        %parallel_loop3A_449 = arith.constant 64 : index
        %parallel_loop3A_450 = tpu.vector_load %arg10[%parallel_loop3A_448, %parallel_loop3A_449] {strides = array<i32>} : memref<128x128xbf16, #tpu.memory_space<vmem>>, vector<32xbf16>,
        %parallel_loop3A_451 = tpu.unpack_subelements %parallel_loop3A_450, 0 {pack_format = #tpu.pack_format<interleaved>} : vector<32xbf16> -> vector<16xf32>
        %parallel_loop3A_452 = tpu.unpack_subelements %parallel_loop3A_450, 1 {pack_format = #tpu.pack_format<interleaved>} : vector<32xbf16> -> vector<16xf32>
        %parallel_loop3A_453 = arith.index_cast %parallel_loop3A_425 : i32 to index
        %parallel_loop3A_454 = arith.constant 64 : index
        %parallel_loop3A_455 = tpu.vector_load %arg11[%parallel_loop3A_453, %parallel_loop3A_454] {strides = array<i32>} : memref<128x128xf32, #tpu.memory_space<vmem>>, vector<16xf32>,
        tpu.vector_store %arg11[%parallel_loop3A_453, %parallel_loop3A_454], %parallel_loop3A_451 {strides = array<i32>} : memref<128x128xf32, #tpu.memory_space<vmem>>, vector<16xf32>,
        %parallel_loop3A_456 = arith.index_cast %parallel_loop3A_425 : i32 to index
        %parallel_loop3A_457 = arith.constant 80 : index
        %parallel_loop3A_458 = tpu.vector_load %arg11[%parallel_loop3A_456, %parallel_loop3A_457] {strides = array<i32>} : memref<128x128xf32, #tpu.memory_space<vmem>>, vector<16xf32>,
        tpu.vector_store %arg11[%parallel_loop3A_456, %parallel_loop3A_457], %parallel_loop3A_452 {strides = array<i32>} : memref<128x128xf32, #tpu.memory_space<vmem>>, vector<16xf32>,
        %parallel_loop3A_459 = arith.index_cast %parallel_loop3A_425 : i32 to index
        %parallel_loop3A_460 = arith.constant 96 : index
        %parallel_loop3A_461 = tpu.vector_load %arg10[%parallel_loop3A_459, %parallel_loop3A_460] {strides = array<i32>} : memref<128x128xbf16, #tpu.memory_space<vmem>>, vector<32xbf16>,
        %parallel_loop3A_462 = tpu.unpack_subelements %parallel_loop3A_461, 0 {pack_format = #tpu.pack_format<interleaved>} : vector<32xbf16> -> vector<16xf32>
        %parallel_loop3A_463 = tpu.unpack_subelements %parallel_loop3A_461, 1 {pack_format = #tpu.pack_format<interleaved>} : vector<32xbf16> -> vector<16xf32>
        %parallel_loop3A_464 = arith.index_cast %parallel_loop3A_425 : i32 to index
        %parallel_loop3A_465 = arith.constant 96 : index
        %parallel_loop3A_466 = tpu.vector_load %arg11[%parallel_loop3A_464, %parallel_loop3A_465] {strides = array<i32>} : memref<128x128xf32, #tpu.memory_space<vmem>>, vector<16xf32>,
        tpu.vector_store %arg11[%parallel_loop3A_464, %parallel_loop3A_465], %parallel_loop3A_462 {strides = array<i32>} : memref<128x128xf32, #tpu.memory_space<vmem>>, vector<16xf32>,
        %parallel_loop3A_467 = arith.index_cast %parallel_loop3A_425 : i32 to index
        %parallel_loop3A_468 = arith.constant 112 : index
        %parallel_loop3A_469 = tpu.vector_load %arg11[%parallel_loop3A_467, %parallel_loop3A_468] {strides = array<i32>} : memref<128x128xf32, #tpu.memory_space<vmem>>, vector<16xf32>,
        tpu.vector_store %arg11[%parallel_loop3A_467, %parallel_loop3A_468], %parallel_loop3A_463 {strides = array<i32>} : memref<128x128xf32, #tpu.memory_space<vmem>>, vector<16xf32>,
      } {sc.loop_unroll_factor = 8 : i64, sc.parallel_access}
      %add3A_316 = arith.constant 2 : i32
      %add3A_317 = arith.addi %add3A_305, %add3A_316 : i32
      %lt3A_318 = arith.constant 80 : i32
      %lt3A_319 = arith.cmpi slt, %add3A_317, %lt3A_318 : i32
      %convert_element_type3A_320 = arith.extui %lt3A_319 : i1 to i32
      %cond3A_321 = arith.constant 0 : i32
      %cond3A_322 = arith.cmpi ne, %convert_element_type3A_320, %cond3A_321 : i32
      scf.if %cond3A_322 {
        %add3A_425 = arith.constant 2 : i32
        %add3A_426 = arith.addi %add3A_305, %add3A_425 : i32
        %add3A_427 = arith.addi %mul3A_5, %add3A_426 : i32
        %dma_wait3A_428 = arith.constant 3 : i32
        %dma_wait3A_429 = arith.constant 0 : i32
        %dma_wait3A_430 = tpu.memref_slice %arg7[%dma_wait3A_428, %dma_wait3A_429] : memref<4x128xi32, #tpu.memory_space<vmem>> -> memref<1x128xi32, #tpu.memory_space<vmem>>
        %dma_wait3A_431 = tpu.memref_squeeze %dma_wait3A_430 : memref<1x128xi32, #tpu.memory_space<vmem>> -> memref<128xi32, #tpu.memory_space<vmem>>
        %dma_wait3A_432 = arith.constant 0 : i32
        %dma_wait3A_433 = tpu.memref_slice %arg3[%add3A_427, %dma_wait3A_432] : memref<2560x128xi32, #tpu.memory_space<hbm>> -> memref<1x128xi32, #tpu.memory_space<hbm>>
        %dma_wait3A_434 = tpu.memref_squeeze %dma_wait3A_433 : memref<1x128xi32, #tpu.memory_space<hbm>> -> memref<128xi32, #tpu.memory_space<hbm>>
        %dma_wait3A_435 = arith.constant 0 : i32
        %dma_wait3A_436 = tpu.memref_slice %arg7[%dma_wait3A_428, %dma_wait3A_435] : memref<4x128xi32, #tpu.memory_space<vmem>> -> memref<1x128xi32, #tpu.memory_space<vmem>>
        %dma_wait3A_437 = tpu.memref_squeeze %dma_wait3A_436 : memref<1x128xi32, #tpu.memory_space<vmem>> -> memref<128xi32, #tpu.memory_space<vmem>>
        %dma_wait3A_438 = arith.constant 0 : i32
        %dma_wait3A_439 = tpu.memref_slice %arg3[%add3A_427, %dma_wait3A_438] : memref<2560x128xi32, #tpu.memory_space<hbm>> -> memref<1x128xi32, #tpu.memory_space<hbm>>
        %dma_wait3A_440 = tpu.memref_squeeze %dma_wait3A_439 : memref<1x128xi32, #tpu.memory_space<hbm>> -> memref<128xi32, #tpu.memory_space<hbm>>
        tpu.wait_dma2 semaphore(%arg20 : memref<!tpu.dma_semaphore, #tpu.memory_space<semaphore_mem>>) src(%dma_wait3A_440 : memref<128xi32, #tpu.memory_space<hbm>>) dst(%dma_wait3A_437 : memref<128xi32, #tpu.memory_space<vmem>>)
        %add3A_441 = arith.addi %mul3A_5, %add3A_426 : i32
        %dma_wait3A_442 = arith.constant 3 : i32
        %dma_wait3A_443 = arith.constant 0 : i32
        %dma_wait3A_444 = tpu.memref_slice %arg8[%dma_wait3A_442, %dma_wait3A_443] : memref<4x128xi32, #tpu.memory_space<vmem>> -> memref<1x128xi32, #tpu.memory_space<vmem>>
        %dma_wait3A_445 = tpu.memref_squeeze %dma_wait3A_444 : memref<1x128xi32, #tpu.memory_space<vmem>> -> memref<128xi32, #tpu.memory_space<vmem>>
        %dma_wait3A_446 = arith.constant 0 : i32
        %dma_wait3A_447 = tpu.memref_slice %arg4[%add3A_441, %dma_wait3A_446] : memref<2560x128xi32, #tpu.memory_space<hbm>> -> memref<1x128xi32, #tpu.memory_space<hbm>>
        %dma_wait3A_448 = tpu.memref_squeeze %dma_wait3A_447 : memref<1x128xi32, #tpu.memory_space<hbm>> -> memref<128xi32, #tpu.memory_space<hbm>>
        %dma_wait3A_449 = arith.constant 0 : i32
        %dma_wait3A_450 = tpu.memref_slice %arg8[%dma_wait3A_442, %dma_wait3A_449] : memref<4x128xi32, #tpu.memory_space<vmem>> -> memref<1x128xi32, #tpu.memory_space<vmem>>
        %dma_wait3A_451 = tpu.memref_squeeze %dma_wait3A_450 : memref<1x128xi32, #tpu.memory_space<vmem>> -> memref<128xi32, #tpu.memory_space<vmem>>
        %dma_wait3A_452 = arith.constant 0 : i32
        %dma_wait3A_453 = tpu.memref_slice %arg4[%add3A_441, %dma_wait3A_452] : memref<2560x128xi32, #tpu.memory_space<hbm>> -> memref<1x128xi32, #tpu.memory_space<hbm>>
        %dma_wait3A_454 = tpu.memref_squeeze %dma_wait3A_453 : memref<1x128xi32, #tpu.memory_space<hbm>> -> memref<128xi32, #tpu.memory_space<hbm>>
        tpu.wait_dma2 semaphore(%arg20 : memref<!tpu.dma_semaphore, #tpu.memory_space<semaphore_mem>>) src(%dma_wait3A_454 : memref<128xi32, #tpu.memory_space<hbm>>) dst(%dma_wait3A_451 : memref<128xi32, #tpu.memory_space<vmem>>)
        %dma_start3A_455 = arith.constant 3 : i32
        %dma_start3A_456 = arith.constant 0 : i32
        %dma_start3A_457 = tpu.memref_slice %arg7[%dma_start3A_455, %dma_start3A_456] : memref<4x128xi32, #tpu.memory_space<vmem>> -> memref<1x128xi32, #tpu.memory_space<vmem>>
        %dma_start3A_458 = tpu.memref_squeeze %dma_start3A_457 : memref<1x128xi32, #tpu.memory_space<vmem>> -> memref<128xi32, #tpu.memory_space<vmem>>
        %dma_start3A_459 = arith.constant 0 : i32
        %dma_start3A_460 = arith.constant 0 : i32
        %dma_start3A_461 = tpu.memref_slice %arg2[%dma_start3A_459, %dma_start3A_460] : memref<10000x128xbf16, #tpu.memory_space<hbm>> -> memref<10000x128xbf16, #tpu.memory_space<hbm>>
        tpu.enqueue_indirect_dma source(%dma_start3A_461 : memref<10000x128xbf16, #tpu.memory_space<hbm>>) target(%arg10 : memref<128x128xbf16, #tpu.memory_space<vmem>>) offsets(%dma_start3A_458 : memref<128xi32, #tpu.memory_space<vmem>>) semaphore(%arg14 : memref<!tpu.dma_semaphore, #tpu.memory_space<semaphore_mem>>)
      } else {
      }
      %dma_start3A_323 = arith.constant 1 : i32
      %dma_start3A_324 = arith.constant 0 : i32
      %dma_start3A_325 = tpu.memref_slice %arg8[%dma_start3A_323, %dma_start3A_324] : memref<4x128xi32, #tpu.memory_space<vmem>> -> memref<1x128xi32, #tpu.memory_space<vmem>>
      %dma_start3A_326 = tpu.memref_squeeze %dma_start3A_325 : memref<1x128xi32, #tpu.memory_space<vmem>> -> memref<128xi32, #tpu.memory_space<vmem>>
      %dma_start3A_327 = arith.constant 0 : i32
      %dma_start3A_328 = arith.constant 0 : i32
      %dma_start3A_329 = tpu.memref_slice %arg6[%dma_start3A_327, %dma_start3A_328] : memref<10112x128xf32, #tpu.memory_space<vmem_shared>> -> memref<10112x128xf32, #tpu.memory_space<vmem_shared>>
      tpu.enqueue_indirect_dma source(%arg11 : memref<128x128xf32, #tpu.memory_space<vmem>>) target(%dma_start3A_329 : memref<10112x128xf32, #tpu.memory_space<vmem_shared>>) offsets(%dma_start3A_326 : memref<128xi32, #tpu.memory_space<vmem>>) semaphore(%arg16 : memref<!tpu.dma_semaphore, #tpu.memory_space<semaphore_mem>>) {add = true}
      %dma_wait3A_330 = arith.constant 1 : i32
      %dma_wait3A_331 = arith.constant 0 : i32
      %dma_wait3A_332 = tpu.memref_slice %arg8[%dma_wait3A_330, %dma_wait3A_331] : memref<4x128xi32, #tpu.memory_space<vmem>> -> memref<1x128xi32, #tpu.memory_space<vmem>>
      %dma_wait3A_333 = tpu.memref_squeeze %dma_wait3A_332 : memref<1x128xi32, #tpu.memory_space<vmem>> -> memref<128xi32, #tpu.memory_space<vmem>>
      %dma_wait3A_334 = arith.constant 0 : i32
      %dma_wait3A_335 = arith.constant 0 : i32
      %dma_wait3A_336 = tpu.memref_slice %arg6[%dma_wait3A_334, %dma_wait3A_335] : memref<10112x128xf32, #tpu.memory_space<vmem_shared>> -> memref<10112x128xf32, #tpu.memory_space<vmem_shared>>
      tpu.wait_indirect_dma semaphore(%arg16 : memref<!tpu.dma_semaphore, #tpu.memory_space<semaphore_mem>>) src(%arg11 : memref<128x128xf32, #tpu.memory_space<vmem>>) dst(%dma_wait3A_336 : memref<10112x128xf32, #tpu.memory_space<vmem_shared>>)
      %add3A_337 = arith.constant 4 : i32
      %add3A_338 = arith.addi %add3A_305, %add3A_337 : i32
      %lt3A_339 = arith.constant 80 : i32
      %lt3A_340 = arith.cmpi slt, %add3A_338, %lt3A_339 : i32
      %convert_element_type3A_341 = arith.extui %lt3A_340 : i1 to i32
      %cond3A_342 = arith.constant 0 : i32
      %cond3A_343 = arith.cmpi ne, %convert_element_type3A_341, %cond3A_342 : i32
      scf.if %cond3A_343 {
        %add3A_425 = arith.constant 4 : i32
        %add3A_426 = arith.addi %add3A_305, %add3A_425 : i32
        %add3A_427 = arith.addi %mul3A_5, %add3A_426 : i32
        %dma_start3A_428 = arith.constant 1 : i32
        %dma_start3A_429 = arith.constant 0 : i32
        %dma_start3A_430 = tpu.memref_slice %arg7[%dma_start3A_428, %dma_start3A_429] : memref<4x128xi32, #tpu.memory_space<vmem>> -> memref<1x128xi32, #tpu.memory_space<vmem>>
        %dma_start3A_431 = tpu.memref_squeeze %dma_start3A_430 : memref<1x128xi32, #tpu.memory_space<vmem>> -> memref<128xi32, #tpu.memory_space<vmem>>
        %dma_start3A_432 = arith.constant 0 : i32
        %dma_start3A_433 = tpu.memref_slice %arg3[%add3A_427, %dma_start3A_432] : memref<2560x128xi32, #tpu.memory_space<hbm>> -> memref<1x128xi32, #tpu.memory_space<hbm>>
        %dma_start3A_434 = tpu.memref_squeeze %dma_start3A_433 : memref<1x128xi32, #tpu.memory_space<hbm>> -> memref<128xi32, #tpu.memory_space<hbm>>
        %dma_start3A_435 = arith.constant 0 : i32
        %dma_start3A_436 = tpu.memref_slice %arg7[%dma_start3A_428, %dma_start3A_435] : memref<4x128xi32, #tpu.memory_space<vmem>> -> memref<1x128xi32, #tpu.memory_space<vmem>>
        %dma_start3A_437 = tpu.memref_squeeze %dma_start3A_436 : memref<1x128xi32, #tpu.memory_space<vmem>> -> memref<128xi32, #tpu.memory_space<vmem>>
        %dma_start3A_438 = arith.constant 0 : i32
        %dma_start3A_439 = tpu.memref_slice %arg3[%add3A_427, %dma_start3A_438] : memref<2560x128xi32, #tpu.memory_space<hbm>> -> memref<1x128xi32, #tpu.memory_space<hbm>>
        %dma_start3A_440 = tpu.memref_squeeze %dma_start3A_439 : memref<1x128xi32, #tpu.memory_space<hbm>> -> memref<128xi32, #tpu.memory_space<hbm>>
        tpu.enqueue_dma source(%dma_start3A_440 : memref<128xi32, #tpu.memory_space<hbm>>) target(%dma_start3A_437 : memref<128xi32, #tpu.memory_space<vmem>>) target_semaphore(%arg18 : memref<!tpu.dma_semaphore, #tpu.memory_space<semaphore_mem>>)
        %add3A_441 = arith.addi %mul3A_5, %add3A_426 : i32
        %dma_start3A_442 = arith.constant 1 : i32
        %dma_start3A_443 = arith.constant 0 : i32
        %dma_start3A_444 = tpu.memref_slice %arg8[%dma_start3A_442, %dma_start3A_443] : memref<4x128xi32, #tpu.memory_space<vmem>> -> memref<1x128xi32, #tpu.memory_space<vmem>>
        %dma_start3A_445 = tpu.memref_squeeze %dma_start3A_444 : memref<1x128xi32, #tpu.memory_space<vmem>> -> memref<128xi32, #tpu.memory_space<vmem>>
        %dma_start3A_446 = arith.constant 0 : i32
        %dma_start3A_447 = tpu.memref_slice %arg4[%add3A_441, %dma_start3A_446] : memref<2560x128xi32, #tpu.memory_space<hbm>> -> memref<1x128xi32, #tpu.memory_space<hbm>>
        %dma_start3A_448 = tpu.memref_squeeze %dma_start3A_447 : memref<1x128xi32, #tpu.memory_space<hbm>> -> memref<128xi32, #tpu.memory_space<hbm>>
        %dma_start3A_449 = arith.constant 0 : i32
        %dma_start3A_450 = tpu.memref_slice %arg8[%dma_start3A_442, %dma_start3A_449] : memref<4x128xi32, #tpu.memory_space<vmem>> -> memref<1x128xi32, #tpu.memory_space<vmem>>
        %dma_start3A_451 = tpu.memref_squeeze %dma_start3A_450 : memref<1x128xi32, #tpu.memory_space<vmem>> -> memref<128xi32, #tpu.memory_space<vmem>>
        %dma_start3A_452 = arith.constant 0 : i32
        %dma_start3A_453 = tpu.memref_slice %arg4[%add3A_441, %dma_start3A_452] : memref<2560x128xi32, #tpu.memory_space<hbm>> -> memref<1x128xi32, #tpu.memory_space<hbm>>
        %dma_start3A_454 = tpu.memref_squeeze %dma_start3A_453 : memref<1x128xi32, #tpu.memory_space<hbm>> -> memref<128xi32, #tpu.memory_space<hbm>>
        tpu.enqueue_dma source(%dma_start3A_454 : memref<128xi32, #tpu.memory_space<hbm>>) target(%dma_start3A_451 : memref<128xi32, #tpu.memory_space<vmem>>) target_semaphore(%arg18 : memref<!tpu.dma_semaphore, #tpu.memory_space<semaphore_mem>>)
      } else {
      }
      %add3A_344 = arith.constant 2 : i32
      %add3A_345 = arith.addi %mul3A_266, %add3A_344 : i32
      %dma_wait3A_346 = arith.constant 2 : i32
      %dma_wait3A_347 = arith.constant 0 : i32
      %dma_wait3A_348 = tpu.memref_slice %arg7[%dma_wait3A_346, %dma_wait3A_347] : memref<4x128xi32, #tpu.memory_space<vmem>> -> memref<1x128xi32, #tpu.memory_space<vmem>>
      %dma_wait3A_349 = tpu.memref_squeeze %dma_wait3A_348 : memref<1x128xi32, #tpu.memory_space<vmem>> -> memref<128xi32, #tpu.memory_space<vmem>>
      %dma_wait3A_350 = arith.constant 0 : i32
      %dma_wait3A_351 = arith.constant 0 : i32
      %dma_wait3A_352 = tpu.memref_slice %arg2[%dma_wait3A_350, %dma_wait3A_351] : memref<10000x128xbf16, #tpu.memory_space<hbm>> -> memref<10000x128xbf16, #tpu.memory_space<hbm>>
      tpu.wait_indirect_dma semaphore(%arg13 : memref<!tpu.dma_semaphore, #tpu.memory_space<semaphore_mem>>) src(%dma_wait3A_352 : memref<10000x128xbf16, #tpu.memory_space<hbm>>) dst(%arg9 : memref<128x128xbf16, #tpu.memory_space<vmem>>)
      %parallel_loop3A_353 = arith.constant 0 : i32
      %parallel_loop3A_354 = arith.constant 128 : i32
      %parallel_loop3A_355 = arith.constant 1 : i32
      scf.for %parallel_loop3A_425 = %parallel_loop3A_353 to %parallel_loop3A_354 step %parallel_loop3A_355  : i32 {
        %parallel_loop3A_426 = arith.index_cast %parallel_loop3A_425 : i32 to index
        %parallel_loop3A_427 = arith.constant 0 : index
        %parallel_loop3A_428 = tpu.vector_load %arg9[%parallel_loop3A_426, %parallel_loop3A_427] {strides = array<i32>} : memref<128x128xbf16, #tpu.memory_space<vmem>>, vector<32xbf16>,
        %parallel_loop3A_429 = tpu.unpack_subelements %parallel_loop3A_428, 0 {pack_format = #tpu.pack_format<interleaved>} : vector<32xbf16> -> vector<16xf32>
        %parallel_loop3A_430 = tpu.unpack_subelements %parallel_loop3A_428, 1 {pack_format = #tpu.pack_format<interleaved>} : vector<32xbf16> -> vector<16xf32>
        %parallel_loop3A_431 = arith.index_cast %parallel_loop3A_425 : i32 to index
        %parallel_loop3A_432 = arith.constant 0 : index
        %parallel_loop3A_433 = tpu.vector_load %arg11[%parallel_loop3A_431, %parallel_loop3A_432] {strides = array<i32>} : memref<128x128xf32, #tpu.memory_space<vmem>>, vector<16xf32>,
        tpu.vector_store %arg11[%parallel_loop3A_431, %parallel_loop3A_432], %parallel_loop3A_429 {strides = array<i32>} : memref<128x128xf32, #tpu.memory_space<vmem>>, vector<16xf32>,
        %parallel_loop3A_434 = arith.index_cast %parallel_loop3A_425 : i32 to index
        %parallel_loop3A_435 = arith.constant 16 : index
        %parallel_loop3A_436 = tpu.vector_load %arg11[%parallel_loop3A_434, %parallel_loop3A_435] {strides = array<i32>} : memref<128x128xf32, #tpu.memory_space<vmem>>, vector<16xf32>,
        tpu.vector_store %arg11[%parallel_loop3A_434, %parallel_loop3A_435], %parallel_loop3A_430 {strides = array<i32>} : memref<128x128xf32, #tpu.memory_space<vmem>>, vector<16xf32>,
        %parallel_loop3A_437 = arith.index_cast %parallel_loop3A_425 : i32 to index
        %parallel_loop3A_438 = arith.constant 32 : index
        %parallel_loop3A_439 = tpu.vector_load %arg9[%parallel_loop3A_437, %parallel_loop3A_438] {strides = array<i32>} : memref<128x128xbf16, #tpu.memory_space<vmem>>, vector<32xbf16>,
        %parallel_loop3A_440 = tpu.unpack_subelements %parallel_loop3A_439, 0 {pack_format = #tpu.pack_format<interleaved>} : vector<32xbf16> -> vector<16xf32>
        %parallel_loop3A_441 = tpu.unpack_subelements %parallel_loop3A_439, 1 {pack_format = #tpu.pack_format<interleaved>} : vector<32xbf16> -> vector<16xf32>
        %parallel_loop3A_442 = arith.index_cast %parallel_loop3A_425 : i32 to index
        %parallel_loop3A_443 = arith.constant 32 : index
        %parallel_loop3A_444 = tpu.vector_load %arg11[%parallel_loop3A_442, %parallel_loop3A_443] {strides = array<i32>} : memref<128x128xf32, #tpu.memory_space<vmem>>, vector<16xf32>,
        tpu.vector_store %arg11[%parallel_loop3A_442, %parallel_loop3A_443], %parallel_loop3A_440 {strides = array<i32>} : memref<128x128xf32, #tpu.memory_space<vmem>>, vector<16xf32>,
        %parallel_loop3A_445 = arith.index_cast %parallel_loop3A_425 : i32 to index
        %parallel_loop3A_446 = arith.constant 48 : index
        %parallel_loop3A_447 = tpu.vector_load %arg11[%parallel_loop3A_445, %parallel_loop3A_446] {strides = array<i32>} : memref<128x128xf32, #tpu.memory_space<vmem>>, vector<16xf32>,
        tpu.vector_store %arg11[%parallel_loop3A_445, %parallel_loop3A_446], %parallel_loop3A_441 {strides = array<i32>} : memref<128x128xf32, #tpu.memory_space<vmem>>, vector<16xf32>,
        %parallel_loop3A_448 = arith.index_cast %parallel_loop3A_425 : i32 to index
        %parallel_loop3A_449 = arith.constant 64 : index
        %parallel_loop3A_450 = tpu.vector_load %arg9[%parallel_loop3A_448, %parallel_loop3A_449] {strides = array<i32>} : memref<128x128xbf16, #tpu.memory_space<vmem>>, vector<32xbf16>,
        %parallel_loop3A_451 = tpu.unpack_subelements %parallel_loop3A_450, 0 {pack_format = #tpu.pack_format<interleaved>} : vector<32xbf16> -> vector<16xf32>
        %parallel_loop3A_452 = tpu.unpack_subelements %parallel_loop3A_450, 1 {pack_format = #tpu.pack_format<interleaved>} : vector<32xbf16> -> vector<16xf32>
        %parallel_loop3A_453 = arith.index_cast %parallel_loop3A_425 : i32 to index
        %parallel_loop3A_454 = arith.constant 64 : index
        %parallel_loop3A_455 = tpu.vector_load %arg11[%parallel_loop3A_453, %parallel_loop3A_454] {strides = array<i32>} : memref<128x128xf32, #tpu.memory_space<vmem>>, vector<16xf32>,
        tpu.vector_store %arg11[%parallel_loop3A_453, %parallel_loop3A_454], %parallel_loop3A_451 {strides = array<i32>} : memref<128x128xf32, #tpu.memory_space<vmem>>, vector<16xf32>,
        %parallel_loop3A_456 = arith.index_cast %parallel_loop3A_425 : i32 to index
        %parallel_loop3A_457 = arith.constant 80 : index
        %parallel_loop3A_458 = tpu.vector_load %arg11[%parallel_loop3A_456, %parallel_loop3A_457] {strides = array<i32>} : memref<128x128xf32, #tpu.memory_space<vmem>>, vector<16xf32>,
        tpu.vector_store %arg11[%parallel_loop3A_456, %parallel_loop3A_457], %parallel_loop3A_452 {strides = array<i32>} : memref<128x128xf32, #tpu.memory_space<vmem>>, vector<16xf32>,
        %parallel_loop3A_459 = arith.index_cast %parallel_loop3A_425 : i32 to index
        %parallel_loop3A_460 = arith.constant 96 : index
        %parallel_loop3A_461 = tpu.vector_load %arg9[%parallel_loop3A_459, %parallel_loop3A_460] {strides = array<i32>} : memref<128x128xbf16, #tpu.memory_space<vmem>>, vector<32xbf16>,
        %parallel_loop3A_462 = tpu.unpack_subelements %parallel_loop3A_461, 0 {pack_format = #tpu.pack_format<interleaved>} : vector<32xbf16> -> vector<16xf32>
        %parallel_loop3A_463 = tpu.unpack_subelements %parallel_loop3A_461, 1 {pack_format = #tpu.pack_format<interleaved>} : vector<32xbf16> -> vector<16xf32>
        %parallel_loop3A_464 = arith.index_cast %parallel_loop3A_425 : i32 to index
        %parallel_loop3A_465 = arith.constant 96 : index
        %parallel_loop3A_466 = tpu.vector_load %arg11[%parallel_loop3A_464, %parallel_loop3A_465] {strides = array<i32>} : memref<128x128xf32, #tpu.memory_space<vmem>>, vector<16xf32>,
        tpu.vector_store %arg11[%parallel_loop3A_464, %parallel_loop3A_465], %parallel_loop3A_462 {strides = array<i32>} : memref<128x128xf32, #tpu.memory_space<vmem>>, vector<16xf32>,
        %parallel_loop3A_467 = arith.index_cast %parallel_loop3A_425 : i32 to index
        %parallel_loop3A_468 = arith.constant 112 : index
        %parallel_loop3A_469 = tpu.vector_load %arg11[%parallel_loop3A_467, %parallel_loop3A_468] {strides = array<i32>} : memref<128x128xf32, #tpu.memory_space<vmem>>, vector<16xf32>,
        tpu.vector_store %arg11[%parallel_loop3A_467, %parallel_loop3A_468], %parallel_loop3A_463 {strides = array<i32>} : memref<128x128xf32, #tpu.memory_space<vmem>>, vector<16xf32>,
      } {sc.loop_unroll_factor = 8 : i64, sc.parallel_access}
      %add3A_356 = arith.constant 2 : i32
      %add3A_357 = arith.addi %add3A_345, %add3A_356 : i32
      %lt3A_358 = arith.constant 80 : i32
      %lt3A_359 = arith.cmpi slt, %add3A_357, %lt3A_358 : i32
      %convert_element_type3A_360 = arith.extui %lt3A_359 : i1 to i32
      %cond3A_361 = arith.constant 0 : i32
      %cond3A_362 = arith.cmpi ne, %convert_element_type3A_360, %cond3A_361 : i32
      scf.if %cond3A_362 {
        %add3A_425 = arith.constant 2 : i32
        %add3A_426 = arith.addi %add3A_345, %add3A_425 : i32
        %add3A_427 = arith.addi %mul3A_5, %add3A_426 : i32
        %dma_wait3A_428 = arith.constant 0 : i32
        %dma_wait3A_429 = arith.constant 0 : i32
        %dma_wait3A_430 = tpu.memref_slice %arg7[%dma_wait3A_428, %dma_wait3A_429] : memref<4x128xi32, #tpu.memory_space<vmem>> -> memref<1x128xi32, #tpu.memory_space<vmem>>
        %dma_wait3A_431 = tpu.memref_squeeze %dma_wait3A_430 : memref<1x128xi32, #tpu.memory_space<vmem>> -> memref<128xi32, #tpu.memory_space<vmem>>
        %dma_wait3A_432 = arith.constant 0 : i32
        %dma_wait3A_433 = tpu.memref_slice %arg3[%add3A_427, %dma_wait3A_432] : memref<2560x128xi32, #tpu.memory_space<hbm>> -> memref<1x128xi32, #tpu.memory_space<hbm>>
        %dma_wait3A_434 = tpu.memref_squeeze %dma_wait3A_433 : memref<1x128xi32, #tpu.memory_space<hbm>> -> memref<128xi32, #tpu.memory_space<hbm>>
        %dma_wait3A_435 = arith.constant 0 : i32
        %dma_wait3A_436 = tpu.memref_slice %arg7[%dma_wait3A_428, %dma_wait3A_435] : memref<4x128xi32, #tpu.memory_space<vmem>> -> memref<1x128xi32, #tpu.memory_space<vmem>>
        %dma_wait3A_437 = tpu.memref_squeeze %dma_wait3A_436 : memref<1x128xi32, #tpu.memory_space<vmem>> -> memref<128xi32, #tpu.memory_space<vmem>>
        %dma_wait3A_438 = arith.constant 0 : i32
        %dma_wait3A_439 = tpu.memref_slice %arg3[%add3A_427, %dma_wait3A_438] : memref<2560x128xi32, #tpu.memory_space<hbm>> -> memref<1x128xi32, #tpu.memory_space<hbm>>
        %dma_wait3A_440 = tpu.memref_squeeze %dma_wait3A_439 : memref<1x128xi32, #tpu.memory_space<hbm>> -> memref<128xi32, #tpu.memory_space<hbm>>
        tpu.wait_dma2 semaphore(%arg17 : memref<!tpu.dma_semaphore, #tpu.memory_space<semaphore_mem>>) src(%dma_wait3A_440 : memref<128xi32, #tpu.memory_space<hbm>>) dst(%dma_wait3A_437 : memref<128xi32, #tpu.memory_space<vmem>>)
        %add3A_441 = arith.addi %mul3A_5, %add3A_426 : i32
        %dma_wait3A_442 = arith.constant 0 : i32
        %dma_wait3A_443 = arith.constant 0 : i32
        %dma_wait3A_444 = tpu.memref_slice %arg8[%dma_wait3A_442, %dma_wait3A_443] : memref<4x128xi32, #tpu.memory_space<vmem>> -> memref<1x128xi32, #tpu.memory_space<vmem>>
        %dma_wait3A_445 = tpu.memref_squeeze %dma_wait3A_444 : memref<1x128xi32, #tpu.memory_space<vmem>> -> memref<128xi32, #tpu.memory_space<vmem>>
        %dma_wait3A_446 = arith.constant 0 : i32
        %dma_wait3A_447 = tpu.memref_slice %arg4[%add3A_441, %dma_wait3A_446] : memref<2560x128xi32, #tpu.memory_space<hbm>> -> memref<1x128xi32, #tpu.memory_space<hbm>>
        %dma_wait3A_448 = tpu.memref_squeeze %dma_wait3A_447 : memref<1x128xi32, #tpu.memory_space<hbm>> -> memref<128xi32, #tpu.memory_space<hbm>>
        %dma_wait3A_449 = arith.constant 0 : i32
        %dma_wait3A_450 = tpu.memref_slice %arg8[%dma_wait3A_442, %dma_wait3A_449] : memref<4x128xi32, #tpu.memory_space<vmem>> -> memref<1x128xi32, #tpu.memory_space<vmem>>
        %dma_wait3A_451 = tpu.memref_squeeze %dma_wait3A_450 : memref<1x128xi32, #tpu.memory_space<vmem>> -> memref<128xi32, #tpu.memory_space<vmem>>
        %dma_wait3A_452 = arith.constant 0 : i32
        %dma_wait3A_453 = tpu.memref_slice %arg4[%add3A_441, %dma_wait3A_452] : memref<2560x128xi32, #tpu.memory_space<hbm>> -> memref<1x128xi32, #tpu.memory_space<hbm>>
        %dma_wait3A_454 = tpu.memref_squeeze %dma_wait3A_453 : memref<1x128xi32, #tpu.memory_space<hbm>> -> memref<128xi32, #tpu.memory_space<hbm>>
        tpu.wait_dma2 semaphore(%arg17 : memref<!tpu.dma_semaphore, #tpu.memory_space<semaphore_mem>>) src(%dma_wait3A_454 : memref<128xi32, #tpu.memory_space<hbm>>) dst(%dma_wait3A_451 : memref<128xi32, #tpu.memory_space<vmem>>)
        %dma_start3A_455 = arith.constant 0 : i32
        %dma_start3A_456 = arith.constant 0 : i32
        %dma_start3A_457 = tpu.memref_slice %arg7[%dma_start3A_455, %dma_start3A_456] : memref<4x128xi32, #tpu.memory_space<vmem>> -> memref<1x128xi32, #tpu.memory_space<vmem>>
        %dma_start3A_458 = tpu.memref_squeeze %dma_start3A_457 : memref<1x128xi32, #tpu.memory_space<vmem>> -> memref<128xi32, #tpu.memory_space<vmem>>
        %dma_start3A_459 = arith.constant 0 : i32
        %dma_start3A_460 = arith.constant 0 : i32
        %dma_start3A_461 = tpu.memref_slice %arg2[%dma_start3A_459, %dma_start3A_460] : memref<10000x128xbf16, #tpu.memory_space<hbm>> -> memref<10000x128xbf16, #tpu.memory_space<hbm>>
        tpu.enqueue_indirect_dma source(%dma_start3A_461 : memref<10000x128xbf16, #tpu.memory_space<hbm>>) target(%arg9 : memref<128x128xbf16, #tpu.memory_space<vmem>>) offsets(%dma_start3A_458 : memref<128xi32, #tpu.memory_space<vmem>>) semaphore(%arg13 : memref<!tpu.dma_semaphore, #tpu.memory_space<semaphore_mem>>)
      } else {
      }
      %dma_start3A_363 = arith.constant 2 : i32
      %dma_start3A_364 = arith.constant 0 : i32
      %dma_start3A_365 = tpu.memref_slice %arg8[%dma_start3A_363, %dma_start3A_364] : memref<4x128xi32, #tpu.memory_space<vmem>> -> memref<1x128xi32, #tpu.memory_space<vmem>>
      %dma_start3A_366 = tpu.memref_squeeze %dma_start3A_365 : memref<1x128xi32, #tpu.memory_space<vmem>> -> memref<128xi32, #tpu.memory_space<vmem>>
      %dma_start3A_367 = arith.constant 0 : i32
      %dma_start3A_368 = arith.constant 0 : i32
      %dma_start3A_369 = tpu.memref_slice %arg6[%dma_start3A_367, %dma_start3A_368] : memref<10112x128xf32, #tpu.memory_space<vmem_shared>> -> memref<10112x128xf32, #tpu.memory_space<vmem_shared>>
      tpu.enqueue_indirect_dma source(%arg11 : memref<128x128xf32, #tpu.memory_space<vmem>>) target(%dma_start3A_369 : memref<10112x128xf32, #tpu.memory_space<vmem_shared>>) offsets(%dma_start3A_366 : memref<128xi32, #tpu.memory_space<vmem>>) semaphore(%arg15 : memref<!tpu.dma_semaphore, #tpu.memory_space<semaphore_mem>>) {add = true}
      %dma_wait3A_370 = arith.constant 2 : i32
      %dma_wait3A_371 = arith.constant 0 : i32
      %dma_wait3A_372 = tpu.memref_slice %arg8[%dma_wait3A_370, %dma_wait3A_371] : memref<4x128xi32, #tpu.memory_space<vmem>> -> memref<1x128xi32, #tpu.memory_space<vmem>>
      %dma_wait3A_373 = tpu.memref_squeeze %dma_wait3A_372 : memref<1x128xi32, #tpu.memory_space<vmem>> -> memref<128xi32, #tpu.memory_space<vmem>>
      %dma_wait3A_374 = arith.constant 0 : i32
      %dma_wait3A_375 = arith.constant 0 : i32
      %dma_wait3A_376 = tpu.memref_slice %arg6[%dma_wait3A_374, %dma_wait3A_375] : memref<10112x128xf32, #tpu.memory_space<vmem_shared>> -> memref<10112x128xf32, #tpu.memory_space<vmem_shared>>
      tpu.wait_indirect_dma semaphore(%arg15 : memref<!tpu.dma_semaphore, #tpu.memory_space<semaphore_mem>>) src(%arg11 : memref<128x128xf32, #tpu.memory_space<vmem>>) dst(%dma_wait3A_376 : memref<10112x128xf32, #tpu.memory_space<vmem_shared>>)
      %add3A_377 = arith.constant 4 : i32
      %add3A_378 = arith.addi %add3A_345, %add3A_377 : i32
      %lt3A_379 = arith.constant 80 : i32
      %lt3A_380 = arith.cmpi slt, %add3A_378, %lt3A_379 : i32
      %convert_element_type3A_381 = arith.extui %lt3A_380 : i1 to i32
      %cond3A_382 = arith.constant 0 : i32
      %cond3A_383 = arith.cmpi ne, %convert_element_type3A_381, %cond3A_382 : i32
      scf.if %cond3A_383 {
        %add3A_425 = arith.constant 4 : i32
        %add3A_426 = arith.addi %add3A_345, %add3A_425 : i32
        %add3A_427 = arith.addi %mul3A_5, %add3A_426 : i32
        %dma_start3A_428 = arith.constant 2 : i32
        %dma_start3A_429 = arith.constant 0 : i32
        %dma_start3A_430 = tpu.memref_slice %arg7[%dma_start3A_428, %dma_start3A_429] : memref<4x128xi32, #tpu.memory_space<vmem>> -> memref<1x128xi32, #tpu.memory_space<vmem>>
        %dma_start3A_431 = tpu.memref_squeeze %dma_start3A_430 : memref<1x128xi32, #tpu.memory_space<vmem>> -> memref<128xi32, #tpu.memory_space<vmem>>
        %dma_start3A_432 = arith.constant 0 : i32
        %dma_start3A_433 = tpu.memref_slice %arg3[%add3A_427, %dma_start3A_432] : memref<2560x128xi32, #tpu.memory_space<hbm>> -> memref<1x128xi32, #tpu.memory_space<hbm>>
        %dma_start3A_434 = tpu.memref_squeeze %dma_start3A_433 : memref<1x128xi32, #tpu.memory_space<hbm>> -> memref<128xi32, #tpu.memory_space<hbm>>
        %dma_start3A_435 = arith.constant 0 : i32
        %dma_start3A_436 = tpu.memref_slice %arg7[%dma_start3A_428, %dma_start3A_435] : memref<4x128xi32, #tpu.memory_space<vmem>> -> memref<1x128xi32, #tpu.memory_space<vmem>>
        %dma_start3A_437 = tpu.memref_squeeze %dma_start3A_436 : memref<1x128xi32, #tpu.memory_space<vmem>> -> memref<128xi32, #tpu.memory_space<vmem>>
        %dma_start3A_438 = arith.constant 0 : i32
        %dma_start3A_439 = tpu.memref_slice %arg3[%add3A_427, %dma_start3A_438] : memref<2560x128xi32, #tpu.memory_space<hbm>> -> memref<1x128xi32, #tpu.memory_space<hbm>>
        %dma_start3A_440 = tpu.memref_squeeze %dma_start3A_439 : memref<1x128xi32, #tpu.memory_space<hbm>> -> memref<128xi32, #tpu.memory_space<hbm>>
        tpu.enqueue_dma source(%dma_start3A_440 : memref<128xi32, #tpu.memory_space<hbm>>) target(%dma_start3A_437 : memref<128xi32, #tpu.memory_space<vmem>>) target_semaphore(%arg19 : memref<!tpu.dma_semaphore, #tpu.memory_space<semaphore_mem>>)
        %add3A_441 = arith.addi %mul3A_5, %add3A_426 : i32
        %dma_start3A_442 = arith.constant 2 : i32
        %dma_start3A_443 = arith.constant 0 : i32
        %dma_start3A_444 = tpu.memref_slice %arg8[%dma_start3A_442, %dma_start3A_443] : memref<4x128xi32, #tpu.memory_space<vmem>> -> memref<1x128xi32, #tpu.memory_space<vmem>>
        %dma_start3A_445 = tpu.memref_squeeze %dma_start3A_444 : memref<1x128xi32, #tpu.memory_space<vmem>> -> memref<128xi32, #tpu.memory_space<vmem>>
        %dma_start3A_446 = arith.constant 0 : i32
        %dma_start3A_447 = tpu.memref_slice %arg4[%add3A_441, %dma_start3A_446] : memref<2560x128xi32, #tpu.memory_space<hbm>> -> memref<1x128xi32, #tpu.memory_space<hbm>>
        %dma_start3A_448 = tpu.memref_squeeze %dma_start3A_447 : memref<1x128xi32, #tpu.memory_space<hbm>> -> memref<128xi32, #tpu.memory_space<hbm>>
        %dma_start3A_449 = arith.constant 0 : i32
        %dma_start3A_450 = tpu.memref_slice %arg8[%dma_start3A_442, %dma_start3A_449] : memref<4x128xi32, #tpu.memory_space<vmem>> -> memref<1x128xi32, #tpu.memory_space<vmem>>
        %dma_start3A_451 = tpu.memref_squeeze %dma_start3A_450 : memref<1x128xi32, #tpu.memory_space<vmem>> -> memref<128xi32, #tpu.memory_space<vmem>>
        %dma_start3A_452 = arith.constant 0 : i32
        %dma_start3A_453 = tpu.memref_slice %arg4[%add3A_441, %dma_start3A_452] : memref<2560x128xi32, #tpu.memory_space<hbm>> -> memref<1x128xi32, #tpu.memory_space<hbm>>
        %dma_start3A_454 = tpu.memref_squeeze %dma_start3A_453 : memref<1x128xi32, #tpu.memory_space<hbm>> -> memref<128xi32, #tpu.memory_space<hbm>>
        tpu.enqueue_dma source(%dma_start3A_454 : memref<128xi32, #tpu.memory_space<hbm>>) target(%dma_start3A_451 : memref<128xi32, #tpu.memory_space<vmem>>) target_semaphore(%arg19 : memref<!tpu.dma_semaphore, #tpu.memory_space<semaphore_mem>>)
      } else {
      }
      %add3A_384 = arith.constant 3 : i32
      %add3A_385 = arith.addi %mul3A_266, %add3A_384 : i32
      %dma_wait3A_386 = arith.constant 3 : i32
      %dma_wait3A_387 = arith.constant 0 : i32
      %dma_wait3A_388 = tpu.memref_slice %arg7[%dma_wait3A_386, %dma_wait3A_387] : memref<4x128xi32, #tpu.memory_space<vmem>> -> memref<1x128xi32, #tpu.memory_space<vmem>>
      %dma_wait3A_389 = tpu.memref_squeeze %dma_wait3A_388 : memref<1x128xi32, #tpu.memory_space<vmem>> -> memref<128xi32, #tpu.memory_space<vmem>>
      %dma_wait3A_390 = arith.constant 0 : i32
      %dma_wait3A_391 = arith.constant 0 : i32
      %dma_wait3A_392 = tpu.memref_slice %arg2[%dma_wait3A_390, %dma_wait3A_391] : memref<10000x128xbf16, #tpu.memory_space<hbm>> -> memref<10000x128xbf16, #tpu.memory_space<hbm>>
      tpu.wait_indirect_dma semaphore(%arg14 : memref<!tpu.dma_semaphore, #tpu.memory_space<semaphore_mem>>) src(%dma_wait3A_392 : memref<10000x128xbf16, #tpu.memory_space<hbm>>) dst(%arg10 : memref<128x128xbf16, #tpu.memory_space<vmem>>)
      %parallel_loop3A_393 = arith.constant 0 : i32
      %parallel_loop3A_394 = arith.constant 128 : i32
      %parallel_loop3A_395 = arith.constant 1 : i32
      scf.for %parallel_loop3A_425 = %parallel_loop3A_393 to %parallel_loop3A_394 step %parallel_loop3A_395  : i32 {
        %parallel_loop3A_426 = arith.index_cast %parallel_loop3A_425 : i32 to index
        %parallel_loop3A_427 = arith.constant 0 : index
        %parallel_loop3A_428 = tpu.vector_load %arg10[%parallel_loop3A_426, %parallel_loop3A_427] {strides = array<i32>} : memref<128x128xbf16, #tpu.memory_space<vmem>>, vector<32xbf16>,
        %parallel_loop3A_429 = tpu.unpack_subelements %parallel_loop3A_428, 0 {pack_format = #tpu.pack_format<interleaved>} : vector<32xbf16> -> vector<16xf32>
        %parallel_loop3A_430 = tpu.unpack_subelements %parallel_loop3A_428, 1 {pack_format = #tpu.pack_format<interleaved>} : vector<32xbf16> -> vector<16xf32>
        %parallel_loop3A_431 = arith.index_cast %parallel_loop3A_425 : i32 to index
        %parallel_loop3A_432 = arith.constant 0 : index
        %parallel_loop3A_433 = tpu.vector_load %arg11[%parallel_loop3A_431, %parallel_loop3A_432] {strides = array<i32>} : memref<128x128xf32, #tpu.memory_space<vmem>>, vector<16xf32>,
        tpu.vector_store %arg11[%parallel_loop3A_431, %parallel_loop3A_432], %parallel_loop3A_429 {strides = array<i32>} : memref<128x128xf32, #tpu.memory_space<vmem>>, vector<16xf32>,
        %parallel_loop3A_434 = arith.index_cast %parallel_loop3A_425 : i32 to index
        %parallel_loop3A_435 = arith.constant 16 : index
        %parallel_loop3A_436 = tpu.vector_load %arg11[%parallel_loop3A_434, %parallel_loop3A_435] {strides = array<i32>} : memref<128x128xf32, #tpu.memory_space<vmem>>, vector<16xf32>,
        tpu.vector_store %arg11[%parallel_loop3A_434, %parallel_loop3A_435], %parallel_loop3A_430 {strides = array<i32>} : memref<128x128xf32, #tpu.memory_space<vmem>>, vector<16xf32>,
        %parallel_loop3A_437 = arith.index_cast %parallel_loop3A_425 : i32 to index
        %parallel_loop3A_438 = arith.constant 32 : index
        %parallel_loop3A_439 = tpu.vector_load %arg10[%parallel_loop3A_437, %parallel_loop3A_438] {strides = array<i32>} : memref<128x128xbf16, #tpu.memory_space<vmem>>, vector<32xbf16>,
        %parallel_loop3A_440 = tpu.unpack_subelements %parallel_loop3A_439, 0 {pack_format = #tpu.pack_format<interleaved>} : vector<32xbf16> -> vector<16xf32>
        %parallel_loop3A_441 = tpu.unpack_subelements %parallel_loop3A_439, 1 {pack_format = #tpu.pack_format<interleaved>} : vector<32xbf16> -> vector<16xf32>
        %parallel_loop3A_442 = arith.index_cast %parallel_loop3A_425 : i32 to index
        %parallel_loop3A_443 = arith.constant 32 : index
        %parallel_loop3A_444 = tpu.vector_load %arg11[%parallel_loop3A_442, %parallel_loop3A_443] {strides = array<i32>} : memref<128x128xf32, #tpu.memory_space<vmem>>, vector<16xf32>,
        tpu.vector_store %arg11[%parallel_loop3A_442, %parallel_loop3A_443], %parallel_loop3A_440 {strides = array<i32>} : memref<128x128xf32, #tpu.memory_space<vmem>>, vector<16xf32>,
        %parallel_loop3A_445 = arith.index_cast %parallel_loop3A_425 : i32 to index
        %parallel_loop3A_446 = arith.constant 48 : index
        %parallel_loop3A_447 = tpu.vector_load %arg11[%parallel_loop3A_445, %parallel_loop3A_446] {strides = array<i32>} : memref<128x128xf32, #tpu.memory_space<vmem>>, vector<16xf32>,
        tpu.vector_store %arg11[%parallel_loop3A_445, %parallel_loop3A_446], %parallel_loop3A_441 {strides = array<i32>} : memref<128x128xf32, #tpu.memory_space<vmem>>, vector<16xf32>,
        %parallel_loop3A_448 = arith.index_cast %parallel_loop3A_425 : i32 to index
        %parallel_loop3A_449 = arith.constant 64 : index
        %parallel_loop3A_450 = tpu.vector_load %arg10[%parallel_loop3A_448, %parallel_loop3A_449] {strides = array<i32>} : memref<128x128xbf16, #tpu.memory_space<vmem>>, vector<32xbf16>,
        %parallel_loop3A_451 = tpu.unpack_subelements %parallel_loop3A_450, 0 {pack_format = #tpu.pack_format<interleaved>} : vector<32xbf16> -> vector<16xf32>
        %parallel_loop3A_452 = tpu.unpack_subelements %parallel_loop3A_450, 1 {pack_format = #tpu.pack_format<interleaved>} : vector<32xbf16> -> vector<16xf32>
        %parallel_loop3A_453 = arith.index_cast %parallel_loop3A_425 : i32 to index
        %parallel_loop3A_454 = arith.constant 64 : index
        %parallel_loop3A_455 = tpu.vector_load %arg11[%parallel_loop3A_453, %parallel_loop3A_454] {strides = array<i32>} : memref<128x128xf32, #tpu.memory_space<vmem>>, vector<16xf32>,
        tpu.vector_store %arg11[%parallel_loop3A_453, %parallel_loop3A_454], %parallel_loop3A_451 {strides = array<i32>} : memref<128x128xf32, #tpu.memory_space<vmem>>, vector<16xf32>,
        %parallel_loop3A_456 = arith.index_cast %parallel_loop3A_425 : i32 to index
        %parallel_loop3A_457 = arith.constant 80 : index
        %parallel_loop3A_458 = tpu.vector_load %arg11[%parallel_loop3A_456, %parallel_loop3A_457] {strides = array<i32>} : memref<128x128xf32, #tpu.memory_space<vmem>>, vector<16xf32>,
        tpu.vector_store %arg11[%parallel_loop3A_456, %parallel_loop3A_457], %parallel_loop3A_452 {strides = array<i32>} : memref<128x128xf32, #tpu.memory_space<vmem>>, vector<16xf32>,
        %parallel_loop3A_459 = arith.index_cast %parallel_loop3A_425 : i32 to index
        %parallel_loop3A_460 = arith.constant 96 : index
        %parallel_loop3A_461 = tpu.vector_load %arg10[%parallel_loop3A_459, %parallel_loop3A_460] {strides = array<i32>} : memref<128x128xbf16, #tpu.memory_space<vmem>>, vector<32xbf16>,
        %parallel_loop3A_462 = tpu.unpack_subelements %parallel_loop3A_461, 0 {pack_format = #tpu.pack_format<interleaved>} : vector<32xbf16> -> vector<16xf32>
        %parallel_loop3A_463 = tpu.unpack_subelements %parallel_loop3A_461, 1 {pack_format = #tpu.pack_format<interleaved>} : vector<32xbf16> -> vector<16xf32>
        %parallel_loop3A_464 = arith.index_cast %parallel_loop3A_425 : i32 to index
        %parallel_loop3A_465 = arith.constant 96 : index
        %parallel_loop3A_466 = tpu.vector_load %arg11[%parallel_loop3A_464, %parallel_loop3A_465] {strides = array<i32>} : memref<128x128xf32, #tpu.memory_space<vmem>>, vector<16xf32>,
        tpu.vector_store %arg11[%parallel_loop3A_464, %parallel_loop3A_465], %parallel_loop3A_462 {strides = array<i32>} : memref<128x128xf32, #tpu.memory_space<vmem>>, vector<16xf32>,
        %parallel_loop3A_467 = arith.index_cast %parallel_loop3A_425 : i32 to index
        %parallel_loop3A_468 = arith.constant 112 : index
        %parallel_loop3A_469 = tpu.vector_load %arg11[%parallel_loop3A_467, %parallel_loop3A_468] {strides = array<i32>} : memref<128x128xf32, #tpu.memory_space<vmem>>, vector<16xf32>,
        tpu.vector_store %arg11[%parallel_loop3A_467, %parallel_loop3A_468], %parallel_loop3A_463 {strides = array<i32>} : memref<128x128xf32, #tpu.memory_space<vmem>>, vector<16xf32>,
      } {sc.loop_unroll_factor = 8 : i64, sc.parallel_access}
      %add3A_396 = arith.constant 2 : i32
      %add3A_397 = arith.addi %add3A_385, %add3A_396 : i32
      %lt3A_398 = arith.constant 80 : i32
      %lt3A_399 = arith.cmpi slt, %add3A_397, %lt3A_398 : i32
      %convert_element_type3A_400 = arith.extui %lt3A_399 : i1 to i32
      %cond3A_401 = arith.constant 0 : i32
      %cond3A_402 = arith.cmpi ne, %convert_element_type3A_400, %cond3A_401 : i32
      scf.if %cond3A_402 {
        %add3A_425 = arith.constant 2 : i32
        %add3A_426 = arith.addi %add3A_385, %add3A_425 : i32
        %add3A_427 = arith.addi %mul3A_5, %add3A_426 : i32
        %dma_wait3A_428 = arith.constant 1 : i32
        %dma_wait3A_429 = arith.constant 0 : i32
        %dma_wait3A_430 = tpu.memref_slice %arg7[%dma_wait3A_428, %dma_wait3A_429] : memref<4x128xi32, #tpu.memory_space<vmem>> -> memref<1x128xi32, #tpu.memory_space<vmem>>
        %dma_wait3A_431 = tpu.memref_squeeze %dma_wait3A_430 : memref<1x128xi32, #tpu.memory_space<vmem>> -> memref<128xi32, #tpu.memory_space<vmem>>
        %dma_wait3A_432 = arith.constant 0 : i32
        %dma_wait3A_433 = tpu.memref_slice %arg3[%add3A_427, %dma_wait3A_432] : memref<2560x128xi32, #tpu.memory_space<hbm>> -> memref<1x128xi32, #tpu.memory_space<hbm>>
        %dma_wait3A_434 = tpu.memref_squeeze %dma_wait3A_433 : memref<1x128xi32, #tpu.memory_space<hbm>> -> memref<128xi32, #tpu.memory_space<hbm>>
        %dma_wait3A_435 = arith.constant 0 : i32
        %dma_wait3A_436 = tpu.memref_slice %arg7[%dma_wait3A_428, %dma_wait3A_435] : memref<4x128xi32, #tpu.memory_space<vmem>> -> memref<1x128xi32, #tpu.memory_space<vmem>>
        %dma_wait3A_437 = tpu.memref_squeeze %dma_wait3A_436 : memref<1x128xi32, #tpu.memory_space<vmem>> -> memref<128xi32, #tpu.memory_space<vmem>>
        %dma_wait3A_438 = arith.constant 0 : i32
        %dma_wait3A_439 = tpu.memref_slice %arg3[%add3A_427, %dma_wait3A_438] : memref<2560x128xi32, #tpu.memory_space<hbm>> -> memref<1x128xi32, #tpu.memory_space<hbm>>
        %dma_wait3A_440 = tpu.memref_squeeze %dma_wait3A_439 : memref<1x128xi32, #tpu.memory_space<hbm>> -> memref<128xi32, #tpu.memory_space<hbm>>
        tpu.wait_dma2 semaphore(%arg18 : memref<!tpu.dma_semaphore, #tpu.memory_space<semaphore_mem>>) src(%dma_wait3A_440 : memref<128xi32, #tpu.memory_space<hbm>>) dst(%dma_wait3A_437 : memref<128xi32, #tpu.memory_space<vmem>>)
        %add3A_441 = arith.addi %mul3A_5, %add3A_426 : i32
        %dma_wait3A_442 = arith.constant 1 : i32
        %dma_wait3A_443 = arith.constant 0 : i32
        %dma_wait3A_444 = tpu.memref_slice %arg8[%dma_wait3A_442, %dma_wait3A_443] : memref<4x128xi32, #tpu.memory_space<vmem>> -> memref<1x128xi32, #tpu.memory_space<vmem>>
        %dma_wait3A_445 = tpu.memref_squeeze %dma_wait3A_444 : memref<1x128xi32, #tpu.memory_space<vmem>> -> memref<128xi32, #tpu.memory_space<vmem>>
        %dma_wait3A_446 = arith.constant 0 : i32
        %dma_wait3A_447 = tpu.memref_slice %arg4[%add3A_441, %dma_wait3A_446] : memref<2560x128xi32, #tpu.memory_space<hbm>> -> memref<1x128xi32, #tpu.memory_space<hbm>>
        %dma_wait3A_448 = tpu.memref_squeeze %dma_wait3A_447 : memref<1x128xi32, #tpu.memory_space<hbm>> -> memref<128xi32, #tpu.memory_space<hbm>>
        %dma_wait3A_449 = arith.constant 0 : i32
        %dma_wait3A_450 = tpu.memref_slice %arg8[%dma_wait3A_442, %dma_wait3A_449] : memref<4x128xi32, #tpu.memory_space<vmem>> -> memref<1x128xi32, #tpu.memory_space<vmem>>
        %dma_wait3A_451 = tpu.memref_squeeze %dma_wait3A_450 : memref<1x128xi32, #tpu.memory_space<vmem>> -> memref<128xi32, #tpu.memory_space<vmem>>
        %dma_wait3A_452 = arith.constant 0 : i32
        %dma_wait3A_453 = tpu.memref_slice %arg4[%add3A_441, %dma_wait3A_452] : memref<2560x128xi32, #tpu.memory_space<hbm>> -> memref<1x128xi32, #tpu.memory_space<hbm>>
        %dma_wait3A_454 = tpu.memref_squeeze %dma_wait3A_453 : memref<1x128xi32, #tpu.memory_space<hbm>> -> memref<128xi32, #tpu.memory_space<hbm>>
        tpu.wait_dma2 semaphore(%arg18 : memref<!tpu.dma_semaphore, #tpu.memory_space<semaphore_mem>>) src(%dma_wait3A_454 : memref<128xi32, #tpu.memory_space<hbm>>) dst(%dma_wait3A_451 : memref<128xi32, #tpu.memory_space<vmem>>)
        %dma_start3A_455 = arith.constant 1 : i32
        %dma_start3A_456 = arith.constant 0 : i32
        %dma_start3A_457 = tpu.memref_slice %arg7[%dma_start3A_455, %dma_start3A_456] : memref<4x128xi32, #tpu.memory_space<vmem>> -> memref<1x128xi32, #tpu.memory_space<vmem>>
        %dma_start3A_458 = tpu.memref_squeeze %dma_start3A_457 : memref<1x128xi32, #tpu.memory_space<vmem>> -> memref<128xi32, #tpu.memory_space<vmem>>
        %dma_start3A_459 = arith.constant 0 : i32
        %dma_start3A_460 = arith.constant 0 : i32
        %dma_start3A_461 = tpu.memref_slice %arg2[%dma_start3A_459, %dma_start3A_460] : memref<10000x128xbf16, #tpu.memory_space<hbm>> -> memref<10000x128xbf16, #tpu.memory_space<hbm>>
        tpu.enqueue_indirect_dma source(%dma_start3A_461 : memref<10000x128xbf16, #tpu.memory_space<hbm>>) target(%arg10 : memref<128x128xbf16, #tpu.memory_space<vmem>>) offsets(%dma_start3A_458 : memref<128xi32, #tpu.memory_space<vmem>>) semaphore(%arg14 : memref<!tpu.dma_semaphore, #tpu.memory_space<semaphore_mem>>)
      } else {
      }
      %dma_start3A_403 = arith.constant 3 : i32
      %dma_start3A_404 = arith.constant 0 : i32
      %dma_start3A_405 = tpu.memref_slice %arg8[%dma_start3A_403, %dma_start3A_404] : memref<4x128xi32, #tpu.memory_space<vmem>> -> memref<1x128xi32, #tpu.memory_space<vmem>>
      %dma_start3A_406 = tpu.memref_squeeze %dma_start3A_405 : memref<1x128xi32, #tpu.memory_space<vmem>> -> memref<128xi32, #tpu.memory_space<vmem>>
      %dma_start3A_407 = arith.constant 0 : i32
      %dma_start3A_408 = arith.constant 0 : i32
      %dma_start3A_409 = tpu.memref_slice %arg6[%dma_start3A_407, %dma_start3A_408] : memref<10112x128xf32, #tpu.memory_space<vmem_shared>> -> memref<10112x128xf32, #tpu.memory_space<vmem_shared>>
      tpu.enqueue_indirect_dma source(%arg11 : memref<128x128xf32, #tpu.memory_space<vmem>>) target(%dma_start3A_409 : memref<10112x128xf32, #tpu.memory_space<vmem_shared>>) offsets(%dma_start3A_406 : memref<128xi32, #tpu.memory_space<vmem>>) semaphore(%arg16 : memref<!tpu.dma_semaphore, #tpu.memory_space<semaphore_mem>>) {add = true}
      %dma_wait3A_410 = arith.constant 3 : i32
      %dma_wait3A_411 = arith.constant 0 : i32
      %dma_wait3A_412 = tpu.memref_slice %arg8[%dma_wait3A_410, %dma_wait3A_411] : memref<4x128xi32, #tpu.memory_space<vmem>> -> memref<1x128xi32, #tpu.memory_space<vmem>>
      %dma_wait3A_413 = tpu.memref_squeeze %dma_wait3A_412 : memref<1x128xi32, #tpu.memory_space<vmem>> -> memref<128xi32, #tpu.memory_space<vmem>>
      %dma_wait3A_414 = arith.constant 0 : i32
      %dma_wait3A_415 = arith.constant 0 : i32
      %dma_wait3A_416 = tpu.memref_slice %arg6[%dma_wait3A_414, %dma_wait3A_415] : memref<10112x128xf32, #tpu.memory_space<vmem_shared>> -> memref<10112x128xf32, #tpu.memory_space<vmem_shared>>
      tpu.wait_indirect_dma semaphore(%arg16 : memref<!tpu.dma_semaphore, #tpu.memory_space<semaphore_mem>>) src(%arg11 : memref<128x128xf32, #tpu.memory_space<vmem>>) dst(%dma_wait3A_416 : memref<10112x128xf32, #tpu.memory_space<vmem_shared>>)
      %add3A_417 = arith.constant 4 : i32
      %add3A_418 = arith.addi %add3A_385, %add3A_417 : i32
      %lt3A_419 = arith.constant 80 : i32
      %lt3A_420 = arith.cmpi slt, %add3A_418, %lt3A_419 : i32
      %convert_element_type3A_421 = arith.extui %lt3A_420 : i1 to i32
      %cond3A_422 = arith.constant 0 : i32
      %cond3A_423 = arith.cmpi ne, %convert_element_type3A_421, %cond3A_422 : i32
      scf.if %cond3A_423 {
        %add3A_425 = arith.constant 4 : i32
        %add3A_426 = arith.addi %add3A_385, %add3A_425 : i32
        %add3A_427 = arith.addi %mul3A_5, %add3A_426 : i32
        %dma_start3A_428 = arith.constant 3 : i32
        %dma_start3A_429 = arith.constant 0 : i32
        %dma_start3A_430 = tpu.memref_slice %arg7[%dma_start3A_428, %dma_start3A_429] : memref<4x128xi32, #tpu.memory_space<vmem>> -> memref<1x128xi32, #tpu.memory_space<vmem>>
        %dma_start3A_431 = tpu.memref_squeeze %dma_start3A_430 : memref<1x128xi32, #tpu.memory_space<vmem>> -> memref<128xi32, #tpu.memory_space<vmem>>
        %dma_start3A_432 = arith.constant 0 : i32
        %dma_start3A_433 = tpu.memref_slice %arg3[%add3A_427, %dma_start3A_432] : memref<2560x128xi32, #tpu.memory_space<hbm>> -> memref<1x128xi32, #tpu.memory_space<hbm>>
        %dma_start3A_434 = tpu.memref_squeeze %dma_start3A_433 : memref<1x128xi32, #tpu.memory_space<hbm>> -> memref<128xi32, #tpu.memory_space<hbm>>
        %dma_start3A_435 = arith.constant 0 : i32
        %dma_start3A_436 = tpu.memref_slice %arg7[%dma_start3A_428, %dma_start3A_435] : memref<4x128xi32, #tpu.memory_space<vmem>> -> memref<1x128xi32, #tpu.memory_space<vmem>>
        %dma_start3A_437 = tpu.memref_squeeze %dma_start3A_436 : memref<1x128xi32, #tpu.memory_space<vmem>> -> memref<128xi32, #tpu.memory_space<vmem>>
        %dma_start3A_438 = arith.constant 0 : i32
        %dma_start3A_439 = tpu.memref_slice %arg3[%add3A_427, %dma_start3A_438] : memref<2560x128xi32, #tpu.memory_space<hbm>> -> memref<1x128xi32, #tpu.memory_space<hbm>>
        %dma_start3A_440 = tpu.memref_squeeze %dma_start3A_439 : memref<1x128xi32, #tpu.memory_space<hbm>> -> memref<128xi32, #tpu.memory_space<hbm>>
        tpu.enqueue_dma source(%dma_start3A_440 : memref<128xi32, #tpu.memory_space<hbm>>) target(%dma_start3A_437 : memref<128xi32, #tpu.memory_space<vmem>>) target_semaphore(%arg20 : memref<!tpu.dma_semaphore, #tpu.memory_space<semaphore_mem>>)
        %add3A_441 = arith.addi %mul3A_5, %add3A_426 : i32
        %dma_start3A_442 = arith.constant 3 : i32
        %dma_start3A_443 = arith.constant 0 : i32
        %dma_start3A_444 = tpu.memref_slice %arg8[%dma_start3A_442, %dma_start3A_443] : memref<4x128xi32, #tpu.memory_space<vmem>> -> memref<1x128xi32, #tpu.memory_space<vmem>>
        %dma_start3A_445 = tpu.memref_squeeze %dma_start3A_444 : memref<1x128xi32, #tpu.memory_space<vmem>> -> memref<128xi32, #tpu.memory_space<vmem>>
        %dma_start3A_446 = arith.constant 0 : i32
        %dma_start3A_447 = tpu.memref_slice %arg4[%add3A_441, %dma_start3A_446] : memref<2560x128xi32, #tpu.memory_space<hbm>> -> memref<1x128xi32, #tpu.memory_space<hbm>>
        %dma_start3A_448 = tpu.memref_squeeze %dma_start3A_447 : memref<1x128xi32, #tpu.memory_space<hbm>> -> memref<128xi32, #tpu.memory_space<hbm>>
        %dma_start3A_449 = arith.constant 0 : i32
        %dma_start3A_450 = tpu.memref_slice %arg8[%dma_start3A_442, %dma_start3A_449] : memref<4x128xi32, #tpu.memory_space<vmem>> -> memref<1x128xi32, #tpu.memory_space<vmem>>
        %dma_start3A_451 = tpu.memref_squeeze %dma_start3A_450 : memref<1x128xi32, #tpu.memory_space<vmem>> -> memref<128xi32, #tpu.memory_space<vmem>>
        %dma_start3A_452 = arith.constant 0 : i32
        %dma_start3A_453 = tpu.memref_slice %arg4[%add3A_441, %dma_start3A_452] : memref<2560x128xi32, #tpu.memory_space<hbm>> -> memref<1x128xi32, #tpu.memory_space<hbm>>
        %dma_start3A_454 = tpu.memref_squeeze %dma_start3A_453 : memref<1x128xi32, #tpu.memory_space<hbm>> -> memref<128xi32, #tpu.memory_space<hbm>>
        tpu.enqueue_dma source(%dma_start3A_454 : memref<128xi32, #tpu.memory_space<hbm>>) target(%dma_start3A_451 : memref<128xi32, #tpu.memory_space<vmem>>) target_semaphore(%arg20 : memref<!tpu.dma_semaphore, #tpu.memory_space<semaphore_mem>>)
      } else {
      }
      %scan3A_424 = arith.constant 0 : i32
      scf.yield %scan3A_424 : i32
    }
    %scan3A_230 = arith.constant 20 : i32
    %barrier3A_231 = arith.constant 0 : index
    tpu.barrier barrier_id(%barrier3A_231)
    %add3A_232 = arith.constant 0 : i32
    %add3A_233 = arith.addi %arg1, %add3A_232 : i32
    %mul3A_234 = arith.constant 128 : i32
    %mul3A_235 = arith.muli %add3A_233, %mul3A_234 : i32
    %mul3A_236 = arith.constant 128 : i32
    %mul3A_237 = arith.muli %add3A_233, %mul3A_236 : i32
    "tpu.region"() ({
      %run_scoped3A = tpu.sem_alloc : memref<!tpu.dma_semaphore, #tpu.memory_space<semaphore_mem>>
      %dma_start3A_263 = arith.constant 0 : i32
      %dma_start3A_264 = tpu.memref_slice %arg5[%arg0, %mul3A_237, %dma_start3A_263] : memref<2x10112x128xf32, #tpu.memory_space<hbm>> -> memref<1x128x128xf32, #tpu.memory_space<hbm>>
      %dma_start3A_265 = tpu.memref_squeeze %dma_start3A_264 : memref<1x128x128xf32, #tpu.memory_space<hbm>> -> memref<128x128xf32, #tpu.memory_space<hbm>>
      %dma_start3A_266 = arith.constant 0 : i32
      %dma_start3A_267 = tpu.memref_slice %arg6[%mul3A_235, %dma_start3A_266] : memref<10112x128xf32, #tpu.memory_space<vmem_shared>> -> memref<128x128xf32, #tpu.memory_space<vmem_shared>>
      tpu.enqueue_dma source(%dma_start3A_267 : memref<128x128xf32, #tpu.memory_space<vmem_shared>>) target(%dma_start3A_265 : memref<128x128xf32, #tpu.memory_space<hbm>>) target_semaphore(%run_scoped3A : memref<!tpu.dma_semaphore, #tpu.memory_space<semaphore_mem>>)
      %dma_wait3A_268 = arith.constant 0 : i32
      %dma_wait3A_269 = tpu.memref_slice %arg5[%arg0, %mul3A_237, %dma_wait3A_268] : memref<2x10112x128xf32, #tpu.memory_space<hbm>> -> memref<1x128x128xf32, #tpu.memory_space<hbm>>
      %dma_wait3A_270 = tpu.memref_squeeze %dma_wait3A_269 : memref<1x128x128xf32, #tpu.memory_space<hbm>> -> memref<128x128xf32, #tpu.memory_space<hbm>>
      %dma_wait3A_271 = arith.constant 0 : i32
      %dma_wait3A_272 = tpu.memref_slice %arg6[%mul3A_235, %dma_wait3A_271] : memref<10112x128xf32, #tpu.memory_space<vmem_shared>> -> memref<128x128xf32, #tpu.memory_space<vmem_shared>>
      tpu.wait_dma2 semaphore(%run_scoped3A : memref<!tpu.dma_semaphore, #tpu.memory_space<semaphore_mem>>) src(%dma_wait3A_272 : memref<128x128xf32, #tpu.memory_space<vmem_shared>>) dst(%dma_wait3A_270 : memref<128x128xf32, #tpu.memory_space<hbm>>)
      tpu.yield
    }) : () -> ()
    %add3A_238 = arith.constant 16 : i32
    %add3A_239 = arith.addi %arg1, %add3A_238 : i32
    %mul3A_240 = arith.constant 128 : i32
    %mul3A_241 = arith.muli %add3A_239, %mul3A_240 : i32
    %mul3A_242 = arith.constant 128 : i32
    %mul3A_243 = arith.muli %add3A_239, %mul3A_242 : i32
    "tpu.region"() ({
      %run_scoped3A = tpu.sem_alloc : memref<!tpu.dma_semaphore, #tpu.memory_space<semaphore_mem>>
      %dma_start3A_263 = arith.constant 0 : i32
      %dma_start3A_264 = tpu.memref_slice %arg5[%arg0, %mul3A_243, %dma_start3A_263] : memref<2x10112x128xf32, #tpu.memory_space<hbm>> -> memref<1x128x128xf32, #tpu.memory_space<hbm>>
      %dma_start3A_265 = tpu.memref_squeeze %dma_start3A_264 : memref<1x128x128xf32, #tpu.memory_space<hbm>> -> memref<128x128xf32, #tpu.memory_space<hbm>>
      %dma_start3A_266 = arith.constant 0 : i32
      %dma_start3A_267 = tpu.memref_slice %arg6[%mul3A_241, %dma_start3A_266] : memref<10112x128xf32, #tpu.memory_space<vmem_shared>> -> memref<128x128xf32, #tpu.memory_space<vmem_shared>>
      tpu.enqueue_dma source(%dma_start3A_267 : memref<128x128xf32, #tpu.memory_space<vmem_shared>>) target(%dma_start3A_265 : memref<128x128xf32, #tpu.memory_space<hbm>>) target_semaphore(%run_scoped3A : memref<!tpu.dma_semaphore, #tpu.memory_space<semaphore_mem>>)
      %dma_wait3A_268 = arith.constant 0 : i32
      %dma_wait3A_269 = tpu.memref_slice %arg5[%arg0, %mul3A_243, %dma_wait3A_268] : memref<2x10112x128xf32, #tpu.memory_space<hbm>> -> memref<1x128x128xf32, #tpu.memory_space<hbm>>
      %dma_wait3A_270 = tpu.memref_squeeze %dma_wait3A_269 : memref<1x128x128xf32, #tpu.memory_space<hbm>> -> memref<128x128xf32, #tpu.memory_space<hbm>>
      %dma_wait3A_271 = arith.constant 0 : i32
      %dma_wait3A_272 = tpu.memref_slice %arg6[%mul3A_241, %dma_wait3A_271] : memref<10112x128xf32, #tpu.memory_space<vmem_shared>> -> memref<128x128xf32, #tpu.memory_space<vmem_shared>>
      tpu.wait_dma2 semaphore(%run_scoped3A : memref<!tpu.dma_semaphore, #tpu.memory_space<semaphore_mem>>) src(%dma_wait3A_272 : memref<128x128xf32, #tpu.memory_space<vmem_shared>>) dst(%dma_wait3A_270 : memref<128x128xf32, #tpu.memory_space<hbm>>)
      tpu.yield
    }) : () -> ()
    %add3A_244 = arith.constant 32 : i32
    %add3A_245 = arith.addi %arg1, %add3A_244 : i32
    %mul3A_246 = arith.constant 128 : i32
    %mul3A_247 = arith.muli %add3A_245, %mul3A_246 : i32
    %mul3A_248 = arith.constant 128 : i32
    %mul3A_249 = arith.muli %add3A_245, %mul3A_248 : i32
    "tpu.region"() ({
      %run_scoped3A = tpu.sem_alloc : memref<!tpu.dma_semaphore, #tpu.memory_space<semaphore_mem>>
      %dma_start3A_263 = arith.constant 0 : i32
      %dma_start3A_264 = tpu.memref_slice %arg5[%arg0, %mul3A_249, %dma_start3A_263] : memref<2x10112x128xf32, #tpu.memory_space<hbm>> -> memref<1x128x128xf32, #tpu.memory_space<hbm>>
      %dma_start3A_265 = tpu.memref_squeeze %dma_start3A_264 : memref<1x128x128xf32, #tpu.memory_space<hbm>> -> memref<128x128xf32, #tpu.memory_space<hbm>>
      %dma_start3A_266 = arith.constant 0 : i32
      %dma_start3A_267 = tpu.memref_slice %arg6[%mul3A_247, %dma_start3A_266] : memref<10112x128xf32, #tpu.memory_space<vmem_shared>> -> memref<128x128xf32, #tpu.memory_space<vmem_shared>>
      tpu.enqueue_dma source(%dma_start3A_267 : memref<128x128xf32, #tpu.memory_space<vmem_shared>>) target(%dma_start3A_265 : memref<128x128xf32, #tpu.memory_space<hbm>>) target_semaphore(%run_scoped3A : memref<!tpu.dma_semaphore, #tpu.memory_space<semaphore_mem>>)
      %dma_wait3A_268 = arith.constant 0 : i32
      %dma_wait3A_269 = tpu.memref_slice %arg5[%arg0, %mul3A_249, %dma_wait3A_268] : memref<2x10112x128xf32, #tpu.memory_space<hbm>> -> memref<1x128x128xf32, #tpu.memory_space<hbm>>
      %dma_wait3A_270 = tpu.memref_squeeze %dma_wait3A_269 : memref<1x128x128xf32, #tpu.memory_space<hbm>> -> memref<128x128xf32, #tpu.memory_space<hbm>>
      %dma_wait3A_271 = arith.constant 0 : i32
      %dma_wait3A_272 = tpu.memref_slice %arg6[%mul3A_247, %dma_wait3A_271] : memref<10112x128xf32, #tpu.memory_space<vmem_shared>> -> memref<128x128xf32, #tpu.memory_space<vmem_shared>>
      tpu.wait_dma2 semaphore(%run_scoped3A : memref<!tpu.dma_semaphore, #tpu.memory_space<semaphore_mem>>) src(%dma_wait3A_272 : memref<128x128xf32, #tpu.memory_space<vmem_shared>>) dst(%dma_wait3A_270 : memref<128x128xf32, #tpu.memory_space<hbm>>)
      tpu.yield
    }) : () -> ()
    %add3A_250 = arith.constant 48 : i32
    %add3A_251 = arith.addi %arg1, %add3A_250 : i32
    %mul3A_252 = arith.constant 128 : i32
    %mul3A_253 = arith.muli %add3A_251, %mul3A_252 : i32
    %mul3A_254 = arith.constant 128 : i32
    %mul3A_255 = arith.muli %add3A_251, %mul3A_254 : i32
    "tpu.region"() ({
      %run_scoped3A = tpu.sem_alloc : memref<!tpu.dma_semaphore, #tpu.memory_space<semaphore_mem>>
      %dma_start3A_263 = arith.constant 0 : i32
      %dma_start3A_264 = tpu.memref_slice %arg5[%arg0, %mul3A_255, %dma_start3A_263] : memref<2x10112x128xf32, #tpu.memory_space<hbm>> -> memref<1x128x128xf32, #tpu.memory_space<hbm>>
      %dma_start3A_265 = tpu.memref_squeeze %dma_start3A_264 : memref<1x128x128xf32, #tpu.memory_space<hbm>> -> memref<128x128xf32, #tpu.memory_space<hbm>>
      %dma_start3A_266 = arith.constant 0 : i32
      %dma_start3A_267 = tpu.memref_slice %arg6[%mul3A_253, %dma_start3A_266] : memref<10112x128xf32, #tpu.memory_space<vmem_shared>> -> memref<128x128xf32, #tpu.memory_space<vmem_shared>>
      tpu.enqueue_dma source(%dma_start3A_267 : memref<128x128xf32, #tpu.memory_space<vmem_shared>>) target(%dma_start3A_265 : memref<128x128xf32, #tpu.memory_space<hbm>>) target_semaphore(%run_scoped3A : memref<!tpu.dma_semaphore, #tpu.memory_space<semaphore_mem>>)
      %dma_wait3A_268 = arith.constant 0 : i32
      %dma_wait3A_269 = tpu.memref_slice %arg5[%arg0, %mul3A_255, %dma_wait3A_268] : memref<2x10112x128xf32, #tpu.memory_space<hbm>> -> memref<1x128x128xf32, #tpu.memory_space<hbm>>
      %dma_wait3A_270 = tpu.memref_squeeze %dma_wait3A_269 : memref<1x128x128xf32, #tpu.memory_space<hbm>> -> memref<128x128xf32, #tpu.memory_space<hbm>>
      %dma_wait3A_271 = arith.constant 0 : i32
      %dma_wait3A_272 = tpu.memref_slice %arg6[%mul3A_253, %dma_wait3A_271] : memref<10112x128xf32, #tpu.memory_space<vmem_shared>> -> memref<128x128xf32, #tpu.memory_space<vmem_shared>>
      tpu.wait_dma2 semaphore(%run_scoped3A : memref<!tpu.dma_semaphore, #tpu.memory_space<semaphore_mem>>) src(%dma_wait3A_272 : memref<128x128xf32, #tpu.memory_space<vmem_shared>>) dst(%dma_wait3A_270 : memref<128x128xf32, #tpu.memory_space<hbm>>)
      tpu.yield
    }) : () -> ()
    %add3A_256 = arith.constant 64 : i32
    %add3A_257 = arith.addi %arg1, %add3A_256 : i32
    %lt3A_258 = arith.constant 79 : i32
    %lt3A_259 = arith.cmpi slt, %add3A_257, %lt3A_258 : i32
    %convert_element_type3A_260 = arith.extui %lt3A_259 : i1 to i32
    %cond3A_261 = arith.constant 0 : i32
    %cond3A_262 = arith.cmpi ne, %convert_element_type3A_260, %cond3A_261 : i32
    scf.if %cond3A_262 {
      %mul3A_263 = arith.constant 128 : i32
      %mul3A_264 = arith.muli %add3A_257, %mul3A_263 : i32
      %mul3A_265 = arith.constant 128 : i32
      %mul3A_266 = arith.muli %add3A_257, %mul3A_265 : i32
      "tpu.region"() ({
        %run_scoped3A = tpu.sem_alloc : memref<!tpu.dma_semaphore, #tpu.memory_space<semaphore_mem>>
        %dma_start3A_267 = arith.constant 0 : i32
        %dma_start3A_268 = tpu.memref_slice %arg5[%arg0, %mul3A_266, %dma_start3A_267] : memref<2x10112x128xf32, #tpu.memory_space<hbm>> -> memref<1x128x128xf32, #tpu.memory_space<hbm>>
        %dma_start3A_269 = tpu.memref_squeeze %dma_start3A_268 : memref<1x128x128xf32, #tpu.memory_space<hbm>> -> memref<128x128xf32, #tpu.memory_space<hbm>>
        %dma_start3A_270 = arith.constant 0 : i32
        %dma_start3A_271 = tpu.memref_slice %arg6[%mul3A_264, %dma_start3A_270] : memref<10112x128xf32, #tpu.memory_space<vmem_shared>> -> memref<128x128xf32, #tpu.memory_space<vmem_shared>>
        tpu.enqueue_dma source(%dma_start3A_271 : memref<128x128xf32, #tpu.memory_space<vmem_shared>>) target(%dma_start3A_269 : memref<128x128xf32, #tpu.memory_space<hbm>>) target_semaphore(%run_scoped3A : memref<!tpu.dma_semaphore, #tpu.memory_space<semaphore_mem>>)
        %dma_wait3A_272 = arith.constant 0 : i32
        %dma_wait3A_273 = tpu.memref_slice %arg5[%arg0, %mul3A_266, %dma_wait3A_272] : memref<2x10112x128xf32, #tpu.memory_space<hbm>> -> memref<1x128x128xf32, #tpu.memory_space<hbm>>
        %dma_wait3A_274 = tpu.memref_squeeze %dma_wait3A_273 : memref<1x128x128xf32, #tpu.memory_space<hbm>> -> memref<128x128xf32, #tpu.memory_space<hbm>>
        %dma_wait3A_275 = arith.constant 0 : i32
        %dma_wait3A_276 = tpu.memref_slice %arg6[%mul3A_264, %dma_wait3A_275] : memref<10112x128xf32, #tpu.memory_space<vmem_shared>> -> memref<128x128xf32, #tpu.memory_space<vmem_shared>>
        tpu.wait_dma2 semaphore(%run_scoped3A : memref<!tpu.dma_semaphore, #tpu.memory_space<semaphore_mem>>) src(%dma_wait3A_276 : memref<128x128xf32, #tpu.memory_space<vmem_shared>>) dst(%dma_wait3A_274 : memref<128x128xf32, #tpu.memory_space<hbm>>)
        tpu.yield
      }) : () -> ()
    } else {
    }
    return
  }
}

module attributes {stable_mosaic.version = 14 : i64} {
  func.func @_lin2_kernel(%arg0: i32, %arg1: memref<400x128xf32, #tpu.memory_space<vmem>>, %arg2: memref<128x128xf32, #tpu.memory_space<vmem>>, %arg3: memref<128x128xf32, #tpu.memory_space<vmem>>, %arg4: memref<1x128xf32, #tpu.memory_space<vmem>>, %arg5: memref<400x128xf32, #tpu.memory_space<vmem>>, %arg6: memref<400x128xf32, #tpu.memory_space<vmem>>) attributes {dimension_semantics = [#tpu.dimension_semantics<arbitrary>], iteration_bounds = array<i64: 25>, scalar_prefetch = 0 : i64, scratch_operands = 0 : i64, tpu.core_type = #tpu.core_type<tc>, window_params = [{transform_indices = @transform_0, window_bounds = array<i64: 400, 128>}, {pipeline_mode = #tpu.pipeline_mode<synchronous>, transform_indices = @transform_1, window_bounds = array<i64: 128, 128>}, {pipeline_mode = #tpu.pipeline_mode<synchronous>, transform_indices = @transform_2, window_bounds = array<i64: 128, 128>}, {pipeline_mode = #tpu.pipeline_mode<synchronous>, transform_indices = @transform_3, window_bounds = array<i64: 1, 128>}, {transform_indices = @transform_4, window_bounds = array<i64: 400, 128>}, {transform_indices = @transform_5, window_bounds = array<i64: 400, 128>}]} {
    %get3A = arith.constant 0 : index
    %get3A_0 = arith.constant 0 : index
    %get3A_1 = vector.load %arg1[%get3A, %get3A_0] : memref<400x128xf32, #tpu.memory_space<vmem>>, vector<400x128xf32>
    %get3A_2 = arith.constant 0 : index
    %get3A_3 = arith.constant 0 : index
    %get3A_4 = vector.load %arg2[%get3A_2, %get3A_3] : memref<128x128xf32, #tpu.memory_space<vmem>>, vector<128x128xf32>
    %dot_general3A = arith.constant dense<0.000000e+00> : vector<400x128xf32>
    %dot_general3A_5 = tpu.matmul %get3A_1, %get3A_4, %dot_general3A {dimension_numbers = #tpu.dot_dimension_numbers<[1], [1], [0], [0], [0, 0, 1, 0], [], []>, precision = #tpu.contract_precision<fp32>, transpose_lhs_hint = false} : vector<400x128xf32>, vector<128x128xf32>, vector<400x128xf32> -> vector<400x128xf32>
    %swap3A = arith.constant 0 : index
    %swap3A_6 = arith.constant 0 : index
    %swap3A_7 = vector.load %arg5[%swap3A, %swap3A_6] : memref<400x128xf32, #tpu.memory_space<vmem>>, vector<400x128xf32>
    tpu.vector_store %arg5[%swap3A, %swap3A_6], %dot_general3A_5 {strides = array<i32>} : memref<400x128xf32, #tpu.memory_space<vmem>>, vector<400x128xf32>,
    %get3A_8 = arith.constant 0 : index
    %get3A_9 = arith.constant 0 : index
    %get3A_10 = vector.load %arg3[%get3A_8, %get3A_9] : memref<128x128xf32, #tpu.memory_space<vmem>>, vector<128x128xf32>
    %dot_general3A_11 = arith.constant dense<0.000000e+00> : vector<400x128xf32>
    %dot_general3A_12 = tpu.matmul %get3A_1, %get3A_10, %dot_general3A_11 {dimension_numbers = #tpu.dot_dimension_numbers<[1], [1], [0], [0], [0, 0, 1, 0], [], []>, precision = #tpu.contract_precision<fp32>, transpose_lhs_hint = false} : vector<400x128xf32>, vector<128x128xf32>, vector<400x128xf32> -> vector<400x128xf32>
    %get3A_13 = arith.constant 0 : index
    %get3A_14 = arith.constant 0 : index
    %get3A_15 = vector.load %arg4[%get3A_13, %get3A_14] : memref<1x128xf32, #tpu.memory_space<vmem>>, vector<1x128xf32>
    %add3A = vector.broadcast %get3A_15 : vector<1x128xf32> to vector<400x128xf32>
    %add3A_16 = arith.addf %dot_general3A_12, %add3A : vector<400x128xf32>
    %swap3A_17 = arith.constant 0 : index
    %swap3A_18 = arith.constant 0 : index
    %swap3A_19 = vector.load %arg6[%swap3A_17, %swap3A_18] : memref<400x128xf32, #tpu.memory_space<vmem>>, vector<400x128xf32>
    tpu.vector_store %arg6[%swap3A_17, %swap3A_18], %add3A_16 {strides = array<i32>} : memref<400x128xf32, #tpu.memory_space<vmem>>, vector<400x128xf32>,
    return
  }
  func.func @transform_0(%arg0: i32) -> (i32, i32) {
    %c0_i32 = arith.constant 0 : i32
    %c0_i32_0 = arith.constant 0 : i32
    return %arg0, %c0_i32 : i32, i32
  }
  func.func @transform_1(%arg0: i32) -> (i32, i32) {
    %c0_i32 = arith.constant 0 : i32
    %c0_i32_0 = arith.constant 0 : i32
    %c0_i32_1 = arith.constant 0 : i32
    return %c0_i32, %c0_i32_0 : i32, i32
  }
  func.func @transform_2(%arg0: i32) -> (i32, i32) {
    %c0_i32 = arith.constant 0 : i32
    %c0_i32_0 = arith.constant 0 : i32
    %c0_i32_1 = arith.constant 0 : i32
    return %c0_i32, %c0_i32_0 : i32, i32
  }
  func.func @transform_3(%arg0: i32) -> (i32, i32) {
    %c0_i32 = arith.constant 0 : i32
    %c0_i32_0 = arith.constant 0 : i32
    %c0_i32_1 = arith.constant 0 : i32
    return %c0_i32, %c0_i32_0 : i32, i32
  }
  func.func @transform_4(%arg0: i32) -> (i32, i32) {
    %c0_i32 = arith.constant 0 : i32
    %c0_i32_0 = arith.constant 0 : i32
    return %arg0, %c0_i32 : i32, i32
  }
  func.func @transform_5(%arg0: i32) -> (i32, i32) {
    %c0_i32 = arith.constant 0 : i32
    %c0_i32_0 = arith.constant 0 : i32
    return %arg0, %c0_i32 : i32, i32
  }
}

module attributes {stable_mosaic.version = 14 : i64} {
  func.func @_inv_kernel(%arg0: i32, %arg1: memref<32x128xf32, #tpu.memory_space<vmem>>, %arg2: memref<128x1xf32, #tpu.memory_space<vmem>>) attributes {dimension_semantics = [#tpu.dimension_semantics<arbitrary>], iteration_bounds = array<i64: 79>, scalar_prefetch = 0 : i64, scratch_operands = 0 : i64, tpu.core_type = #tpu.core_type<tc>, window_params = [{transform_indices = @transform_0, window_bounds = array<i64: 32, 128>}, {transform_indices = @transform_1, window_bounds = array<i64: 128, 1>}]} {
    %get3A = arith.constant 0 : index
    %get3A_0 = arith.constant 0 : index
    %get3A_1 = vector.load %arg1[%get3A, %get3A_0] : memref<32x128xf32, #tpu.memory_space<vmem>>, vector<32x128xf32>
    %reduce_sum3A = arith.constant dense<0.000000e+00> : vector<128xf32>
    %reduce_sum3A_2 = vector.multi_reduction <add>, %get3A_1, %reduce_sum3A [0] : vector<32x128xf32> to vector<128xf32>
    %max3A = arith.constant 1.000000e+00 : f32
    %max3A_3 = vector.broadcast %max3A : f32 to vector<128xf32>
    %max3A_4 = arith.maximumf %reduce_sum3A_2, %max3A_3 : vector<128xf32>
    %div3A = arith.constant 1.000000e+00 : f32
    %div3A_5 = vector.broadcast %div3A : f32 to vector<128xf32>
    %div3A_6 = arith.divf %div3A_5, %max3A_4 : vector<128xf32>
    %broadcast_in_dim3A = vector.shape_cast %div3A_6 : vector<128xf32> to vector<128x1xf32>
    %swap3A = arith.constant 0 : index
    %swap3A_7 = arith.constant 0 : index
    %swap3A_8 = vector.load %arg2[%swap3A, %swap3A_7] : memref<128x1xf32, #tpu.memory_space<vmem>>, vector<128x1xf32>
    tpu.vector_store %arg2[%swap3A, %swap3A_7], %broadcast_in_dim3A {strides = array<i32>} : memref<128x1xf32, #tpu.memory_space<vmem>>, vector<128x1xf32>,
    return
  }
  func.func @transform_0(%arg0: i32) -> (i32, i32) {
    %c0_i32 = arith.constant 0 : i32
    %c0_i32_0 = arith.constant 0 : i32
    return %c0_i32, %arg0 : i32, i32
  }
  func.func @transform_1(%arg0: i32) -> (i32, i32) {
    %c0_i32 = arith.constant 0 : i32
    %c0_i32_0 = arith.constant 0 : i32
    return %arg0, %c0_i32 : i32, i32
  }
}

module attributes {stable_mosaic.version = 14 : i64} {
  func.func @_mid_kernel(%arg0: i32, %arg1: memref<1x400x128xf32, #tpu.memory_space<vmem>>, %arg2: memref<1x400x128xf32, #tpu.memory_space<vmem>>, %arg3: memref<400x1xf32, #tpu.memory_space<vmem>>, %arg4: memref<400x128xf32, #tpu.memory_space<vmem>>, %arg5: memref<128x128xf32, #tpu.memory_space<vmem>>, %arg6: memref<128x128xf32, #tpu.memory_space<vmem>>, %arg7: memref<1x128xf32, #tpu.memory_space<vmem>>, %arg8: memref<400x128xf32, #tpu.memory_space<vmem>>, %arg9: memref<400x128xf32, #tpu.memory_space<vmem>>) attributes {dimension_semantics = [#tpu.dimension_semantics<arbitrary>], iteration_bounds = array<i64: 25>, scalar_prefetch = 0 : i64, scratch_operands = 0 : i64, tpu.core_type = #tpu.core_type<tc>, window_params = [{transform_indices = @transform_0, window_bounds = array<i64: 1, 400, 128>}, {transform_indices = @transform_1, window_bounds = array<i64: 1, 400, 128>}, {transform_indices = @transform_2, window_bounds = array<i64: 400, 1>}, {transform_indices = @transform_3, window_bounds = array<i64: 400, 128>}, {pipeline_mode = #tpu.pipeline_mode<synchronous>, transform_indices = @transform_4, window_bounds = array<i64: 128, 128>}, {pipeline_mode = #tpu.pipeline_mode<synchronous>, transform_indices = @transform_5, window_bounds = array<i64: 128, 128>}, {pipeline_mode = #tpu.pipeline_mode<synchronous>, transform_indices = @transform_6, window_bounds = array<i64: 1, 128>}, {transform_indices = @transform_7, window_bounds = array<i64: 400, 128>}, {transform_indices = @transform_8, window_bounds = array<i64: 400, 128>}]} {
    %get3A = arith.constant 0 : index
    %get3A_0 = arith.constant 0 : index
    %get3A_1 = arith.constant 0 : index
    %get3A_2 = vector.load %arg1[%get3A, %get3A_0, %get3A_1] : memref<1x400x128xf32, #tpu.memory_space<vmem>>, vector<1x400x128xf32>
    %get3A_3 = vector.shape_cast %get3A_2 : vector<1x400x128xf32> to vector<400x128xf32>
    %get3A_4 = arith.constant 0 : index
    %get3A_5 = arith.constant 0 : index
    %get3A_6 = arith.constant 0 : index
    %get3A_7 = vector.load %arg2[%get3A_4, %get3A_5, %get3A_6] : memref<1x400x128xf32, #tpu.memory_space<vmem>>, vector<1x400x128xf32>
    %get3A_8 = vector.shape_cast %get3A_7 : vector<1x400x128xf32> to vector<400x128xf32>
    %add3A = arith.addf %get3A_3, %get3A_8 : vector<400x128xf32>
    %get3A_9 = arith.constant 0 : index
    %get3A_10 = arith.constant 0 : index
    %get3A_11 = vector.load %arg3[%get3A_9, %get3A_10] : memref<400x1xf32, #tpu.memory_space<vmem>>, vector<400x1xf32>
    %mul3A = vector.broadcast %get3A_11 : vector<400x1xf32> to vector<400x128xf32>
    %mul3A_12 = arith.mulf %add3A, %mul3A : vector<400x128xf32>
    %get3A_13 = arith.constant 0 : index
    %get3A_14 = arith.constant 0 : index
    %get3A_15 = vector.load %arg4[%get3A_13, %get3A_14] : memref<400x128xf32, #tpu.memory_space<vmem>>, vector<400x128xf32>
    %add3A_16 = arith.addf %mul3A_12, %get3A_15 : vector<400x128xf32>
    %max3A = arith.constant 0.000000e+00 : f32
    %max3A_17 = vector.broadcast %max3A : f32 to vector<400x128xf32>
    %max3A_18 = arith.maximumf %add3A_16, %max3A_17 : vector<400x128xf32>
    %get3A_19 = arith.constant 0 : index
    %get3A_20 = arith.constant 0 : index
    %get3A_21 = vector.load %arg5[%get3A_19, %get3A_20] : memref<128x128xf32, #tpu.memory_space<vmem>>, vector<128x128xf32>
    %dot_general3A = arith.constant dense<0.000000e+00> : vector<400x128xf32>
    %dot_general3A_22 = tpu.matmul %max3A_18, %get3A_21, %dot_general3A {dimension_numbers = #tpu.dot_dimension_numbers<[1], [1], [0], [0], [0, 0, 1, 0], [], []>, precision = #tpu.contract_precision<fp32>, transpose_lhs_hint = false} : vector<400x128xf32>, vector<128x128xf32>, vector<400x128xf32> -> vector<400x128xf32>
    %swap3A = arith.constant 0 : index
    %swap3A_23 = arith.constant 0 : index
    %swap3A_24 = vector.load %arg8[%swap3A, %swap3A_23] : memref<400x128xf32, #tpu.memory_space<vmem>>, vector<400x128xf32>
    tpu.vector_store %arg8[%swap3A, %swap3A_23], %dot_general3A_22 {strides = array<i32>} : memref<400x128xf32, #tpu.memory_space<vmem>>, vector<400x128xf32>,
    %get3A_25 = arith.constant 0 : index
    %get3A_26 = arith.constant 0 : index
    %get3A_27 = vector.load %arg6[%get3A_25, %get3A_26] : memref<128x128xf32, #tpu.memory_space<vmem>>, vector<128x128xf32>
    %dot_general3A_28 = arith.constant dense<0.000000e+00> : vector<400x128xf32>
    %dot_general3A_29 = tpu.matmul %max3A_18, %get3A_27, %dot_general3A_28 {dimension_numbers = #tpu.dot_dimension_numbers<[1], [1], [0], [0], [0, 0, 1, 0], [], []>, precision = #tpu.contract_precision<fp32>, transpose_lhs_hint = false} : vector<400x128xf32>, vector<128x128xf32>, vector<400x128xf32> -> vector<400x128xf32>
    %get3A_30 = arith.constant 0 : index
    %get3A_31 = arith.constant 0 : index
    %get3A_32 = vector.load %arg7[%get3A_30, %get3A_31] : memref<1x128xf32, #tpu.memory_space<vmem>>, vector<1x128xf32>
    %add3A_33 = vector.broadcast %get3A_32 : vector<1x128xf32> to vector<400x128xf32>
    %add3A_34 = arith.addf %dot_general3A_29, %add3A_33 : vector<400x128xf32>
    %swap3A_35 = arith.constant 0 : index
    %swap3A_36 = arith.constant 0 : index
    %swap3A_37 = vector.load %arg9[%swap3A_35, %swap3A_36] : memref<400x128xf32, #tpu.memory_space<vmem>>, vector<400x128xf32>
    tpu.vector_store %arg9[%swap3A_35, %swap3A_36], %add3A_34 {strides = array<i32>} : memref<400x128xf32, #tpu.memory_space<vmem>>, vector<400x128xf32>,
    return
  }
  func.func @transform_0(%arg0: i32) -> (i32, i32, i32) {
    %c0_i32 = arith.constant 0 : i32
    %c0_i32_0 = arith.constant 0 : i32
    %c0_i32_1 = arith.constant 0 : i32
    return %c0_i32, %arg0, %c0_i32_0 : i32, i32, i32
  }
  func.func @transform_1(%arg0: i32) -> (i32, i32, i32) {
    %c1_i32 = arith.constant 1 : i32
    %c0_i32 = arith.constant 0 : i32
    %c0_i32_0 = arith.constant 0 : i32
    return %c1_i32, %arg0, %c0_i32 : i32, i32, i32
  }
  func.func @transform_2(%arg0: i32) -> (i32, i32) {
    %c0_i32 = arith.constant 0 : i32
    %c0_i32_0 = arith.constant 0 : i32
    return %arg0, %c0_i32 : i32, i32
  }
  func.func @transform_3(%arg0: i32) -> (i32, i32) {
    %c0_i32 = arith.constant 0 : i32
    %c0_i32_0 = arith.constant 0 : i32
    return %arg0, %c0_i32 : i32, i32
  }
  func.func @transform_4(%arg0: i32) -> (i32, i32) {
    %c0_i32 = arith.constant 0 : i32
    %c0_i32_0 = arith.constant 0 : i32
    %c0_i32_1 = arith.constant 0 : i32
    return %c0_i32, %c0_i32_0 : i32, i32
  }
  func.func @transform_5(%arg0: i32) -> (i32, i32) {
    %c0_i32 = arith.constant 0 : i32
    %c0_i32_0 = arith.constant 0 : i32
    %c0_i32_1 = arith.constant 0 : i32
    return %c0_i32, %c0_i32_0 : i32, i32
  }
  func.func @transform_6(%arg0: i32) -> (i32, i32) {
    %c0_i32 = arith.constant 0 : i32
    %c0_i32_0 = arith.constant 0 : i32
    %c0_i32_1 = arith.constant 0 : i32
    return %c0_i32, %c0_i32_0 : i32, i32
  }
  func.func @transform_7(%arg0: i32) -> (i32, i32) {
    %c0_i32 = arith.constant 0 : i32
    %c0_i32_0 = arith.constant 0 : i32
    return %arg0, %c0_i32 : i32, i32
  }
  func.func @transform_8(%arg0: i32) -> (i32, i32) {
    %c0_i32 = arith.constant 0 : i32
    %c0_i32_0 = arith.constant 0 : i32
    return %arg0, %c0_i32 : i32, i32
  }
}

module attributes {stable_mosaic.version = 14 : i64} {
  func.func @_final_kernel(%arg0: i32, %arg1: memref<1x400x128xf32, #tpu.memory_space<vmem>>, %arg2: memref<1x400x128xf32, #tpu.memory_space<vmem>>, %arg3: memref<400x1xf32, #tpu.memory_space<vmem>>, %arg4: memref<400x128xf32, #tpu.memory_space<vmem>>, %arg5: memref<400x128xf32, #tpu.memory_space<vmem>>) attributes {dimension_semantics = [#tpu.dimension_semantics<arbitrary>], iteration_bounds = array<i64: 25>, scalar_prefetch = 0 : i64, scratch_operands = 0 : i64, tpu.core_type = #tpu.core_type<tc>, window_params = [{transform_indices = @transform_0, window_bounds = array<i64: 1, 400, 128>}, {transform_indices = @transform_1, window_bounds = array<i64: 1, 400, 128>}, {transform_indices = @transform_2, window_bounds = array<i64: 400, 1>}, {transform_indices = @transform_3, window_bounds = array<i64: 400, 128>}, {transform_indices = @transform_4, window_bounds = array<i64: 400, 128>}]} {
    %get3A = arith.constant 0 : index
    %get3A_0 = arith.constant 0 : index
    %get3A_1 = arith.constant 0 : index
    %get3A_2 = vector.load %arg1[%get3A, %get3A_0, %get3A_1] : memref<1x400x128xf32, #tpu.memory_space<vmem>>, vector<1x400x128xf32>
    %get3A_3 = vector.shape_cast %get3A_2 : vector<1x400x128xf32> to vector<400x128xf32>
    %get3A_4 = arith.constant 0 : index
    %get3A_5 = arith.constant 0 : index
    %get3A_6 = arith.constant 0 : index
    %get3A_7 = vector.load %arg2[%get3A_4, %get3A_5, %get3A_6] : memref<1x400x128xf32, #tpu.memory_space<vmem>>, vector<1x400x128xf32>
    %get3A_8 = vector.shape_cast %get3A_7 : vector<1x400x128xf32> to vector<400x128xf32>
    %add3A = arith.addf %get3A_3, %get3A_8 : vector<400x128xf32>
    %get3A_9 = arith.constant 0 : index
    %get3A_10 = arith.constant 0 : index
    %get3A_11 = vector.load %arg3[%get3A_9, %get3A_10] : memref<400x1xf32, #tpu.memory_space<vmem>>, vector<400x1xf32>
    %mul3A = vector.broadcast %get3A_11 : vector<400x1xf32> to vector<400x128xf32>
    %mul3A_12 = arith.mulf %add3A, %mul3A : vector<400x128xf32>
    %get3A_13 = arith.constant 0 : index
    %get3A_14 = arith.constant 0 : index
    %get3A_15 = vector.load %arg4[%get3A_13, %get3A_14] : memref<400x128xf32, #tpu.memory_space<vmem>>, vector<400x128xf32>
    %add3A_16 = arith.addf %mul3A_12, %get3A_15 : vector<400x128xf32>
    %swap3A = arith.constant 0 : index
    %swap3A_17 = arith.constant 0 : index
    %swap3A_18 = vector.load %arg5[%swap3A, %swap3A_17] : memref<400x128xf32, #tpu.memory_space<vmem>>, vector<400x128xf32>
    tpu.vector_store %arg5[%swap3A, %swap3A_17], %add3A_16 {strides = array<i32>} : memref<400x128xf32, #tpu.memory_space<vmem>>, vector<400x128xf32>,
    return
  }
  func.func @transform_0(%arg0: i32) -> (i32, i32, i32) {
    %c0_i32 = arith.constant 0 : i32
    %c0_i32_0 = arith.constant 0 : i32
    %c0_i32_1 = arith.constant 0 : i32
    return %c0_i32, %arg0, %c0_i32_0 : i32, i32, i32
  }
  func.func @transform_1(%arg0: i32) -> (i32, i32, i32) {
    %c1_i32 = arith.constant 1 : i32
    %c0_i32 = arith.constant 0 : i32
    %c0_i32_0 = arith.constant 0 : i32
    return %c1_i32, %arg0, %c0_i32 : i32, i32, i32
  }
  func.func @transform_2(%arg0: i32) -> (i32, i32) {
    %c0_i32 = arith.constant 0 : i32
    %c0_i32_0 = arith.constant 0 : i32
    return %arg0, %c0_i32 : i32, i32
  }
  func.func @transform_3(%arg0: i32) -> (i32, i32) {
    %c0_i32 = arith.constant 0 : i32
    %c0_i32_0 = arith.constant 0 : i32
    return %arg0, %c0_i32 : i32, i32
  }
  func.func @transform_4(%arg0: i32) -> (i32, i32) {
    %c0_i32 = arith.constant 0 : i32
    %c0_i32_0 = arith.constant 0 : i32
    return %arg0, %c0_i32 : i32, i32
  }
}

</mosaic_0001>

<sc_bundles>
// kernel: kernel.11.cloned.1.call-start
scs
__scs_entry_jumppad:
0x0: {  	(pc) =	sbr.rel $0x88, $3  }
0x1: {  	(tag) =	ssettag $0x0;
	lr =	simm.s32 $0x1  }
0x2: {  	[smem:$0x3F99] =	sst lr;
	_ =	strace $0xD0000000  }
0x3: {  	_ = 	snop  }
0x4: {  	_ = 	snop  }
0x5: {  	_ = 	snop  }
0x6: {  	_ = 	snop  }
0x7: {  	_ = 	snop  }
__scs_overlays_trampoline_lowered:
0x8: {  	[smem:$0x3FA8] =	sst s0  }
0x9: {  	[smem:$0x3FA9] =	sst s1  }
0xa: {  	[smem:$0x3FAA] =	sst s2  }
0xb: {  	[smem:$0x3FAB] =	sst s3  }
0xc: {  	[smem:$0x3FAC] =	sst s4  }
0xd: {  	[smem:$0x3FAD] =	sst s5  }
0xe: {  	[smem:$0x3FAE] =	sst s6  }
0xf: {  	[smem:$0x3FAF] =	sst s7  }
0x10: {  	[smem:$0x3FB0] =	sst s8  }
0x11: {  	[smem:$0x3FB1] =	sst s9;
	s0 =	simm.s32 @!p0 $0x0  }
0x12: {  	s1 =	sld [smem:$0x3F97];
	s0 =	simm.s32 @p0 $0x1  }
0x13: {  	[smem:$0x3FB2] =	sst s0;
	s0 =	simm.s32 @!p1 $0x0  }
0x14: {  	s2 =	sld [smem:$0x3F96];
	s0 =	simm.s32 @p1 $0x1  }
0x15: {  	[smem:$0x3FB3] =	sst s0;
	s0 =	simm.s32 @!p2 $0x0  }
0x16: {  	s3 =	sld [smem:$0x3FDB];
	s0 =	simm.s32 @p2 $0x1  }
0x17: {  	s4 =	simm.s32 $0x1BF5;
	[smem:$0x3FB5] =	sst s0  }
0x18: {  	s0 =	sld [smem:$0x3F98];
	_ =	swait.ge [sflag:s4], $0x0  }
0x19: {  	s7 =	sld [smem:$0x3F99]  }
0x1a: {  	s8 =	sadd.s32 $0xFFFFE003, lr  }
0x1b: {  	s9 =	sadd.s32 $0xFFFFFEF7, lr;
	s5 =	simm.s32 $0xFFFFFFFF;
	p2 =	slt.u32 s8, $0xFFFFF086  }
0x1c: {  	p1 =	slt.u32 s9, $0xF7A;
	s5 =	simm.s32 @!p2 $0x0  }
0x1d: {  	s5 =	simm.s32 @p1 $0x1;
	p0 =	seq.s32 s7, s2  }
0x1e: {  	s7 =	smul.u32 @!p0 $0xF7A, s2;
	p2 =	seq.s32 @!p0 s5, $0x0  }
0x1f: {  	s9 =	smul.u32 $0xF7A, s1;
	s8 =	simm.s32 @!p0 $0x1BF5;
	p2 =	por !p2, p0  }
0x20: {  	[sflag:s8] =	ssyncset.s32 @!p0 $0xFFFFF086;
	s6 =	sadd.s32 @!p0 s3, s7;
	s7 =	simm.s32 @!p0 $0x108  }
0x21: {  	s3 =	sadd.s32 s3, s9;
	s6 =	sadd.s32 @!p0 $0x88, s6;
	s7 =	simm.s32 @p2 $0x1082  }
0x22: {  	[simem:s7], [sflag:s8] =	dma.local @!p0 [hbm:s6], $0xF7A  }
0x23: {  	s9 =	sor.u32 $0xD0000000, s2;
	s6 =	simm.s32 $0x108;
	_ =	swait.ge @!p0 [sflag:s8], $0x0  }
0x24: {  	s3 =	sadd.s32 $0x88, s3;
	s6 =	simm.s32 @!p1 $0x1082;
	[sflag:s4] =	ssyncset.s32 $0xFFFFF086  }
0x25: {  	[simem:s6], [sflag:s4] =	dma.local [hbm:s3], $0xF7A  }
0x26: {  	[smem:$0x3F99] =	sst s1;
	(tag) =	ssettag s2;
	_ =	strace s9  }
0x27: {  	s1 =	sld [smem:$0x3FA9]  }
0x28: {  	s2 =	sld [smem:$0x3FAA]  }
0x29: {  	s4 =	sld [smem:$0x3FAC]  }
0x2a: {  	p0 =	seq.s32 s5, $0x0;
	s5 =	sld [smem:$0x3FAD]  }
0x2b: {  	s6 =	sld [smem:$0x3FAE]  }
0x2c: {  	s7 =	sld [smem:$0x3FAF]  }
0x2d: {  	s3 =	simm.s32 $0x108;
	s8 =	sld [smem:$0x3FB0]  }
0x2e: {  	s3 =	simm.s32 @!p0 $0x1082;
	s9 =	sld [smem:$0x3FB1]  }
0x2f: {  	lr =	sadd.s32 s0, s3;
	s0 =	sld [smem:$0x3FA8]  }
0x30: {  	s3 =	sld [smem:$0x3FAB]  }
0x31: {  	[smem:$0x3FB4] =	sst s10  }
0x32: {  	s10 =	sld [smem:$0x3FB2];
	_ =	sdelay $0x3  }
0x33: {  	p0 =	seq.s32 s10, $0x1;
	s10 =	sld [smem:$0x3FB4];
	_ =	sdelay $0x3  }
0x34: {  	[smem:$0x3FB4] =	sst s10  }
0x35: {  	s10 =	sld [smem:$0x3FB3];
	_ =	sdelay $0x3  }
0x36: {  	p1 =	seq.s32 s10, $0x1;
	s10 =	sld [smem:$0x3FB4];
	_ =	sdelay $0x3  }
0x37: {  	[smem:$0x3FB4] =	sst s10  }
0x38: {  	s10 =	sld [smem:$0x3FB5]  }
0x39: {  	_ = 	snop;
	(pc) =	sbr.ind lr, $3  }
0x3a: {  	_ = 	snop  }
0x3b: {  	_ = 	snop  }
0x3c: {  	p2 =	seq.s32 s10, $0x1;
	s10 =	sld [smem:$0x3FB4]  }
0x3d: {  	_ =	shalt  }
0x3e: {  	_ =	shalt  }
0x3f: {  	_ =	shalt  }
0x40: {  	_ =	shalt  }
0x41: {  	_ =	shalt  }
0x42: {  	_ =	shalt  }
0x43: {  	_ =	shalt  }
0x44: {  	_ =	shalt  }
0x45: {  	_ =	shalt  }
0x46: {  	_ =	shalt  }
0x47: {  	_ =	shalt  }
0x48: {  	_ =	shalt  }
0x49: {  	_ =	shalt  }
0x4a: {  	_ =	shalt  }
0x4b: {  	_ =	shalt  }
0x4c: {  	_ =	shalt  }
0x4d: {  	_ =	shalt  }
0x4e: {  	_ =	shalt  }
0x4f: {  	_ =	shalt  }
0x50: {  	_ =	shalt  }
0x51: {  	_ =	shalt  }
0x52: {  	_ =	shalt  }
0x53: {  	_ =	shalt  }
0x54: {  	_ =	shalt  }
0x55: {  	_ =	shalt  }
0x56: {  	_ =	shalt  }
0x57: {  	_ =	shalt  }
0x58: {  	_ =	shalt  }
0x59: {  	_ =	shalt  }
0x5a: {  	_ =	shalt  }
0x5b: {  	_ =	shalt  }
0x5c: {  	_ =	shalt  }
0x5d: {  	_ =	shalt  }
0x5e: {  	_ =	shalt  }
0x5f: {  	_ =	shalt  }
0x60: {  	_ =	shalt  }
0x61: {  	_ =	shalt  }
0x62: {  	_ =	shalt  }
0x63: {  	_ =	shalt  }
0x64: {  	_ =	shalt  }
0x65: {  	_ =	shalt  }
0x66: {  	_ =	shalt  }
0x67: {  	_ =	shalt  }
0x68: {  	_ =	shalt  }
0x69: {  	_ =	shalt  }
0x6a: {  	_ =	shalt  }
0x6b: {  	_ =	shalt  }
0x6c: {  	_ =	shalt  }
0x6d: {  	_ =	shalt  }
0x6e: {  	_ =	shalt  }
0x6f: {  	_ =	shalt  }
0x70: {  	_ =	shalt  }
0x71: {  	_ =	shalt  }
0x72: {  	_ =	shalt  }
0x73: {  	_ =	shalt  }
0x74: {  	_ =	shalt  }
0x75: {  	_ =	shalt  }
0x76: {  	_ =	shalt  }
0x77: {  	_ =	shalt  }
0x78: {  	_ =	shalt  }
0x79: {  	_ =	shalt  }
0x7a: {  	_ =	shalt  }
0x7b: {  	_ =	shalt  }
0x7c: {  	_ =	shalt  }
0x7d: {  	_ =	shalt  }
0x7e: {  	_ =	shalt  }
0x7f: {  	_ =	shalt  }
0x80: {  	_ =	shalt  }
0x81: {  	_ =	shalt  }
0x82: {  	_ =	shalt  }
0x83: {  	_ =	shalt  }
0x84: {  	_ =	shalt  }
0x85: {  	_ =	shalt  }
0x86: {  	_ =	shalt  }
0x87: {  	_ =	shalt  }
.Lfunc_end0:
.L_simem_size_0:
called_computation.1_lowered:
.L_overlay_start_0:
0x88: {  	s2 =	sld [smem:$0x3FD9]  }
0x89: {  	s3 =	sld [smem:$0x3FFE];
	_ =	sdelay $0x1  }
0x8a: {  	s1 =	srdreg.scid  }
0x8b: {  	s0 =	sand.u32 $0x1, s1  }
0x8c: {  	s17 =	sshll.u32 s0, $0xA;
	s2 =	sadd.s32 s3, s2  }
0x8d: {  	s2 =	sadd.s32 s2, s17  }
0x8e: {  	[smem:$0x3FC0] =	sst s2  }
0x8f: {  	_ = 	snop  }
0x90: {  	s2 =	sld [smem:$0x3FD0];
	(tm) =	ssettm $0x1  }
0x91: {  	s18 =	sld [smem:$0x3FFB];
	_ =	sdelay $0x3  }
0x92: {  	_ =	strace s18  }
0x93: {  	s3 =	sld [smem:$0x3FFC];
	_ =	sdelay $0x3  }
0x94: {  	_ =	strace s3  }
0x95: {  	s3 =	sld [smem:$0x3FFD];
	_ =	sdelay $0x3  }
0x96: {  	_ =	strace s3  }
0x97: {  	_ =	strace $0x8FFFFFFF  }
0x98: {  	s19 =	sld [smem:$0x3FDB];
	_ =	sdelay $0x1  }
0x99: {  	s4 =	simm.s32 $_scs_section_size  }
0x9a: {  	s5 =	simm.s32 $_size__tile_overlayer_lowered;
	s6 =	simm.s32 $_tile_overlayer_lowered  }
0x9b: {  	s22 =	simm.s32 $0x1BFF;
	s21 =	sshll.u32 s6, $0x1;
	s3 =	sadd.s32 s4, s19  }
0x9c: {  	s7 =	simm.s32 $0x0;
	s20 =	sshll.u32 s5, $0x1;
	s5 =	sadd.s32 s21, s3  }
0x9d: {  	[timem:s7], [sflag:s22] =	dma.local [hbm:s5], s20  }
0x9e: {  	_ =	swait.ge [sflag:s22], s20  }
0x9f: {  	s4 =	ssub.s32 $0x0, s20;
	[sflag:s22] =	ssyncset.done $0x0  }
0xa0: {  	[sflag:s22] =	ssyncadd.s32 s4;
	_ =	sdelay $0x1  }
0xa1: {  	s23 =	simm.s32 $0x1B8B  }
0xa2: {  	_ =	swait.ge [sflag:s23], $0x1  }
0xa3: {  	[sflag:s23] =	ssyncset.done $0x0  }
0xa4: {  	s25 =	simm.s32 $0x1B8E;
	s24 =	sld [smem:$0x3FFE];
	[sflag:s23] =	ssyncadd.s32 $0xFFFFFFFF  }
0xa5: {  	s26 =	simm.s32 $execute0_lowered;
	[smem:$0x3FD2] =	sst s25  }
0xa6: {  	s5 =	sshll.u32 s26, $0x1;
	_ =	strace $0x80000049;
	[dreg:$0x1] =	wrdreg $0xFFFFFFFF  }
0xa7: {  	s28 =	simm.s32 $_size_execute0_lowered;
	s3 =	sadd.s32 s3, s5;
	[dreg:$0x0] =	wrdreg $0x0  }
0xa8: {  	s5 =	sshll.u32 s28, $0x1;
	[dreg:$0x2] =	wrdreg s3  }
0xa9: {  	[dreg:$0x3] =	wrdreg s5  }
0xaa: {  	[dreg:$0x4] =	wrdreg $0xC0  }
0xab: {  	_ =	task [dreg:s7], $0x5FFFF  }
0xac: {  	[dreg:$0x1] =	wrdreg $0xFFFFFFFF  }
0xad: {  	[dreg:$0x0] =	wrdreg $0x60  }
0xae: {  	[dreg:$0x2] =	wrdreg s2  }
0xaf: {  	[dreg:$0x3] =	wrdreg s24  }
0xb0: {  	[dreg:$0x4] =	wrdreg $0x0  }
0xb1: {  	[dreg:$0x5] =	wrdreg $0x9  }
0xb2: {  	_ =	task.clear_ibuf [dreg:s7], $0x6FFFF;
	_ =	strace $0x90000049  }
0xb3: {  	s29 =	simm.s32 $0x9;
	_ =	strace $0x8000004B  }
0xb4: {  	_ =	swait.ge [sflag:s29], $0x1  }
0xb5: {  	[sflag:s29] =	ssyncadd.s32 $0xFFFFFFFF  }
0xb6: {  	_ =	strace $0x9000004B  }
0xb7: {  	_ =	sfence  }
0xb8: {  	s30 =	sld [smem:$0x0];
	_ =	sdelay $0x2  }
0xb9: {  	s31 =	sshll.u32 s1, $0xD;
	s1 =	sshrl.u32 s1, $0x2  }
0xba: {  	s3 =	sand.u32 $0x4000, s31;
	s1 =	sadd.s32 s1, s30  }
0xbb: {  	s0 =	sor.u32 s3, s0;
	s1 =	sshll.u32 s1, $0x11  }
0xbc: {  	s0 =	sor.u32 s1, s0  }
0xbd: {  	s0 =	sadd.s32 $0x8F2B, s0  }
0xbe: {  	[sflag:s0] =	ssyncadd.remote.s32 $0x1  }
0xbf: {  	_ =	sfence.sel $0xFFFF  }
0xc0: {  	[dreg:$0x0] =	wrdreg $0xFFFFFFFF;
	(pc) =	sbr.abs _section_cstart, $3  }
0xc1: {  	[dreg:$0x1] =	wrdreg $0xFFFFFFFF  }
0xc2: {  	_ =	task.clear_ibuf [dreg:s7], $0x2FFFF;
	_ =	strace $0x9FFFFFFF  }
0xc3: {  	(tm) =	ssettm $0x7FFFFFFF  }
tec
execute0_lowered:
.L_overlay_start_1:
0x0: {  	(tag) =	ssettag $0x1  }
0x1: {  	s1 =	rddreg [dreg:$0x0]  }
0x2: {  	s0 =	rddreg [dreg:$0x1]  }
0x3: {  	s2 =	rddreg [dreg:$0x2];
	s3 =	srdreg.scid;
	s4 =	simm.s32 $0x0  }
0x4: {  	s18 =	stileid.u32;
	s31 =	simm.s32 $0x18000;
	s30 =	simm.s32 $0x2  }
0x5: {  	s3 =	sand.u32 $0x1, s3;
	[smem:$0x7FF] =	sst s4;
	s6 =	sadd.s32 $0x1A00, s0  }
0x6: {  	s22 =	sshll.u32 s18, $0xE;
	p0 =	seq.s32 s18, $0xF;
	s5 =	sshll.u32 s3, $0x4  }
0x7: {  	_ =	strace $0x8000004A;
	s7 =	ssub.s32 $0x2, s3;
	s3 =	smul.u32 $0x13C000, s3  }
0x8: {  	s12 =	sor.u32 $0x40000, s22;
	s13 =	sor.u32 $0x80000, s22;
	s15 =	sor.u32 $0xC0000, s22  }
0x9: {  	s8 =	sor.u32 s18, s5;
	s5 =	sadd.s32 $0xBA00, s0;
	s9 =	sshrl.u32 s7, $0x1  }
0xa: {  	s0 =	sadd.s32 $0x15A00, s0;
	s18 =	simm.s32 $0x7;
	s10 =	smul.u32 $0x500, s8  }
0xb: {  	s7 =	ssub.s32 s7, s9;
	s8 =	smul.u32 $0x50, s8;
	s14 =	sadd.s32 s22, s3  }
0xc: {  	s16 =	sadd.s32 s3, s12;
	s24 =	sadd.s32 s3, s13;
	s25 =	sadd.s32 s3, s15  }
0xd: {  	s14 =	sshrl.u32 s14, $0x3;
	s23 =	sshrl.u32 s16, $0x3;
	s16 =	sshrl.u32 s25, $0x3  }
0xe: {  	s17 =	sadd.s32 s5, s10;
	s19 =	sor.u32 $0x10, s10;
	s11 =	sadd.s32 s6, s10  }
0xf: {  	s21 =	sor.u32 $0x20, s10;
	s14 =	sadd.s32 s0, s14;
	s26 =	sadd.s32 s0, s16  }
0x10: {  	s10 =	sor.u32 $0x30, s10;
	s25 =	sor.u32 $0x4, s8;
	[dreg:$0x4] =	wrdreg s17  }
0x11: {  	s28 =	sor.u32 $0x6, s8;
	s29 =	sor.u32 $0x7, s8;
	[dreg:$0x5] =	wrdreg s11  }
0x12: {  	s20 =	sadd.s32 s5, s19;
	s9 =	sadd.s32 s6, s19;
	[dreg:$0x8] =	wrdreg s14  }
0x13: {  	s17 =	sor.u32 $0x100000, s22;
	s14 =	sadd.s32 s0, s23;
	[dreg:$0xb] =	wrdreg s26  }
0x14: {  	s16 =	sadd.s32 s5, s10;
	s22 =	sadd.s32 s22, s2;
	[dreg:$0x6] =	wrdreg s20  }
0x15: {  	s23 =	sadd.s32 s12, s2;
	s19 =	sadd.s32 s15, s2;
	[dreg:$0x7] =	wrdreg s9  }
0x16: {  	s26 =	sor.u32 $0x5, s8;
	s8 =	simm.s32 $0x13D00;
	[dreg:$0x9] =	wrdreg s14  }
0x17: {  	s15 =	simm.s32 $0x6;
	s11 =	simm.s32 $0x0;
	[dreg:$0xf] =	wrdreg s16  }
0x18: {  	s14 =	sshrl.u32 s24, $0x3;
	s3 =	sadd.s32 s3, s17;
	[dreg:$0x14] =	wrdreg s19  }
0x19: {  	s24 =	sadd.s32 s13, s2;
	s20 =	sadd.s32 s17, s2;
	[dreg:$0x11] =	wrdreg s22  }
0x1a: {  	s9 =	simm.s32 $0x13D80;
	s13 =	simm.s32 $0x80;
	[dreg:$0x12] =	wrdreg s23  }
0x1b: {  	s16 =	simm.s32 $0x16000;
	s17 =	simm.s32 $0x1;
	[dreg:$0x15] =	wrdreg s20  }
0x1c: {  	s14 =	sadd.s32 s0, s14;
	s3 =	sshrl.u32 s3, $0x3;
	[dreg:$0x13] =	wrdreg s24  }
0x1d: {  	s19 =	simm.s32 $0x3;
	[dreg:$0xa] =	wrdreg s14;
	s0 =	sadd.s32 s0, s3  }
.Ltmp0:
0x1e: {  	s3 =	sadd.s32 s5, s21;
	[dreg:$0xc] =	wrdreg s0;
	(pc) =	sbr.rel .LBB2_1-.Ltmp0, $4  }
0x1f: {  	s20 =	simm.s32 $0x8;
	s14 =	sadd.s32 s6, s21;
	[dreg:$0xd] =	wrdreg s3  }
0x20: {  	s21 =	smax.u32 s7, $0x1;
	s7 =	simm.s32 $0x13E80;
	[dreg:$0xe] =	wrdreg s14  }
0x21: {  	s0 =	sadd.s32 s6, s10;
	[dreg:$0x16] =	wrdreg s21;
	s10 =	simm.s32 $0x13F80  }
0x22: {  	v0 =	vimm.f32 $0.0e+00;
	s14 =	simm.s32 $0x14000;
	s21 =	simm.s32 $0x4;
	[dreg:$0x10] =	wrdreg s0  }
.LBB2_14:
0x23: {  	[spmem:s2] =	stream.indirect.scatter.add.f32 [tilespmem:s31], [sflag:$0x4], $0x80, s10, s13, $0xb8;
	[tilespmem:$0x1C000] =	vst v63  }
0x24: {  	_ =	swait.ge [sflag:s21], $0x4000  }
0x25: {  	[sflag:s21] =	ssyncset.done $0x0  }
0x26: {  	[sflag:s21] =	ssyncadd.s32 $0xFFFFC000  }
0x27: {  	s0 =	stileid.u32;
	[bflag:$0x0] =	sbarrier.arrive $0xFFFF  }
0x28: {  	s12 =	simm.s32 $0x9;
	s0 =	sshll.u32 s0, $0x6;
	s22 =	rddreg [dreg:$0x11]  }
0x29: {  	s0 =	sor.u32 $0x1C09, s0;
	s11 =	rddreg [dreg:$0x8];
	s3 =	sshrl.u32 s22, $0x3  }
0x2a: {  	[hbm:s11], [sflag:s0] =	dma.local [spmem:s3], $0x800  }
0x2b: {  	_ =	swait.ge [sflag:s12], $0x800  }
0x2c: {  	[sflag:s12] =	ssyncset.done $0x0;
	s23 =	rddreg [dreg:$0x12]  }
0x2d: {  	s24 =	rddreg [dreg:$0x9];
	[sflag:s12] =	ssyncadd.s32 $0xFFFFF800;
	s11 =	sshrl.u32 s23, $0x3  }
0x2e: {  	[hbm:s24], [sflag:s0] =	dma.local [spmem:s11], $0x800  }
0x2f: {  	_ =	swait.ge [sflag:s12], $0x800  }
0x30: {  	[sflag:s12] =	ssyncset.done $0x0;
	s24 =	rddreg [dreg:$0x13]  }
0x31: {  	s11 =	rddreg [dreg:$0xa];
	[sflag:s12] =	ssyncadd.s32 $0xFFFFF800;
	s3 =	sshrl.u32 s24, $0x3  }
0x32: {  	[hbm:s11], [sflag:s0] =	dma.local [spmem:s3], $0x800  }
0x33: {  	_ =	swait.ge [sflag:s12], $0x800  }
0x34: {  	[sflag:s12] =	ssyncset.done $0x0;
	s11 =	rddreg [dreg:$0x14]  }
0x35: {  	[sflag:s12] =	ssyncadd.s32 $0xFFFFF800;
	s3 =	sshrl.u32 s11, $0x3;
	s11 =	rddreg [dreg:$0xb]  }
0x36: {  	[hbm:s11], [sflag:s0] =	dma.local [spmem:s3], $0x800  }
0x37: {  	_ =	swait.ge [sflag:s12], $0x800  }
0x38: {  	[sflag:s12] =	ssyncset.done $0x0;
	s3 =	rddreg [dreg:$0x15]  }
0x39: {  	s11 =	rddreg [dreg:$0xc];
	[sflag:s12] =	ssyncadd.s32 $0xFFFFF800;
	s3 =	sshrl.u32 @!p0 s3, $0x3  }
0x3a: {  	[hbm:s11], [sflag:s0] =	dma.local @!p0 [spmem:s3], $0x800  }
0x3b: {  	s0 =	simm.s32 @!p0 $0x9  }
0x3c: {  	_ =	swait.ge @!p0 [sflag:s0], $0x800  }
0x3d: {  	s3 =	rddreg [dreg:$0x17]  }
0x3e: {  	s12 =	rddreg [dreg:$0x16];
	s11 =	sadd.s32 $0x1, s3  }
0x3f: {  	p1 =	sne.s32 s11, s12  }
.Ltmp1:
0x40: {  	_ = 	snop;
	(pc) =	sbr.rel @!p1 .LBB2_15-.Ltmp1, $3  }
0x41: {  	_ =	sdelay $0x1  }
0x42: {  	[sflag:s0] =	ssyncset.done @!p0 $0x0  }
0x43: {  	[sflag:s0] =	ssyncadd.s32 @!p0 $0xFFFFF800  }
.LBB2_1:
0x44: {  	[dreg:$0x17] =	wrdreg s11  }
0x45: {  	s0 =	rddreg [dreg:$0x4];
	s3 =	simm.s32 $0x13C00  }
0x46: {  	[tilespmem:s3], [sflag:$0x5] =	stream.linear.gather [hbm4b:s0+s4], $0x80, $0x38;
	[tilespmem:$0x1C000] =	vst v63  }
0x47: {  	s11 =	rddreg [dreg:$0x5];
	s12 =	simm.s32 $0x13E00  }
0x48: {  	[tilespmem:s12], [sflag:$0x5] =	stream.linear.gather [hbm4b:s11+s4], $0x80, $0x38;
	[tilespmem:$0x1C000] =	vst v63  }
0x49: {  	s3 =	rddreg [dreg:$0x6];
	s11 =	simm.s32 $0x13C80  }
0x4a: {  	[tilespmem:s11], [sflag:$0x6] =	stream.linear.gather [hbm4b:s3+s4], $0x80, $0x38;
	[tilespmem:$0x1C000] =	vst v63  }
0x4b: {  	s12 =	rddreg [dreg:$0x7]  }
0x4c: {  	[tilespmem:s7], [sflag:$0x6] =	stream.linear.gather [hbm4b:s12+s4], $0x80, $0x38;
	[tilespmem:$0x1C000] =	vst v63  }
0x4d: {  	s3 =	rddreg [dreg:$0xd]  }
0x4e: {  	[tilespmem:s8], [sflag:$0x7] =	stream.linear.gather [hbm4b:s3+s4], $0x80, $0x38;
	[tilespmem:$0x1C000] =	vst v63  }
0x4f: {  	s11 =	rddreg [dreg:$0xe];
	s12 =	simm.s32 $0x13F00  }
0x50: {  	[tilespmem:s12], [sflag:$0x7] =	stream.linear.gather [hbm4b:s11+s4], $0x80, $0x38;
	[tilespmem:$0x1C000] =	vst v63  }
0x51: {  	s11 =	rddreg [dreg:$0xf]  }
0x52: {  	[tilespmem:s9], [sflag:$0x8] =	stream.linear.gather [hbm4b:s11+s4], $0x80, $0x38;
	[tilespmem:$0x1C000] =	vst v63  }
0x53: {  	s12 =	rddreg [dreg:$0x10]  }
0x54: {  	[tilespmem:s10], [sflag:$0x8] =	stream.linear.gather [hbm4b:s12+s4], $0x80, $0x38;
	[tilespmem:$0x1C000] =	vst v63  }
0x55: {  	s11 =	simm.s32 $0x0;
	s12 =	simm.s32 $0x200  }
.LBB2_2:
0x56: {  	p1 =	sne.s32 s12, $0xFE00;
	[tilespmem:s11+$0x18070] =	vst v0  }
0x57: {  	[tilespmem:s11+$0x18000] =	vst v0  }
0x58: {  	[tilespmem:s11+$0x18010] =	vst v0  }
.Ltmp2:
0x59: {  	[tilespmem:s11+$0x18020] =	vst v0;
	(pc) =	sbr.rel @p1 .LBB2_2-.Ltmp2, $4  }
0x5a: {  	[tilespmem:s11+$0x18030] =	vst v0  }
0x5b: {  	[tilespmem:s11+$0x18040] =	vst v0  }
0x5c: {  	[tilespmem:s11+$0x18050] =	vst v0  }
0x5d: {  	[tilespmem:s11+$0x18060] =	vst v0;
	s11 =	sshra.s32 s12, $0x2;
	s12 =	sadd.s32 $0x200, s12  }
0x5e: {  	[tilespmem:s11+$0x18070] =	vst v0  }
0x5f: {  	[tilespmem:s11+$0x18000] =	vst v0  }
0x60: {  	[tilespmem:s11+$0x18010] =	vst v0  }
0x61: {  	[tilespmem:s11+$0x18020] =	vst v0  }
0x62: {  	[tilespmem:s11+$0x18030] =	vst v0  }
0x63: {  	[tilespmem:s11+$0x18040] =	vst v0  }
0x64: {  	[tilespmem:s11+$0x18050] =	vst v0  }
0x65: {  	[tilespmem:s11+$0x18060] =	vst v0;
	s3 =	simm.s32 $0x9  }
0x66: {  	[spmem:s22] =	stream.linear.scatter [tilespmem:s31], [sflag:$0x9], $0x4000, $0x38;
	[tilespmem:$0x1C000] =	vst v63  }
0x67: {  	_ =	swait.ge [sflag:s3], $0x4000  }
0x68: {  	[sflag:s3] =	ssyncset.done $0x0  }
0x69: {  	[sflag:s3] =	ssyncadd.s32 $0xFFFFC000  }
0x6a: {  	[spmem:s23] =	stream.linear.scatter [tilespmem:s31], [sflag:$0x9], $0x4000, $0x38;
	[tilespmem:$0x1C000] =	vst v63  }
0x6b: {  	_ =	swait.ge [sflag:s3], $0x4000  }
0x6c: {  	[sflag:s3] =	ssyncset.done $0x0  }
0x6d: {  	[sflag:s3] =	ssyncadd.s32 $0xFFFFC000  }
0x6e: {  	[spmem:s24] =	stream.linear.scatter [tilespmem:s31], [sflag:$0x9], $0x4000, $0x38;
	[tilespmem:$0x1C000] =	vst v63  }
0x6f: {  	_ =	swait.ge [sflag:s3], $0x4000  }
0x70: {  	[sflag:s3] =	ssyncset.done $0x0  }
0x71: {  	s0 =	rddreg [dreg:$0x14];
	[sflag:s3] =	ssyncadd.s32 $0xFFFFC000  }
0x72: {  	[spmem:s0] =	stream.linear.scatter [tilespmem:s31], [sflag:$0x9], $0x4000, $0x38;
	[tilespmem:$0x1C000] =	vst v63  }
0x73: {  	_ =	swait.ge [sflag:s3], $0x4000  }
0x74: {  	[sflag:s3] =	ssyncset.done $0x0  }
0x75: {  	s11 =	simm.s32 @!p0 $0x18000;
	s0 =	rddreg [dreg:$0x15];
	[sflag:s3] =	ssyncadd.s32 $0xFFFFC000  }
0x76: {  	[spmem:s0] =	stream.linear.scatter @!p0 [tilespmem:s11], [sflag:$0x9], $0x4000, $0x38;
	[tilespmem:$0x1C000] =	vst v63  }
0x77: {  	s11 =	simm.s32 @!p0 $0x9  }
0x78: {  	_ =	swait.ge @!p0 [sflag:s11], $0x4000  }
0x79: {  	[sflag:s11] =	ssyncset.done @!p0 $0x0  }
0x7a: {  	[sflag:s11] =	ssyncadd.s32 @!p0 $0xFFFFC000  }
0x7b: {  	s22 =	simm.s32 $0x5;
	[bflag:$0x0] =	sbarrier.arrive $0xFFFF  }
0x7c: {  	_ =	swait.ge [sflag:s22], $0x80  }
0x7d: {  	[sflag:s22] =	ssyncset.done $0x0  }
0x7e: {  	[sflag:s22] =	ssyncadd.s32 $0xFFFFFF80  }
0x7f: {  	_ =	swait.ge [sflag:s22], $0x80  }
0x80: {  	[sflag:s22] =	ssyncset.done $0x0  }
0x81: {  	s23 =	simm.s32 $0x13C00;
	[sflag:s22] =	ssyncadd.s32 $0xFFFFFF80  }
0x82: {  	[tilespmem:s14], [sflag:$0x1] =	stream.indirect.gather [hbm4b:s1+s13], $0x40, s23, s13, $0xb8;
	[tilespmem:$0x1C000] =	vst v63  }
0x83: {  	_ =	swait.ge [sflag:s15], $0x80  }
0x84: {  	[sflag:s15] =	ssyncset.done $0x0  }
0x85: {  	[sflag:s15] =	ssyncadd.s32 $0xFFFFFF80  }
0x86: {  	_ =	swait.ge [sflag:s15], $0x80  }
0x87: {  	[sflag:s15] =	ssyncset.done $0x0  }
0x88: {  	s24 =	simm.s32 $0x13C80;
	s23 =	simm.s32 $0x0;
	[sflag:s15] =	ssyncadd.s32 $0xFFFFFF80  }
0x89: {  	[tilespmem:s16], [sflag:$0x2] =	stream.indirect.gather [hbm4b:s1+s13], $0x40, s24, s13, $0xb8;
	[tilespmem:$0x1C000] =	vst v63  }
.LBB2_4:
0x8a: {  	_ =	swait.ge [sflag:s17], $0x2000  }
0x8b: {  	[sflag:s17] =	ssyncset.done $0x0  }
0x8c: {  	s11 =	simm.s32 $0x14100;
	[sflag:s17] =	ssyncadd.s32 $0xFFFFE000  }
0x8d: {  	v1 =	vld [tilespmem:s11+$0xC0];
	_ =	sdelay $0x1  }
0x8e: {  	v2 =	vld [tilespmem:s11+$0xFFFFFF40];
	_ =	sdelay $0x1  }
0x8f: {  	v3 =	vld [tilespmem:s11+$0xFFFFFF80]  }
0x90: {  	s24 =	simm.s32 $0x18200;
	v4 =	vunpack.i.l.bf16.f32 v1  }
0x91: {  	v5 =	vld [tilespmem:s11+$0xFFFFFFC0];
	v1 =	vunpack.i.u.bf16.f32 v1;
	[tilespmem:s24+$0x180] =	vst v4  }
0x92: {  	v6 =	vld [tilespmem:s11+$0xFFFFFF00];
	v4 =	vunpack.i.l.bf16.f32 v2;
	[tilespmem:s24+$0x190] =	vst v1  }
0x93: {  	v1 =	vunpack.i.u.bf16.f32 v2;
	[tilespmem:s24+$0xFFFFFE80] =	vst v4;
	v2 =	vld [tilespmem:s11+$0xD0]  }
0x94: {  	v4 =	vunpack.i.l.bf16.f32 v3;
	[tilespmem:s24+$0xFFFFFE90] =	vst v1  }
0x95: {  	v1 =	vunpack.i.u.bf16.f32 v3;
	[tilespmem:s24+$0xFFFFFF00] =	vst v4  }
0x96: {  	v3 =	vunpack.i.l.bf16.f32 v5;
	[tilespmem:s24+$0xFFFFFF10] =	vst v1  }
0x97: {  	v1 =	vld [tilespmem:s11+$0x0];
	v4 =	vunpack.i.l.bf16.f32 v6;
	[tilespmem:s24+$0xFFFFFF80] =	vst v3  }
0x98: {  	[tilespmem:s24+$0xFFFFFE00] =	vst v4;
	v3 =	vunpack.i.l.bf16.f32 v2  }
0x99: {  	v4 =	vld [tilespmem:s11+$0x40];
	v2 =	vunpack.i.u.bf16.f32 v2;
	[tilespmem:s24+$0x1A0] =	vst v3  }
0x9a: {  	v3 =	vunpack.i.u.bf16.f32 v6;
	[tilespmem:s24+$0x1B0] =	vst v2  }
0x9b: {  	v2 =	vunpack.i.u.bf16.f32 v5;
	[tilespmem:s24+$0xFFFFFE10] =	vst v3;
	v3 =	vld [tilespmem:s11+$0xE0]  }
0x9c: {  	v5 =	vunpack.i.l.bf16.f32 v1;
	[tilespmem:s24+$0xFFFFFF90] =	vst v2  }
0x9d: {  	v1 =	vunpack.i.u.bf16.f32 v1;
	v2 =	vld [tilespmem:s11+$0x80];
	[tilespmem:s24+$0x0] =	vst v5  }
0x9e: {  	v5 =	vunpack.i.l.bf16.f32 v4;
	[tilespmem:s24+$0x10] =	vst v1  }
0x9f: {  	v1 =	vunpack.i.u.bf16.f32 v4;
	v4 =	vld [tilespmem:s11+$0xFFFFFF10];
	[tilespmem:s24+$0x80] =	vst v5  }
0xa0: {  	[tilespmem:s24+$0x90] =	vst v1;
	v1 =	vunpack.i.l.bf16.f32 v3  }
0xa1: {  	v5 =	vld [tilespmem:s11+$0xFFFFFF50];
	v3 =	vunpack.i.u.bf16.f32 v3;
	[tilespmem:s24+$0x1C0] =	vst v1  }
0xa2: {  	v1 =	vunpack.i.l.bf16.f32 v2;
	[tilespmem:s24+$0x1D0] =	vst v3  }
0xa3: {  	v2 =	vunpack.i.u.bf16.f32 v2;
	v3 =	vld [tilespmem:s11+$0xFFFFFF90];
	[tilespmem:s24+$0x100] =	vst v1  }
0xa4: {  	v6 =	vunpack.i.l.bf16.f32 v4;
	v1 =	vld [tilespmem:s11+$0xF0];
	[tilespmem:s24+$0x110] =	vst v2  }
0xa5: {  	v2 =	vunpack.i.u.bf16.f32 v4;
	[tilespmem:s24+$0xFFFFFE20] =	vst v6;
	v6 =	vld [tilespmem:s11+$0xFFFFFFD0]  }
0xa6: {  	v4 =	vunpack.i.l.bf16.f32 v5;
	[tilespmem:s24+$0xFFFFFE30] =	vst v2  }
0xa7: {  	v2 =	vunpack.i.u.bf16.f32 v5;
	[tilespmem:s24+$0xFFFFFEA0] =	vst v4;
	v4 =	vld [tilespmem:s11+$0x10]  }
0xa8: {  	[tilespmem:s24+$0xFFFFFEB0] =	vst v2;
	v5 =	vunpack.i.l.bf16.f32 v3  }
0xa9: {  	v2 =	vunpack.i.u.bf16.f32 v1;
	[tilespmem:s24+$0xFFFFFF20] =	vst v5  }
0xaa: {  	v5 =	vunpack.i.l.bf16.f32 v6;
	[tilespmem:s24+$0x1F0] =	vst v2;
	v2 =	vunpack.i.u.bf16.f32 v3;
	v3 =	vld [tilespmem:s11+$0x50]  }
0xab: {  	[tilespmem:s24+$0xFFFFFFA0] =	vst v5  }
0xac: {  	v5 =	vunpack.i.l.bf16.f32 v4;
	[tilespmem:s24+$0xFFFFFF30] =	vst v2;
	v2 =	vunpack.i.u.bf16.f32 v6;
	v6 =	vld [tilespmem:s11+$0x90]  }
0xad: {  	[tilespmem:s24+$0x20] =	vst v5  }
0xae: {  	[tilespmem:s24+$0xFFFFFFB0] =	vst v2;
	v2 =	vunpack.i.u.bf16.f32 v4;
	v4 =	vld [tilespmem:s11+$0xFFFFFF20]  }
0xaf: {  	[tilespmem:s24+$0x30] =	vst v2;
	v5 =	vunpack.i.l.bf16.f32 v3  }
0xb0: {  	v2 =	vunpack.i.u.bf16.f32 v3;
	v3 =	vld [tilespmem:s11+$0xFFFFFF60];
	[tilespmem:s24+$0xA0] =	vst v5  }
0xb1: {  	v5 =	vunpack.i.l.bf16.f32 v6;
	[tilespmem:s24+$0xB0] =	vst v2  }
0xb2: {  	v2 =	vunpack.i.u.bf16.f32 v6;
	v6 =	vld [tilespmem:s11+$0xFFFFFFA0];
	[tilespmem:s24+$0x120] =	vst v5  }
0xb3: {  	v5 =	vunpack.i.l.bf16.f32 v4;
	[tilespmem:s24+$0x130] =	vst v2  }
0xb4: {  	v2 =	vunpack.i.u.bf16.f32 v4;
	v4 =	vld [tilespmem:s11+$0xFFFFFFE0];
	[tilespmem:s24+$0xFFFFFE40] =	vst v5  }
0xb5: {  	[tilespmem:s24+$0xFFFFFE50] =	vst v2;
	v5 =	vunpack.i.l.bf16.f32 v3  }
0xb6: {  	v2 =	vunpack.i.u.bf16.f32 v3;
	v3 =	vld [tilespmem:s11+$0x20];
	[tilespmem:s24+$0xFFFFFEC0] =	vst v5  }
0xb7: {  	v5 =	vunpack.i.l.bf16.f32 v6;
	[tilespmem:s24+$0xFFFFFED0] =	vst v2  }
0xb8: {  	v2 =	vunpack.i.u.bf16.f32 v6;
	v6 =	vld [tilespmem:s11+$0x60];
	[tilespmem:s24+$0xFFFFFF40] =	vst v5  }
0xb9: {  	v5 =	vunpack.i.l.bf16.f32 v4;
	[tilespmem:s24+$0xFFFFFF50] =	vst v2  }
0xba: {  	v2 =	vunpack.i.u.bf16.f32 v4;
	v4 =	vld [tilespmem:s11+$0xA0];
	[tilespmem:s24+$0xFFFFFFC0] =	vst v5  }
0xbb: {  	[tilespmem:s24+$0xFFFFFFD0] =	vst v2;
	v5 =	vunpack.i.l.bf16.f32 v3  }
0xbc: {  	v2 =	vunpack.i.u.bf16.f32 v3;
	v3 =	vld [tilespmem:s11+$0xFFFFFF30];
	[tilespmem:s24+$0x40] =	vst v5  }
0xbd: {  	v5 =	vunpack.i.l.bf16.f32 v6;
	[tilespmem:s24+$0x50] =	vst v2  }
0xbe: {  	v2 =	vunpack.i.u.bf16.f32 v6;
	v6 =	vld [tilespmem:s11+$0xFFFFFF70];
	[tilespmem:s24+$0xC0] =	vst v5  }
0xbf: {  	v5 =	vunpack.i.l.bf16.f32 v4;
	[tilespmem:s24+$0xD0] =	vst v2  }
0xc0: {  	v2 =	vunpack.i.u.bf16.f32 v4;
	v4 =	vld [tilespmem:s11+$0xFFFFFFB0];
	[tilespmem:s24+$0x140] =	vst v5  }
0xc1: {  	[tilespmem:s24+$0x150] =	vst v2;
	v5 =	vunpack.i.l.bf16.f32 v3  }
0xc2: {  	v7 =	vld [tilespmem:s11+$0x30];
	v2 =	vunpack.i.u.bf16.f32 v3;
	[tilespmem:s24+$0xFFFFFE60] =	vst v5  }
0xc3: {  	v3 =	vld [tilespmem:s11+$0xFFFFFFF0];
	v5 =	vunpack.i.l.bf16.f32 v6;
	[tilespmem:s24+$0xFFFFFE70] =	vst v2  }
0xc4: {  	v2 =	vunpack.i.u.bf16.f32 v6;
	v6 =	vld [tilespmem:s11+$0x70];
	[tilespmem:s24+$0xFFFFFEE0] =	vst v5  }
0xc5: {  	v8 =	vld [tilespmem:s11+$0xB0];
	v5 =	vunpack.i.l.bf16.f32 v4;
	[tilespmem:s24+$0xFFFFFEF0] =	vst v2  }
0xc6: {  	v2 =	vunpack.i.u.bf16.f32 v4;
	[tilespmem:s24+$0xFFFFFF60] =	vst v5  }
0xc7: {  	[tilespmem:s24+$0xFFFFFF70] =	vst v2;
	v2 =	vunpack.i.u.bf16.f32 v7;
	v7 =	vunpack.i.l.bf16.f32 v7  }
0xc8: {  	[tilespmem:s24+$0x60] =	vst v7;
	v4 =	vunpack.i.l.bf16.f32 v3  }
0xc9: {  	v1 =	vunpack.i.l.bf16.f32 v1;
	v5 =	vunpack.i.u.bf16.f32 v3;
	[tilespmem:s24+$0xFFFFFFE0] =	vst v4;
	v3 =	vunpack.i.u.bf16.f32 v6  }
0xca: {  	s12 =	simm.s32 $0x0;
	s22 =	simm.s32 $0x14300;
	[tilespmem:s24+$0xFFFFFFF0] =	vst v5;
	v6 =	vunpack.i.l.bf16.f32 v6;
	v4 =	vunpack.i.u.bf16.f32 v8;
	v5 =	vunpack.i.l.bf16.f32 v8  }
.LBB2_5:
0xcb: {  	v7 =	vld [tilespmem:s22+$0xC0];
	[tilespmem:s24+$0x70] =	vst v2  }
0xcc: {  	v2 =	vld [tilespmem:s22+$0xFFFFFF40];
	[tilespmem:s24+$0xE0] =	vst v6  }
0xcd: {  	v6 =	vld [tilespmem:s22+$0xFFFFFF80];
	[tilespmem:s24+$0xF0] =	vst v3  }
0xce: {  	s12 =	sadd.s32 $0x8, s12;
	v3 =	vld [tilespmem:s22+$0xFFFFFFC0];
	[tilespmem:s24+$0x160] =	vst v5  }
0xcf: {  	p1 =	slt.u32 s12, $0x78;
	v5 =	vld [tilespmem:s22+$0x0];
	[tilespmem:s24+$0x170] =	vst v4  }
0xd0: {  	v4 =	vld [tilespmem:s22+$0x40];
	v8 =	vunpack.i.l.bf16.f32 v7;
	[tilespmem:s24+$0x1E0] =	vst v1;
	s24 =	sadd.s32 $0x400, s24  }
0xd1: {  	v7 =	vunpack.i.u.bf16.f32 v7;
	v1 =	vunpack.i.u.bf16.f32 v2;
	v2 =	vunpack.i.l.bf16.f32 v2;
	v9 =	vld [tilespmem:s22+$0x80];
	[tilespmem:s24+$0x180] =	vst v8  }
0xd2: {  	v8 =	vld [tilespmem:s22+$0xFFFFFF00];
	v10 =	vunpack.i.u.bf16.f32 v6;
	v6 =	vunpack.i.l.bf16.f32 v6;
	[tilespmem:s24+$0x190] =	vst v7  }
0xd3: {  	[tilespmem:s24+$0xFFFFFE80] =	vst v2;
	v2 =	vunpack.i.u.bf16.f32 v3;
	v3 =	vunpack.i.l.bf16.f32 v3;
	v7 =	vld [tilespmem:s22+$0xD0]  }
0xd4: {  	[tilespmem:s24+$0xFFFFFE90] =	vst v1;
	v1 =	vunpack.i.u.bf16.f32 v5;
	v5 =	vunpack.i.l.bf16.f32 v5  }
0xd5: {  	v11 =	vld [tilespmem:s22+$0xFFFFFF50];
	[tilespmem:s24+$0xFFFFFF00] =	vst v6;
	v6 =	vunpack.i.u.bf16.f32 v4;
	v4 =	vunpack.i.l.bf16.f32 v4  }
0xd6: {  	[tilespmem:s24+$0xFFFFFF10] =	vst v10;
	v10 =	vunpack.i.u.bf16.f32 v9;
	v9 =	vunpack.i.l.bf16.f32 v9  }
0xd7: {  	v12 =	vunpack.i.u.bf16.f32 v8;
	v8 =	vunpack.i.l.bf16.f32 v8;
	v13 =	vld [tilespmem:s22+$0xFFFFFF90];
	[tilespmem:s24+$0xFFFFFF80] =	vst v3  }
0xd8: {  	[tilespmem:s24+$0xFFFFFE00] =	vst v8;
	v3 =	vunpack.i.l.bf16.f32 v7  }
0xd9: {  	v7 =	vunpack.i.u.bf16.f32 v7;
	[tilespmem:s24+$0x1A0] =	vst v3  }
0xda: {  	v3 =	vunpack.i.u.bf16.f32 v11;
	v8 =	vunpack.i.l.bf16.f32 v11;
	[tilespmem:s24+$0x1B0] =	vst v7  }
0xdb: {  	[tilespmem:s24+$0xFFFFFE10] =	vst v12;
	v7 =	vld [tilespmem:s22+$0xE0]  }
0xdc: {  	v11 =	vld [tilespmem:s22+$0xFFFFFF10];
	v12 =	vunpack.i.u.bf16.f32 v13;
	v13 =	vunpack.i.l.bf16.f32 v13;
	[tilespmem:s24+$0xFFFFFF90] =	vst v2  }
0xdd: {  	v2 =	vld [tilespmem:s22+$0xFFFFFFD0];
	[tilespmem:s24+$0x0] =	vst v5  }
0xde: {  	[tilespmem:s24+$0x10] =	vst v1  }
0xdf: {  	v1 =	vld [tilespmem:s22+$0x10];
	[tilespmem:s24+$0x80] =	vst v4  }
0xe0: {  	[tilespmem:s24+$0x90] =	vst v6;
	v4 =	vunpack.i.l.bf16.f32 v7  }
0xe1: {  	v7 =	vunpack.i.u.bf16.f32 v7;
	v5 =	vunpack.i.u.bf16.f32 v11;
	v6 =	vunpack.i.l.bf16.f32 v11;
	v11 =	vld [tilespmem:s22+$0x50];
	[tilespmem:s24+$0x1C0] =	vst v4  }
0xe2: {  	v4 =	vunpack.i.u.bf16.f32 v2;
	v2 =	vunpack.i.l.bf16.f32 v2;
	[tilespmem:s24+$0x1D0] =	vst v7  }
0xe3: {  	[tilespmem:s24+$0x100] =	vst v9;
	v7 =	vld [tilespmem:s22+$0xF0]  }
0xe4: {  	v9 =	vunpack.i.u.bf16.f32 v1;
	v14 =	vunpack.i.l.bf16.f32 v1;
	[tilespmem:s24+$0x110] =	vst v10  }
0xe5: {  	[tilespmem:s24+$0xFFFFFE20] =	vst v6;
	v6 =	vld [tilespmem:s22+$0x90]  }
0xe6: {  	[tilespmem:s24+$0xFFFFFE30] =	vst v5;
	v5 =	vunpack.i.u.bf16.f32 v11;
	v10 =	vunpack.i.l.bf16.f32 v11  }
0xe7: {  	v11 =	vld [tilespmem:s22+$0xFFFFFF20];
	[tilespmem:s24+$0xFFFFFEA0] =	vst v8  }
0xe8: {  	[tilespmem:s24+$0xFFFFFEB0] =	vst v3;
	v3 =	vunpack.i.u.bf16.f32 v7;
	v1 =	vunpack.i.l.bf16.f32 v7  }
0xe9: {  	v7 =	vld [tilespmem:s22+$0xFFFFFF60];
	[tilespmem:s24+$0x1F0] =	vst v3  }
0xea: {  	[tilespmem:s24+$0xFFFFFF20] =	vst v13;
	v3 =	vunpack.i.u.bf16.f32 v6;
	v6 =	vunpack.i.l.bf16.f32 v6  }
0xeb: {  	[tilespmem:s24+$0xFFFFFF30] =	vst v12  }
0xec: {  	v8 =	vunpack.i.u.bf16.f32 v11;
	v11 =	vunpack.i.l.bf16.f32 v11;
	v12 =	vld [tilespmem:s22+$0xFFFFFFA0];
	[tilespmem:s24+$0xFFFFFFA0] =	vst v2  }
0xed: {  	[tilespmem:s24+$0xFFFFFFB0] =	vst v4  }
0xee: {  	v2 =	vunpack.i.u.bf16.f32 v7;
	v4 =	vunpack.i.l.bf16.f32 v7;
	v7 =	vld [tilespmem:s22+$0xFFFFFFE0];
	[tilespmem:s24+$0x20] =	vst v14  }
0xef: {  	[tilespmem:s24+$0x30] =	vst v9  }
0xf0: {  	v9 =	vld [tilespmem:s22+$0x20];
	[tilespmem:s24+$0xA0] =	vst v10  }
0xf1: {  	v10 =	vunpack.i.u.bf16.f32 v12;
	v12 =	vunpack.i.l.bf16.f32 v12;
	[tilespmem:s24+$0xB0] =	vst v5  }
0xf2: {  	v5 =	vld [tilespmem:s22+$0x60];
	[tilespmem:s24+$0x120] =	vst v6  }
0xf3: {  	v6 =	vunpack.i.u.bf16.f32 v7;
	v7 =	vunpack.i.l.bf16.f32 v7;
	[tilespmem:s24+$0x130] =	vst v3  }
0xf4: {  	[tilespmem:s24+$0xFFFFFE40] =	vst v11;
	v3 =	vld [tilespmem:s22+$0xA0]  }
0xf5: {  	[tilespmem:s24+$0xFFFFFE50] =	vst v8;
	v8 =	vunpack.i.u.bf16.f32 v9;
	v9 =	vunpack.i.l.bf16.f32 v9  }
0xf6: {  	v11 =	vld [tilespmem:s22+$0xFFFFFF30];
	[tilespmem:s24+$0xFFFFFEC0] =	vst v4  }
0xf7: {  	[tilespmem:s24+$0xFFFFFED0] =	vst v2;
	v2 =	vunpack.i.u.bf16.f32 v5;
	v4 =	vunpack.i.l.bf16.f32 v5  }
0xf8: {  	v5 =	vld [tilespmem:s22+$0xFFFFFF70];
	[tilespmem:s24+$0xFFFFFF40] =	vst v12  }
0xf9: {  	[tilespmem:s24+$0xFFFFFF50] =	vst v10;
	v10 =	vunpack.i.u.bf16.f32 v3;
	v3 =	vunpack.i.l.bf16.f32 v3  }
0xfa: {  	v12 =	vld [tilespmem:s22+$0xFFFFFFB0];
	[tilespmem:s24+$0xFFFFFFC0] =	vst v7  }
0xfb: {  	v7 =	vunpack.i.u.bf16.f32 v11;
	v11 =	vunpack.i.l.bf16.f32 v11;
	[tilespmem:s24+$0xFFFFFFD0] =	vst v6  }
0xfc: {  	v6 =	vld [tilespmem:s22+$0xFFFFFFF0];
	[tilespmem:s24+$0x40] =	vst v9  }
0xfd: {  	v9 =	vunpack.i.u.bf16.f32 v5;
	v5 =	vunpack.i.l.bf16.f32 v5;
	[tilespmem:s24+$0x50] =	vst v8  }
0xfe: {  	v8 =	vld [tilespmem:s22+$0x30];
	[tilespmem:s24+$0xC0] =	vst v4  }
0xff: {  	v4 =	vunpack.i.u.bf16.f32 v12;
	v12 =	vunpack.i.l.bf16.f32 v12;
	[tilespmem:s24+$0xD0] =	vst v2  }
0x100: {  	v13 =	vld [tilespmem:s22+$0x70];
	[tilespmem:s24+$0x140] =	vst v3  }
0x101: {  	v14 =	vunpack.i.u.bf16.f32 v6;
	v15 =	vunpack.i.l.bf16.f32 v6;
	[tilespmem:s24+$0x150] =	vst v10  }
0x102: {  	[tilespmem:s24+$0xFFFFFE60] =	vst v11;
	v10 =	vld [tilespmem:s22+$0xB0]  }
0x103: {  	[tilespmem:s24+$0xFFFFFE70] =	vst v7;
	v2 =	vunpack.i.u.bf16.f32 v8;
	v7 =	vunpack.i.l.bf16.f32 v8  }
0x104: {  	[tilespmem:s24+$0xFFFFFEE0] =	vst v5  }
0x105: {  	[tilespmem:s24+$0xFFFFFEF0] =	vst v9;
	v3 =	vunpack.i.u.bf16.f32 v13;
	v6 =	vunpack.i.l.bf16.f32 v13  }
.Ltmp3:
0x106: {  	[tilespmem:s24+$0xFFFFFF60] =	vst v12;
	(pc) =	sbr.rel @p1 .LBB2_5-.Ltmp3, $4  }
0x107: {  	[tilespmem:s24+$0xFFFFFF70] =	vst v4;
	v4 =	vunpack.i.u.bf16.f32 v10;
	v5 =	vunpack.i.l.bf16.f32 v10  }
0x108: {  	[tilespmem:s24+$0xFFFFFFE0] =	vst v15  }
0x109: {  	[tilespmem:s24+$0xFFFFFFF0] =	vst v14  }
0x10a: {  	s22 =	sadd.s32 $0x200, s22;
	[tilespmem:s24+$0x60] =	vst v7  }
0x10b: {  	[tilespmem:s24+$0x70] =	vst v2  }
0x10c: {  	[tilespmem:s24+$0xE0] =	vst v6  }
0x10d: {  	[tilespmem:s24+$0xF0] =	vst v3  }
0x10e: {  	[tilespmem:s24+$0x160] =	vst v5  }
0x10f: {  	[tilespmem:s24+$0x170] =	vst v4  }
0x110: {  	[tilespmem:s24+$0x1E0] =	vst v1  }
0x111: {  	_ =	swait.ge [sflag:s18], $0x80  }
0x112: {  	[sflag:s18] =	ssyncset.done $0x0  }
0x113: {  	[sflag:s18] =	ssyncadd.s32 $0xFFFFFF80  }
0x114: {  	_ =	swait.ge [sflag:s18], $0x80  }
0x115: {  	[sflag:s18] =	ssyncset.done $0x0  }
0x116: {  	s24 =	sshll.u32 s23, $0x2;
	p1 =	seq.s32 s23, $0x13;
	[sflag:s18] =	ssyncadd.s32 $0xFFFFFF80  }
0x117: {  	[tilespmem:s14], [sflag:$0x1] =	stream.indirect.gather [hbm4b:s1+s13], $0x40, s8, s13, $0xb8;
	[tilespmem:$0x1C000] =	vst v63  }
0x118: {  	s0 =	simm.s32 $0x13E00;
	s11 =	sadd.s32 @!p1 s24, s25  }
0x119: {  	[spmem:s2] =	stream.indirect.scatter.add.f32 [tilespmem:s31], [sflag:$0x3], $0x80, s0, s13, $0xb8;
	[tilespmem:$0x1C000] =	vst v63  }
0x11a: {  	s11 =	sshll.u32 @!p1 s11, $0x4;
	_ =	swait.ge [sflag:s19], $0x4000  }
0x11b: {  	s22 =	simm.s32 @!p1 $0x0;
	s11 =	sand.u32 @!p1 $0x1FFFFFC0, s11;
	[sflag:s19] =	ssyncset.done $0x0  }
0x11c: {  	s12 =	sadd.s32 @!p1 s5, s11;
	s0 =	simm.s32 @!p1 $0x13C00;
	[sflag:s19] =	ssyncadd.s32 $0xFFFFC000  }
0x11d: {  	[tilespmem:s0], [sflag:$0x5] =	stream.linear.gather @!p1 [hbm4b:s12+s22], $0x80, $0x38;
	[tilespmem:$0x1C000] =	vst v63  }
0x11e: {  	s0 =	sadd.s32 @!p1 s6, s11;
	s11 =	simm.s32 @!p1 $0x13E00  }
0x11f: {  	[tilespmem:s11], [sflag:$0x5] =	stream.linear.gather @!p1 [hbm4b:s0+s22], $0x80, $0x38;
	[tilespmem:$0x1C000] =	vst v63  }
0x120: {  	_ =	swait.ge [sflag:s30], $0x2000  }
0x121: {  	[sflag:s30] =	ssyncset.done $0x0  }
0x122: {  	s22 =	simm.s32 $0x16100;
	[sflag:s30] =	ssyncadd.s32 $0xFFFFE000  }
0x123: {  	v1 =	vld [tilespmem:s22+$0xC0];
	_ =	sdelay $0x1  }
0x124: {  	v2 =	vld [tilespmem:s22+$0xFFFFFF40];
	_ =	sdelay $0x1  }
0x125: {  	v3 =	vld [tilespmem:s22+$0xFFFFFF80]  }
0x126: {  	s12 =	simm.s32 $0x18200;
	v4 =	vunpack.i.l.bf16.f32 v1  }
0x127: {  	v5 =	vld [tilespmem:s22+$0xFFFFFFC0];
	v1 =	vunpack.i.u.bf16.f32 v1;
	[tilespmem:s12+$0x180] =	vst v4  }
0x128: {  	v6 =	vld [tilespmem:s22+$0xFFFFFF00];
	v4 =	vunpack.i.l.bf16.f32 v2;
	[tilespmem:s12+$0x190] =	vst v1  }
0x129: {  	v1 =	vunpack.i.u.bf16.f32 v2;
	[tilespmem:s12+$0xFFFFFE80] =	vst v4;
	v2 =	vld [tilespmem:s22+$0xD0]  }
0x12a: {  	v4 =	vunpack.i.l.bf16.f32 v3;
	[tilespmem:s12+$0xFFFFFE90] =	vst v1  }
0x12b: {  	v1 =	vunpack.i.u.bf16.f32 v3;
	[tilespmem:s12+$0xFFFFFF00] =	vst v4  }
0x12c: {  	v3 =	vunpack.i.l.bf16.f32 v5;
	[tilespmem:s12+$0xFFFFFF10] =	vst v1  }
0x12d: {  	v1 =	vld [tilespmem:s22+$0x0];
	v4 =	vunpack.i.l.bf16.f32 v6;
	[tilespmem:s12+$0xFFFFFF80] =	vst v3  }
0x12e: {  	[tilespmem:s12+$0xFFFFFE00] =	vst v4;
	v3 =	vunpack.i.l.bf16.f32 v2  }
0x12f: {  	v4 =	vld [tilespmem:s22+$0x40];
	v2 =	vunpack.i.u.bf16.f32 v2;
	[tilespmem:s12+$0x1A0] =	vst v3  }
0x130: {  	v3 =	vunpack.i.u.bf16.f32 v6;
	[tilespmem:s12+$0x1B0] =	vst v2  }
0x131: {  	v2 =	vunpack.i.u.bf16.f32 v5;
	[tilespmem:s12+$0xFFFFFE10] =	vst v3;
	v3 =	vld [tilespmem:s22+$0xE0]  }
0x132: {  	v5 =	vunpack.i.l.bf16.f32 v1;
	[tilespmem:s12+$0xFFFFFF90] =	vst v2  }
0x133: {  	v1 =	vunpack.i.u.bf16.f32 v1;
	v2 =	vld [tilespmem:s22+$0x80];
	[tilespmem:s12+$0x0] =	vst v5  }
0x134: {  	v5 =	vunpack.i.l.bf16.f32 v4;
	[tilespmem:s12+$0x10] =	vst v1  }
0x135: {  	v1 =	vunpack.i.u.bf16.f32 v4;
	v4 =	vld [tilespmem:s22+$0xFFFFFF10];
	[tilespmem:s12+$0x80] =	vst v5  }
0x136: {  	[tilespmem:s12+$0x90] =	vst v1;
	v1 =	vunpack.i.l.bf16.f32 v3  }
0x137: {  	v5 =	vld [tilespmem:s22+$0xFFFFFF50];
	v3 =	vunpack.i.u.bf16.f32 v3;
	[tilespmem:s12+$0x1C0] =	vst v1  }
0x138: {  	v1 =	vunpack.i.l.bf16.f32 v2;
	[tilespmem:s12+$0x1D0] =	vst v3  }
0x139: {  	v2 =	vunpack.i.u.bf16.f32 v2;
	v3 =	vld [tilespmem:s22+$0xFFFFFF90];
	[tilespmem:s12+$0x100] =	vst v1  }
0x13a: {  	v6 =	vunpack.i.l.bf16.f32 v4;
	v1 =	vld [tilespmem:s22+$0xF0];
	[tilespmem:s12+$0x110] =	vst v2  }
0x13b: {  	v2 =	vunpack.i.u.bf16.f32 v4;
	[tilespmem:s12+$0xFFFFFE20] =	vst v6;
	v6 =	vld [tilespmem:s22+$0xFFFFFFD0]  }
0x13c: {  	v4 =	vunpack.i.l.bf16.f32 v5;
	[tilespmem:s12+$0xFFFFFE30] =	vst v2  }
0x13d: {  	v2 =	vunpack.i.u.bf16.f32 v5;
	[tilespmem:s12+$0xFFFFFEA0] =	vst v4;
	v4 =	vld [tilespmem:s22+$0x10]  }
0x13e: {  	[tilespmem:s12+$0xFFFFFEB0] =	vst v2;
	v5 =	vunpack.i.l.bf16.f32 v3  }
0x13f: {  	v2 =	vunpack.i.u.bf16.f32 v1;
	[tilespmem:s12+$0xFFFFFF20] =	vst v5  }
0x140: {  	v5 =	vunpack.i.l.bf16.f32 v6;
	[tilespmem:s12+$0x1F0] =	vst v2;
	v2 =	vunpack.i.u.bf16.f32 v3;
	v3 =	vld [tilespmem:s22+$0x50]  }
0x141: {  	[tilespmem:s12+$0xFFFFFFA0] =	vst v5  }
0x142: {  	v5 =	vunpack.i.l.bf16.f32 v4;
	[tilespmem:s12+$0xFFFFFF30] =	vst v2;
	v2 =	vunpack.i.u.bf16.f32 v6;
	v6 =	vld [tilespmem:s22+$0x90]  }
0x143: {  	[tilespmem:s12+$0x20] =	vst v5  }
0x144: {  	[tilespmem:s12+$0xFFFFFFB0] =	vst v2;
	v2 =	vunpack.i.u.bf16.f32 v4;
	v4 =	vld [tilespmem:s22+$0xFFFFFF20]  }
0x145: {  	[tilespmem:s12+$0x30] =	vst v2;
	v5 =	vunpack.i.l.bf16.f32 v3  }
0x146: {  	v2 =	vunpack.i.u.bf16.f32 v3;
	v3 =	vld [tilespmem:s22+$0xFFFFFF60];
	[tilespmem:s12+$0xA0] =	vst v5  }
0x147: {  	v5 =	vunpack.i.l.bf16.f32 v6;
	[tilespmem:s12+$0xB0] =	vst v2  }
0x148: {  	v2 =	vunpack.i.u.bf16.f32 v6;
	v6 =	vld [tilespmem:s22+$0xFFFFFFA0];
	[tilespmem:s12+$0x120] =	vst v5  }
0x149: {  	v5 =	vunpack.i.l.bf16.f32 v4;
	[tilespmem:s12+$0x130] =	vst v2  }
0x14a: {  	v2 =	vunpack.i.u.bf16.f32 v4;
	v4 =	vld [tilespmem:s22+$0xFFFFFFE0];
	[tilespmem:s12+$0xFFFFFE40] =	vst v5  }
0x14b: {  	[tilespmem:s12+$0xFFFFFE50] =	vst v2;
	v5 =	vunpack.i.l.bf16.f32 v3  }
0x14c: {  	v2 =	vunpack.i.u.bf16.f32 v3;
	v3 =	vld [tilespmem:s22+$0x20];
	[tilespmem:s12+$0xFFFFFEC0] =	vst v5  }
0x14d: {  	v5 =	vunpack.i.l.bf16.f32 v6;
	[tilespmem:s12+$0xFFFFFED0] =	vst v2  }
0x14e: {  	v2 =	vunpack.i.u.bf16.f32 v6;
	v6 =	vld [tilespmem:s22+$0x60];
	[tilespmem:s12+$0xFFFFFF40] =	vst v5  }
0x14f: {  	v5 =	vunpack.i.l.bf16.f32 v4;
	[tilespmem:s12+$0xFFFFFF50] =	vst v2  }
0x150: {  	v2 =	vunpack.i.u.bf16.f32 v4;
	v4 =	vld [tilespmem:s22+$0xA0];
	[tilespmem:s12+$0xFFFFFFC0] =	vst v5  }
0x151: {  	[tilespmem:s12+$0xFFFFFFD0] =	vst v2;
	v5 =	vunpack.i.l.bf16.f32 v3  }
0x152: {  	v2 =	vunpack.i.u.bf16.f32 v3;
	v3 =	vld [tilespmem:s22+$0xFFFFFF30];
	[tilespmem:s12+$0x40] =	vst v5  }
0x153: {  	v5 =	vunpack.i.l.bf16.f32 v6;
	[tilespmem:s12+$0x50] =	vst v2  }
0x154: {  	v2 =	vunpack.i.u.bf16.f32 v6;
	v6 =	vld [tilespmem:s22+$0xFFFFFF70];
	[tilespmem:s12+$0xC0] =	vst v5  }
0x155: {  	v5 =	vunpack.i.l.bf16.f32 v4;
	[tilespmem:s12+$0xD0] =	vst v2  }
0x156: {  	v2 =	vunpack.i.u.bf16.f32 v4;
	v4 =	vld [tilespmem:s22+$0xFFFFFFB0];
	[tilespmem:s12+$0x140] =	vst v5  }
0x157: {  	[tilespmem:s12+$0x150] =	vst v2;
	v5 =	vunpack.i.l.bf16.f32 v3  }
0x158: {  	v7 =	vld [tilespmem:s22+$0x30];
	v2 =	vunpack.i.u.bf16.f32 v3;
	[tilespmem:s12+$0xFFFFFE60] =	vst v5  }
0x159: {  	v3 =	vld [tilespmem:s22+$0xFFFFFFF0];
	v5 =	vunpack.i.l.bf16.f32 v6;
	[tilespmem:s12+$0xFFFFFE70] =	vst v2  }
0x15a: {  	v2 =	vunpack.i.u.bf16.f32 v6;
	v6 =	vld [tilespmem:s22+$0x70];
	[tilespmem:s12+$0xFFFFFEE0] =	vst v5  }
0x15b: {  	v8 =	vld [tilespmem:s22+$0xB0];
	v5 =	vunpack.i.l.bf16.f32 v4;
	[tilespmem:s12+$0xFFFFFEF0] =	vst v2  }
0x15c: {  	v2 =	vunpack.i.u.bf16.f32 v4;
	[tilespmem:s12+$0xFFFFFF60] =	vst v5  }
0x15d: {  	[tilespmem:s12+$0xFFFFFF70] =	vst v2;
	v2 =	vunpack.i.u.bf16.f32 v7;
	v7 =	vunpack.i.l.bf16.f32 v7  }
0x15e: {  	[tilespmem:s12+$0x60] =	vst v7;
	v4 =	vunpack.i.l.bf16.f32 v3  }
0x15f: {  	v1 =	vunpack.i.l.bf16.f32 v1;
	v5 =	vunpack.i.u.bf16.f32 v3;
	[tilespmem:s12+$0xFFFFFFE0] =	vst v4;
	v3 =	vunpack.i.u.bf16.f32 v6  }
0x160: {  	s11 =	simm.s32 $0x16300;
	s22 =	simm.s32 $0x0;
	[tilespmem:s12+$0xFFFFFFF0] =	vst v5;
	v6 =	vunpack.i.l.bf16.f32 v6;
	v4 =	vunpack.i.u.bf16.f32 v8;
	v5 =	vunpack.i.l.bf16.f32 v8  }
.LBB2_7:
0x161: {  	v7 =	vld [tilespmem:s11+$0xC0];
	[tilespmem:s12+$0x70] =	vst v2  }
0x162: {  	v2 =	vld [tilespmem:s11+$0xFFFFFF40];
	[tilespmem:s12+$0xE0] =	vst v6  }
0x163: {  	v6 =	vld [tilespmem:s11+$0xFFFFFF80];
	[tilespmem:s12+$0xF0] =	vst v3  }
0x164: {  	s22 =	sadd.s32 $0x8, s22;
	v3 =	vld [tilespmem:s11+$0xFFFFFFC0];
	[tilespmem:s12+$0x160] =	vst v5  }
0x165: {  	p2 =	slt.u32 s22, $0x78;
	v5 =	vld [tilespmem:s11+$0x0];
	[tilespmem:s12+$0x170] =	vst v4  }
0x166: {  	v4 =	vld [tilespmem:s11+$0x40];
	v8 =	vunpack.i.l.bf16.f32 v7;
	[tilespmem:s12+$0x1E0] =	vst v1;
	s12 =	sadd.s32 $0x400, s12  }
0x167: {  	v7 =	vunpack.i.u.bf16.f32 v7;
	v1 =	vunpack.i.u.bf16.f32 v2;
	v2 =	vunpack.i.l.bf16.f32 v2;
	v9 =	vld [tilespmem:s11+$0x80];
	[tilespmem:s12+$0x180] =	vst v8  }
0x168: {  	v8 =	vld [tilespmem:s11+$0xFFFFFF00];
	v10 =	vunpack.i.u.bf16.f32 v6;
	v6 =	vunpack.i.l.bf16.f32 v6;
	[tilespmem:s12+$0x190] =	vst v7  }
0x169: {  	[tilespmem:s12+$0xFFFFFE80] =	vst v2;
	v2 =	vunpack.i.u.bf16.f32 v3;
	v3 =	vunpack.i.l.bf16.f32 v3;
	v7 =	vld [tilespmem:s11+$0xD0]  }
0x16a: {  	[tilespmem:s12+$0xFFFFFE90] =	vst v1;
	v1 =	vunpack.i.u.bf16.f32 v5;
	v5 =	vunpack.i.l.bf16.f32 v5  }
0x16b: {  	v11 =	vld [tilespmem:s11+$0xFFFFFF50];
	[tilespmem:s12+$0xFFFFFF00] =	vst v6;
	v6 =	vunpack.i.u.bf16.f32 v4;
	v4 =	vunpack.i.l.bf16.f32 v4  }
0x16c: {  	[tilespmem:s12+$0xFFFFFF10] =	vst v10;
	v10 =	vunpack.i.u.bf16.f32 v9;
	v9 =	vunpack.i.l.bf16.f32 v9  }
0x16d: {  	v12 =	vunpack.i.u.bf16.f32 v8;
	v8 =	vunpack.i.l.bf16.f32 v8;
	v13 =	vld [tilespmem:s11+$0xFFFFFF90];
	[tilespmem:s12+$0xFFFFFF80] =	vst v3  }
0x16e: {  	[tilespmem:s12+$0xFFFFFE00] =	vst v8;
	v3 =	vunpack.i.l.bf16.f32 v7  }
0x16f: {  	v7 =	vunpack.i.u.bf16.f32 v7;
	[tilespmem:s12+$0x1A0] =	vst v3  }
0x170: {  	v3 =	vunpack.i.u.bf16.f32 v11;
	v8 =	vunpack.i.l.bf16.f32 v11;
	[tilespmem:s12+$0x1B0] =	vst v7  }
0x171: {  	[tilespmem:s12+$0xFFFFFE10] =	vst v12;
	v7 =	vld [tilespmem:s11+$0xE0]  }
0x172: {  	v11 =	vld [tilespmem:s11+$0xFFFFFF10];
	v12 =	vunpack.i.u.bf16.f32 v13;
	v13 =	vunpack.i.l.bf16.f32 v13;
	[tilespmem:s12+$0xFFFFFF90] =	vst v2  }
0x173: {  	v2 =	vld [tilespmem:s11+$0xFFFFFFD0];
	[tilespmem:s12+$0x0] =	vst v5  }
0x174: {  	[tilespmem:s12+$0x10] =	vst v1  }
0x175: {  	v1 =	vld [tilespmem:s11+$0x10];
	[tilespmem:s12+$0x80] =	vst v4  }
0x176: {  	[tilespmem:s12+$0x90] =	vst v6;
	v4 =	vunpack.i.l.bf16.f32 v7  }
0x177: {  	v7 =	vunpack.i.u.bf16.f32 v7;
	v5 =	vunpack.i.u.bf16.f32 v11;
	v6 =	vunpack.i.l.bf16.f32 v11;
	v11 =	vld [tilespmem:s11+$0x50];
	[tilespmem:s12+$0x1C0] =	vst v4  }
0x178: {  	v4 =	vunpack.i.u.bf16.f32 v2;
	v2 =	vunpack.i.l.bf16.f32 v2;
	[tilespmem:s12+$0x1D0] =	vst v7  }
0x179: {  	[tilespmem:s12+$0x100] =	vst v9;
	v7 =	vld [tilespmem:s11+$0xF0]  }
0x17a: {  	v9 =	vunpack.i.u.bf16.f32 v1;
	v14 =	vunpack.i.l.bf16.f32 v1;
	[tilespmem:s12+$0x110] =	vst v10  }
0x17b: {  	[tilespmem:s12+$0xFFFFFE20] =	vst v6;
	v6 =	vld [tilespmem:s11+$0x90]  }
0x17c: {  	[tilespmem:s12+$0xFFFFFE30] =	vst v5;
	v5 =	vunpack.i.u.bf16.f32 v11;
	v10 =	vunpack.i.l.bf16.f32 v11  }
0x17d: {  	v11 =	vld [tilespmem:s11+$0xFFFFFF20];
	[tilespmem:s12+$0xFFFFFEA0] =	vst v8  }
0x17e: {  	[tilespmem:s12+$0xFFFFFEB0] =	vst v3;
	v3 =	vunpack.i.u.bf16.f32 v7;
	v1 =	vunpack.i.l.bf16.f32 v7  }
0x17f: {  	v7 =	vld [tilespmem:s11+$0xFFFFFF60];
	[tilespmem:s12+$0x1F0] =	vst v3  }
0x180: {  	[tilespmem:s12+$0xFFFFFF20] =	vst v13;
	v3 =	vunpack.i.u.bf16.f32 v6;
	v6 =	vunpack.i.l.bf16.f32 v6  }
0x181: {  	[tilespmem:s12+$0xFFFFFF30] =	vst v12  }
0x182: {  	v8 =	vunpack.i.u.bf16.f32 v11;
	v11 =	vunpack.i.l.bf16.f32 v11;
	v12 =	vld [tilespmem:s11+$0xFFFFFFA0];
	[tilespmem:s12+$0xFFFFFFA0] =	vst v2  }
0x183: {  	[tilespmem:s12+$0xFFFFFFB0] =	vst v4  }
0x184: {  	v2 =	vunpack.i.u.bf16.f32 v7;
	v4 =	vunpack.i.l.bf16.f32 v7;
	v7 =	vld [tilespmem:s11+$0xFFFFFFE0];
	[tilespmem:s12+$0x20] =	vst v14  }
0x185: {  	[tilespmem:s12+$0x30] =	vst v9  }
0x186: {  	v9 =	vld [tilespmem:s11+$0x20];
	[tilespmem:s12+$0xA0] =	vst v10  }
0x187: {  	v10 =	vunpack.i.u.bf16.f32 v12;
	v12 =	vunpack.i.l.bf16.f32 v12;
	[tilespmem:s12+$0xB0] =	vst v5  }
0x188: {  	v5 =	vld [tilespmem:s11+$0x60];
	[tilespmem:s12+$0x120] =	vst v6  }
0x189: {  	v6 =	vunpack.i.u.bf16.f32 v7;
	v7 =	vunpack.i.l.bf16.f32 v7;
	[tilespmem:s12+$0x130] =	vst v3  }
0x18a: {  	[tilespmem:s12+$0xFFFFFE40] =	vst v11;
	v3 =	vld [tilespmem:s11+$0xA0]  }
0x18b: {  	[tilespmem:s12+$0xFFFFFE50] =	vst v8;
	v8 =	vunpack.i.u.bf16.f32 v9;
	v9 =	vunpack.i.l.bf16.f32 v9  }
0x18c: {  	v11 =	vld [tilespmem:s11+$0xFFFFFF30];
	[tilespmem:s12+$0xFFFFFEC0] =	vst v4  }
0x18d: {  	[tilespmem:s12+$0xFFFFFED0] =	vst v2;
	v2 =	vunpack.i.u.bf16.f32 v5;
	v4 =	vunpack.i.l.bf16.f32 v5  }
0x18e: {  	v5 =	vld [tilespmem:s11+$0xFFFFFF70];
	[tilespmem:s12+$0xFFFFFF40] =	vst v12  }
0x18f: {  	[tilespmem:s12+$0xFFFFFF50] =	vst v10;
	v10 =	vunpack.i.u.bf16.f32 v3;
	v3 =	vunpack.i.l.bf16.f32 v3  }
0x190: {  	v12 =	vld [tilespmem:s11+$0xFFFFFFB0];
	[tilespmem:s12+$0xFFFFFFC0] =	vst v7  }
0x191: {  	v7 =	vunpack.i.u.bf16.f32 v11;
	v11 =	vunpack.i.l.bf16.f32 v11;
	[tilespmem:s12+$0xFFFFFFD0] =	vst v6  }
0x192: {  	v6 =	vld [tilespmem:s11+$0xFFFFFFF0];
	[tilespmem:s12+$0x40] =	vst v9  }
0x193: {  	v9 =	vunpack.i.u.bf16.f32 v5;
	v5 =	vunpack.i.l.bf16.f32 v5;
	[tilespmem:s12+$0x50] =	vst v8  }
0x194: {  	v8 =	vld [tilespmem:s11+$0x30];
	[tilespmem:s12+$0xC0] =	vst v4  }
0x195: {  	v4 =	vunpack.i.u.bf16.f32 v12;
	v12 =	vunpack.i.l.bf16.f32 v12;
	[tilespmem:s12+$0xD0] =	vst v2  }
0x196: {  	v13 =	vld [tilespmem:s11+$0x70];
	[tilespmem:s12+$0x140] =	vst v3  }
0x197: {  	v14 =	vunpack.i.u.bf16.f32 v6;
	v15 =	vunpack.i.l.bf16.f32 v6;
	[tilespmem:s12+$0x150] =	vst v10  }
0x198: {  	[tilespmem:s12+$0xFFFFFE60] =	vst v11;
	v10 =	vld [tilespmem:s11+$0xB0]  }
0x199: {  	[tilespmem:s12+$0xFFFFFE70] =	vst v7;
	v2 =	vunpack.i.u.bf16.f32 v8;
	v7 =	vunpack.i.l.bf16.f32 v8  }
0x19a: {  	[tilespmem:s12+$0xFFFFFEE0] =	vst v5  }
0x19b: {  	[tilespmem:s12+$0xFFFFFEF0] =	vst v9;
	v3 =	vunpack.i.u.bf16.f32 v13;
	v6 =	vunpack.i.l.bf16.f32 v13  }
.Ltmp4:
0x19c: {  	[tilespmem:s12+$0xFFFFFF60] =	vst v12;
	(pc) =	sbr.rel @p2 .LBB2_7-.Ltmp4, $4  }
0x19d: {  	[tilespmem:s12+$0xFFFFFF70] =	vst v4;
	v4 =	vunpack.i.u.bf16.f32 v10;
	v5 =	vunpack.i.l.bf16.f32 v10  }
0x19e: {  	[tilespmem:s12+$0xFFFFFFE0] =	vst v15  }
0x19f: {  	[tilespmem:s12+$0xFFFFFFF0] =	vst v14  }
0x1a0: {  	s11 =	sadd.s32 $0x200, s11;
	[tilespmem:s12+$0x60] =	vst v7  }
0x1a1: {  	[tilespmem:s12+$0x70] =	vst v2  }
0x1a2: {  	[tilespmem:s12+$0xE0] =	vst v6  }
0x1a3: {  	[tilespmem:s12+$0xF0] =	vst v3  }
0x1a4: {  	[tilespmem:s12+$0x160] =	vst v5  }
0x1a5: {  	[tilespmem:s12+$0x170] =	vst v4  }
0x1a6: {  	[tilespmem:s12+$0x1E0] =	vst v1  }
0x1a7: {  	_ =	swait.ge [sflag:s20], $0x80  }
0x1a8: {  	[sflag:s20] =	ssyncset.done $0x0  }
0x1a9: {  	[sflag:s20] =	ssyncadd.s32 $0xFFFFFF80  }
0x1aa: {  	_ =	swait.ge [sflag:s20], $0x80  }
0x1ab: {  	[sflag:s20] =	ssyncset.done $0x0  }
0x1ac: {  	[sflag:s20] =	ssyncadd.s32 $0xFFFFFF80  }
0x1ad: {  	[tilespmem:s16], [sflag:$0x2] =	stream.indirect.gather [hbm4b:s1+s13], $0x40, s9, s13, $0xb8;
	[tilespmem:$0x1C000] =	vst v63  }
0x1ae: {  	s0 =	sadd.s32 @!p1 s24, s26  }
0x1af: {  	[spmem:s2] =	stream.indirect.scatter.add.f32 [tilespmem:s31], [sflag:$0x4], $0x80, s7, s13, $0xb8;
	[tilespmem:$0x1C000] =	vst v63  }
0x1b0: {  	s0 =	sshll.u32 @!p1 s0, $0x4;
	_ =	swait.ge [sflag:s21], $0x4000  }
0x1b1: {  	s12 =	simm.s32 @!p1 $0x0;
	s0 =	sand.u32 @!p1 $0x1FFFFFD0, s0;
	[sflag:s21] =	ssyncset.done $0x0  }
0x1b2: {  	s22 =	simm.s32 @!p1 $0x13C80;
	s11 =	sadd.s32 @!p1 s5, s0;
	[sflag:s21] =	ssyncadd.s32 $0xFFFFC000  }
0x1b3: {  	[tilespmem:s22], [sflag:$0x6] =	stream.linear.gather @!p1 [hbm4b:s11+s12], $0x80, $0x38;
	[tilespmem:$0x1C000] =	vst v63  }
0x1b4: {  	s0 =	sadd.s32 @!p1 s6, s0;
	s11 =	simm.s32 @!p1 $0x13E80  }
0x1b5: {  	[tilespmem:s11], [sflag:$0x6] =	stream.linear.gather @!p1 [hbm4b:s0+s12], $0x80, $0x38;
	[tilespmem:$0x1C000] =	vst v63  }
0x1b6: {  	_ =	swait.ge [sflag:s17], $0x2000  }
0x1b7: {  	[sflag:s17] =	ssyncset.done $0x0  }
0x1b8: {  	s22 =	simm.s32 $0x14100;
	[sflag:s17] =	ssyncadd.s32 $0xFFFFE000  }
0x1b9: {  	v1 =	vld [tilespmem:s22+$0xC0];
	_ =	sdelay $0x1  }
0x1ba: {  	v2 =	vld [tilespmem:s22+$0xFFFFFF40];
	_ =	sdelay $0x1  }
0x1bb: {  	v3 =	vld [tilespmem:s22+$0xFFFFFF80]  }
0x1bc: {  	s12 =	simm.s32 $0x18200;
	v4 =	vunpack.i.l.bf16.f32 v1  }
0x1bd: {  	v5 =	vld [tilespmem:s22+$0xFFFFFFC0];
	v1 =	vunpack.i.u.bf16.f32 v1;
	[tilespmem:s12+$0x180] =	vst v4  }
0x1be: {  	v6 =	vld [tilespmem:s22+$0xFFFFFF00];
	v4 =	vunpack.i.l.bf16.f32 v2;
	[tilespmem:s12+$0x190] =	vst v1  }
0x1bf: {  	v1 =	vunpack.i.u.bf16.f32 v2;
	[tilespmem:s12+$0xFFFFFE80] =	vst v4;
	v2 =	vld [tilespmem:s22+$0xD0]  }
0x1c0: {  	v4 =	vunpack.i.l.bf16.f32 v3;
	[tilespmem:s12+$0xFFFFFE90] =	vst v1  }
0x1c1: {  	v1 =	vunpack.i.u.bf16.f32 v3;
	[tilespmem:s12+$0xFFFFFF00] =	vst v4  }
0x1c2: {  	v3 =	vunpack.i.l.bf16.f32 v5;
	[tilespmem:s12+$0xFFFFFF10] =	vst v1  }
0x1c3: {  	v1 =	vld [tilespmem:s22+$0x0];
	v4 =	vunpack.i.l.bf16.f32 v6;
	[tilespmem:s12+$0xFFFFFF80] =	vst v3  }
0x1c4: {  	[tilespmem:s12+$0xFFFFFE00] =	vst v4;
	v3 =	vunpack.i.l.bf16.f32 v2  }
0x1c5: {  	v4 =	vld [tilespmem:s22+$0x40];
	v2 =	vunpack.i.u.bf16.f32 v2;
	[tilespmem:s12+$0x1A0] =	vst v3  }
0x1c6: {  	v3 =	vunpack.i.u.bf16.f32 v6;
	[tilespmem:s12+$0x1B0] =	vst v2  }
0x1c7: {  	v2 =	vunpack.i.u.bf16.f32 v5;
	[tilespmem:s12+$0xFFFFFE10] =	vst v3;
	v3 =	vld [tilespmem:s22+$0xE0]  }
0x1c8: {  	v5 =	vunpack.i.l.bf16.f32 v1;
	[tilespmem:s12+$0xFFFFFF90] =	vst v2  }
0x1c9: {  	v1 =	vunpack.i.u.bf16.f32 v1;
	v2 =	vld [tilespmem:s22+$0x80];
	[tilespmem:s12+$0x0] =	vst v5  }
0x1ca: {  	v5 =	vunpack.i.l.bf16.f32 v4;
	[tilespmem:s12+$0x10] =	vst v1  }
0x1cb: {  	v1 =	vunpack.i.u.bf16.f32 v4;
	v4 =	vld [tilespmem:s22+$0xFFFFFF10];
	[tilespmem:s12+$0x80] =	vst v5  }
0x1cc: {  	[tilespmem:s12+$0x90] =	vst v1;
	v1 =	vunpack.i.l.bf16.f32 v3  }
0x1cd: {  	v5 =	vld [tilespmem:s22+$0xFFFFFF50];
	v3 =	vunpack.i.u.bf16.f32 v3;
	[tilespmem:s12+$0x1C0] =	vst v1  }
0x1ce: {  	v1 =	vunpack.i.l.bf16.f32 v2;
	[tilespmem:s12+$0x1D0] =	vst v3  }
0x1cf: {  	v2 =	vunpack.i.u.bf16.f32 v2;
	v3 =	vld [tilespmem:s22+$0xFFFFFF90];
	[tilespmem:s12+$0x100] =	vst v1  }
0x1d0: {  	v6 =	vunpack.i.l.bf16.f32 v4;
	v1 =	vld [tilespmem:s22+$0xF0];
	[tilespmem:s12+$0x110] =	vst v2  }
0x1d1: {  	v2 =	vunpack.i.u.bf16.f32 v4;
	[tilespmem:s12+$0xFFFFFE20] =	vst v6;
	v6 =	vld [tilespmem:s22+$0xFFFFFFD0]  }
0x1d2: {  	v4 =	vunpack.i.l.bf16.f32 v5;
	[tilespmem:s12+$0xFFFFFE30] =	vst v2  }
0x1d3: {  	v2 =	vunpack.i.u.bf16.f32 v5;
	[tilespmem:s12+$0xFFFFFEA0] =	vst v4;
	v4 =	vld [tilespmem:s22+$0x10]  }
0x1d4: {  	[tilespmem:s12+$0xFFFFFEB0] =	vst v2;
	v5 =	vunpack.i.l.bf16.f32 v3  }
0x1d5: {  	v2 =	vunpack.i.u.bf16.f32 v1;
	[tilespmem:s12+$0xFFFFFF20] =	vst v5  }
0x1d6: {  	v5 =	vunpack.i.l.bf16.f32 v6;
	[tilespmem:s12+$0x1F0] =	vst v2;
	v2 =	vunpack.i.u.bf16.f32 v3;
	v3 =	vld [tilespmem:s22+$0x50]  }
0x1d7: {  	[tilespmem:s12+$0xFFFFFFA0] =	vst v5  }
0x1d8: {  	v5 =	vunpack.i.l.bf16.f32 v4;
	[tilespmem:s12+$0xFFFFFF30] =	vst v2;
	v2 =	vunpack.i.u.bf16.f32 v6;
	v6 =	vld [tilespmem:s22+$0x90]  }
0x1d9: {  	[tilespmem:s12+$0x20] =	vst v5  }
0x1da: {  	[tilespmem:s12+$0xFFFFFFB0] =	vst v2;
	v2 =	vunpack.i.u.bf16.f32 v4;
	v4 =	vld [tilespmem:s22+$0xFFFFFF20]  }
0x1db: {  	[tilespmem:s12+$0x30] =	vst v2;
	v5 =	vunpack.i.l.bf16.f32 v3  }
0x1dc: {  	v2 =	vunpack.i.u.bf16.f32 v3;
	v3 =	vld [tilespmem:s22+$0xFFFFFF60];
	[tilespmem:s12+$0xA0] =	vst v5  }
0x1dd: {  	v5 =	vunpack.i.l.bf16.f32 v6;
	[tilespmem:s12+$0xB0] =	vst v2  }
0x1de: {  	v2 =	vunpack.i.u.bf16.f32 v6;
	v6 =	vld [tilespmem:s22+$0xFFFFFFA0];
	[tilespmem:s12+$0x120] =	vst v5  }
0x1df: {  	v5 =	vunpack.i.l.bf16.f32 v4;
	[tilespmem:s12+$0x130] =	vst v2  }
0x1e0: {  	v2 =	vunpack.i.u.bf16.f32 v4;
	v4 =	vld [tilespmem:s22+$0xFFFFFFE0];
	[tilespmem:s12+$0xFFFFFE40] =	vst v5  }
0x1e1: {  	[tilespmem:s12+$0xFFFFFE50] =	vst v2;
	v5 =	vunpack.i.l.bf16.f32 v3  }
0x1e2: {  	v2 =	vunpack.i.u.bf16.f32 v3;
	v3 =	vld [tilespmem:s22+$0x20];
	[tilespmem:s12+$0xFFFFFEC0] =	vst v5  }
0x1e3: {  	v5 =	vunpack.i.l.bf16.f32 v6;
	[tilespmem:s12+$0xFFFFFED0] =	vst v2  }
0x1e4: {  	v2 =	vunpack.i.u.bf16.f32 v6;
	v6 =	vld [tilespmem:s22+$0x60];
	[tilespmem:s12+$0xFFFFFF40] =	vst v5  }
0x1e5: {  	v5 =	vunpack.i.l.bf16.f32 v4;
	[tilespmem:s12+$0xFFFFFF50] =	vst v2  }
0x1e6: {  	v2 =	vunpack.i.u.bf16.f32 v4;
	v4 =	vld [tilespmem:s22+$0xA0];
	[tilespmem:s12+$0xFFFFFFC0] =	vst v5  }
0x1e7: {  	[tilespmem:s12+$0xFFFFFFD0] =	vst v2;
	v5 =	vunpack.i.l.bf16.f32 v3  }
0x1e8: {  	v2 =	vunpack.i.u.bf16.f32 v3;
	v3 =	vld [tilespmem:s22+$0xFFFFFF30];
	[tilespmem:s12+$0x40] =	vst v5  }
0x1e9: {  	v5 =	vunpack.i.l.bf16.f32 v6;
	[tilespmem:s12+$0x50] =	vst v2  }
0x1ea: {  	v2 =	vunpack.i.u.bf16.f32 v6;
	v6 =	vld [tilespmem:s22+$0xFFFFFF70];
	[tilespmem:s12+$0xC0] =	vst v5  }
0x1eb: {  	v5 =	vunpack.i.l.bf16.f32 v4;
	[tilespmem:s12+$0xD0] =	vst v2  }
0x1ec: {  	v2 =	vunpack.i.u.bf16.f32 v4;
	v4 =	vld [tilespmem:s22+$0xFFFFFFB0];
	[tilespmem:s12+$0x140] =	vst v5  }
0x1ed: {  	[tilespmem:s12+$0x150] =	vst v2;
	v5 =	vunpack.i.l.bf16.f32 v3  }
0x1ee: {  	v7 =	vld [tilespmem:s22+$0x30];
	v2 =	vunpack.i.u.bf16.f32 v3;
	[tilespmem:s12+$0xFFFFFE60] =	vst v5  }
0x1ef: {  	v3 =	vld [tilespmem:s22+$0xFFFFFFF0];
	v5 =	vunpack.i.l.bf16.f32 v6;
	[tilespmem:s12+$0xFFFFFE70] =	vst v2  }
0x1f0: {  	v2 =	vunpack.i.u.bf16.f32 v6;
	v6 =	vld [tilespmem:s22+$0x70];
	[tilespmem:s12+$0xFFFFFEE0] =	vst v5  }
0x1f1: {  	v8 =	vld [tilespmem:s22+$0xB0];
	v5 =	vunpack.i.l.bf16.f32 v4;
	[tilespmem:s12+$0xFFFFFEF0] =	vst v2  }
0x1f2: {  	v2 =	vunpack.i.u.bf16.f32 v4;
	[tilespmem:s12+$0xFFFFFF60] =	vst v5  }
0x1f3: {  	[tilespmem:s12+$0xFFFFFF70] =	vst v2;
	v2 =	vunpack.i.u.bf16.f32 v7;
	v7 =	vunpack.i.l.bf16.f32 v7  }
0x1f4: {  	[tilespmem:s12+$0x60] =	vst v7;
	v4 =	vunpack.i.l.bf16.f32 v3  }
0x1f5: {  	v1 =	vunpack.i.l.bf16.f32 v1;
	v5 =	vunpack.i.u.bf16.f32 v3;
	[tilespmem:s12+$0xFFFFFFE0] =	vst v4;
	v3 =	vunpack.i.u.bf16.f32 v6  }
0x1f6: {  	s11 =	simm.s32 $0x14300;
	s22 =	simm.s32 $0x0;
	[tilespmem:s12+$0xFFFFFFF0] =	vst v5;
	v6 =	vunpack.i.l.bf16.f32 v6;
	v4 =	vunpack.i.u.bf16.f32 v8;
	v5 =	vunpack.i.l.bf16.f32 v8  }
.LBB2_9:
0x1f7: {  	v7 =	vld [tilespmem:s11+$0xC0];
	[tilespmem:s12+$0x70] =	vst v2  }
0x1f8: {  	v2 =	vld [tilespmem:s11+$0xFFFFFF40];
	[tilespmem:s12+$0xE0] =	vst v6  }
0x1f9: {  	v6 =	vld [tilespmem:s11+$0xFFFFFF80];
	[tilespmem:s12+$0xF0] =	vst v3  }
0x1fa: {  	s22 =	sadd.s32 $0x8, s22;
	v3 =	vld [tilespmem:s11+$0xFFFFFFC0];
	[tilespmem:s12+$0x160] =	vst v5  }
0x1fb: {  	p2 =	slt.u32 s22, $0x78;
	v5 =	vld [tilespmem:s11+$0x0];
	[tilespmem:s12+$0x170] =	vst v4  }
0x1fc: {  	v4 =	vld [tilespmem:s11+$0x40];
	v8 =	vunpack.i.l.bf16.f32 v7;
	[tilespmem:s12+$0x1E0] =	vst v1;
	s12 =	sadd.s32 $0x400, s12  }
0x1fd: {  	v7 =	vunpack.i.u.bf16.f32 v7;
	v1 =	vunpack.i.u.bf16.f32 v2;
	v2 =	vunpack.i.l.bf16.f32 v2;
	v9 =	vld [tilespmem:s11+$0x80];
	[tilespmem:s12+$0x180] =	vst v8  }
0x1fe: {  	v8 =	vld [tilespmem:s11+$0xFFFFFF00];
	v10 =	vunpack.i.u.bf16.f32 v6;
	v6 =	vunpack.i.l.bf16.f32 v6;
	[tilespmem:s12+$0x190] =	vst v7  }
0x1ff: {  	[tilespmem:s12+$0xFFFFFE80] =	vst v2;
	v2 =	vunpack.i.u.bf16.f32 v3;
	v3 =	vunpack.i.l.bf16.f32 v3;
	v7 =	vld [tilespmem:s11+$0xD0]  }
0x200: {  	[tilespmem:s12+$0xFFFFFE90] =	vst v1;
	v1 =	vunpack.i.u.bf16.f32 v5;
	v5 =	vunpack.i.l.bf16.f32 v5  }
0x201: {  	v11 =	vld [tilespmem:s11+$0xFFFFFF50];
	[tilespmem:s12+$0xFFFFFF00] =	vst v6;
	v6 =	vunpack.i.u.bf16.f32 v4;
	v4 =	vunpack.i.l.bf16.f32 v4  }
0x202: {  	[tilespmem:s12+$0xFFFFFF10] =	vst v10;
	v10 =	vunpack.i.u.bf16.f32 v9;
	v9 =	vunpack.i.l.bf16.f32 v9  }
0x203: {  	v12 =	vunpack.i.u.bf16.f32 v8;
	v8 =	vunpack.i.l.bf16.f32 v8;
	v13 =	vld [tilespmem:s11+$0xFFFFFF90];
	[tilespmem:s12+$0xFFFFFF80] =	vst v3  }
0x204: {  	[tilespmem:s12+$0xFFFFFE00] =	vst v8;
	v3 =	vunpack.i.l.bf16.f32 v7  }
0x205: {  	v7 =	vunpack.i.u.bf16.f32 v7;
	[tilespmem:s12+$0x1A0] =	vst v3  }
0x206: {  	v3 =	vunpack.i.u.bf16.f32 v11;
	v8 =	vunpack.i.l.bf16.f32 v11;
	[tilespmem:s12+$0x1B0] =	vst v7  }
0x207: {  	[tilespmem:s12+$0xFFFFFE10] =	vst v12;
	v7 =	vld [tilespmem:s11+$0xE0]  }
0x208: {  	v11 =	vld [tilespmem:s11+$0xFFFFFF10];
	v12 =	vunpack.i.u.bf16.f32 v13;
	v13 =	vunpack.i.l.bf16.f32 v13;
	[tilespmem:s12+$0xFFFFFF90] =	vst v2  }
0x209: {  	v2 =	vld [tilespmem:s11+$0xFFFFFFD0];
	[tilespmem:s12+$0x0] =	vst v5  }
0x20a: {  	[tilespmem:s12+$0x10] =	vst v1  }
0x20b: {  	v1 =	vld [tilespmem:s11+$0x10];
	[tilespmem:s12+$0x80] =	vst v4  }
0x20c: {  	[tilespmem:s12+$0x90] =	vst v6;
	v4 =	vunpack.i.l.bf16.f32 v7  }
0x20d: {  	v7 =	vunpack.i.u.bf16.f32 v7;
	v5 =	vunpack.i.u.bf16.f32 v11;
	v6 =	vunpack.i.l.bf16.f32 v11;
	v11 =	vld [tilespmem:s11+$0x50];
	[tilespmem:s12+$0x1C0] =	vst v4  }
0x20e: {  	v4 =	vunpack.i.u.bf16.f32 v2;
	v2 =	vunpack.i.l.bf16.f32 v2;
	[tilespmem:s12+$0x1D0] =	vst v7  }
0x20f: {  	[tilespmem:s12+$0x100] =	vst v9;
	v7 =	vld [tilespmem:s11+$0xF0]  }
0x210: {  	v9 =	vunpack.i.u.bf16.f32 v1;
	v14 =	vunpack.i.l.bf16.f32 v1;
	[tilespmem:s12+$0x110] =	vst v10  }
0x211: {  	[tilespmem:s12+$0xFFFFFE20] =	vst v6;
	v6 =	vld [tilespmem:s11+$0x90]  }
0x212: {  	[tilespmem:s12+$0xFFFFFE30] =	vst v5;
	v5 =	vunpack.i.u.bf16.f32 v11;
	v10 =	vunpack.i.l.bf16.f32 v11  }
0x213: {  	v11 =	vld [tilespmem:s11+$0xFFFFFF20];
	[tilespmem:s12+$0xFFFFFEA0] =	vst v8  }
0x214: {  	[tilespmem:s12+$0xFFFFFEB0] =	vst v3;
	v3 =	vunpack.i.u.bf16.f32 v7;
	v1 =	vunpack.i.l.bf16.f32 v7  }
0x215: {  	v7 =	vld [tilespmem:s11+$0xFFFFFF60];
	[tilespmem:s12+$0x1F0] =	vst v3  }
0x216: {  	[tilespmem:s12+$0xFFFFFF20] =	vst v13;
	v3 =	vunpack.i.u.bf16.f32 v6;
	v6 =	vunpack.i.l.bf16.f32 v6  }
0x217: {  	[tilespmem:s12+$0xFFFFFF30] =	vst v12  }
0x218: {  	v8 =	vunpack.i.u.bf16.f32 v11;
	v11 =	vunpack.i.l.bf16.f32 v11;
	v12 =	vld [tilespmem:s11+$0xFFFFFFA0];
	[tilespmem:s12+$0xFFFFFFA0] =	vst v2  }
0x219: {  	[tilespmem:s12+$0xFFFFFFB0] =	vst v4  }
0x21a: {  	v2 =	vunpack.i.u.bf16.f32 v7;
	v4 =	vunpack.i.l.bf16.f32 v7;
	v7 =	vld [tilespmem:s11+$0xFFFFFFE0];
	[tilespmem:s12+$0x20] =	vst v14  }
0x21b: {  	[tilespmem:s12+$0x30] =	vst v9  }
0x21c: {  	v9 =	vld [tilespmem:s11+$0x20];
	[tilespmem:s12+$0xA0] =	vst v10  }
0x21d: {  	v10 =	vunpack.i.u.bf16.f32 v12;
	v12 =	vunpack.i.l.bf16.f32 v12;
	[tilespmem:s12+$0xB0] =	vst v5  }
0x21e: {  	v5 =	vld [tilespmem:s11+$0x60];
	[tilespmem:s12+$0x120] =	vst v6  }
0x21f: {  	v6 =	vunpack.i.u.bf16.f32 v7;
	v7 =	vunpack.i.l.bf16.f32 v7;
	[tilespmem:s12+$0x130] =	vst v3  }
0x220: {  	[tilespmem:s12+$0xFFFFFE40] =	vst v11;
	v3 =	vld [tilespmem:s11+$0xA0]  }
0x221: {  	[tilespmem:s12+$0xFFFFFE50] =	vst v8;
	v8 =	vunpack.i.u.bf16.f32 v9;
	v9 =	vunpack.i.l.bf16.f32 v9  }
0x222: {  	v11 =	vld [tilespmem:s11+$0xFFFFFF30];
	[tilespmem:s12+$0xFFFFFEC0] =	vst v4  }
0x223: {  	[tilespmem:s12+$0xFFFFFED0] =	vst v2;
	v2 =	vunpack.i.u.bf16.f32 v5;
	v4 =	vunpack.i.l.bf16.f32 v5  }
0x224: {  	v5 =	vld [tilespmem:s11+$0xFFFFFF70];
	[tilespmem:s12+$0xFFFFFF40] =	vst v12  }
0x225: {  	[tilespmem:s12+$0xFFFFFF50] =	vst v10;
	v10 =	vunpack.i.u.bf16.f32 v3;
	v3 =	vunpack.i.l.bf16.f32 v3  }
0x226: {  	v12 =	vld [tilespmem:s11+$0xFFFFFFB0];
	[tilespmem:s12+$0xFFFFFFC0] =	vst v7  }
0x227: {  	v7 =	vunpack.i.u.bf16.f32 v11;
	v11 =	vunpack.i.l.bf16.f32 v11;
	[tilespmem:s12+$0xFFFFFFD0] =	vst v6  }
0x228: {  	v6 =	vld [tilespmem:s11+$0xFFFFFFF0];
	[tilespmem:s12+$0x40] =	vst v9  }
0x229: {  	v9 =	vunpack.i.u.bf16.f32 v5;
	v5 =	vunpack.i.l.bf16.f32 v5;
	[tilespmem:s12+$0x50] =	vst v8  }
0x22a: {  	v8 =	vld [tilespmem:s11+$0x30];
	[tilespmem:s12+$0xC0] =	vst v4  }
0x22b: {  	v4 =	vunpack.i.u.bf16.f32 v12;
	v12 =	vunpack.i.l.bf16.f32 v12;
	[tilespmem:s12+$0xD0] =	vst v2  }
0x22c: {  	v13 =	vld [tilespmem:s11+$0x70];
	[tilespmem:s12+$0x140] =	vst v3  }
0x22d: {  	v14 =	vunpack.i.u.bf16.f32 v6;
	v15 =	vunpack.i.l.bf16.f32 v6;
	[tilespmem:s12+$0x150] =	vst v10  }
0x22e: {  	[tilespmem:s12+$0xFFFFFE60] =	vst v11;
	v10 =	vld [tilespmem:s11+$0xB0]  }
0x22f: {  	[tilespmem:s12+$0xFFFFFE70] =	vst v7;
	v2 =	vunpack.i.u.bf16.f32 v8;
	v7 =	vunpack.i.l.bf16.f32 v8  }
0x230: {  	[tilespmem:s12+$0xFFFFFEE0] =	vst v5  }
0x231: {  	[tilespmem:s12+$0xFFFFFEF0] =	vst v9;
	v3 =	vunpack.i.u.bf16.f32 v13;
	v6 =	vunpack.i.l.bf16.f32 v13  }
.Ltmp5:
0x232: {  	[tilespmem:s12+$0xFFFFFF60] =	vst v12;
	(pc) =	sbr.rel @p2 .LBB2_9-.Ltmp5, $4  }
0x233: {  	[tilespmem:s12+$0xFFFFFF70] =	vst v4;
	v4 =	vunpack.i.u.bf16.f32 v10;
	v5 =	vunpack.i.l.bf16.f32 v10  }
0x234: {  	[tilespmem:s12+$0xFFFFFFE0] =	vst v15  }
0x235: {  	[tilespmem:s12+$0xFFFFFFF0] =	vst v14  }
0x236: {  	s11 =	sadd.s32 $0x200, s11;
	[tilespmem:s12+$0x60] =	vst v7  }
0x237: {  	[tilespmem:s12+$0x70] =	vst v2  }
0x238: {  	[tilespmem:s12+$0xE0] =	vst v6  }
0x239: {  	[tilespmem:s12+$0xF0] =	vst v3  }
0x23a: {  	[tilespmem:s12+$0x160] =	vst v5  }
0x23b: {  	[tilespmem:s12+$0x170] =	vst v4  }
0x23c: {  	[tilespmem:s12+$0x1E0] =	vst v1;
	s0 =	simm.s32 @p1 $0x80;
	s11 =	simm.s32 @p1 $0x13F00;
	s12 =	simm.s32 @p1 $0x18000  }
0x23d: {  	[spmem:s2] =	stream.indirect.scatter.add.f32 @p1 [tilespmem:s12], [sflag:$0x3], $0x80, s11, s0, $0xb8;
	[tilespmem:$0x1C000] =	vst v63  }
0x23e: {  	s0 =	simm.s32 @p1 $0x3  }
0x23f: {  	_ =	swait.ge @p1 [sflag:s0], $0x4000  }
0x240: {  	[sflag:s0] =	ssyncset.done @p1 $0x0  }
0x241: {  	[sflag:s0] =	ssyncadd.s32 @p1 $0xFFFFC000;
	s0 =	simm.s32 @!p1 $0x5  }
0x242: {  	_ =	swait.ge @!p1 [sflag:s0], $0x80  }
0x243: {  	[sflag:s0] =	ssyncset.done @!p1 $0x0  }
0x244: {  	[sflag:s0] =	ssyncadd.s32 @!p1 $0xFFFFFF80  }
0x245: {  	_ =	swait.ge @!p1 [sflag:s0], $0x80  }
0x246: {  	s11 =	simm.s32 @!p1 $0x13C00;
	[sflag:s0] =	ssyncset.done @!p1 $0x0  }
0x247: {  	s12 =	simm.s32 @!p1 $0x14000;
	[sflag:s0] =	ssyncadd.s32 @!p1 $0xFFFFFF80;
	s0 =	simm.s32 @!p1 $0x80  }
0x248: {  	[tilespmem:s12], [sflag:$0x1] =	stream.indirect.gather @!p1 [hbm4b:s1+s0], $0x40, s11, s0, $0xb8;
	[tilespmem:$0x1C000] =	vst v63  }
0x249: {  	s11 =	simm.s32 @!p1 $0x13F00;
	s12 =	simm.s32 @!p1 $0x18000  }
0x24a: {  	[spmem:s2] =	stream.indirect.scatter.add.f32 @!p1 [tilespmem:s12], [sflag:$0x3], $0x80, s11, s0, $0xb8;
	[tilespmem:$0x1C000] =	vst v63  }
0x24b: {  	s0 =	simm.s32 @!p1 $0x3  }
0x24c: {  	s12 =	sadd.s32 @!p1 s24, s28;
	_ =	swait.ge @!p1 [sflag:s0], $0x4000  }
0x24d: {  	s12 =	sshll.u32 @!p1 s12, $0x4;
	[sflag:s0] =	ssyncset.done @!p1 $0x0  }
0x24e: {  	[sflag:s0] =	ssyncadd.s32 @!p1 $0xFFFFC000;
	s0 =	sand.u32 @!p1 $0x1FFFFFE0, s12  }
0x24f: {  	s22 =	simm.s32 @!p1 $0x0;
	s3 =	simm.s32 @!p1 $0x13D00;
	s12 =	sadd.s32 @!p1 s5, s0  }
0x250: {  	[tilespmem:s3], [sflag:$0x7] =	stream.linear.gather @!p1 [hbm4b:s12+s22], $0x80, $0x38;
	[tilespmem:$0x1C000] =	vst v63  }
0x251: {  	s0 =	sadd.s32 @!p1 s6, s0  }
0x252: {  	[tilespmem:s11], [sflag:$0x7] =	stream.linear.gather @!p1 [hbm4b:s0+s22], $0x80, $0x38;
	[tilespmem:$0x1C000] =	vst v63  }
0x253: {  	_ =	swait.ge [sflag:s30], $0x2000  }
0x254: {  	[sflag:s30] =	ssyncset.done $0x0  }
0x255: {  	s22 =	simm.s32 $0x16100;
	[sflag:s30] =	ssyncadd.s32 $0xFFFFE000  }
0x256: {  	v1 =	vld [tilespmem:s22+$0xC0];
	_ =	sdelay $0x1  }
0x257: {  	v2 =	vld [tilespmem:s22+$0xFFFFFF40];
	_ =	sdelay $0x1  }
0x258: {  	v3 =	vld [tilespmem:s22+$0xFFFFFF80]  }
0x259: {  	s12 =	simm.s32 $0x18200;
	v4 =	vunpack.i.l.bf16.f32 v1  }
0x25a: {  	v5 =	vld [tilespmem:s22+$0xFFFFFFC0];
	v1 =	vunpack.i.u.bf16.f32 v1;
	[tilespmem:s12+$0x180] =	vst v4  }
0x25b: {  	v6 =	vld [tilespmem:s22+$0xFFFFFF00];
	v4 =	vunpack.i.l.bf16.f32 v2;
	[tilespmem:s12+$0x190] =	vst v1  }
0x25c: {  	v1 =	vunpack.i.u.bf16.f32 v2;
	[tilespmem:s12+$0xFFFFFE80] =	vst v4;
	v2 =	vld [tilespmem:s22+$0xD0]  }
0x25d: {  	v4 =	vunpack.i.l.bf16.f32 v3;
	[tilespmem:s12+$0xFFFFFE90] =	vst v1  }
0x25e: {  	v1 =	vunpack.i.u.bf16.f32 v3;
	[tilespmem:s12+$0xFFFFFF00] =	vst v4  }
0x25f: {  	v3 =	vunpack.i.l.bf16.f32 v5;
	[tilespmem:s12+$0xFFFFFF10] =	vst v1  }
0x260: {  	v1 =	vld [tilespmem:s22+$0x0];
	v4 =	vunpack.i.l.bf16.f32 v6;
	[tilespmem:s12+$0xFFFFFF80] =	vst v3  }
0x261: {  	[tilespmem:s12+$0xFFFFFE00] =	vst v4;
	v3 =	vunpack.i.l.bf16.f32 v2  }
0x262: {  	v4 =	vld [tilespmem:s22+$0x40];
	v2 =	vunpack.i.u.bf16.f32 v2;
	[tilespmem:s12+$0x1A0] =	vst v3  }
0x263: {  	v3 =	vunpack.i.u.bf16.f32 v6;
	[tilespmem:s12+$0x1B0] =	vst v2  }
0x264: {  	v2 =	vunpack.i.u.bf16.f32 v5;
	[tilespmem:s12+$0xFFFFFE10] =	vst v3;
	v3 =	vld [tilespmem:s22+$0xE0]  }
0x265: {  	v5 =	vunpack.i.l.bf16.f32 v1;
	[tilespmem:s12+$0xFFFFFF90] =	vst v2  }
0x266: {  	v1 =	vunpack.i.u.bf16.f32 v1;
	v2 =	vld [tilespmem:s22+$0x80];
	[tilespmem:s12+$0x0] =	vst v5  }
0x267: {  	v5 =	vunpack.i.l.bf16.f32 v4;
	[tilespmem:s12+$0x10] =	vst v1  }
0x268: {  	v1 =	vunpack.i.u.bf16.f32 v4;
	v4 =	vld [tilespmem:s22+$0xFFFFFF10];
	[tilespmem:s12+$0x80] =	vst v5  }
0x269: {  	[tilespmem:s12+$0x90] =	vst v1;
	v1 =	vunpack.i.l.bf16.f32 v3  }
0x26a: {  	v5 =	vld [tilespmem:s22+$0xFFFFFF50];
	v3 =	vunpack.i.u.bf16.f32 v3;
	[tilespmem:s12+$0x1C0] =	vst v1  }
0x26b: {  	v1 =	vunpack.i.l.bf16.f32 v2;
	[tilespmem:s12+$0x1D0] =	vst v3  }
0x26c: {  	v2 =	vunpack.i.u.bf16.f32 v2;
	v3 =	vld [tilespmem:s22+$0xFFFFFF90];
	[tilespmem:s12+$0x100] =	vst v1  }
0x26d: {  	v6 =	vunpack.i.l.bf16.f32 v4;
	v1 =	vld [tilespmem:s22+$0xF0];
	[tilespmem:s12+$0x110] =	vst v2  }
0x26e: {  	v2 =	vunpack.i.u.bf16.f32 v4;
	[tilespmem:s12+$0xFFFFFE20] =	vst v6;
	v6 =	vld [tilespmem:s22+$0xFFFFFFD0]  }
0x26f: {  	v4 =	vunpack.i.l.bf16.f32 v5;
	[tilespmem:s12+$0xFFFFFE30] =	vst v2  }
0x270: {  	v2 =	vunpack.i.u.bf16.f32 v5;
	[tilespmem:s12+$0xFFFFFEA0] =	vst v4;
	v4 =	vld [tilespmem:s22+$0x10]  }
0x271: {  	[tilespmem:s12+$0xFFFFFEB0] =	vst v2;
	v5 =	vunpack.i.l.bf16.f32 v3  }
0x272: {  	v2 =	vunpack.i.u.bf16.f32 v1;
	[tilespmem:s12+$0xFFFFFF20] =	vst v5  }
0x273: {  	v5 =	vunpack.i.l.bf16.f32 v6;
	[tilespmem:s12+$0x1F0] =	vst v2;
	v2 =	vunpack.i.u.bf16.f32 v3;
	v3 =	vld [tilespmem:s22+$0x50]  }
0x274: {  	[tilespmem:s12+$0xFFFFFFA0] =	vst v5  }
0x275: {  	v5 =	vunpack.i.l.bf16.f32 v4;
	[tilespmem:s12+$0xFFFFFF30] =	vst v2;
	v2 =	vunpack.i.u.bf16.f32 v6;
	v6 =	vld [tilespmem:s22+$0x90]  }
0x276: {  	[tilespmem:s12+$0x20] =	vst v5  }
0x277: {  	[tilespmem:s12+$0xFFFFFFB0] =	vst v2;
	v2 =	vunpack.i.u.bf16.f32 v4;
	v4 =	vld [tilespmem:s22+$0xFFFFFF20]  }
0x278: {  	[tilespmem:s12+$0x30] =	vst v2;
	v5 =	vunpack.i.l.bf16.f32 v3  }
0x279: {  	v2 =	vunpack.i.u.bf16.f32 v3;
	v3 =	vld [tilespmem:s22+$0xFFFFFF60];
	[tilespmem:s12+$0xA0] =	vst v5  }
0x27a: {  	v5 =	vunpack.i.l.bf16.f32 v6;
	[tilespmem:s12+$0xB0] =	vst v2  }
0x27b: {  	v2 =	vunpack.i.u.bf16.f32 v6;
	v6 =	vld [tilespmem:s22+$0xFFFFFFA0];
	[tilespmem:s12+$0x120] =	vst v5  }
0x27c: {  	v5 =	vunpack.i.l.bf16.f32 v4;
	[tilespmem:s12+$0x130] =	vst v2  }
0x27d: {  	v2 =	vunpack.i.u.bf16.f32 v4;
	v4 =	vld [tilespmem:s22+$0xFFFFFFE0];
	[tilespmem:s12+$0xFFFFFE40] =	vst v5  }
0x27e: {  	[tilespmem:s12+$0xFFFFFE50] =	vst v2;
	v5 =	vunpack.i.l.bf16.f32 v3  }
0x27f: {  	v2 =	vunpack.i.u.bf16.f32 v3;
	v3 =	vld [tilespmem:s22+$0x20];
	[tilespmem:s12+$0xFFFFFEC0] =	vst v5  }
0x280: {  	v5 =	vunpack.i.l.bf16.f32 v6;
	[tilespmem:s12+$0xFFFFFED0] =	vst v2  }
0x281: {  	v2 =	vunpack.i.u.bf16.f32 v6;
	v6 =	vld [tilespmem:s22+$0x60];
	[tilespmem:s12+$0xFFFFFF40] =	vst v5  }
0x282: {  	v5 =	vunpack.i.l.bf16.f32 v4;
	[tilespmem:s12+$0xFFFFFF50] =	vst v2  }
0x283: {  	v2 =	vunpack.i.u.bf16.f32 v4;
	v4 =	vld [tilespmem:s22+$0xA0];
	[tilespmem:s12+$0xFFFFFFC0] =	vst v5  }
0x284: {  	[tilespmem:s12+$0xFFFFFFD0] =	vst v2;
	v5 =	vunpack.i.l.bf16.f32 v3  }
0x285: {  	v2 =	vunpack.i.u.bf16.f32 v3;
	v3 =	vld [tilespmem:s22+$0xFFFFFF30];
	[tilespmem:s12+$0x40] =	vst v5  }
0x286: {  	v5 =	vunpack.i.l.bf16.f32 v6;
	[tilespmem:s12+$0x50] =	vst v2  }
0x287: {  	v2 =	vunpack.i.u.bf16.f32 v6;
	v6 =	vld [tilespmem:s22+$0xFFFFFF70];
	[tilespmem:s12+$0xC0] =	vst v5  }
0x288: {  	v5 =	vunpack.i.l.bf16.f32 v4;
	[tilespmem:s12+$0xD0] =	vst v2  }
0x289: {  	v2 =	vunpack.i.u.bf16.f32 v4;
	v4 =	vld [tilespmem:s22+$0xFFFFFFB0];
	[tilespmem:s12+$0x140] =	vst v5  }
0x28a: {  	[tilespmem:s12+$0x150] =	vst v2;
	v5 =	vunpack.i.l.bf16.f32 v3  }
0x28b: {  	v7 =	vld [tilespmem:s22+$0x30];
	v2 =	vunpack.i.u.bf16.f32 v3;
	[tilespmem:s12+$0xFFFFFE60] =	vst v5  }
0x28c: {  	v3 =	vld [tilespmem:s22+$0xFFFFFFF0];
	v5 =	vunpack.i.l.bf16.f32 v6;
	[tilespmem:s12+$0xFFFFFE70] =	vst v2  }
0x28d: {  	v2 =	vunpack.i.u.bf16.f32 v6;
	v6 =	vld [tilespmem:s22+$0x70];
	[tilespmem:s12+$0xFFFFFEE0] =	vst v5  }
0x28e: {  	v8 =	vld [tilespmem:s22+$0xB0];
	v5 =	vunpack.i.l.bf16.f32 v4;
	[tilespmem:s12+$0xFFFFFEF0] =	vst v2  }
0x28f: {  	v2 =	vunpack.i.u.bf16.f32 v4;
	[tilespmem:s12+$0xFFFFFF60] =	vst v5  }
0x290: {  	[tilespmem:s12+$0xFFFFFF70] =	vst v2;
	v2 =	vunpack.i.u.bf16.f32 v7;
	v7 =	vunpack.i.l.bf16.f32 v7  }
0x291: {  	[tilespmem:s12+$0x60] =	vst v7;
	v4 =	vunpack.i.l.bf16.f32 v3  }
0x292: {  	v1 =	vunpack.i.l.bf16.f32 v1;
	v5 =	vunpack.i.u.bf16.f32 v3;
	[tilespmem:s12+$0xFFFFFFE0] =	vst v4;
	v3 =	vunpack.i.u.bf16.f32 v6  }
0x293: {  	s11 =	simm.s32 $0x16300;
	s22 =	simm.s32 $0x0;
	[tilespmem:s12+$0xFFFFFFF0] =	vst v5;
	v6 =	vunpack.i.l.bf16.f32 v6;
	v4 =	vunpack.i.u.bf16.f32 v8;
	v5 =	vunpack.i.l.bf16.f32 v8  }
.LBB2_11:
0x294: {  	v7 =	vld [tilespmem:s11+$0xC0];
	[tilespmem:s12+$0x70] =	vst v2  }
0x295: {  	v2 =	vld [tilespmem:s11+$0xFFFFFF40];
	[tilespmem:s12+$0xE0] =	vst v6  }
0x296: {  	v6 =	vld [tilespmem:s11+$0xFFFFFF80];
	[tilespmem:s12+$0xF0] =	vst v3  }
0x297: {  	s22 =	sadd.s32 $0x8, s22;
	v3 =	vld [tilespmem:s11+$0xFFFFFFC0];
	[tilespmem:s12+$0x160] =	vst v5  }
0x298: {  	p2 =	slt.u32 s22, $0x78;
	v5 =	vld [tilespmem:s11+$0x0];
	[tilespmem:s12+$0x170] =	vst v4  }
0x299: {  	v4 =	vld [tilespmem:s11+$0x40];
	v8 =	vunpack.i.l.bf16.f32 v7;
	[tilespmem:s12+$0x1E0] =	vst v1;
	s12 =	sadd.s32 $0x400, s12  }
0x29a: {  	v7 =	vunpack.i.u.bf16.f32 v7;
	v1 =	vunpack.i.u.bf16.f32 v2;
	v2 =	vunpack.i.l.bf16.f32 v2;
	v9 =	vld [tilespmem:s11+$0x80];
	[tilespmem:s12+$0x180] =	vst v8  }
0x29b: {  	v8 =	vld [tilespmem:s11+$0xFFFFFF00];
	v10 =	vunpack.i.u.bf16.f32 v6;
	v6 =	vunpack.i.l.bf16.f32 v6;
	[tilespmem:s12+$0x190] =	vst v7  }
0x29c: {  	[tilespmem:s12+$0xFFFFFE80] =	vst v2;
	v2 =	vunpack.i.u.bf16.f32 v3;
	v3 =	vunpack.i.l.bf16.f32 v3;
	v7 =	vld [tilespmem:s11+$0xD0]  }
0x29d: {  	[tilespmem:s12+$0xFFFFFE90] =	vst v1;
	v1 =	vunpack.i.u.bf16.f32 v5;
	v5 =	vunpack.i.l.bf16.f32 v5  }
0x29e: {  	v11 =	vld [tilespmem:s11+$0xFFFFFF50];
	[tilespmem:s12+$0xFFFFFF00] =	vst v6;
	v6 =	vunpack.i.u.bf16.f32 v4;
	v4 =	vunpack.i.l.bf16.f32 v4  }
0x29f: {  	[tilespmem:s12+$0xFFFFFF10] =	vst v10;
	v10 =	vunpack.i.u.bf16.f32 v9;
	v9 =	vunpack.i.l.bf16.f32 v9  }
0x2a0: {  	v12 =	vunpack.i.u.bf16.f32 v8;
	v8 =	vunpack.i.l.bf16.f32 v8;
	v13 =	vld [tilespmem:s11+$0xFFFFFF90];
	[tilespmem:s12+$0xFFFFFF80] =	vst v3  }
0x2a1: {  	[tilespmem:s12+$0xFFFFFE00] =	vst v8;
	v3 =	vunpack.i.l.bf16.f32 v7  }
0x2a2: {  	v7 =	vunpack.i.u.bf16.f32 v7;
	[tilespmem:s12+$0x1A0] =	vst v3  }
0x2a3: {  	v3 =	vunpack.i.u.bf16.f32 v11;
	v8 =	vunpack.i.l.bf16.f32 v11;
	[tilespmem:s12+$0x1B0] =	vst v7  }
0x2a4: {  	[tilespmem:s12+$0xFFFFFE10] =	vst v12;
	v7 =	vld [tilespmem:s11+$0xE0]  }
0x2a5: {  	v11 =	vld [tilespmem:s11+$0xFFFFFF10];
	v12 =	vunpack.i.u.bf16.f32 v13;
	v13 =	vunpack.i.l.bf16.f32 v13;
	[tilespmem:s12+$0xFFFFFF90] =	vst v2  }
0x2a6: {  	v2 =	vld [tilespmem:s11+$0xFFFFFFD0];
	[tilespmem:s12+$0x0] =	vst v5  }
0x2a7: {  	[tilespmem:s12+$0x10] =	vst v1  }
0x2a8: {  	v1 =	vld [tilespmem:s11+$0x10];
	[tilespmem:s12+$0x80] =	vst v4  }
0x2a9: {  	[tilespmem:s12+$0x90] =	vst v6;
	v4 =	vunpack.i.l.bf16.f32 v7  }
0x2aa: {  	v7 =	vunpack.i.u.bf16.f32 v7;
	v5 =	vunpack.i.u.bf16.f32 v11;
	v6 =	vunpack.i.l.bf16.f32 v11;
	v11 =	vld [tilespmem:s11+$0x50];
	[tilespmem:s12+$0x1C0] =	vst v4  }
0x2ab: {  	v4 =	vunpack.i.u.bf16.f32 v2;
	v2 =	vunpack.i.l.bf16.f32 v2;
	[tilespmem:s12+$0x1D0] =	vst v7  }
0x2ac: {  	[tilespmem:s12+$0x100] =	vst v9;
	v7 =	vld [tilespmem:s11+$0xF0]  }
0x2ad: {  	v9 =	vunpack.i.u.bf16.f32 v1;
	v14 =	vunpack.i.l.bf16.f32 v1;
	[tilespmem:s12+$0x110] =	vst v10  }
0x2ae: {  	[tilespmem:s12+$0xFFFFFE20] =	vst v6;
	v6 =	vld [tilespmem:s11+$0x90]  }
0x2af: {  	[tilespmem:s12+$0xFFFFFE30] =	vst v5;
	v5 =	vunpack.i.u.bf16.f32 v11;
	v10 =	vunpack.i.l.bf16.f32 v11  }
0x2b0: {  	v11 =	vld [tilespmem:s11+$0xFFFFFF20];
	[tilespmem:s12+$0xFFFFFEA0] =	vst v8  }
0x2b1: {  	[tilespmem:s12+$0xFFFFFEB0] =	vst v3;
	v3 =	vunpack.i.u.bf16.f32 v7;
	v1 =	vunpack.i.l.bf16.f32 v7  }
0x2b2: {  	v7 =	vld [tilespmem:s11+$0xFFFFFF60];
	[tilespmem:s12+$0x1F0] =	vst v3  }
0x2b3: {  	[tilespmem:s12+$0xFFFFFF20] =	vst v13;
	v3 =	vunpack.i.u.bf16.f32 v6;
	v6 =	vunpack.i.l.bf16.f32 v6  }
0x2b4: {  	[tilespmem:s12+$0xFFFFFF30] =	vst v12  }
0x2b5: {  	v8 =	vunpack.i.u.bf16.f32 v11;
	v11 =	vunpack.i.l.bf16.f32 v11;
	v12 =	vld [tilespmem:s11+$0xFFFFFFA0];
	[tilespmem:s12+$0xFFFFFFA0] =	vst v2  }
0x2b6: {  	[tilespmem:s12+$0xFFFFFFB0] =	vst v4  }
0x2b7: {  	v2 =	vunpack.i.u.bf16.f32 v7;
	v4 =	vunpack.i.l.bf16.f32 v7;
	v7 =	vld [tilespmem:s11+$0xFFFFFFE0];
	[tilespmem:s12+$0x20] =	vst v14  }
0x2b8: {  	[tilespmem:s12+$0x30] =	vst v9  }
0x2b9: {  	v9 =	vld [tilespmem:s11+$0x20];
	[tilespmem:s12+$0xA0] =	vst v10  }
0x2ba: {  	v10 =	vunpack.i.u.bf16.f32 v12;
	v12 =	vunpack.i.l.bf16.f32 v12;
	[tilespmem:s12+$0xB0] =	vst v5  }
0x2bb: {  	v5 =	vld [tilespmem:s11+$0x60];
	[tilespmem:s12+$0x120] =	vst v6  }
0x2bc: {  	v6 =	vunpack.i.u.bf16.f32 v7;
	v7 =	vunpack.i.l.bf16.f32 v7;
	[tilespmem:s12+$0x130] =	vst v3  }
0x2bd: {  	[tilespmem:s12+$0xFFFFFE40] =	vst v11;
	v3 =	vld [tilespmem:s11+$0xA0]  }
0x2be: {  	[tilespmem:s12+$0xFFFFFE50] =	vst v8;
	v8 =	vunpack.i.u.bf16.f32 v9;
	v9 =	vunpack.i.l.bf16.f32 v9  }
0x2bf: {  	v11 =	vld [tilespmem:s11+$0xFFFFFF30];
	[tilespmem:s12+$0xFFFFFEC0] =	vst v4  }
0x2c0: {  	[tilespmem:s12+$0xFFFFFED0] =	vst v2;
	v2 =	vunpack.i.u.bf16.f32 v5;
	v4 =	vunpack.i.l.bf16.f32 v5  }
0x2c1: {  	v5 =	vld [tilespmem:s11+$0xFFFFFF70];
	[tilespmem:s12+$0xFFFFFF40] =	vst v12  }
0x2c2: {  	[tilespmem:s12+$0xFFFFFF50] =	vst v10;
	v10 =	vunpack.i.u.bf16.f32 v3;
	v3 =	vunpack.i.l.bf16.f32 v3  }
0x2c3: {  	v12 =	vld [tilespmem:s11+$0xFFFFFFB0];
	[tilespmem:s12+$0xFFFFFFC0] =	vst v7  }
0x2c4: {  	v7 =	vunpack.i.u.bf16.f32 v11;
	v11 =	vunpack.i.l.bf16.f32 v11;
	[tilespmem:s12+$0xFFFFFFD0] =	vst v6  }
0x2c5: {  	v6 =	vld [tilespmem:s11+$0xFFFFFFF0];
	[tilespmem:s12+$0x40] =	vst v9  }
0x2c6: {  	v9 =	vunpack.i.u.bf16.f32 v5;
	v5 =	vunpack.i.l.bf16.f32 v5;
	[tilespmem:s12+$0x50] =	vst v8  }
0x2c7: {  	v8 =	vld [tilespmem:s11+$0x30];
	[tilespmem:s12+$0xC0] =	vst v4  }
0x2c8: {  	v4 =	vunpack.i.u.bf16.f32 v12;
	v12 =	vunpack.i.l.bf16.f32 v12;
	[tilespmem:s12+$0xD0] =	vst v2  }
0x2c9: {  	v13 =	vld [tilespmem:s11+$0x70];
	[tilespmem:s12+$0x140] =	vst v3  }
0x2ca: {  	v14 =	vunpack.i.u.bf16.f32 v6;
	v15 =	vunpack.i.l.bf16.f32 v6;
	[tilespmem:s12+$0x150] =	vst v10  }
0x2cb: {  	[tilespmem:s12+$0xFFFFFE60] =	vst v11;
	v10 =	vld [tilespmem:s11+$0xB0]  }
0x2cc: {  	[tilespmem:s12+$0xFFFFFE70] =	vst v7;
	v2 =	vunpack.i.u.bf16.f32 v8;
	v7 =	vunpack.i.l.bf16.f32 v8  }
0x2cd: {  	[tilespmem:s12+$0xFFFFFEE0] =	vst v5  }
0x2ce: {  	[tilespmem:s12+$0xFFFFFEF0] =	vst v9;
	v3 =	vunpack.i.u.bf16.f32 v13;
	v6 =	vunpack.i.l.bf16.f32 v13  }
.Ltmp6:
0x2cf: {  	[tilespmem:s12+$0xFFFFFF60] =	vst v12;
	(pc) =	sbr.rel @p2 .LBB2_11-.Ltmp6, $4  }
0x2d0: {  	[tilespmem:s12+$0xFFFFFF70] =	vst v4;
	v4 =	vunpack.i.u.bf16.f32 v10;
	v5 =	vunpack.i.l.bf16.f32 v10  }
0x2d1: {  	[tilespmem:s12+$0xFFFFFFE0] =	vst v15  }
0x2d2: {  	[tilespmem:s12+$0xFFFFFFF0] =	vst v14  }
0x2d3: {  	s11 =	sadd.s32 $0x200, s11;
	[tilespmem:s12+$0x60] =	vst v7  }
0x2d4: {  	[tilespmem:s12+$0x70] =	vst v2  }
.Ltmp7:
0x2d5: {  	[tilespmem:s12+$0xE0] =	vst v6;
	(pc) =	sbr.rel @p1 .LBB2_14-.Ltmp7, $4  }
0x2d6: {  	[tilespmem:s12+$0xF0] =	vst v3  }
0x2d7: {  	[tilespmem:s12+$0x160] =	vst v5  }
0x2d8: {  	[tilespmem:s12+$0x170] =	vst v4  }
0x2d9: {  	[tilespmem:s12+$0x1E0] =	vst v1  }
0x2da: {  	_ =	swait.ge [sflag:s15], $0x80  }
0x2db: {  	[sflag:s15] =	ssyncset.done $0x0  }
0x2dc: {  	[sflag:s15] =	ssyncadd.s32 $0xFFFFFF80  }
0x2dd: {  	_ =	swait.ge [sflag:s15], $0x80  }
0x2de: {  	[sflag:s15] =	ssyncset.done $0x0  }
0x2df: {  	s0 =	simm.s32 $0x13C80;
	[sflag:s15] =	ssyncadd.s32 $0xFFFFFF80  }
0x2e0: {  	[tilespmem:s16], [sflag:$0x2] =	stream.indirect.gather [hbm4b:s1+s13], $0x40, s0, s13, $0xb8;
	[tilespmem:$0x1C000] =	vst v63  }
0x2e1: {  	s24 =	sadd.s32 s24, s29  }
0x2e2: {  	[spmem:s2] =	stream.indirect.scatter.add.f32 [tilespmem:s31], [sflag:$0x4], $0x80, s10, s13, $0xb8;
	[tilespmem:$0x1C000] =	vst v63  }
0x2e3: {  	s0 =	sshll.u32 s24, $0x4;
	_ =	swait.ge [sflag:s21], $0x4000  }
.Ltmp8:
0x2e4: {  	s0 =	sand.u32 $0x1FFFFFF0, s0;
	[sflag:s21] =	ssyncset.done $0x0;
	(pc) =	sbr.rel .LBB2_4-.Ltmp8, $4  }
0x2e5: {  	s3 =	sadd.s32 s5, s0;
	[sflag:s21] =	ssyncadd.s32 $0xFFFFC000  }
0x2e6: {  	[tilespmem:s9], [sflag:$0x8] =	stream.linear.gather [hbm4b:s3+s4], $0x80, $0x38;
	[tilespmem:$0x1C000] =	vst v63  }
0x2e7: {  	s23 =	sadd.s32 $0x1, s23;
	s0 =	sadd.s32 s6, s0  }
0x2e8: {  	[tilespmem:s10], [sflag:$0x8] =	stream.linear.gather [hbm4b:s0+s4], $0x80, $0x38;
	[tilespmem:$0x1C000] =	vst v63  }
.LBB2_15:
0x2e9: {  	_ =	sfence.sel $0x180000  }
0x2ea: {  	[bflag:$0x0] =	sbarrier.arrive $0xFFFF  }
0x2eb: {  	_ =	strace $0x9000004A  }
0x2ec: {  	s0 =	stileid.u32;
	[bflag:$0x2] =	sbarrier.arrive $0xFFFF  }
0x2ed: {  	p0 =	sne.s32 s0, $0x0;
	s0 =	rddreg [dreg:$0x3]  }
0x2ee: {  	s0 =	sadd.s32 @!p0 $0x100000, s0  }
0x2ef: {  	[sflag:s0] =	ssyncadd.tile.s32 @!p0 $0x1;
	_ =	shalt  }
.Lfunc_end2:
_tile_overlayer_lowered:
.L_overlay_start_2:
0x2f0: {  	(tag) =	ssettag $0x2  }
0x2f1: {  	s0 =	rddreg [dreg:$0x0];
	s2 =	stileid.u32  }
0x2f2: {  	s1 =	rddreg [dreg:$0x1];
	p0 =	sne.s32 s2, $0x0  }
0x2f3: {  	s3 =	rddreg [dreg:$0x2];
	[bflag:$0x3] =	sbarrier.arrive $0xFFFF;
	s2 =	simm.s32 @!p0 $0x1C09  }
0x2f4: {  	[timem:s3], [sflag:s2] =	dma.local @!p0 [hbm:s0], s1  }
0x2f5: {  	s0 =	simm.s32 @!p0 $0x9  }
0x2f6: {  	_ =	swait.ge @!p0 [sflag:s0], s1  }
0x2f7: {  	s1 =	ssub.s32 @!p0 $0x0, s1;
	[sflag:s0] =	ssyncset.done @!p0 $0x0  }
0x2f8: {  	[sflag:s0] =	ssyncadd.s32 @!p0 s1  }
0x2f9: {  	[bflag:$0x3] =	sbarrier.arrive $0xFFFF  }
0x2fa: {  	_ =	shalt  }

// kernel: kernel.8.cloned.1.call-start
scs
__scs_entry_jumppad:
0x0: {  	(pc) =	sbr.rel $0x88, $3  }
0x1: {  	(tag) =	ssettag $0x0;
	lr =	simm.s32 $0x1  }
0x2: {  	[smem:$0x3F99] =	sst lr;
	_ =	strace $0xD0000000  }
0x3: {  	_ = 	snop  }
0x4: {  	_ = 	snop  }
0x5: {  	_ = 	snop  }
0x6: {  	_ = 	snop  }
0x7: {  	_ = 	snop  }
__scs_overlays_trampoline_lowered:
0x8: {  	[smem:$0x3FA8] =	sst s0  }
0x9: {  	[smem:$0x3FA9] =	sst s1  }
0xa: {  	[smem:$0x3FAA] =	sst s2  }
0xb: {  	[smem:$0x3FAB] =	sst s3  }
0xc: {  	[smem:$0x3FAC] =	sst s4  }
0xd: {  	[smem:$0x3FAD] =	sst s5  }
0xe: {  	[smem:$0x3FAE] =	sst s6  }
0xf: {  	[smem:$0x3FAF] =	sst s7  }
0x10: {  	[smem:$0x3FB0] =	sst s8  }
0x11: {  	[smem:$0x3FB1] =	sst s9;
	s0 =	simm.s32 @!p0 $0x0  }
0x12: {  	s1 =	sld [smem:$0x3F97];
	s0 =	simm.s32 @p0 $0x1  }
0x13: {  	[smem:$0x3FB2] =	sst s0;
	s0 =	simm.s32 @!p1 $0x0  }
0x14: {  	s2 =	sld [smem:$0x3F96];
	s0 =	simm.s32 @p1 $0x1  }
0x15: {  	[smem:$0x3FB3] =	sst s0;
	s0 =	simm.s32 @!p2 $0x0  }
0x16: {  	s3 =	sld [smem:$0x3FDB];
	s0 =	simm.s32 @p2 $0x1  }
0x17: {  	s4 =	simm.s32 $0x1BF5;
	[smem:$0x3FB5] =	sst s0  }
0x18: {  	s0 =	sld [smem:$0x3F98];
	_ =	swait.ge [sflag:s4], $0x0  }
0x19: {  	s7 =	sld [smem:$0x3F99]  }
0x1a: {  	s8 =	sadd.s32 $0xFFFFE003, lr  }
0x1b: {  	s9 =	sadd.s32 $0xFFFFFEF7, lr;
	s5 =	simm.s32 $0xFFFFFFFF;
	p2 =	slt.u32 s8, $0xFFFFF086  }
0x1c: {  	p1 =	slt.u32 s9, $0xF7A;
	s5 =	simm.s32 @!p2 $0x0  }
0x1d: {  	s5 =	simm.s32 @p1 $0x1;
	p0 =	seq.s32 s7, s2  }
0x1e: {  	s7 =	smul.u32 @!p0 $0xF7A, s2;
	p2 =	seq.s32 @!p0 s5, $0x0  }
0x1f: {  	s9 =	smul.u32 $0xF7A, s1;
	s8 =	simm.s32 @!p0 $0x1BF5;
	p2 =	por !p2, p0  }
0x20: {  	[sflag:s8] =	ssyncset.s32 @!p0 $0xFFFFF086;
	s6 =	sadd.s32 @!p0 s3, s7;
	s7 =	simm.s32 @!p0 $0x108  }
0x21: {  	s3 =	sadd.s32 s3, s9;
	s6 =	sadd.s32 @!p0 $0x88, s6;
	s7 =	simm.s32 @p2 $0x1082  }
0x22: {  	[simem:s7], [sflag:s8] =	dma.local @!p0 [hbm:s6], $0xF7A  }
0x23: {  	s9 =	sor.u32 $0xD0000000, s2;
	s6 =	simm.s32 $0x108;
	_ =	swait.ge @!p0 [sflag:s8], $0x0  }
0x24: {  	s3 =	sadd.s32 $0x88, s3;
	s6 =	simm.s32 @!p1 $0x1082;
	[sflag:s4] =	ssyncset.s32 $0xFFFFF086  }
0x25: {  	[simem:s6], [sflag:s4] =	dma.local [hbm:s3], $0xF7A  }
0x26: {  	[smem:$0x3F99] =	sst s1;
	(tag) =	ssettag s2;
	_ =	strace s9  }
0x27: {  	s1 =	sld [smem:$0x3FA9]  }
0x28: {  	s2 =	sld [smem:$0x3FAA]  }
0x29: {  	s4 =	sld [smem:$0x3FAC]  }
0x2a: {  	p0 =	seq.s32 s5, $0x0;
	s5 =	sld [smem:$0x3FAD]  }
0x2b: {  	s6 =	sld [smem:$0x3FAE]  }
0x2c: {  	s7 =	sld [smem:$0x3FAF]  }
0x2d: {  	s3 =	simm.s32 $0x108;
	s8 =	sld [smem:$0x3FB0]  }
0x2e: {  	s3 =	simm.s32 @!p0 $0x1082;
	s9 =	sld [smem:$0x3FB1]  }
0x2f: {  	lr =	sadd.s32 s0, s3;
	s0 =	sld [smem:$0x3FA8]  }
0x30: {  	s3 =	sld [smem:$0x3FAB]  }
0x31: {  	[smem:$0x3FB4] =	sst s10  }
0x32: {  	s10 =	sld [smem:$0x3FB2];
	_ =	sdelay $0x3  }
0x33: {  	p0 =	seq.s32 s10, $0x1;
	s10 =	sld [smem:$0x3FB4];
	_ =	sdelay $0x3  }
0x34: {  	[smem:$0x3FB4] =	sst s10  }
0x35: {  	s10 =	sld [smem:$0x3FB3];
	_ =	sdelay $0x3  }
0x36: {  	p1 =	seq.s32 s10, $0x1;
	s10 =	sld [smem:$0x3FB4];
	_ =	sdelay $0x3  }
0x37: {  	[smem:$0x3FB4] =	sst s10  }
0x38: {  	s10 =	sld [smem:$0x3FB5]  }
0x39: {  	_ = 	snop;
	(pc) =	sbr.ind lr, $3  }
0x3a: {  	_ = 	snop  }
0x3b: {  	_ = 	snop  }
0x3c: {  	p2 =	seq.s32 s10, $0x1;
	s10 =	sld [smem:$0x3FB4]  }
0x3d: {  	_ =	shalt  }
0x3e: {  	_ =	shalt  }
0x3f: {  	_ =	shalt  }
0x40: {  	_ =	shalt  }
0x41: {  	_ =	shalt  }
0x42: {  	_ =	shalt  }
0x43: {  	_ =	shalt  }
0x44: {  	_ =	shalt  }
0x45: {  	_ =	shalt  }
0x46: {  	_ =	shalt  }
0x47: {  	_ =	shalt  }
0x48: {  	_ =	shalt  }
0x49: {  	_ =	shalt  }
0x4a: {  	_ =	shalt  }
0x4b: {  	_ =	shalt  }
0x4c: {  	_ =	shalt  }
0x4d: {  	_ =	shalt  }
0x4e: {  	_ =	shalt  }
0x4f: {  	_ =	shalt  }
0x50: {  	_ =	shalt  }
0x51: {  	_ =	shalt  }
0x52: {  	_ =	shalt  }
0x53: {  	_ =	shalt  }
0x54: {  	_ =	shalt  }
0x55: {  	_ =	shalt  }
0x56: {  	_ =	shalt  }
0x57: {  	_ =	shalt  }
0x58: {  	_ =	shalt  }
0x59: {  	_ =	shalt  }
0x5a: {  	_ =	shalt  }
0x5b: {  	_ =	shalt  }
0x5c: {  	_ =	shalt  }
0x5d: {  	_ =	shalt  }
0x5e: {  	_ =	shalt  }
0x5f: {  	_ =	shalt  }
0x60: {  	_ =	shalt  }
0x61: {  	_ =	shalt  }
0x62: {  	_ =	shalt  }
0x63: {  	_ =	shalt  }
0x64: {  	_ =	shalt  }
0x65: {  	_ =	shalt  }
0x66: {  	_ =	shalt  }
0x67: {  	_ =	shalt  }
0x68: {  	_ =	shalt  }
0x69: {  	_ =	shalt  }
0x6a: {  	_ =	shalt  }
0x6b: {  	_ =	shalt  }
0x6c: {  	_ =	shalt  }
0x6d: {  	_ =	shalt  }
0x6e: {  	_ =	shalt  }
0x6f: {  	_ =	shalt  }
0x70: {  	_ =	shalt  }
0x71: {  	_ =	shalt  }
0x72: {  	_ =	shalt  }
0x73: {  	_ =	shalt  }
0x74: {  	_ =	shalt  }
0x75: {  	_ =	shalt  }
0x76: {  	_ =	shalt  }
0x77: {  	_ =	shalt  }
0x78: {  	_ =	shalt  }
0x79: {  	_ =	shalt  }
0x7a: {  	_ =	shalt  }
0x7b: {  	_ =	shalt  }
0x7c: {  	_ =	shalt  }
0x7d: {  	_ =	shalt  }
0x7e: {  	_ =	shalt  }
0x7f: {  	_ =	shalt  }
0x80: {  	_ =	shalt  }
0x81: {  	_ =	shalt  }
0x82: {  	_ =	shalt  }
0x83: {  	_ =	shalt  }
0x84: {  	_ =	shalt  }
0x85: {  	_ =	shalt  }
0x86: {  	_ =	shalt  }
0x87: {  	_ =	shalt  }
.Lfunc_end0:
.L_simem_size_0:
called_computation_lowered:
.L_overlay_start_0:
0x88: {  	s2 =	sld [smem:$0x3FD9]  }
0x89: {  	s3 =	sld [smem:$0x3FFE];
	_ =	sdelay $0x1  }
0x8a: {  	s1 =	srdreg.scid  }
0x8b: {  	s0 =	sand.u32 $0x1, s1  }
0x8c: {  	s17 =	sshll.u32 s0, $0xA;
	s2 =	sadd.s32 s3, s2  }
0x8d: {  	s2 =	sadd.s32 s2, s17  }
0x8e: {  	[smem:$0x3FC0] =	sst s2  }
0x8f: {  	_ = 	snop  }
0x90: {  	s2 =	sld [smem:$0x3FD0];
	(tm) =	ssettm $0x1  }
0x91: {  	s18 =	sld [smem:$0x3FFB];
	_ =	sdelay $0x3  }
0x92: {  	_ =	strace s18  }
0x93: {  	s3 =	sld [smem:$0x3FFC];
	_ =	sdelay $0x3  }
0x94: {  	_ =	strace s3  }
0x95: {  	s3 =	sld [smem:$0x3FFD];
	_ =	sdelay $0x3  }
0x96: {  	_ =	strace s3  }
0x97: {  	_ =	strace $0x8FFFFFFF  }
0x98: {  	s19 =	sld [smem:$0x3FDB];
	_ =	sdelay $0x1  }
0x99: {  	s4 =	simm.s32 $_scs_section_size  }
0x9a: {  	s5 =	simm.s32 $_size__tile_overlayer_lowered;
	s6 =	simm.s32 $_tile_overlayer_lowered  }
0x9b: {  	s22 =	simm.s32 $0x1BFF;
	s21 =	sshll.u32 s6, $0x1;
	s3 =	sadd.s32 s4, s19  }
0x9c: {  	s7 =	simm.s32 $0x0;
	s20 =	sshll.u32 s5, $0x1;
	s5 =	sadd.s32 s21, s3  }
0x9d: {  	[timem:s7], [sflag:s22] =	dma.local [hbm:s5], s20  }
0x9e: {  	_ =	swait.ge [sflag:s22], s20  }
0x9f: {  	s4 =	ssub.s32 $0x0, s20;
	[sflag:s22] =	ssyncset.done $0x0  }
0xa0: {  	[sflag:s22] =	ssyncadd.s32 s4;
	_ =	sdelay $0x1  }
0xa1: {  	s23 =	simm.s32 $0x1B8B  }
0xa2: {  	_ =	swait.ge [sflag:s23], $0x1  }
0xa3: {  	[sflag:s23] =	ssyncset.done $0x0  }
0xa4: {  	s25 =	simm.s32 $0x1B8E;
	s24 =	sld [smem:$0x3FFE];
	[sflag:s23] =	ssyncadd.s32 $0xFFFFFFFF  }
0xa5: {  	s26 =	simm.s32 $execute0_lowered;
	[smem:$0x3FD2] =	sst s25  }
0xa6: {  	s5 =	sshll.u32 s26, $0x1;
	_ =	strace $0x80000046;
	[dreg:$0x1] =	wrdreg $0xFFFFFFFF  }
0xa7: {  	s28 =	simm.s32 $_size_execute0_lowered;
	s3 =	sadd.s32 s3, s5;
	[dreg:$0x0] =	wrdreg $0x0  }
0xa8: {  	s5 =	sshll.u32 s28, $0x1;
	[dreg:$0x2] =	wrdreg s3  }
0xa9: {  	[dreg:$0x3] =	wrdreg s5  }
0xaa: {  	[dreg:$0x4] =	wrdreg $0xC0  }
0xab: {  	_ =	task [dreg:s7], $0x5FFFF  }
0xac: {  	[dreg:$0x1] =	wrdreg $0xFFFFFFFF  }
0xad: {  	[dreg:$0x0] =	wrdreg $0x60  }
0xae: {  	[dreg:$0x2] =	wrdreg s2  }
0xaf: {  	[dreg:$0x3] =	wrdreg s24  }
0xb0: {  	[dreg:$0x4] =	wrdreg $0x0  }
0xb1: {  	[dreg:$0x5] =	wrdreg $0x9  }
0xb2: {  	_ =	task.clear_ibuf [dreg:s7], $0x6FFFF;
	_ =	strace $0x90000046  }
0xb3: {  	s29 =	simm.s32 $0x9;
	_ =	strace $0x80000048  }
0xb4: {  	_ =	swait.ge [sflag:s29], $0x1  }
0xb5: {  	[sflag:s29] =	ssyncadd.s32 $0xFFFFFFFF  }
0xb6: {  	_ =	strace $0x90000048  }
0xb7: {  	_ =	sfence  }
0xb8: {  	s30 =	sld [smem:$0x0];
	_ =	sdelay $0x2  }
0xb9: {  	s31 =	sshll.u32 s1, $0xD;
	s1 =	sshrl.u32 s1, $0x2  }
0xba: {  	s3 =	sand.u32 $0x4000, s31;
	s1 =	sadd.s32 s1, s30  }
0xbb: {  	s0 =	sor.u32 s3, s0;
	s1 =	sshll.u32 s1, $0x11  }
0xbc: {  	s0 =	sor.u32 s1, s0  }
0xbd: {  	s0 =	sadd.s32 $0x8F2B, s0  }
0xbe: {  	[sflag:s0] =	ssyncadd.remote.s32 $0x1  }
0xbf: {  	_ =	sfence.sel $0xFFFF  }
0xc0: {  	[dreg:$0x0] =	wrdreg $0xFFFFFFFF;
	(pc) =	sbr.abs _section_cstart, $3  }
0xc1: {  	[dreg:$0x1] =	wrdreg $0xFFFFFFFF  }
0xc2: {  	_ =	task.clear_ibuf [dreg:s7], $0x2FFFF;
	_ =	strace $0x9FFFFFFF  }
0xc3: {  	(tm) =	ssettm $0x7FFFFFFF  }
tec
execute0_lowered:
.L_overlay_start_1:
0x0: {  	(tag) =	ssettag $0x1  }
0x1: {  	s1 =	rddreg [dreg:$0x0]  }
0x2: {  	s0 =	rddreg [dreg:$0x1]  }
0x3: {  	s2 =	rddreg [dreg:$0x2];
	s3 =	srdreg.scid  }
0x4: {  	s4 =	simm.s32 $0x0;
	s18 =	stileid.u32;
	s30 =	simm.s32 $0x1C000  }
0x5: {  	s31 =	simm.s32 $0x3;
	s3 =	sand.u32 $0x1, s3;
	[smem:$0x7FF] =	sst s4  }
0x6: {  	s6 =	sadd.s32 $0x1A00, s0;
	s11 =	sadd.s32 $0x1F800, s0;
	s20 =	sshll.u32 s18, $0xE  }
0x7: {  	p0 =	seq.s32 s18, $0xF;
	s5 =	sshll.u32 s3, $0x4;
	_ =	strace $0x80000047  }
0x8: {  	s9 =	ssub.s32 $0x2, s3;
	s3 =	smul.u32 $0x13C000, s3;
	s7 =	sor.u32 s18, s5  }
0x9: {  	s21 =	sor.u32 $0x40000, s20;
	s13 =	sor.u32 $0x80000, s20;
	s8 =	smul.u32 $0x4F0, s7  }
0xa: {  	s5 =	sadd.s32 $0xBA00, s0;
	s15 =	sshrl.u32 s9, $0x1;
	s10 =	smul.u32 $0x500, s7  }
0xb: {  	s18 =	simm.s32 $0x1;
	s7 =	smul.u32 $0x50, s7;
	s14 =	sadd.s32 s20, s3  }
0xc: {  	s23 =	sadd.s32 s3, s13;
	s14 =	sshrl.u32 s14, $0x3;
	s0 =	sadd.s32 s8, s0  }
0xd: {  	s8 =	ssub.s32 s9, s15;
	s16 =	sadd.s32 s5, s10;
	s17 =	sadd.s32 s6, s10  }
0xe: {  	s19 =	sor.u32 $0x10, s10;
	s15 =	sor.u32 $0xC0000, s20;
	s14 =	sadd.s32 s11, s14  }
0xf: {  	s26 =	sor.u32 $0x20, s10;
	s10 =	sor.u32 $0x30, s10;
	[dreg:$0x4] =	wrdreg s16  }
0x10: {  	s28 =	sor.u32 $0x6, s7;
	s29 =	sor.u32 $0x7, s7;
	[dreg:$0x5] =	wrdreg s17  }
0x11: {  	s12 =	sadd.s32 s5, s19;
	s9 =	sadd.s32 s6, s19;
	s16 =	sadd.s32 s3, s21  }
0x12: {  	s17 =	sor.u32 $0x100000, s20;
	[dreg:$0x8] =	wrdreg s14;
	s24 =	sadd.s32 s3, s15  }
0x13: {  	s19 =	sadd.s32 s6, s10;
	s0 =	sadd.s32 $0x15A00, s0;
	[dreg:$0x6] =	wrdreg s12  }
0x14: {  	[dreg:$0x7] =	wrdreg s9;
	s22 =	sshrl.u32 s16, $0x3;
	s16 =	sshrl.u32 s24, $0x3  }
0x15: {  	s3 =	sadd.s32 s3, s17;
	[dreg:$0x10] =	wrdreg s19;
	s24 =	sadd.s32 s13, s2  }
0x16: {  	[dreg:$0x16] =	wrdreg s0;
	s9 =	simm.s32 $0x13D00;
	s0 =	simm.s32 $0x13F80  }
0x17: {  	s12 =	simm.s32 $0x18000;
	s19 =	simm.s32 $0x7;
	s14 =	sadd.s32 s11, s22  }
0x18: {  	s25 =	sadd.s32 s11, s16;
	s3 =	sshrl.u32 s3, $0x3;
	[dreg:$0x13] =	wrdreg s24  }
0x19: {  	s16 =	sadd.s32 s5, s10;
	s22 =	smax.u32 s8, $0x1;
	[dreg:$0x9] =	wrdreg s14  }
0x1a: {  	s8 =	simm.s32 $0x13E80;
	s10 =	simm.s32 $0x13F00;
	[dreg:$0xb] =	wrdreg s25  }
0x1b: {  	s14 =	sshrl.u32 s23, $0x3;
	s3 =	sadd.s32 s11, s3;
	[dreg:$0xf] =	wrdreg s16  }
0x1c: {  	s16 =	sadd.s32 s20, s2;
	s23 =	sadd.s32 s21, s2;
	[dreg:$0x17] =	wrdreg s22  }
0x1d: {  	s20 =	sadd.s32 s15, s2;
	s21 =	sadd.s32 s17, s2;
	[dreg:$0xc] =	wrdreg s3  }
0x1e: {  	s25 =	sor.u32 $0x4, s7;
	s15 =	simm.s32 $0x14000;
	[dreg:$0x14] =	wrdreg s20  }
0x1f: {  	s17 =	simm.s32 $0x16000;
	s22 =	simm.s32 $0x4;
	[dreg:$0x15] =	wrdreg s21  }
.Ltmp0:
0x20: {  	s14 =	sadd.s32 s11, s14;
	[dreg:$0x11] =	wrdreg s16;
	(pc) =	sbr.rel .LBB2_1-.Ltmp0, $4  }
0x21: {  	s3 =	sadd.s32 s6, s26;
	s11 =	simm.s32 $0x13D80;
	[dreg:$0x12] =	wrdreg s23  }
0x22: {  	s20 =	simm.s32 $0x2;
	s21 =	simm.s32 $0x8;
	[dreg:$0xa] =	wrdreg s14  }
0x23: {  	s14 =	sadd.s32 s5, s26;
	[dreg:$0xe] =	wrdreg s3;
	s26 =	sor.u32 $0x5, s7  }
0x24: {  	v0 =	vimm.f32 $0.0e+00;
	v1 =	vimm.f32 $1.000000000e+00;
	s7 =	simm.s32 $0x0;
	[dreg:$0xd] =	wrdreg s14;
	s14 =	simm.s32 $0x80  }
.LBB2_16:
0x25: {  	s3 =	stileid.u32;
	[bflag:$0x0] =	sbarrier.arrive $0xFFFF  }
0x26: {  	s8 =	simm.s32 $0x9;
	s3 =	sshll.u32 s3, $0x6;
	s16 =	rddreg [dreg:$0x11]  }
0x27: {  	s13 =	rddreg [dreg:$0x8];
	s3 =	sor.u32 $0x1C09, s3;
	s7 =	sshrl.u32 s16, $0x3  }
0x28: {  	[hbm:s13], [sflag:s3] =	dma.local [spmem:s7], $0x800  }
0x29: {  	_ =	swait.ge [sflag:s8], $0x800  }
0x2a: {  	[sflag:s8] =	ssyncset.done $0x0;
	s23 =	rddreg [dreg:$0x12]  }
0x2b: {  	s24 =	rddreg [dreg:$0x9];
	[sflag:s8] =	ssyncadd.s32 $0xFFFFF800;
	s13 =	sshrl.u32 s23, $0x3  }
0x2c: {  	[hbm:s24], [sflag:s3] =	dma.local [spmem:s13], $0x800  }
0x2d: {  	_ =	swait.ge [sflag:s8], $0x800  }
0x2e: {  	[sflag:s8] =	ssyncset.done $0x0;
	s24 =	rddreg [dreg:$0x13]  }
0x2f: {  	s13 =	rddreg [dreg:$0xa];
	[sflag:s8] =	ssyncadd.s32 $0xFFFFF800;
	s7 =	sshrl.u32 s24, $0x3  }
0x30: {  	[hbm:s13], [sflag:s3] =	dma.local [spmem:s7], $0x800  }
0x31: {  	_ =	swait.ge [sflag:s8], $0x800  }
0x32: {  	[sflag:s8] =	ssyncset.done $0x0;
	s13 =	rddreg [dreg:$0x14]  }
0x33: {  	[sflag:s8] =	ssyncadd.s32 $0xFFFFF800;
	s7 =	sshrl.u32 s13, $0x3;
	s13 =	rddreg [dreg:$0xb]  }
0x34: {  	[hbm:s13], [sflag:s3] =	dma.local [spmem:s7], $0x800  }
0x35: {  	_ =	swait.ge [sflag:s8], $0x800  }
0x36: {  	[sflag:s8] =	ssyncset.done $0x0;
	s7 =	rddreg [dreg:$0x15]  }
0x37: {  	s13 =	rddreg [dreg:$0xc];
	[sflag:s8] =	ssyncadd.s32 $0xFFFFF800;
	s7 =	sshrl.u32 @!p0 s7, $0x3  }
0x38: {  	[hbm:s13], [sflag:s3] =	dma.local @!p0 [spmem:s7], $0x800  }
0x39: {  	s3 =	simm.s32 @!p0 $0x9  }
0x3a: {  	_ =	swait.ge @!p0 [sflag:s3], $0x800  }
0x3b: {  	[sflag:s3] =	ssyncset.done @!p0 $0x0  }
0x3c: {  	s13 =	rddreg [dreg:$0x16];
	[sflag:s3] =	ssyncadd.s32 @!p0 $0xFFFFF800  }
0x3d: {  	[hbm4b:s13+s4] =	stream.linear.scatter [tilespmem:s30], [sflag:$0x9], $0x2780, $0x38;
	[tilespmem:$0x1E780] =	vst v63  }
0x3e: {  	_ =	swait.ge [sflag:s8], $0x2780  }
0x3f: {  	s3 =	rddreg [dreg:$0x18]  }
0x40: {  	s13 =	rddreg [dreg:$0x17];
	s7 =	sadd.s32 $0x1, s3  }
0x41: {  	p1 =	sne.s32 s7, s13  }
.Ltmp1:
0x42: {  	_ = 	snop;
	(pc) =	sbr.rel @!p1 .LBB2_17-.Ltmp1, $3  }
0x43: {  	_ =	sdelay $0x1  }
0x44: {  	[sflag:s8] =	ssyncset.done $0x0  }
0x45: {  	[sflag:s8] =	ssyncadd.s32 $0xFFFFD880;
	s8 =	simm.s32 $0x13E80  }
.LBB2_1:
0x46: {  	[dreg:$0x18] =	wrdreg s7  }
0x47: {  	s3 =	rddreg [dreg:$0x4];
	s13 =	simm.s32 $0x13C00  }
0x48: {  	[tilespmem:s13], [sflag:$0x5] =	stream.linear.gather [hbm4b:s3+s4], $0x80, $0x38;
	[tilespmem:$0x1E780] =	vst v63  }
0x49: {  	s7 =	rddreg [dreg:$0x5];
	s13 =	simm.s32 $0x13E00  }
0x4a: {  	[tilespmem:s13], [sflag:$0x5] =	stream.linear.gather [hbm4b:s7+s4], $0x80, $0x38;
	[tilespmem:$0x1E780] =	vst v63  }
0x4b: {  	s7 =	rddreg [dreg:$0x6];
	s13 =	simm.s32 $0x13C80  }
0x4c: {  	[tilespmem:s13], [sflag:$0x6] =	stream.linear.gather [hbm4b:s7+s4], $0x80, $0x38;
	[tilespmem:$0x1E780] =	vst v63  }
0x4d: {  	s13 =	rddreg [dreg:$0x7]  }
0x4e: {  	[tilespmem:s8], [sflag:$0x6] =	stream.linear.gather [hbm4b:s13+s4], $0x80, $0x38;
	[tilespmem:$0x1E780] =	vst v63  }
0x4f: {  	s7 =	rddreg [dreg:$0xd]  }
0x50: {  	[tilespmem:s9], [sflag:$0x7] =	stream.linear.gather [hbm4b:s7+s4], $0x80, $0x38;
	[tilespmem:$0x1E780] =	vst v63  }
0x51: {  	s13 =	rddreg [dreg:$0xe]  }
0x52: {  	[tilespmem:s10], [sflag:$0x7] =	stream.linear.gather [hbm4b:s13+s4], $0x80, $0x38;
	[tilespmem:$0x1E780] =	vst v63  }
0x53: {  	s7 =	rddreg [dreg:$0xf]  }
0x54: {  	[tilespmem:s11], [sflag:$0x8] =	stream.linear.gather [hbm4b:s7+s4], $0x80, $0x38;
	[tilespmem:$0x1E780] =	vst v63  }
0x55: {  	s13 =	rddreg [dreg:$0x10]  }
0x56: {  	[tilespmem:s0], [sflag:$0x8] =	stream.linear.gather [hbm4b:s13+s4], $0x80, $0x38;
	[tilespmem:$0x1E780] =	vst v63  }
0x57: {  	s7 =	simm.s32 $0x0;
	s13 =	simm.s32 $0x200  }
.LBB2_2:
0x58: {  	p1 =	sne.s32 s13, $0xFE00;
	[tilespmem:s7+$0x18070] =	vst v0  }
0x59: {  	[tilespmem:s7+$0x18000] =	vst v0  }
0x5a: {  	[tilespmem:s7+$0x18010] =	vst v0  }
.Ltmp2:
0x5b: {  	[tilespmem:s7+$0x18020] =	vst v0;
	(pc) =	sbr.rel @p1 .LBB2_2-.Ltmp2, $4  }
0x5c: {  	[tilespmem:s7+$0x18030] =	vst v0  }
0x5d: {  	[tilespmem:s7+$0x18040] =	vst v0  }
0x5e: {  	[tilespmem:s7+$0x18050] =	vst v0  }
0x5f: {  	[tilespmem:s7+$0x18060] =	vst v0;
	s7 =	sshra.s32 s13, $0x2;
	s13 =	sadd.s32 $0x200, s13  }
0x60: {  	[tilespmem:s7+$0x18070] =	vst v0  }
0x61: {  	[tilespmem:s7+$0x18000] =	vst v0  }
0x62: {  	[tilespmem:s7+$0x18010] =	vst v0  }
0x63: {  	[tilespmem:s7+$0x18020] =	vst v0  }
0x64: {  	[tilespmem:s7+$0x18030] =	vst v0  }
0x65: {  	[tilespmem:s7+$0x18040] =	vst v0  }
0x66: {  	[tilespmem:s7+$0x18050] =	vst v0  }
0x67: {  	[tilespmem:s7+$0x18060] =	vst v0  }
0x68: {  	[spmem:s16] =	stream.linear.scatter [tilespmem:s12], [sflag:$0x9], $0x4000, $0x38;
	[tilespmem:$0x1E780] =	vst v63  }
0x69: {  	s16 =	simm.s32 $0x9  }
0x6a: {  	_ =	swait.ge [sflag:s16], $0x4000  }
0x6b: {  	[sflag:s16] =	ssyncset.done $0x0  }
0x6c: {  	[sflag:s16] =	ssyncadd.s32 $0xFFFFC000  }
0x6d: {  	[spmem:s23] =	stream.linear.scatter [tilespmem:s12], [sflag:$0x9], $0x4000, $0x38;
	[tilespmem:$0x1E780] =	vst v63  }
0x6e: {  	_ =	swait.ge [sflag:s16], $0x4000  }
0x6f: {  	[sflag:s16] =	ssyncset.done $0x0  }
0x70: {  	[sflag:s16] =	ssyncadd.s32 $0xFFFFC000  }
0x71: {  	[spmem:s24] =	stream.linear.scatter [tilespmem:s12], [sflag:$0x9], $0x4000, $0x38;
	[tilespmem:$0x1E780] =	vst v63  }
0x72: {  	_ =	swait.ge [sflag:s16], $0x4000  }
0x73: {  	[sflag:s16] =	ssyncset.done $0x0  }
0x74: {  	s3 =	rddreg [dreg:$0x14];
	[sflag:s16] =	ssyncadd.s32 $0xFFFFC000  }
0x75: {  	[spmem:s3] =	stream.linear.scatter [tilespmem:s12], [sflag:$0x9], $0x4000, $0x38;
	[tilespmem:$0x1E780] =	vst v63  }
0x76: {  	_ =	swait.ge [sflag:s16], $0x4000  }
0x77: {  	[sflag:s16] =	ssyncset.done $0x0  }
0x78: {  	s7 =	simm.s32 @!p0 $0x18000;
	s3 =	rddreg [dreg:$0x15];
	[sflag:s16] =	ssyncadd.s32 $0xFFFFC000  }
0x79: {  	[spmem:s3] =	stream.linear.scatter @!p0 [tilespmem:s7], [sflag:$0x9], $0x4000, $0x38;
	[tilespmem:$0x1E780] =	vst v63  }
0x7a: {  	s7 =	simm.s32 @!p0 $0x9  }
0x7b: {  	_ =	swait.ge @!p0 [sflag:s7], $0x4000  }
0x7c: {  	[sflag:s7] =	ssyncset.done @!p0 $0x0  }
0x7d: {  	s13 =	simm.s32 $0x0;
	[sflag:s7] =	ssyncadd.s32 @!p0 $0xFFFFC000;
	s7 =	simm.s32 $0x40  }
.LBB2_4:
0x7e: {  	p1 =	sne.s32 s7, $0x9DC0;
	[tilespmem:s13+$0x1C000] =	vst v0;
	s13 =	smov.u32 s7;
	s7 =	sadd.s32 $0x40, s7  }
.Ltmp3:
0x7f: {  	(pc) =	sbr.rel @p1 .LBB2_4-.Ltmp3, $2  }
0x80: {  	_ =	sdelay $0x2  }
0x81: {  	s13 =	sshra.s32 s13, $0x2  }
0x82: {  	[tilespmem:s13+$0x1C000] =	vst v0  }
0x83: {  	s3 =	simm.s32 $0x5;
	[bflag:$0x0] =	sbarrier.arrive $0xFFFF  }
0x84: {  	_ =	swait.ge [sflag:s3], $0x80  }
0x85: {  	[sflag:s3] =	ssyncset.done $0x0  }
0x86: {  	[sflag:s3] =	ssyncadd.s32 $0xFFFFFF80  }
0x87: {  	_ =	swait.ge [sflag:s3], $0x80  }
0x88: {  	[sflag:s3] =	ssyncset.done $0x0  }
0x89: {  	s16 =	simm.s32 $0x13C00;
	s23 =	simm.s32 $0x6;
	[sflag:s3] =	ssyncadd.s32 $0xFFFFFF80  }
0x8a: {  	[tilespmem:s15], [sflag:$0x1] =	stream.indirect.gather [hbm4b:s1+s14], $0x40, s16, s14, $0xb8;
	[tilespmem:$0x1E780] =	vst v63  }
0x8b: {  	_ =	swait.ge [sflag:s23], $0x80  }
0x8c: {  	[sflag:s23] =	ssyncset.done $0x0  }
0x8d: {  	[sflag:s23] =	ssyncadd.s32 $0xFFFFFF80  }
0x8e: {  	_ =	swait.ge [sflag:s23], $0x80  }
0x8f: {  	[sflag:s23] =	ssyncset.done $0x0  }
0x90: {  	s24 =	simm.s32 $0x13C80;
	[sflag:s23] =	ssyncadd.s32 $0xFFFFFF80  }
0x91: {  	[tilespmem:s17], [sflag:$0x2] =	stream.indirect.gather [hbm4b:s1+s14], $0x40, s24, s14, $0xb8;
	[tilespmem:$0x1E780] =	vst v63  }
0x92: {  	s24 =	simm.s32 $0x0  }
.LBB2_6:
0x93: {  	_ =	swait.ge [sflag:s18], $0x2000  }
0x94: {  	[sflag:s18] =	ssyncset.done $0x0  }
0x95: {  	s7 =	simm.s32 $0x14100;
	[sflag:s18] =	ssyncadd.s32 $0xFFFFE000  }
0x96: {  	v2 =	vld [tilespmem:s7+$0xC0];
	_ =	sdelay $0x1  }
0x97: {  	v3 =	vld [tilespmem:s7+$0xFFFFFF40];
	_ =	sdelay $0x1  }
0x98: {  	v4 =	vld [tilespmem:s7+$0xFFFFFF80]  }
0x99: {  	s13 =	simm.s32 $0x18200;
	v5 =	vunpack.i.l.bf16.f32 v2  }
0x9a: {  	v6 =	vld [tilespmem:s7+$0xFFFFFFC0];
	v2 =	vunpack.i.u.bf16.f32 v2;
	[tilespmem:s13+$0x180] =	vst v5  }
0x9b: {  	v7 =	vld [tilespmem:s7+$0xFFFFFF00];
	v5 =	vunpack.i.l.bf16.f32 v3;
	[tilespmem:s13+$0x190] =	vst v2  }
0x9c: {  	v2 =	vunpack.i.u.bf16.f32 v3;
	[tilespmem:s13+$0xFFFFFE80] =	vst v5;
	v3 =	vld [tilespmem:s7+$0xD0]  }
0x9d: {  	v5 =	vunpack.i.l.bf16.f32 v4;
	[tilespmem:s13+$0xFFFFFE90] =	vst v2  }
0x9e: {  	v2 =	vunpack.i.u.bf16.f32 v4;
	[tilespmem:s13+$0xFFFFFF00] =	vst v5  }
0x9f: {  	v4 =	vunpack.i.l.bf16.f32 v6;
	[tilespmem:s13+$0xFFFFFF10] =	vst v2  }
0xa0: {  	v2 =	vld [tilespmem:s7+$0x0];
	v5 =	vunpack.i.l.bf16.f32 v7;
	[tilespmem:s13+$0xFFFFFF80] =	vst v4  }
0xa1: {  	[tilespmem:s13+$0xFFFFFE00] =	vst v5;
	v4 =	vunpack.i.l.bf16.f32 v3  }
0xa2: {  	v5 =	vld [tilespmem:s7+$0x40];
	v3 =	vunpack.i.u.bf16.f32 v3;
	[tilespmem:s13+$0x1A0] =	vst v4  }
0xa3: {  	v4 =	vunpack.i.u.bf16.f32 v7;
	[tilespmem:s13+$0x1B0] =	vst v3  }
0xa4: {  	v3 =	vunpack.i.u.bf16.f32 v6;
	[tilespmem:s13+$0xFFFFFE10] =	vst v4;
	v4 =	vld [tilespmem:s7+$0xE0]  }
0xa5: {  	v6 =	vunpack.i.l.bf16.f32 v2;
	[tilespmem:s13+$0xFFFFFF90] =	vst v3  }
0xa6: {  	v2 =	vunpack.i.u.bf16.f32 v2;
	v3 =	vld [tilespmem:s7+$0x80];
	[tilespmem:s13+$0x0] =	vst v6  }
0xa7: {  	v6 =	vunpack.i.l.bf16.f32 v5;
	[tilespmem:s13+$0x10] =	vst v2  }
0xa8: {  	v2 =	vunpack.i.u.bf16.f32 v5;
	v5 =	vld [tilespmem:s7+$0xFFFFFF10];
	[tilespmem:s13+$0x80] =	vst v6  }
0xa9: {  	[tilespmem:s13+$0x90] =	vst v2;
	v2 =	vunpack.i.l.bf16.f32 v4  }
0xaa: {  	v6 =	vld [tilespmem:s7+$0xFFFFFF50];
	v4 =	vunpack.i.u.bf16.f32 v4;
	[tilespmem:s13+$0x1C0] =	vst v2  }
0xab: {  	v2 =	vunpack.i.l.bf16.f32 v3;
	[tilespmem:s13+$0x1D0] =	vst v4  }
0xac: {  	v3 =	vunpack.i.u.bf16.f32 v3;
	v4 =	vld [tilespmem:s7+$0xFFFFFF90];
	[tilespmem:s13+$0x100] =	vst v2  }
0xad: {  	v7 =	vunpack.i.l.bf16.f32 v5;
	v2 =	vld [tilespmem:s7+$0xF0];
	[tilespmem:s13+$0x110] =	vst v3  }
0xae: {  	v3 =	vunpack.i.u.bf16.f32 v5;
	[tilespmem:s13+$0xFFFFFE20] =	vst v7;
	v7 =	vld [tilespmem:s7+$0xFFFFFFD0]  }
0xaf: {  	v5 =	vunpack.i.l.bf16.f32 v6;
	[tilespmem:s13+$0xFFFFFE30] =	vst v3  }
0xb0: {  	v3 =	vunpack.i.u.bf16.f32 v6;
	[tilespmem:s13+$0xFFFFFEA0] =	vst v5;
	v5 =	vld [tilespmem:s7+$0x10]  }
0xb1: {  	[tilespmem:s13+$0xFFFFFEB0] =	vst v3;
	v6 =	vunpack.i.l.bf16.f32 v4  }
0xb2: {  	v3 =	vunpack.i.u.bf16.f32 v2;
	[tilespmem:s13+$0xFFFFFF20] =	vst v6  }
0xb3: {  	v6 =	vunpack.i.l.bf16.f32 v7;
	[tilespmem:s13+$0x1F0] =	vst v3;
	v3 =	vunpack.i.u.bf16.f32 v4;
	v4 =	vld [tilespmem:s7+$0x50]  }
0xb4: {  	[tilespmem:s13+$0xFFFFFFA0] =	vst v6  }
0xb5: {  	v6 =	vunpack.i.l.bf16.f32 v5;
	[tilespmem:s13+$0xFFFFFF30] =	vst v3;
	v3 =	vunpack.i.u.bf16.f32 v7;
	v7 =	vld [tilespmem:s7+$0x90]  }
0xb6: {  	[tilespmem:s13+$0x20] =	vst v6  }
0xb7: {  	[tilespmem:s13+$0xFFFFFFB0] =	vst v3;
	v3 =	vunpack.i.u.bf16.f32 v5;
	v5 =	vld [tilespmem:s7+$0xFFFFFF20]  }
0xb8: {  	[tilespmem:s13+$0x30] =	vst v3;
	v6 =	vunpack.i.l.bf16.f32 v4  }
0xb9: {  	v3 =	vunpack.i.u.bf16.f32 v4;
	v4 =	vld [tilespmem:s7+$0xFFFFFF60];
	[tilespmem:s13+$0xA0] =	vst v6  }
0xba: {  	v6 =	vunpack.i.l.bf16.f32 v7;
	[tilespmem:s13+$0xB0] =	vst v3  }
0xbb: {  	v3 =	vunpack.i.u.bf16.f32 v7;
	v7 =	vld [tilespmem:s7+$0xFFFFFFA0];
	[tilespmem:s13+$0x120] =	vst v6  }
0xbc: {  	v6 =	vunpack.i.l.bf16.f32 v5;
	[tilespmem:s13+$0x130] =	vst v3  }
0xbd: {  	v3 =	vunpack.i.u.bf16.f32 v5;
	v5 =	vld [tilespmem:s7+$0xFFFFFFE0];
	[tilespmem:s13+$0xFFFFFE40] =	vst v6  }
0xbe: {  	[tilespmem:s13+$0xFFFFFE50] =	vst v3;
	v6 =	vunpack.i.l.bf16.f32 v4  }
0xbf: {  	v3 =	vunpack.i.u.bf16.f32 v4;
	v4 =	vld [tilespmem:s7+$0x20];
	[tilespmem:s13+$0xFFFFFEC0] =	vst v6  }
0xc0: {  	v6 =	vunpack.i.l.bf16.f32 v7;
	[tilespmem:s13+$0xFFFFFED0] =	vst v3  }
0xc1: {  	v3 =	vunpack.i.u.bf16.f32 v7;
	v7 =	vld [tilespmem:s7+$0x60];
	[tilespmem:s13+$0xFFFFFF40] =	vst v6  }
0xc2: {  	v6 =	vunpack.i.l.bf16.f32 v5;
	[tilespmem:s13+$0xFFFFFF50] =	vst v3  }
0xc3: {  	v3 =	vunpack.i.u.bf16.f32 v5;
	v5 =	vld [tilespmem:s7+$0xA0];
	[tilespmem:s13+$0xFFFFFFC0] =	vst v6  }
0xc4: {  	[tilespmem:s13+$0xFFFFFFD0] =	vst v3;
	v6 =	vunpack.i.l.bf16.f32 v4  }
0xc5: {  	v3 =	vunpack.i.u.bf16.f32 v4;
	v4 =	vld [tilespmem:s7+$0xFFFFFF30];
	[tilespmem:s13+$0x40] =	vst v6  }
0xc6: {  	v6 =	vunpack.i.l.bf16.f32 v7;
	[tilespmem:s13+$0x50] =	vst v3  }
0xc7: {  	v3 =	vunpack.i.u.bf16.f32 v7;
	v7 =	vld [tilespmem:s7+$0xFFFFFF70];
	[tilespmem:s13+$0xC0] =	vst v6  }
0xc8: {  	v6 =	vunpack.i.l.bf16.f32 v5;
	[tilespmem:s13+$0xD0] =	vst v3  }
0xc9: {  	v3 =	vunpack.i.u.bf16.f32 v5;
	v5 =	vld [tilespmem:s7+$0xFFFFFFB0];
	[tilespmem:s13+$0x140] =	vst v6  }
0xca: {  	[tilespmem:s13+$0x150] =	vst v3;
	v6 =	vunpack.i.l.bf16.f32 v4  }
0xcb: {  	v8 =	vld [tilespmem:s7+$0x30];
	v3 =	vunpack.i.u.bf16.f32 v4;
	[tilespmem:s13+$0xFFFFFE60] =	vst v6  }
0xcc: {  	v4 =	vld [tilespmem:s7+$0xFFFFFFF0];
	v6 =	vunpack.i.l.bf16.f32 v7;
	[tilespmem:s13+$0xFFFFFE70] =	vst v3  }
0xcd: {  	v3 =	vunpack.i.u.bf16.f32 v7;
	v7 =	vld [tilespmem:s7+$0x70];
	[tilespmem:s13+$0xFFFFFEE0] =	vst v6  }
0xce: {  	v9 =	vld [tilespmem:s7+$0xB0];
	v6 =	vunpack.i.l.bf16.f32 v5;
	[tilespmem:s13+$0xFFFFFEF0] =	vst v3  }
0xcf: {  	v3 =	vunpack.i.u.bf16.f32 v5;
	[tilespmem:s13+$0xFFFFFF60] =	vst v6  }
0xd0: {  	[tilespmem:s13+$0xFFFFFF70] =	vst v3;
	v3 =	vunpack.i.u.bf16.f32 v8;
	v8 =	vunpack.i.l.bf16.f32 v8  }
0xd1: {  	[tilespmem:s13+$0x60] =	vst v8;
	v5 =	vunpack.i.l.bf16.f32 v4  }
0xd2: {  	v2 =	vunpack.i.l.bf16.f32 v2;
	v6 =	vunpack.i.u.bf16.f32 v4;
	[tilespmem:s13+$0xFFFFFFE0] =	vst v5;
	v4 =	vunpack.i.u.bf16.f32 v7  }
0xd3: {  	s16 =	simm.s32 $0x0;
	s23 =	simm.s32 $0x14300;
	[tilespmem:s13+$0xFFFFFFF0] =	vst v6;
	v7 =	vunpack.i.l.bf16.f32 v7;
	v5 =	vunpack.i.u.bf16.f32 v9;
	v6 =	vunpack.i.l.bf16.f32 v9  }
.LBB2_7:
0xd4: {  	v8 =	vld [tilespmem:s23+$0xC0];
	[tilespmem:s13+$0x70] =	vst v3  }
0xd5: {  	v3 =	vld [tilespmem:s23+$0xFFFFFF40];
	[tilespmem:s13+$0xE0] =	vst v7  }
0xd6: {  	v7 =	vld [tilespmem:s23+$0xFFFFFF80];
	[tilespmem:s13+$0xF0] =	vst v4  }
0xd7: {  	s16 =	sadd.s32 $0x8, s16;
	v4 =	vld [tilespmem:s23+$0xFFFFFFC0];
	[tilespmem:s13+$0x160] =	vst v6  }
0xd8: {  	p1 =	slt.u32 s16, $0x78;
	v6 =	vld [tilespmem:s23+$0x0];
	[tilespmem:s13+$0x170] =	vst v5  }
0xd9: {  	v5 =	vld [tilespmem:s23+$0x40];
	v9 =	vunpack.i.l.bf16.f32 v8;
	[tilespmem:s13+$0x1E0] =	vst v2;
	s13 =	sadd.s32 $0x400, s13  }
0xda: {  	v8 =	vunpack.i.u.bf16.f32 v8;
	v2 =	vunpack.i.u.bf16.f32 v3;
	v3 =	vunpack.i.l.bf16.f32 v3;
	v10 =	vld [tilespmem:s23+$0x80];
	[tilespmem:s13+$0x180] =	vst v9  }
0xdb: {  	v9 =	vld [tilespmem:s23+$0xFFFFFF00];
	v11 =	vunpack.i.u.bf16.f32 v7;
	v7 =	vunpack.i.l.bf16.f32 v7;
	[tilespmem:s13+$0x190] =	vst v8  }
0xdc: {  	[tilespmem:s13+$0xFFFFFE80] =	vst v3;
	v3 =	vunpack.i.u.bf16.f32 v4;
	v4 =	vunpack.i.l.bf16.f32 v4;
	v8 =	vld [tilespmem:s23+$0xD0]  }
0xdd: {  	[tilespmem:s13+$0xFFFFFE90] =	vst v2;
	v2 =	vunpack.i.u.bf16.f32 v6;
	v6 =	vunpack.i.l.bf16.f32 v6  }
0xde: {  	v12 =	vld [tilespmem:s23+$0xFFFFFF50];
	[tilespmem:s13+$0xFFFFFF00] =	vst v7;
	v7 =	vunpack.i.u.bf16.f32 v5;
	v5 =	vunpack.i.l.bf16.f32 v5  }
0xdf: {  	[tilespmem:s13+$0xFFFFFF10] =	vst v11;
	v11 =	vunpack.i.u.bf16.f32 v10;
	v10 =	vunpack.i.l.bf16.f32 v10  }
0xe0: {  	v13 =	vunpack.i.u.bf16.f32 v9;
	v9 =	vunpack.i.l.bf16.f32 v9;
	v14 =	vld [tilespmem:s23+$0xFFFFFF90];
	[tilespmem:s13+$0xFFFFFF80] =	vst v4  }
0xe1: {  	[tilespmem:s13+$0xFFFFFE00] =	vst v9;
	v4 =	vunpack.i.l.bf16.f32 v8  }
0xe2: {  	v8 =	vunpack.i.u.bf16.f32 v8;
	[tilespmem:s13+$0x1A0] =	vst v4  }
0xe3: {  	v4 =	vunpack.i.u.bf16.f32 v12;
	v9 =	vunpack.i.l.bf16.f32 v12;
	[tilespmem:s13+$0x1B0] =	vst v8  }
0xe4: {  	[tilespmem:s13+$0xFFFFFE10] =	vst v13;
	v8 =	vld [tilespmem:s23+$0xE0]  }
0xe5: {  	v12 =	vld [tilespmem:s23+$0xFFFFFF10];
	v13 =	vunpack.i.u.bf16.f32 v14;
	v14 =	vunpack.i.l.bf16.f32 v14;
	[tilespmem:s13+$0xFFFFFF90] =	vst v3  }
0xe6: {  	v3 =	vld [tilespmem:s23+$0xFFFFFFD0];
	[tilespmem:s13+$0x0] =	vst v6  }
0xe7: {  	[tilespmem:s13+$0x10] =	vst v2  }
0xe8: {  	v2 =	vld [tilespmem:s23+$0x10];
	[tilespmem:s13+$0x80] =	vst v5  }
0xe9: {  	[tilespmem:s13+$0x90] =	vst v7;
	v5 =	vunpack.i.l.bf16.f32 v8  }
0xea: {  	v8 =	vunpack.i.u.bf16.f32 v8;
	v6 =	vunpack.i.u.bf16.f32 v12;
	v7 =	vunpack.i.l.bf16.f32 v12;
	v12 =	vld [tilespmem:s23+$0x50];
	[tilespmem:s13+$0x1C0] =	vst v5  }
0xeb: {  	v5 =	vunpack.i.u.bf16.f32 v3;
	v3 =	vunpack.i.l.bf16.f32 v3;
	[tilespmem:s13+$0x1D0] =	vst v8  }
0xec: {  	[tilespmem:s13+$0x100] =	vst v10;
	v8 =	vld [tilespmem:s23+$0xF0]  }
0xed: {  	v10 =	vunpack.i.u.bf16.f32 v2;
	v15 =	vunpack.i.l.bf16.f32 v2;
	[tilespmem:s13+$0x110] =	vst v11  }
0xee: {  	[tilespmem:s13+$0xFFFFFE20] =	vst v7;
	v7 =	vld [tilespmem:s23+$0x90]  }
0xef: {  	[tilespmem:s13+$0xFFFFFE30] =	vst v6;
	v6 =	vunpack.i.u.bf16.f32 v12;
	v11 =	vunpack.i.l.bf16.f32 v12  }
0xf0: {  	v12 =	vld [tilespmem:s23+$0xFFFFFF20];
	[tilespmem:s13+$0xFFFFFEA0] =	vst v9  }
0xf1: {  	[tilespmem:s13+$0xFFFFFEB0] =	vst v4;
	v4 =	vunpack.i.u.bf16.f32 v8;
	v2 =	vunpack.i.l.bf16.f32 v8  }
0xf2: {  	v8 =	vld [tilespmem:s23+$0xFFFFFF60];
	[tilespmem:s13+$0x1F0] =	vst v4  }
0xf3: {  	[tilespmem:s13+$0xFFFFFF20] =	vst v14;
	v4 =	vunpack.i.u.bf16.f32 v7;
	v7 =	vunpack.i.l.bf16.f32 v7  }
0xf4: {  	[tilespmem:s13+$0xFFFFFF30] =	vst v13  }
0xf5: {  	v9 =	vunpack.i.u.bf16.f32 v12;
	v12 =	vunpack.i.l.bf16.f32 v12;
	v13 =	vld [tilespmem:s23+$0xFFFFFFA0];
	[tilespmem:s13+$0xFFFFFFA0] =	vst v3  }
0xf6: {  	[tilespmem:s13+$0xFFFFFFB0] =	vst v5  }
0xf7: {  	v3 =	vunpack.i.u.bf16.f32 v8;
	v5 =	vunpack.i.l.bf16.f32 v8;
	v8 =	vld [tilespmem:s23+$0xFFFFFFE0];
	[tilespmem:s13+$0x20] =	vst v15  }
0xf8: {  	[tilespmem:s13+$0x30] =	vst v10  }
0xf9: {  	v10 =	vld [tilespmem:s23+$0x20];
	[tilespmem:s13+$0xA0] =	vst v11  }
0xfa: {  	v11 =	vunpack.i.u.bf16.f32 v13;
	v13 =	vunpack.i.l.bf16.f32 v13;
	[tilespmem:s13+$0xB0] =	vst v6  }
0xfb: {  	v6 =	vld [tilespmem:s23+$0x60];
	[tilespmem:s13+$0x120] =	vst v7  }
0xfc: {  	v7 =	vunpack.i.u.bf16.f32 v8;
	v8 =	vunpack.i.l.bf16.f32 v8;
	[tilespmem:s13+$0x130] =	vst v4  }
0xfd: {  	[tilespmem:s13+$0xFFFFFE40] =	vst v12;
	v4 =	vld [tilespmem:s23+$0xA0]  }
0xfe: {  	[tilespmem:s13+$0xFFFFFE50] =	vst v9;
	v9 =	vunpack.i.u.bf16.f32 v10;
	v10 =	vunpack.i.l.bf16.f32 v10  }
0xff: {  	v12 =	vld [tilespmem:s23+$0xFFFFFF30];
	[tilespmem:s13+$0xFFFFFEC0] =	vst v5  }
0x100: {  	[tilespmem:s13+$0xFFFFFED0] =	vst v3;
	v3 =	vunpack.i.u.bf16.f32 v6;
	v5 =	vunpack.i.l.bf16.f32 v6  }
0x101: {  	v6 =	vld [tilespmem:s23+$0xFFFFFF70];
	[tilespmem:s13+$0xFFFFFF40] =	vst v13  }
0x102: {  	[tilespmem:s13+$0xFFFFFF50] =	vst v11;
	v11 =	vunpack.i.u.bf16.f32 v4;
	v4 =	vunpack.i.l.bf16.f32 v4  }
0x103: {  	v13 =	vld [tilespmem:s23+$0xFFFFFFB0];
	[tilespmem:s13+$0xFFFFFFC0] =	vst v8  }
0x104: {  	v8 =	vunpack.i.u.bf16.f32 v12;
	v12 =	vunpack.i.l.bf16.f32 v12;
	[tilespmem:s13+$0xFFFFFFD0] =	vst v7  }
0x105: {  	v7 =	vld [tilespmem:s23+$0xFFFFFFF0];
	[tilespmem:s13+$0x40] =	vst v10  }
0x106: {  	v10 =	vunpack.i.u.bf16.f32 v6;
	v6 =	vunpack.i.l.bf16.f32 v6;
	[tilespmem:s13+$0x50] =	vst v9  }
0x107: {  	v9 =	vld [tilespmem:s23+$0x30];
	[tilespmem:s13+$0xC0] =	vst v5  }
0x108: {  	v5 =	vunpack.i.u.bf16.f32 v13;
	v13 =	vunpack.i.l.bf16.f32 v13;
	[tilespmem:s13+$0xD0] =	vst v3  }
0x109: {  	v14 =	vld [tilespmem:s23+$0x70];
	[tilespmem:s13+$0x140] =	vst v4  }
0x10a: {  	v15 =	vunpack.i.u.bf16.f32 v7;
	v16 =	vunpack.i.l.bf16.f32 v7;
	[tilespmem:s13+$0x150] =	vst v11  }
0x10b: {  	[tilespmem:s13+$0xFFFFFE60] =	vst v12;
	v11 =	vld [tilespmem:s23+$0xB0]  }
0x10c: {  	[tilespmem:s13+$0xFFFFFE70] =	vst v8;
	v3 =	vunpack.i.u.bf16.f32 v9;
	v8 =	vunpack.i.l.bf16.f32 v9  }
0x10d: {  	[tilespmem:s13+$0xFFFFFEE0] =	vst v6  }
0x10e: {  	[tilespmem:s13+$0xFFFFFEF0] =	vst v10;
	v4 =	vunpack.i.u.bf16.f32 v14;
	v7 =	vunpack.i.l.bf16.f32 v14  }
.Ltmp4:
0x10f: {  	[tilespmem:s13+$0xFFFFFF60] =	vst v13;
	(pc) =	sbr.rel @p1 .LBB2_7-.Ltmp4, $4  }
0x110: {  	[tilespmem:s13+$0xFFFFFF70] =	vst v5;
	v5 =	vunpack.i.u.bf16.f32 v11;
	v6 =	vunpack.i.l.bf16.f32 v11  }
0x111: {  	[tilespmem:s13+$0xFFFFFFE0] =	vst v16  }
0x112: {  	[tilespmem:s13+$0xFFFFFFF0] =	vst v15  }
0x113: {  	s23 =	sadd.s32 $0x200, s23;
	[tilespmem:s13+$0x60] =	vst v8  }
0x114: {  	[tilespmem:s13+$0x70] =	vst v3  }
0x115: {  	[tilespmem:s13+$0xE0] =	vst v7  }
0x116: {  	[tilespmem:s13+$0xF0] =	vst v4  }
0x117: {  	[tilespmem:s13+$0x160] =	vst v6  }
0x118: {  	[tilespmem:s13+$0x170] =	vst v5  }
0x119: {  	[tilespmem:s13+$0x1E0] =	vst v2  }
0x11a: {  	_ =	swait.ge [sflag:s19], $0x80  }
0x11b: {  	[sflag:s19] =	ssyncset.done $0x0  }
0x11c: {  	[sflag:s19] =	ssyncadd.s32 $0xFFFFFF80  }
0x11d: {  	_ =	swait.ge [sflag:s19], $0x80  }
0x11e: {  	[sflag:s19] =	ssyncset.done $0x0  }
0x11f: {  	[sflag:s19] =	ssyncadd.s32 $0xFFFFFF80  }
0x120: {  	[tilespmem:s15], [sflag:$0x1] =	stream.indirect.gather [hbm4b:s1+s14], $0x40, s9, s14, $0xb8;
	[tilespmem:$0x1E780] =	vst v63  }
0x121: {  	s3 =	simm.s32 $0x13E00  }
0x122: {  	[spmem:s2] =	stream.indirect.scatter.add.f32 [tilespmem:s12], [sflag:$0x3], $0x80, s3, s14, $0xb8;
	[tilespmem:$0x1E780] =	vst v63  }
0x123: {  	v2 =	vld [tilespmem:$0x13E00];
	_ =	sdelay $0x7  }
0x124: {  	[tilespmem:v2+s30+$0x0] =	vst.idx.add.f32.msk $0xffff, v1  }
0x125: {  	v2 =	vld [tilespmem:$0x13E10];
	_ =	sdelay $0x7  }
0x126: {  	[tilespmem:v2+s30+$0x0] =	vst.idx.add.f32.msk $0xffff, v1  }
0x127: {  	v2 =	vld [tilespmem:$0x13E20];
	_ =	sdelay $0x7  }
0x128: {  	[tilespmem:v2+s30+$0x0] =	vst.idx.add.f32.msk $0xffff, v1  }
0x129: {  	v2 =	vld [tilespmem:$0x13E30];
	_ =	sdelay $0x7  }
0x12a: {  	[tilespmem:v2+s30+$0x0] =	vst.idx.add.f32.msk $0xffff, v1  }
0x12b: {  	v2 =	vld [tilespmem:$0x13E40];
	_ =	sdelay $0x7  }
0x12c: {  	[tilespmem:v2+s30+$0x0] =	vst.idx.add.f32.msk $0xffff, v1  }
0x12d: {  	v2 =	vld [tilespmem:$0x13E50];
	_ =	sdelay $0x7  }
0x12e: {  	[tilespmem:v2+s30+$0x0] =	vst.idx.add.f32.msk $0xffff, v1  }
0x12f: {  	v2 =	vld [tilespmem:$0x13E60];
	_ =	sdelay $0x7  }
0x130: {  	[tilespmem:v2+s30+$0x0] =	vst.idx.add.f32.msk $0xffff, v1  }
0x131: {  	v2 =	vld [tilespmem:$0x13E70];
	_ =	sdelay $0x6  }
0x132: {  	s13 =	sshll.u32 s24, $0x2;
	p1 =	seq.s32 s24, $0x13  }
0x133: {  	s7 =	sadd.s32 @!p1 s13, s25;
	[tilespmem:v2+s30+$0x0] =	vst.idx.add.f32.msk $0xffff, v1  }
0x134: {  	s7 =	sshll.u32 @!p1 s7, $0x4;
	_ =	swait.ge [sflag:s31], $0x4000  }
0x135: {  	s23 =	simm.s32 @!p1 $0x0;
	s7 =	sand.u32 @!p1 $0x1FFFFFC0, s7;
	[sflag:s31] =	ssyncset.done $0x0  }
0x136: {  	s16 =	sadd.s32 @!p1 s5, s7;
	s3 =	simm.s32 @!p1 $0x13C00;
	[sflag:s31] =	ssyncadd.s32 $0xFFFFC000  }
0x137: {  	[tilespmem:s3], [sflag:$0x5] =	stream.linear.gather @!p1 [hbm4b:s16+s23], $0x80, $0x38;
	[tilespmem:$0x1E780] =	vst v63  }
0x138: {  	s3 =	sadd.s32 @!p1 s6, s7;
	s7 =	simm.s32 @!p1 $0x13E00  }
0x139: {  	[tilespmem:s7], [sflag:$0x5] =	stream.linear.gather @!p1 [hbm4b:s3+s23], $0x80, $0x38;
	[tilespmem:$0x1E780] =	vst v63  }
0x13a: {  	_ =	swait.ge [sflag:s20], $0x2000  }
0x13b: {  	[sflag:s20] =	ssyncset.done $0x0  }
0x13c: {  	s23 =	simm.s32 $0x16100;
	[sflag:s20] =	ssyncadd.s32 $0xFFFFE000  }
0x13d: {  	v2 =	vld [tilespmem:s23+$0xC0];
	_ =	sdelay $0x1  }
0x13e: {  	v3 =	vld [tilespmem:s23+$0xFFFFFF40];
	_ =	sdelay $0x1  }
0x13f: {  	v4 =	vld [tilespmem:s23+$0xFFFFFF80]  }
0x140: {  	s16 =	simm.s32 $0x18200;
	v5 =	vunpack.i.l.bf16.f32 v2  }
0x141: {  	v6 =	vld [tilespmem:s23+$0xFFFFFFC0];
	v2 =	vunpack.i.u.bf16.f32 v2;
	[tilespmem:s16+$0x180] =	vst v5  }
0x142: {  	v7 =	vld [tilespmem:s23+$0xFFFFFF00];
	v5 =	vunpack.i.l.bf16.f32 v3;
	[tilespmem:s16+$0x190] =	vst v2  }
0x143: {  	v2 =	vunpack.i.u.bf16.f32 v3;
	[tilespmem:s16+$0xFFFFFE80] =	vst v5;
	v3 =	vld [tilespmem:s23+$0xD0]  }
0x144: {  	v5 =	vunpack.i.l.bf16.f32 v4;
	[tilespmem:s16+$0xFFFFFE90] =	vst v2  }
0x145: {  	v2 =	vunpack.i.u.bf16.f32 v4;
	[tilespmem:s16+$0xFFFFFF00] =	vst v5  }
0x146: {  	v4 =	vunpack.i.l.bf16.f32 v6;
	[tilespmem:s16+$0xFFFFFF10] =	vst v2  }
0x147: {  	v2 =	vld [tilespmem:s23+$0x0];
	v5 =	vunpack.i.l.bf16.f32 v7;
	[tilespmem:s16+$0xFFFFFF80] =	vst v4  }
0x148: {  	[tilespmem:s16+$0xFFFFFE00] =	vst v5;
	v4 =	vunpack.i.l.bf16.f32 v3  }
0x149: {  	v5 =	vld [tilespmem:s23+$0x40];
	v3 =	vunpack.i.u.bf16.f32 v3;
	[tilespmem:s16+$0x1A0] =	vst v4  }
0x14a: {  	v4 =	vunpack.i.u.bf16.f32 v7;
	[tilespmem:s16+$0x1B0] =	vst v3  }
0x14b: {  	v3 =	vunpack.i.u.bf16.f32 v6;
	[tilespmem:s16+$0xFFFFFE10] =	vst v4;
	v4 =	vld [tilespmem:s23+$0xE0]  }
0x14c: {  	v6 =	vunpack.i.l.bf16.f32 v2;
	[tilespmem:s16+$0xFFFFFF90] =	vst v3  }
0x14d: {  	v2 =	vunpack.i.u.bf16.f32 v2;
	v3 =	vld [tilespmem:s23+$0x80];
	[tilespmem:s16+$0x0] =	vst v6  }
0x14e: {  	v6 =	vunpack.i.l.bf16.f32 v5;
	[tilespmem:s16+$0x10] =	vst v2  }
0x14f: {  	v2 =	vunpack.i.u.bf16.f32 v5;
	v5 =	vld [tilespmem:s23+$0xFFFFFF10];
	[tilespmem:s16+$0x80] =	vst v6  }
0x150: {  	[tilespmem:s16+$0x90] =	vst v2;
	v2 =	vunpack.i.l.bf16.f32 v4  }
0x151: {  	v6 =	vld [tilespmem:s23+$0xFFFFFF50];
	v4 =	vunpack.i.u.bf16.f32 v4;
	[tilespmem:s16+$0x1C0] =	vst v2  }
0x152: {  	v2 =	vunpack.i.l.bf16.f32 v3;
	[tilespmem:s16+$0x1D0] =	vst v4  }
0x153: {  	v3 =	vunpack.i.u.bf16.f32 v3;
	v4 =	vld [tilespmem:s23+$0xFFFFFF90];
	[tilespmem:s16+$0x100] =	vst v2  }
0x154: {  	v7 =	vunpack.i.l.bf16.f32 v5;
	v2 =	vld [tilespmem:s23+$0xF0];
	[tilespmem:s16+$0x110] =	vst v3  }
0x155: {  	v3 =	vunpack.i.u.bf16.f32 v5;
	[tilespmem:s16+$0xFFFFFE20] =	vst v7;
	v7 =	vld [tilespmem:s23+$0xFFFFFFD0]  }
0x156: {  	v5 =	vunpack.i.l.bf16.f32 v6;
	[tilespmem:s16+$0xFFFFFE30] =	vst v3  }
0x157: {  	v3 =	vunpack.i.u.bf16.f32 v6;
	[tilespmem:s16+$0xFFFFFEA0] =	vst v5;
	v5 =	vld [tilespmem:s23+$0x10]  }
0x158: {  	[tilespmem:s16+$0xFFFFFEB0] =	vst v3;
	v6 =	vunpack.i.l.bf16.f32 v4  }
0x159: {  	v3 =	vunpack.i.u.bf16.f32 v2;
	[tilespmem:s16+$0xFFFFFF20] =	vst v6  }
0x15a: {  	v6 =	vunpack.i.l.bf16.f32 v7;
	[tilespmem:s16+$0x1F0] =	vst v3;
	v3 =	vunpack.i.u.bf16.f32 v4;
	v4 =	vld [tilespmem:s23+$0x50]  }
0x15b: {  	[tilespmem:s16+$0xFFFFFFA0] =	vst v6  }
0x15c: {  	v6 =	vunpack.i.l.bf16.f32 v5;
	[tilespmem:s16+$0xFFFFFF30] =	vst v3;
	v3 =	vunpack.i.u.bf16.f32 v7;
	v7 =	vld [tilespmem:s23+$0x90]  }
0x15d: {  	[tilespmem:s16+$0x20] =	vst v6  }
0x15e: {  	[tilespmem:s16+$0xFFFFFFB0] =	vst v3;
	v3 =	vunpack.i.u.bf16.f32 v5;
	v5 =	vld [tilespmem:s23+$0xFFFFFF20]  }
0x15f: {  	[tilespmem:s16+$0x30] =	vst v3;
	v6 =	vunpack.i.l.bf16.f32 v4  }
0x160: {  	v3 =	vunpack.i.u.bf16.f32 v4;
	v4 =	vld [tilespmem:s23+$0xFFFFFF60];
	[tilespmem:s16+$0xA0] =	vst v6  }
0x161: {  	v6 =	vunpack.i.l.bf16.f32 v7;
	[tilespmem:s16+$0xB0] =	vst v3  }
0x162: {  	v3 =	vunpack.i.u.bf16.f32 v7;
	v7 =	vld [tilespmem:s23+$0xFFFFFFA0];
	[tilespmem:s16+$0x120] =	vst v6  }
0x163: {  	v6 =	vunpack.i.l.bf16.f32 v5;
	[tilespmem:s16+$0x130] =	vst v3  }
0x164: {  	v3 =	vunpack.i.u.bf16.f32 v5;
	v5 =	vld [tilespmem:s23+$0xFFFFFFE0];
	[tilespmem:s16+$0xFFFFFE40] =	vst v6  }
0x165: {  	[tilespmem:s16+$0xFFFFFE50] =	vst v3;
	v6 =	vunpack.i.l.bf16.f32 v4  }
0x166: {  	v3 =	vunpack.i.u.bf16.f32 v4;
	v4 =	vld [tilespmem:s23+$0x20];
	[tilespmem:s16+$0xFFFFFEC0] =	vst v6  }
0x167: {  	v6 =	vunpack.i.l.bf16.f32 v7;
	[tilespmem:s16+$0xFFFFFED0] =	vst v3  }
0x168: {  	v3 =	vunpack.i.u.bf16.f32 v7;
	v7 =	vld [tilespmem:s23+$0x60];
	[tilespmem:s16+$0xFFFFFF40] =	vst v6  }
0x169: {  	v6 =	vunpack.i.l.bf16.f32 v5;
	[tilespmem:s16+$0xFFFFFF50] =	vst v3  }
0x16a: {  	v3 =	vunpack.i.u.bf16.f32 v5;
	v5 =	vld [tilespmem:s23+$0xA0];
	[tilespmem:s16+$0xFFFFFFC0] =	vst v6  }
0x16b: {  	[tilespmem:s16+$0xFFFFFFD0] =	vst v3;
	v6 =	vunpack.i.l.bf16.f32 v4  }
0x16c: {  	v3 =	vunpack.i.u.bf16.f32 v4;
	v4 =	vld [tilespmem:s23+$0xFFFFFF30];
	[tilespmem:s16+$0x40] =	vst v6  }
0x16d: {  	v6 =	vunpack.i.l.bf16.f32 v7;
	[tilespmem:s16+$0x50] =	vst v3  }
0x16e: {  	v3 =	vunpack.i.u.bf16.f32 v7;
	v7 =	vld [tilespmem:s23+$0xFFFFFF70];
	[tilespmem:s16+$0xC0] =	vst v6  }
0x16f: {  	v6 =	vunpack.i.l.bf16.f32 v5;
	[tilespmem:s16+$0xD0] =	vst v3  }
0x170: {  	v3 =	vunpack.i.u.bf16.f32 v5;
	v5 =	vld [tilespmem:s23+$0xFFFFFFB0];
	[tilespmem:s16+$0x140] =	vst v6  }
0x171: {  	[tilespmem:s16+$0x150] =	vst v3;
	v6 =	vunpack.i.l.bf16.f32 v4  }
0x172: {  	v8 =	vld [tilespmem:s23+$0x30];
	v3 =	vunpack.i.u.bf16.f32 v4;
	[tilespmem:s16+$0xFFFFFE60] =	vst v6  }
0x173: {  	v4 =	vld [tilespmem:s23+$0xFFFFFFF0];
	v6 =	vunpack.i.l.bf16.f32 v7;
	[tilespmem:s16+$0xFFFFFE70] =	vst v3  }
0x174: {  	v3 =	vunpack.i.u.bf16.f32 v7;
	v7 =	vld [tilespmem:s23+$0x70];
	[tilespmem:s16+$0xFFFFFEE0] =	vst v6  }
0x175: {  	v9 =	vld [tilespmem:s23+$0xB0];
	v6 =	vunpack.i.l.bf16.f32 v5;
	[tilespmem:s16+$0xFFFFFEF0] =	vst v3  }
0x176: {  	v3 =	vunpack.i.u.bf16.f32 v5;
	[tilespmem:s16+$0xFFFFFF60] =	vst v6  }
0x177: {  	[tilespmem:s16+$0xFFFFFF70] =	vst v3;
	v3 =	vunpack.i.u.bf16.f32 v8;
	v8 =	vunpack.i.l.bf16.f32 v8  }
0x178: {  	[tilespmem:s16+$0x60] =	vst v8;
	v5 =	vunpack.i.l.bf16.f32 v4  }
0x179: {  	v2 =	vunpack.i.l.bf16.f32 v2;
	v6 =	vunpack.i.u.bf16.f32 v4;
	[tilespmem:s16+$0xFFFFFFE0] =	vst v5;
	v4 =	vunpack.i.u.bf16.f32 v7  }
0x17a: {  	s7 =	simm.s32 $0x16300;
	s23 =	simm.s32 $0x0;
	[tilespmem:s16+$0xFFFFFFF0] =	vst v6;
	v7 =	vunpack.i.l.bf16.f32 v7;
	v5 =	vunpack.i.u.bf16.f32 v9;
	v6 =	vunpack.i.l.bf16.f32 v9  }
.LBB2_9:
0x17b: {  	v8 =	vld [tilespmem:s7+$0xC0];
	[tilespmem:s16+$0x70] =	vst v3  }
0x17c: {  	v3 =	vld [tilespmem:s7+$0xFFFFFF40];
	[tilespmem:s16+$0xE0] =	vst v7  }
0x17d: {  	v7 =	vld [tilespmem:s7+$0xFFFFFF80];
	[tilespmem:s16+$0xF0] =	vst v4  }
0x17e: {  	s23 =	sadd.s32 $0x8, s23;
	v4 =	vld [tilespmem:s7+$0xFFFFFFC0];
	[tilespmem:s16+$0x160] =	vst v6  }
0x17f: {  	p2 =	slt.u32 s23, $0x78;
	v6 =	vld [tilespmem:s7+$0x0];
	[tilespmem:s16+$0x170] =	vst v5  }
0x180: {  	v5 =	vld [tilespmem:s7+$0x40];
	v9 =	vunpack.i.l.bf16.f32 v8;
	[tilespmem:s16+$0x1E0] =	vst v2;
	s16 =	sadd.s32 $0x400, s16  }
0x181: {  	v8 =	vunpack.i.u.bf16.f32 v8;
	v2 =	vunpack.i.u.bf16.f32 v3;
	v3 =	vunpack.i.l.bf16.f32 v3;
	v10 =	vld [tilespmem:s7+$0x80];
	[tilespmem:s16+$0x180] =	vst v9  }
0x182: {  	v9 =	vld [tilespmem:s7+$0xFFFFFF00];
	v11 =	vunpack.i.u.bf16.f32 v7;
	v7 =	vunpack.i.l.bf16.f32 v7;
	[tilespmem:s16+$0x190] =	vst v8  }
0x183: {  	[tilespmem:s16+$0xFFFFFE80] =	vst v3;
	v3 =	vunpack.i.u.bf16.f32 v4;
	v4 =	vunpack.i.l.bf16.f32 v4;
	v8 =	vld [tilespmem:s7+$0xD0]  }
0x184: {  	[tilespmem:s16+$0xFFFFFE90] =	vst v2;
	v2 =	vunpack.i.u.bf16.f32 v6;
	v6 =	vunpack.i.l.bf16.f32 v6  }
0x185: {  	v12 =	vld [tilespmem:s7+$0xFFFFFF50];
	[tilespmem:s16+$0xFFFFFF00] =	vst v7;
	v7 =	vunpack.i.u.bf16.f32 v5;
	v5 =	vunpack.i.l.bf16.f32 v5  }
0x186: {  	[tilespmem:s16+$0xFFFFFF10] =	vst v11;
	v11 =	vunpack.i.u.bf16.f32 v10;
	v10 =	vunpack.i.l.bf16.f32 v10  }
0x187: {  	v13 =	vunpack.i.u.bf16.f32 v9;
	v9 =	vunpack.i.l.bf16.f32 v9;
	v14 =	vld [tilespmem:s7+$0xFFFFFF90];
	[tilespmem:s16+$0xFFFFFF80] =	vst v4  }
0x188: {  	[tilespmem:s16+$0xFFFFFE00] =	vst v9;
	v4 =	vunpack.i.l.bf16.f32 v8  }
0x189: {  	v8 =	vunpack.i.u.bf16.f32 v8;
	[tilespmem:s16+$0x1A0] =	vst v4  }
0x18a: {  	v4 =	vunpack.i.u.bf16.f32 v12;
	v9 =	vunpack.i.l.bf16.f32 v12;
	[tilespmem:s16+$0x1B0] =	vst v8  }
0x18b: {  	[tilespmem:s16+$0xFFFFFE10] =	vst v13;
	v8 =	vld [tilespmem:s7+$0xE0]  }
0x18c: {  	v12 =	vld [tilespmem:s7+$0xFFFFFF10];
	v13 =	vunpack.i.u.bf16.f32 v14;
	v14 =	vunpack.i.l.bf16.f32 v14;
	[tilespmem:s16+$0xFFFFFF90] =	vst v3  }
0x18d: {  	v3 =	vld [tilespmem:s7+$0xFFFFFFD0];
	[tilespmem:s16+$0x0] =	vst v6  }
0x18e: {  	[tilespmem:s16+$0x10] =	vst v2  }
0x18f: {  	v2 =	vld [tilespmem:s7+$0x10];
	[tilespmem:s16+$0x80] =	vst v5  }
0x190: {  	[tilespmem:s16+$0x90] =	vst v7;
	v5 =	vunpack.i.l.bf16.f32 v8  }
0x191: {  	v8 =	vunpack.i.u.bf16.f32 v8;
	v6 =	vunpack.i.u.bf16.f32 v12;
	v7 =	vunpack.i.l.bf16.f32 v12;
	v12 =	vld [tilespmem:s7+$0x50];
	[tilespmem:s16+$0x1C0] =	vst v5  }
0x192: {  	v5 =	vunpack.i.u.bf16.f32 v3;
	v3 =	vunpack.i.l.bf16.f32 v3;
	[tilespmem:s16+$0x1D0] =	vst v8  }
0x193: {  	[tilespmem:s16+$0x100] =	vst v10;
	v8 =	vld [tilespmem:s7+$0xF0]  }
0x194: {  	v10 =	vunpack.i.u.bf16.f32 v2;
	v15 =	vunpack.i.l.bf16.f32 v2;
	[tilespmem:s16+$0x110] =	vst v11  }
0x195: {  	[tilespmem:s16+$0xFFFFFE20] =	vst v7;
	v7 =	vld [tilespmem:s7+$0x90]  }
0x196: {  	[tilespmem:s16+$0xFFFFFE30] =	vst v6;
	v6 =	vunpack.i.u.bf16.f32 v12;
	v11 =	vunpack.i.l.bf16.f32 v12  }
0x197: {  	v12 =	vld [tilespmem:s7+$0xFFFFFF20];
	[tilespmem:s16+$0xFFFFFEA0] =	vst v9  }
0x198: {  	[tilespmem:s16+$0xFFFFFEB0] =	vst v4;
	v4 =	vunpack.i.u.bf16.f32 v8;
	v2 =	vunpack.i.l.bf16.f32 v8  }
0x199: {  	v8 =	vld [tilespmem:s7+$0xFFFFFF60];
	[tilespmem:s16+$0x1F0] =	vst v4  }
0x19a: {  	[tilespmem:s16+$0xFFFFFF20] =	vst v14;
	v4 =	vunpack.i.u.bf16.f32 v7;
	v7 =	vunpack.i.l.bf16.f32 v7  }
0x19b: {  	[tilespmem:s16+$0xFFFFFF30] =	vst v13  }
0x19c: {  	v9 =	vunpack.i.u.bf16.f32 v12;
	v12 =	vunpack.i.l.bf16.f32 v12;
	v13 =	vld [tilespmem:s7+$0xFFFFFFA0];
	[tilespmem:s16+$0xFFFFFFA0] =	vst v3  }
0x19d: {  	[tilespmem:s16+$0xFFFFFFB0] =	vst v5  }
0x19e: {  	v3 =	vunpack.i.u.bf16.f32 v8;
	v5 =	vunpack.i.l.bf16.f32 v8;
	v8 =	vld [tilespmem:s7+$0xFFFFFFE0];
	[tilespmem:s16+$0x20] =	vst v15  }
0x19f: {  	[tilespmem:s16+$0x30] =	vst v10  }
0x1a0: {  	v10 =	vld [tilespmem:s7+$0x20];
	[tilespmem:s16+$0xA0] =	vst v11  }
0x1a1: {  	v11 =	vunpack.i.u.bf16.f32 v13;
	v13 =	vunpack.i.l.bf16.f32 v13;
	[tilespmem:s16+$0xB0] =	vst v6  }
0x1a2: {  	v6 =	vld [tilespmem:s7+$0x60];
	[tilespmem:s16+$0x120] =	vst v7  }
0x1a3: {  	v7 =	vunpack.i.u.bf16.f32 v8;
	v8 =	vunpack.i.l.bf16.f32 v8;
	[tilespmem:s16+$0x130] =	vst v4  }
0x1a4: {  	[tilespmem:s16+$0xFFFFFE40] =	vst v12;
	v4 =	vld [tilespmem:s7+$0xA0]  }
0x1a5: {  	[tilespmem:s16+$0xFFFFFE50] =	vst v9;
	v9 =	vunpack.i.u.bf16.f32 v10;
	v10 =	vunpack.i.l.bf16.f32 v10  }
0x1a6: {  	v12 =	vld [tilespmem:s7+$0xFFFFFF30];
	[tilespmem:s16+$0xFFFFFEC0] =	vst v5  }
0x1a7: {  	[tilespmem:s16+$0xFFFFFED0] =	vst v3;
	v3 =	vunpack.i.u.bf16.f32 v6;
	v5 =	vunpack.i.l.bf16.f32 v6  }
0x1a8: {  	v6 =	vld [tilespmem:s7+$0xFFFFFF70];
	[tilespmem:s16+$0xFFFFFF40] =	vst v13  }
0x1a9: {  	[tilespmem:s16+$0xFFFFFF50] =	vst v11;
	v11 =	vunpack.i.u.bf16.f32 v4;
	v4 =	vunpack.i.l.bf16.f32 v4  }
0x1aa: {  	v13 =	vld [tilespmem:s7+$0xFFFFFFB0];
	[tilespmem:s16+$0xFFFFFFC0] =	vst v8  }
0x1ab: {  	v8 =	vunpack.i.u.bf16.f32 v12;
	v12 =	vunpack.i.l.bf16.f32 v12;
	[tilespmem:s16+$0xFFFFFFD0] =	vst v7  }
0x1ac: {  	v7 =	vld [tilespmem:s7+$0xFFFFFFF0];
	[tilespmem:s16+$0x40] =	vst v10  }
0x1ad: {  	v10 =	vunpack.i.u.bf16.f32 v6;
	v6 =	vunpack.i.l.bf16.f32 v6;
	[tilespmem:s16+$0x50] =	vst v9  }
0x1ae: {  	v9 =	vld [tilespmem:s7+$0x30];
	[tilespmem:s16+$0xC0] =	vst v5  }
0x1af: {  	v5 =	vunpack.i.u.bf16.f32 v13;
	v13 =	vunpack.i.l.bf16.f32 v13;
	[tilespmem:s16+$0xD0] =	vst v3  }
0x1b0: {  	v14 =	vld [tilespmem:s7+$0x70];
	[tilespmem:s16+$0x140] =	vst v4  }
0x1b1: {  	v15 =	vunpack.i.u.bf16.f32 v7;
	v16 =	vunpack.i.l.bf16.f32 v7;
	[tilespmem:s16+$0x150] =	vst v11  }
0x1b2: {  	[tilespmem:s16+$0xFFFFFE60] =	vst v12;
	v11 =	vld [tilespmem:s7+$0xB0]  }
0x1b3: {  	[tilespmem:s16+$0xFFFFFE70] =	vst v8;
	v3 =	vunpack.i.u.bf16.f32 v9;
	v8 =	vunpack.i.l.bf16.f32 v9  }
0x1b4: {  	[tilespmem:s16+$0xFFFFFEE0] =	vst v6  }
0x1b5: {  	[tilespmem:s16+$0xFFFFFEF0] =	vst v10;
	v4 =	vunpack.i.u.bf16.f32 v14;
	v7 =	vunpack.i.l.bf16.f32 v14  }
.Ltmp5:
0x1b6: {  	[tilespmem:s16+$0xFFFFFF60] =	vst v13;
	(pc) =	sbr.rel @p2 .LBB2_9-.Ltmp5, $4  }
0x1b7: {  	[tilespmem:s16+$0xFFFFFF70] =	vst v5;
	v5 =	vunpack.i.u.bf16.f32 v11;
	v6 =	vunpack.i.l.bf16.f32 v11  }
0x1b8: {  	[tilespmem:s16+$0xFFFFFFE0] =	vst v16  }
0x1b9: {  	[tilespmem:s16+$0xFFFFFFF0] =	vst v15  }
0x1ba: {  	s7 =	sadd.s32 $0x200, s7;
	[tilespmem:s16+$0x60] =	vst v8  }
0x1bb: {  	[tilespmem:s16+$0x70] =	vst v3  }
0x1bc: {  	[tilespmem:s16+$0xE0] =	vst v7  }
0x1bd: {  	[tilespmem:s16+$0xF0] =	vst v4  }
0x1be: {  	[tilespmem:s16+$0x160] =	vst v6  }
0x1bf: {  	[tilespmem:s16+$0x170] =	vst v5  }
0x1c0: {  	[tilespmem:s16+$0x1E0] =	vst v2  }
0x1c1: {  	_ =	swait.ge [sflag:s21], $0x80  }
0x1c2: {  	[sflag:s21] =	ssyncset.done $0x0  }
0x1c3: {  	[sflag:s21] =	ssyncadd.s32 $0xFFFFFF80  }
0x1c4: {  	_ =	swait.ge [sflag:s21], $0x80  }
0x1c5: {  	[sflag:s21] =	ssyncset.done $0x0  }
0x1c6: {  	[sflag:s21] =	ssyncadd.s32 $0xFFFFFF80  }
0x1c7: {  	[tilespmem:s17], [sflag:$0x2] =	stream.indirect.gather [hbm4b:s1+s14], $0x40, s11, s14, $0xb8;
	[tilespmem:$0x1E780] =	vst v63  }
0x1c8: {  	_ = 	snop  }
0x1c9: {  	[spmem:s2] =	stream.indirect.scatter.add.f32 [tilespmem:s12], [sflag:$0x4], $0x80, s8, s14, $0xb8;
	[tilespmem:$0x1E780] =	vst v63  }
0x1ca: {  	v2 =	vld [tilespmem:$0x13E80];
	_ =	sdelay $0x7  }
0x1cb: {  	[tilespmem:v2+s30+$0x0] =	vst.idx.add.f32.msk $0xffff, v1  }
0x1cc: {  	v2 =	vld [tilespmem:$0x13E90];
	_ =	sdelay $0x7  }
0x1cd: {  	[tilespmem:v2+s30+$0x0] =	vst.idx.add.f32.msk $0xffff, v1  }
0x1ce: {  	v2 =	vld [tilespmem:$0x13EA0];
	_ =	sdelay $0x7  }
0x1cf: {  	[tilespmem:v2+s30+$0x0] =	vst.idx.add.f32.msk $0xffff, v1  }
0x1d0: {  	v2 =	vld [tilespmem:$0x13EB0];
	_ =	sdelay $0x7  }
0x1d1: {  	[tilespmem:v2+s30+$0x0] =	vst.idx.add.f32.msk $0xffff, v1  }
0x1d2: {  	v2 =	vld [tilespmem:$0x13EC0];
	_ =	sdelay $0x7  }
0x1d3: {  	[tilespmem:v2+s30+$0x0] =	vst.idx.add.f32.msk $0xffff, v1  }
0x1d4: {  	v2 =	vld [tilespmem:$0x13ED0];
	_ =	sdelay $0x7  }
0x1d5: {  	[tilespmem:v2+s30+$0x0] =	vst.idx.add.f32.msk $0xffff, v1  }
0x1d6: {  	v2 =	vld [tilespmem:$0x13EE0];
	_ =	sdelay $0x7  }
0x1d7: {  	[tilespmem:v2+s30+$0x0] =	vst.idx.add.f32.msk $0xffff, v1  }
0x1d8: {  	v2 =	vld [tilespmem:$0x13EF0];
	_ =	sdelay $0x7  }
0x1d9: {  	s3 =	sadd.s32 @!p1 s13, s26;
	[tilespmem:v2+s30+$0x0] =	vst.idx.add.f32.msk $0xffff, v1  }
0x1da: {  	s3 =	sshll.u32 @!p1 s3, $0x4;
	_ =	swait.ge [sflag:s22], $0x4000  }
0x1db: {  	s16 =	simm.s32 @!p1 $0x0;
	s3 =	sand.u32 @!p1 $0x1FFFFFD0, s3;
	[sflag:s22] =	ssyncset.done $0x0  }
0x1dc: {  	s23 =	simm.s32 @!p1 $0x13C80;
	s7 =	sadd.s32 @!p1 s5, s3;
	[sflag:s22] =	ssyncadd.s32 $0xFFFFC000  }
0x1dd: {  	[tilespmem:s23], [sflag:$0x6] =	stream.linear.gather @!p1 [hbm4b:s7+s16], $0x80, $0x38;
	[tilespmem:$0x1E780] =	vst v63  }
0x1de: {  	s3 =	sadd.s32 @!p1 s6, s3;
	s7 =	simm.s32 @!p1 $0x13E80  }
0x1df: {  	[tilespmem:s7], [sflag:$0x6] =	stream.linear.gather @!p1 [hbm4b:s3+s16], $0x80, $0x38;
	[tilespmem:$0x1E780] =	vst v63  }
0x1e0: {  	_ =	swait.ge [sflag:s18], $0x2000  }
0x1e1: {  	[sflag:s18] =	ssyncset.done $0x0  }
0x1e2: {  	s23 =	simm.s32 $0x14100;
	[sflag:s18] =	ssyncadd.s32 $0xFFFFE000  }
0x1e3: {  	v2 =	vld [tilespmem:s23+$0xC0];
	_ =	sdelay $0x1  }
0x1e4: {  	v3 =	vld [tilespmem:s23+$0xFFFFFF40];
	_ =	sdelay $0x1  }
0x1e5: {  	v4 =	vld [tilespmem:s23+$0xFFFFFF80]  }
0x1e6: {  	s16 =	simm.s32 $0x18200;
	v5 =	vunpack.i.l.bf16.f32 v2  }
0x1e7: {  	v6 =	vld [tilespmem:s23+$0xFFFFFFC0];
	v2 =	vunpack.i.u.bf16.f32 v2;
	[tilespmem:s16+$0x180] =	vst v5  }
0x1e8: {  	v7 =	vld [tilespmem:s23+$0xFFFFFF00];
	v5 =	vunpack.i.l.bf16.f32 v3;
	[tilespmem:s16+$0x190] =	vst v2  }
0x1e9: {  	v2 =	vunpack.i.u.bf16.f32 v3;
	[tilespmem:s16+$0xFFFFFE80] =	vst v5;
	v3 =	vld [tilespmem:s23+$0xD0]  }
0x1ea: {  	v5 =	vunpack.i.l.bf16.f32 v4;
	[tilespmem:s16+$0xFFFFFE90] =	vst v2  }
0x1eb: {  	v2 =	vunpack.i.u.bf16.f32 v4;
	[tilespmem:s16+$0xFFFFFF00] =	vst v5  }
0x1ec: {  	v4 =	vunpack.i.l.bf16.f32 v6;
	[tilespmem:s16+$0xFFFFFF10] =	vst v2  }
0x1ed: {  	v2 =	vld [tilespmem:s23+$0x0];
	v5 =	vunpack.i.l.bf16.f32 v7;
	[tilespmem:s16+$0xFFFFFF80] =	vst v4  }
0x1ee: {  	[tilespmem:s16+$0xFFFFFE00] =	vst v5;
	v4 =	vunpack.i.l.bf16.f32 v3  }
0x1ef: {  	v5 =	vld [tilespmem:s23+$0x40];
	v3 =	vunpack.i.u.bf16.f32 v3;
	[tilespmem:s16+$0x1A0] =	vst v4  }
0x1f0: {  	v4 =	vunpack.i.u.bf16.f32 v7;
	[tilespmem:s16+$0x1B0] =	vst v3  }
0x1f1: {  	v3 =	vunpack.i.u.bf16.f32 v6;
	[tilespmem:s16+$0xFFFFFE10] =	vst v4;
	v4 =	vld [tilespmem:s23+$0xE0]  }
0x1f2: {  	v6 =	vunpack.i.l.bf16.f32 v2;
	[tilespmem:s16+$0xFFFFFF90] =	vst v3  }
0x1f3: {  	v2 =	vunpack.i.u.bf16.f32 v2;
	v3 =	vld [tilespmem:s23+$0x80];
	[tilespmem:s16+$0x0] =	vst v6  }
0x1f4: {  	v6 =	vunpack.i.l.bf16.f32 v5;
	[tilespmem:s16+$0x10] =	vst v2  }
0x1f5: {  	v2 =	vunpack.i.u.bf16.f32 v5;
	v5 =	vld [tilespmem:s23+$0xFFFFFF10];
	[tilespmem:s16+$0x80] =	vst v6  }
0x1f6: {  	[tilespmem:s16+$0x90] =	vst v2;
	v2 =	vunpack.i.l.bf16.f32 v4  }
0x1f7: {  	v6 =	vld [tilespmem:s23+$0xFFFFFF50];
	v4 =	vunpack.i.u.bf16.f32 v4;
	[tilespmem:s16+$0x1C0] =	vst v2  }
0x1f8: {  	v2 =	vunpack.i.l.bf16.f32 v3;
	[tilespmem:s16+$0x1D0] =	vst v4  }
0x1f9: {  	v3 =	vunpack.i.u.bf16.f32 v3;
	v4 =	vld [tilespmem:s23+$0xFFFFFF90];
	[tilespmem:s16+$0x100] =	vst v2  }
0x1fa: {  	v7 =	vunpack.i.l.bf16.f32 v5;
	v2 =	vld [tilespmem:s23+$0xF0];
	[tilespmem:s16+$0x110] =	vst v3  }
0x1fb: {  	v3 =	vunpack.i.u.bf16.f32 v5;
	[tilespmem:s16+$0xFFFFFE20] =	vst v7;
	v7 =	vld [tilespmem:s23+$0xFFFFFFD0]  }
0x1fc: {  	v5 =	vunpack.i.l.bf16.f32 v6;
	[tilespmem:s16+$0xFFFFFE30] =	vst v3  }
0x1fd: {  	v3 =	vunpack.i.u.bf16.f32 v6;
	[tilespmem:s16+$0xFFFFFEA0] =	vst v5;
	v5 =	vld [tilespmem:s23+$0x10]  }
0x1fe: {  	[tilespmem:s16+$0xFFFFFEB0] =	vst v3;
	v6 =	vunpack.i.l.bf16.f32 v4  }
0x1ff: {  	v3 =	vunpack.i.u.bf16.f32 v2;
	[tilespmem:s16+$0xFFFFFF20] =	vst v6  }
0x200: {  	v6 =	vunpack.i.l.bf16.f32 v7;
	[tilespmem:s16+$0x1F0] =	vst v3;
	v3 =	vunpack.i.u.bf16.f32 v4;
	v4 =	vld [tilespmem:s23+$0x50]  }
0x201: {  	[tilespmem:s16+$0xFFFFFFA0] =	vst v6  }
0x202: {  	v6 =	vunpack.i.l.bf16.f32 v5;
	[tilespmem:s16+$0xFFFFFF30] =	vst v3;
	v3 =	vunpack.i.u.bf16.f32 v7;
	v7 =	vld [tilespmem:s23+$0x90]  }
0x203: {  	[tilespmem:s16+$0x20] =	vst v6  }
0x204: {  	[tilespmem:s16+$0xFFFFFFB0] =	vst v3;
	v3 =	vunpack.i.u.bf16.f32 v5;
	v5 =	vld [tilespmem:s23+$0xFFFFFF20]  }
0x205: {  	[tilespmem:s16+$0x30] =	vst v3;
	v6 =	vunpack.i.l.bf16.f32 v4  }
0x206: {  	v3 =	vunpack.i.u.bf16.f32 v4;
	v4 =	vld [tilespmem:s23+$0xFFFFFF60];
	[tilespmem:s16+$0xA0] =	vst v6  }
0x207: {  	v6 =	vunpack.i.l.bf16.f32 v7;
	[tilespmem:s16+$0xB0] =	vst v3  }
0x208: {  	v3 =	vunpack.i.u.bf16.f32 v7;
	v7 =	vld [tilespmem:s23+$0xFFFFFFA0];
	[tilespmem:s16+$0x120] =	vst v6  }
0x209: {  	v6 =	vunpack.i.l.bf16.f32 v5;
	[tilespmem:s16+$0x130] =	vst v3  }
0x20a: {  	v3 =	vunpack.i.u.bf16.f32 v5;
	v5 =	vld [tilespmem:s23+$0xFFFFFFE0];
	[tilespmem:s16+$0xFFFFFE40] =	vst v6  }
0x20b: {  	[tilespmem:s16+$0xFFFFFE50] =	vst v3;
	v6 =	vunpack.i.l.bf16.f32 v4  }
0x20c: {  	v3 =	vunpack.i.u.bf16.f32 v4;
	v4 =	vld [tilespmem:s23+$0x20];
	[tilespmem:s16+$0xFFFFFEC0] =	vst v6  }
0x20d: {  	v6 =	vunpack.i.l.bf16.f32 v7;
	[tilespmem:s16+$0xFFFFFED0] =	vst v3  }
0x20e: {  	v3 =	vunpack.i.u.bf16.f32 v7;
	v7 =	vld [tilespmem:s23+$0x60];
	[tilespmem:s16+$0xFFFFFF40] =	vst v6  }
0x20f: {  	v6 =	vunpack.i.l.bf16.f32 v5;
	[tilespmem:s16+$0xFFFFFF50] =	vst v3  }
0x210: {  	v3 =	vunpack.i.u.bf16.f32 v5;
	v5 =	vld [tilespmem:s23+$0xA0];
	[tilespmem:s16+$0xFFFFFFC0] =	vst v6  }
0x211: {  	[tilespmem:s16+$0xFFFFFFD0] =	vst v3;
	v6 =	vunpack.i.l.bf16.f32 v4  }
0x212: {  	v3 =	vunpack.i.u.bf16.f32 v4;
	v4 =	vld [tilespmem:s23+$0xFFFFFF30];
	[tilespmem:s16+$0x40] =	vst v6  }
0x213: {  	v6 =	vunpack.i.l.bf16.f32 v7;
	[tilespmem:s16+$0x50] =	vst v3  }
0x214: {  	v3 =	vunpack.i.u.bf16.f32 v7;
	v7 =	vld [tilespmem:s23+$0xFFFFFF70];
	[tilespmem:s16+$0xC0] =	vst v6  }
0x215: {  	v6 =	vunpack.i.l.bf16.f32 v5;
	[tilespmem:s16+$0xD0] =	vst v3  }
0x216: {  	v3 =	vunpack.i.u.bf16.f32 v5;
	v5 =	vld [tilespmem:s23+$0xFFFFFFB0];
	[tilespmem:s16+$0x140] =	vst v6  }
0x217: {  	[tilespmem:s16+$0x150] =	vst v3;
	v6 =	vunpack.i.l.bf16.f32 v4  }
0x218: {  	v8 =	vld [tilespmem:s23+$0x30];
	v3 =	vunpack.i.u.bf16.f32 v4;
	[tilespmem:s16+$0xFFFFFE60] =	vst v6  }
0x219: {  	v4 =	vld [tilespmem:s23+$0xFFFFFFF0];
	v6 =	vunpack.i.l.bf16.f32 v7;
	[tilespmem:s16+$0xFFFFFE70] =	vst v3  }
0x21a: {  	v3 =	vunpack.i.u.bf16.f32 v7;
	v7 =	vld [tilespmem:s23+$0x70];
	[tilespmem:s16+$0xFFFFFEE0] =	vst v6  }
0x21b: {  	v9 =	vld [tilespmem:s23+$0xB0];
	v6 =	vunpack.i.l.bf16.f32 v5;
	[tilespmem:s16+$0xFFFFFEF0] =	vst v3  }
0x21c: {  	v3 =	vunpack.i.u.bf16.f32 v5;
	[tilespmem:s16+$0xFFFFFF60] =	vst v6  }
0x21d: {  	[tilespmem:s16+$0xFFFFFF70] =	vst v3;
	v3 =	vunpack.i.u.bf16.f32 v8;
	v8 =	vunpack.i.l.bf16.f32 v8  }
0x21e: {  	[tilespmem:s16+$0x60] =	vst v8;
	v5 =	vunpack.i.l.bf16.f32 v4  }
0x21f: {  	v2 =	vunpack.i.l.bf16.f32 v2;
	v6 =	vunpack.i.u.bf16.f32 v4;
	[tilespmem:s16+$0xFFFFFFE0] =	vst v5;
	v4 =	vunpack.i.u.bf16.f32 v7  }
0x220: {  	s7 =	simm.s32 $0x14300;
	s23 =	simm.s32 $0x0;
	[tilespmem:s16+$0xFFFFFFF0] =	vst v6;
	v7 =	vunpack.i.l.bf16.f32 v7;
	v5 =	vunpack.i.u.bf16.f32 v9;
	v6 =	vunpack.i.l.bf16.f32 v9  }
.LBB2_11:
0x221: {  	v8 =	vld [tilespmem:s7+$0xC0];
	[tilespmem:s16+$0x70] =	vst v3  }
0x222: {  	v3 =	vld [tilespmem:s7+$0xFFFFFF40];
	[tilespmem:s16+$0xE0] =	vst v7  }
0x223: {  	v7 =	vld [tilespmem:s7+$0xFFFFFF80];
	[tilespmem:s16+$0xF0] =	vst v4  }
0x224: {  	s23 =	sadd.s32 $0x8, s23;
	v4 =	vld [tilespmem:s7+$0xFFFFFFC0];
	[tilespmem:s16+$0x160] =	vst v6  }
0x225: {  	p2 =	slt.u32 s23, $0x78;
	v6 =	vld [tilespmem:s7+$0x0];
	[tilespmem:s16+$0x170] =	vst v5  }
0x226: {  	v5 =	vld [tilespmem:s7+$0x40];
	v9 =	vunpack.i.l.bf16.f32 v8;
	[tilespmem:s16+$0x1E0] =	vst v2;
	s16 =	sadd.s32 $0x400, s16  }
0x227: {  	v8 =	vunpack.i.u.bf16.f32 v8;
	v2 =	vunpack.i.u.bf16.f32 v3;
	v3 =	vunpack.i.l.bf16.f32 v3;
	v10 =	vld [tilespmem:s7+$0x80];
	[tilespmem:s16+$0x180] =	vst v9  }
0x228: {  	v9 =	vld [tilespmem:s7+$0xFFFFFF00];
	v11 =	vunpack.i.u.bf16.f32 v7;
	v7 =	vunpack.i.l.bf16.f32 v7;
	[tilespmem:s16+$0x190] =	vst v8  }
0x229: {  	[tilespmem:s16+$0xFFFFFE80] =	vst v3;
	v3 =	vunpack.i.u.bf16.f32 v4;
	v4 =	vunpack.i.l.bf16.f32 v4;
	v8 =	vld [tilespmem:s7+$0xD0]  }
0x22a: {  	[tilespmem:s16+$0xFFFFFE90] =	vst v2;
	v2 =	vunpack.i.u.bf16.f32 v6;
	v6 =	vunpack.i.l.bf16.f32 v6  }
0x22b: {  	v12 =	vld [tilespmem:s7+$0xFFFFFF50];
	[tilespmem:s16+$0xFFFFFF00] =	vst v7;
	v7 =	vunpack.i.u.bf16.f32 v5;
	v5 =	vunpack.i.l.bf16.f32 v5  }
0x22c: {  	[tilespmem:s16+$0xFFFFFF10] =	vst v11;
	v11 =	vunpack.i.u.bf16.f32 v10;
	v10 =	vunpack.i.l.bf16.f32 v10  }
0x22d: {  	v13 =	vunpack.i.u.bf16.f32 v9;
	v9 =	vunpack.i.l.bf16.f32 v9;
	v14 =	vld [tilespmem:s7+$0xFFFFFF90];
	[tilespmem:s16+$0xFFFFFF80] =	vst v4  }
0x22e: {  	[tilespmem:s16+$0xFFFFFE00] =	vst v9;
	v4 =	vunpack.i.l.bf16.f32 v8  }
0x22f: {  	v8 =	vunpack.i.u.bf16.f32 v8;
	[tilespmem:s16+$0x1A0] =	vst v4  }
0x230: {  	v4 =	vunpack.i.u.bf16.f32 v12;
	v9 =	vunpack.i.l.bf16.f32 v12;
	[tilespmem:s16+$0x1B0] =	vst v8  }
0x231: {  	[tilespmem:s16+$0xFFFFFE10] =	vst v13;
	v8 =	vld [tilespmem:s7+$0xE0]  }
0x232: {  	v12 =	vld [tilespmem:s7+$0xFFFFFF10];
	v13 =	vunpack.i.u.bf16.f32 v14;
	v14 =	vunpack.i.l.bf16.f32 v14;
	[tilespmem:s16+$0xFFFFFF90] =	vst v3  }
0x233: {  	v3 =	vld [tilespmem:s7+$0xFFFFFFD0];
	[tilespmem:s16+$0x0] =	vst v6  }
0x234: {  	[tilespmem:s16+$0x10] =	vst v2  }
0x235: {  	v2 =	vld [tilespmem:s7+$0x10];
	[tilespmem:s16+$0x80] =	vst v5  }
0x236: {  	[tilespmem:s16+$0x90] =	vst v7;
	v5 =	vunpack.i.l.bf16.f32 v8  }
0x237: {  	v8 =	vunpack.i.u.bf16.f32 v8;
	v6 =	vunpack.i.u.bf16.f32 v12;
	v7 =	vunpack.i.l.bf16.f32 v12;
	v12 =	vld [tilespmem:s7+$0x50];
	[tilespmem:s16+$0x1C0] =	vst v5  }
0x238: {  	v5 =	vunpack.i.u.bf16.f32 v3;
	v3 =	vunpack.i.l.bf16.f32 v3;
	[tilespmem:s16+$0x1D0] =	vst v8  }
0x239: {  	[tilespmem:s16+$0x100] =	vst v10;
	v8 =	vld [tilespmem:s7+$0xF0]  }
0x23a: {  	v10 =	vunpack.i.u.bf16.f32 v2;
	v15 =	vunpack.i.l.bf16.f32 v2;
	[tilespmem:s16+$0x110] =	vst v11  }
0x23b: {  	[tilespmem:s16+$0xFFFFFE20] =	vst v7;
	v7 =	vld [tilespmem:s7+$0x90]  }
0x23c: {  	[tilespmem:s16+$0xFFFFFE30] =	vst v6;
	v6 =	vunpack.i.u.bf16.f32 v12;
	v11 =	vunpack.i.l.bf16.f32 v12  }
0x23d: {  	v12 =	vld [tilespmem:s7+$0xFFFFFF20];
	[tilespmem:s16+$0xFFFFFEA0] =	vst v9  }
0x23e: {  	[tilespmem:s16+$0xFFFFFEB0] =	vst v4;
	v4 =	vunpack.i.u.bf16.f32 v8;
	v2 =	vunpack.i.l.bf16.f32 v8  }
0x23f: {  	v8 =	vld [tilespmem:s7+$0xFFFFFF60];
	[tilespmem:s16+$0x1F0] =	vst v4  }
0x240: {  	[tilespmem:s16+$0xFFFFFF20] =	vst v14;
	v4 =	vunpack.i.u.bf16.f32 v7;
	v7 =	vunpack.i.l.bf16.f32 v7  }
0x241: {  	[tilespmem:s16+$0xFFFFFF30] =	vst v13  }
0x242: {  	v9 =	vunpack.i.u.bf16.f32 v12;
	v12 =	vunpack.i.l.bf16.f32 v12;
	v13 =	vld [tilespmem:s7+$0xFFFFFFA0];
	[tilespmem:s16+$0xFFFFFFA0] =	vst v3  }
0x243: {  	[tilespmem:s16+$0xFFFFFFB0] =	vst v5  }
0x244: {  	v3 =	vunpack.i.u.bf16.f32 v8;
	v5 =	vunpack.i.l.bf16.f32 v8;
	v8 =	vld [tilespmem:s7+$0xFFFFFFE0];
	[tilespmem:s16+$0x20] =	vst v15  }
0x245: {  	[tilespmem:s16+$0x30] =	vst v10  }
0x246: {  	v10 =	vld [tilespmem:s7+$0x20];
	[tilespmem:s16+$0xA0] =	vst v11  }
0x247: {  	v11 =	vunpack.i.u.bf16.f32 v13;
	v13 =	vunpack.i.l.bf16.f32 v13;
	[tilespmem:s16+$0xB0] =	vst v6  }
0x248: {  	v6 =	vld [tilespmem:s7+$0x60];
	[tilespmem:s16+$0x120] =	vst v7  }
0x249: {  	v7 =	vunpack.i.u.bf16.f32 v8;
	v8 =	vunpack.i.l.bf16.f32 v8;
	[tilespmem:s16+$0x130] =	vst v4  }
0x24a: {  	[tilespmem:s16+$0xFFFFFE40] =	vst v12;
	v4 =	vld [tilespmem:s7+$0xA0]  }
0x24b: {  	[tilespmem:s16+$0xFFFFFE50] =	vst v9;
	v9 =	vunpack.i.u.bf16.f32 v10;
	v10 =	vunpack.i.l.bf16.f32 v10  }
0x24c: {  	v12 =	vld [tilespmem:s7+$0xFFFFFF30];
	[tilespmem:s16+$0xFFFFFEC0] =	vst v5  }
0x24d: {  	[tilespmem:s16+$0xFFFFFED0] =	vst v3;
	v3 =	vunpack.i.u.bf16.f32 v6;
	v5 =	vunpack.i.l.bf16.f32 v6  }
0x24e: {  	v6 =	vld [tilespmem:s7+$0xFFFFFF70];
	[tilespmem:s16+$0xFFFFFF40] =	vst v13  }
0x24f: {  	[tilespmem:s16+$0xFFFFFF50] =	vst v11;
	v11 =	vunpack.i.u.bf16.f32 v4;
	v4 =	vunpack.i.l.bf16.f32 v4  }
0x250: {  	v13 =	vld [tilespmem:s7+$0xFFFFFFB0];
	[tilespmem:s16+$0xFFFFFFC0] =	vst v8  }
0x251: {  	v8 =	vunpack.i.u.bf16.f32 v12;
	v12 =	vunpack.i.l.bf16.f32 v12;
	[tilespmem:s16+$0xFFFFFFD0] =	vst v7  }
0x252: {  	v7 =	vld [tilespmem:s7+$0xFFFFFFF0];
	[tilespmem:s16+$0x40] =	vst v10  }
0x253: {  	v10 =	vunpack.i.u.bf16.f32 v6;
	v6 =	vunpack.i.l.bf16.f32 v6;
	[tilespmem:s16+$0x50] =	vst v9  }
0x254: {  	v9 =	vld [tilespmem:s7+$0x30];
	[tilespmem:s16+$0xC0] =	vst v5  }
0x255: {  	v5 =	vunpack.i.u.bf16.f32 v13;
	v13 =	vunpack.i.l.bf16.f32 v13;
	[tilespmem:s16+$0xD0] =	vst v3  }
0x256: {  	v14 =	vld [tilespmem:s7+$0x70];
	[tilespmem:s16+$0x140] =	vst v4  }
0x257: {  	v15 =	vunpack.i.u.bf16.f32 v7;
	v16 =	vunpack.i.l.bf16.f32 v7;
	[tilespmem:s16+$0x150] =	vst v11  }
0x258: {  	[tilespmem:s16+$0xFFFFFE60] =	vst v12;
	v11 =	vld [tilespmem:s7+$0xB0]  }
0x259: {  	[tilespmem:s16+$0xFFFFFE70] =	vst v8;
	v3 =	vunpack.i.u.bf16.f32 v9;
	v8 =	vunpack.i.l.bf16.f32 v9  }
0x25a: {  	[tilespmem:s16+$0xFFFFFEE0] =	vst v6  }
0x25b: {  	[tilespmem:s16+$0xFFFFFEF0] =	vst v10;
	v4 =	vunpack.i.u.bf16.f32 v14;
	v7 =	vunpack.i.l.bf16.f32 v14  }
.Ltmp6:
0x25c: {  	[tilespmem:s16+$0xFFFFFF60] =	vst v13;
	(pc) =	sbr.rel @p2 .LBB2_11-.Ltmp6, $4  }
0x25d: {  	[tilespmem:s16+$0xFFFFFF70] =	vst v5;
	v5 =	vunpack.i.u.bf16.f32 v11;
	v6 =	vunpack.i.l.bf16.f32 v11  }
0x25e: {  	[tilespmem:s16+$0xFFFFFFE0] =	vst v16  }
0x25f: {  	[tilespmem:s16+$0xFFFFFFF0] =	vst v15  }
0x260: {  	s7 =	sadd.s32 $0x200, s7;
	[tilespmem:s16+$0x60] =	vst v8  }
0x261: {  	[tilespmem:s16+$0x70] =	vst v3  }
0x262: {  	[tilespmem:s16+$0xE0] =	vst v7  }
0x263: {  	[tilespmem:s16+$0xF0] =	vst v4  }
0x264: {  	[tilespmem:s16+$0x160] =	vst v6  }
0x265: {  	[tilespmem:s16+$0x170] =	vst v5  }
0x266: {  	[tilespmem:s16+$0x1E0] =	vst v2;
	s3 =	simm.s32 @!p1 $0x5  }
0x267: {  	_ =	swait.ge @!p1 [sflag:s3], $0x80  }
0x268: {  	[sflag:s3] =	ssyncset.done @!p1 $0x0  }
0x269: {  	[sflag:s3] =	ssyncadd.s32 @!p1 $0xFFFFFF80  }
0x26a: {  	_ =	swait.ge @!p1 [sflag:s3], $0x80  }
0x26b: {  	s7 =	simm.s32 @!p1 $0x13C00;
	[sflag:s3] =	ssyncset.done @!p1 $0x0  }
0x26c: {  	s16 =	simm.s32 @!p1 $0x14000;
	[sflag:s3] =	ssyncadd.s32 @!p1 $0xFFFFFF80;
	s3 =	simm.s32 @!p1 $0x80  }
0x26d: {  	[tilespmem:s16], [sflag:$0x1] =	stream.indirect.gather @!p1 [hbm4b:s1+s3], $0x40, s7, s3, $0xb8;
	[tilespmem:$0x1E780] =	vst v63  }
0x26e: {  	_ = 	snop  }
0x26f: {  	[spmem:s2] =	stream.indirect.scatter.add.f32 [tilespmem:s12], [sflag:$0x3], $0x80, s10, s14, $0xb8;
	[tilespmem:$0x1E780] =	vst v63  }
0x270: {  	v2 =	vld [tilespmem:$0x13F00];
	_ =	sdelay $0x7  }
0x271: {  	[tilespmem:v2+s30+$0x0] =	vst.idx.add.f32.msk $0xffff, v1  }
0x272: {  	v2 =	vld [tilespmem:$0x13F10];
	_ =	sdelay $0x7  }
0x273: {  	[tilespmem:v2+s30+$0x0] =	vst.idx.add.f32.msk $0xffff, v1  }
0x274: {  	v2 =	vld [tilespmem:$0x13F20];
	_ =	sdelay $0x7  }
0x275: {  	[tilespmem:v2+s30+$0x0] =	vst.idx.add.f32.msk $0xffff, v1  }
0x276: {  	v2 =	vld [tilespmem:$0x13F30];
	_ =	sdelay $0x7  }
0x277: {  	[tilespmem:v2+s30+$0x0] =	vst.idx.add.f32.msk $0xffff, v1  }
0x278: {  	v2 =	vld [tilespmem:$0x13F40];
	_ =	sdelay $0x7  }
0x279: {  	[tilespmem:v2+s30+$0x0] =	vst.idx.add.f32.msk $0xffff, v1  }
0x27a: {  	v2 =	vld [tilespmem:$0x13F50];
	_ =	sdelay $0x7  }
0x27b: {  	[tilespmem:v2+s30+$0x0] =	vst.idx.add.f32.msk $0xffff, v1  }
0x27c: {  	v2 =	vld [tilespmem:$0x13F60];
	_ =	sdelay $0x7  }
0x27d: {  	[tilespmem:v2+s30+$0x0] =	vst.idx.add.f32.msk $0xffff, v1  }
0x27e: {  	v2 =	vld [tilespmem:$0x13F70];
	_ =	sdelay $0x7  }
0x27f: {  	s3 =	sadd.s32 @!p1 s13, s28;
	[tilespmem:v2+s30+$0x0] =	vst.idx.add.f32.msk $0xffff, v1  }
0x280: {  	s3 =	sshll.u32 @!p1 s3, $0x4;
	_ =	swait.ge [sflag:s31], $0x4000  }
0x281: {  	s23 =	simm.s32 @!p1 $0x13D00;
	s3 =	sand.u32 @!p1 $0x1FFFFFE0, s3;
	[sflag:s31] =	ssyncset.done $0x0  }
0x282: {  	s16 =	simm.s32 @!p1 $0x0;
	s7 =	sadd.s32 @!p1 s5, s3;
	[sflag:s31] =	ssyncadd.s32 $0xFFFFC000  }
0x283: {  	[tilespmem:s23], [sflag:$0x7] =	stream.linear.gather @!p1 [hbm4b:s7+s16], $0x80, $0x38;
	[tilespmem:$0x1E780] =	vst v63  }
0x284: {  	s3 =	sadd.s32 @!p1 s6, s3;
	s7 =	simm.s32 @!p1 $0x13F00  }
0x285: {  	[tilespmem:s7], [sflag:$0x7] =	stream.linear.gather @!p1 [hbm4b:s3+s16], $0x80, $0x38;
	[tilespmem:$0x1E780] =	vst v63  }
0x286: {  	_ =	swait.ge [sflag:s20], $0x2000  }
0x287: {  	[sflag:s20] =	ssyncset.done $0x0  }
0x288: {  	s23 =	simm.s32 $0x16100;
	[sflag:s20] =	ssyncadd.s32 $0xFFFFE000  }
0x289: {  	v2 =	vld [tilespmem:s23+$0xC0];
	_ =	sdelay $0x1  }
0x28a: {  	v3 =	vld [tilespmem:s23+$0xFFFFFF40];
	_ =	sdelay $0x1  }
0x28b: {  	v4 =	vld [tilespmem:s23+$0xFFFFFF80]  }
0x28c: {  	s16 =	simm.s32 $0x18200;
	v5 =	vunpack.i.l.bf16.f32 v2  }
0x28d: {  	v6 =	vld [tilespmem:s23+$0xFFFFFFC0];
	v2 =	vunpack.i.u.bf16.f32 v2;
	[tilespmem:s16+$0x180] =	vst v5  }
0x28e: {  	v7 =	vld [tilespmem:s23+$0xFFFFFF00];
	v5 =	vunpack.i.l.bf16.f32 v3;
	[tilespmem:s16+$0x190] =	vst v2  }
0x28f: {  	v2 =	vunpack.i.u.bf16.f32 v3;
	[tilespmem:s16+$0xFFFFFE80] =	vst v5;
	v3 =	vld [tilespmem:s23+$0xD0]  }
0x290: {  	v5 =	vunpack.i.l.bf16.f32 v4;
	[tilespmem:s16+$0xFFFFFE90] =	vst v2  }
0x291: {  	v2 =	vunpack.i.u.bf16.f32 v4;
	[tilespmem:s16+$0xFFFFFF00] =	vst v5  }
0x292: {  	v4 =	vunpack.i.l.bf16.f32 v6;
	[tilespmem:s16+$0xFFFFFF10] =	vst v2  }
0x293: {  	v2 =	vld [tilespmem:s23+$0x0];
	v5 =	vunpack.i.l.bf16.f32 v7;
	[tilespmem:s16+$0xFFFFFF80] =	vst v4  }
0x294: {  	[tilespmem:s16+$0xFFFFFE00] =	vst v5;
	v4 =	vunpack.i.l.bf16.f32 v3  }
0x295: {  	v5 =	vld [tilespmem:s23+$0x40];
	v3 =	vunpack.i.u.bf16.f32 v3;
	[tilespmem:s16+$0x1A0] =	vst v4  }
0x296: {  	v4 =	vunpack.i.u.bf16.f32 v7;
	[tilespmem:s16+$0x1B0] =	vst v3  }
0x297: {  	v3 =	vunpack.i.u.bf16.f32 v6;
	[tilespmem:s16+$0xFFFFFE10] =	vst v4;
	v4 =	vld [tilespmem:s23+$0xE0]  }
0x298: {  	v6 =	vunpack.i.l.bf16.f32 v2;
	[tilespmem:s16+$0xFFFFFF90] =	vst v3  }
0x299: {  	v2 =	vunpack.i.u.bf16.f32 v2;
	v3 =	vld [tilespmem:s23+$0x80];
	[tilespmem:s16+$0x0] =	vst v6  }
0x29a: {  	v6 =	vunpack.i.l.bf16.f32 v5;
	[tilespmem:s16+$0x10] =	vst v2  }
0x29b: {  	v2 =	vunpack.i.u.bf16.f32 v5;
	v5 =	vld [tilespmem:s23+$0xFFFFFF10];
	[tilespmem:s16+$0x80] =	vst v6  }
0x29c: {  	[tilespmem:s16+$0x90] =	vst v2;
	v2 =	vunpack.i.l.bf16.f32 v4  }
0x29d: {  	v6 =	vld [tilespmem:s23+$0xFFFFFF50];
	v4 =	vunpack.i.u.bf16.f32 v4;
	[tilespmem:s16+$0x1C0] =	vst v2  }
0x29e: {  	v2 =	vunpack.i.l.bf16.f32 v3;
	[tilespmem:s16+$0x1D0] =	vst v4  }
0x29f: {  	v3 =	vunpack.i.u.bf16.f32 v3;
	v4 =	vld [tilespmem:s23+$0xFFFFFF90];
	[tilespmem:s16+$0x100] =	vst v2  }
0x2a0: {  	v7 =	vunpack.i.l.bf16.f32 v5;
	v2 =	vld [tilespmem:s23+$0xF0];
	[tilespmem:s16+$0x110] =	vst v3  }
0x2a1: {  	v3 =	vunpack.i.u.bf16.f32 v5;
	[tilespmem:s16+$0xFFFFFE20] =	vst v7;
	v7 =	vld [tilespmem:s23+$0xFFFFFFD0]  }
0x2a2: {  	v5 =	vunpack.i.l.bf16.f32 v6;
	[tilespmem:s16+$0xFFFFFE30] =	vst v3  }
0x2a3: {  	v3 =	vunpack.i.u.bf16.f32 v6;
	[tilespmem:s16+$0xFFFFFEA0] =	vst v5;
	v5 =	vld [tilespmem:s23+$0x10]  }
0x2a4: {  	[tilespmem:s16+$0xFFFFFEB0] =	vst v3;
	v6 =	vunpack.i.l.bf16.f32 v4  }
0x2a5: {  	v3 =	vunpack.i.u.bf16.f32 v2;
	[tilespmem:s16+$0xFFFFFF20] =	vst v6  }
0x2a6: {  	v6 =	vunpack.i.l.bf16.f32 v7;
	[tilespmem:s16+$0x1F0] =	vst v3;
	v3 =	vunpack.i.u.bf16.f32 v4;
	v4 =	vld [tilespmem:s23+$0x50]  }
0x2a7: {  	[tilespmem:s16+$0xFFFFFFA0] =	vst v6  }
0x2a8: {  	v6 =	vunpack.i.l.bf16.f32 v5;
	[tilespmem:s16+$0xFFFFFF30] =	vst v3;
	v3 =	vunpack.i.u.bf16.f32 v7;
	v7 =	vld [tilespmem:s23+$0x90]  }
0x2a9: {  	[tilespmem:s16+$0x20] =	vst v6  }
0x2aa: {  	[tilespmem:s16+$0xFFFFFFB0] =	vst v3;
	v3 =	vunpack.i.u.bf16.f32 v5;
	v5 =	vld [tilespmem:s23+$0xFFFFFF20]  }
0x2ab: {  	[tilespmem:s16+$0x30] =	vst v3;
	v6 =	vunpack.i.l.bf16.f32 v4  }
0x2ac: {  	v3 =	vunpack.i.u.bf16.f32 v4;
	v4 =	vld [tilespmem:s23+$0xFFFFFF60];
	[tilespmem:s16+$0xA0] =	vst v6  }
0x2ad: {  	v6 =	vunpack.i.l.bf16.f32 v7;
	[tilespmem:s16+$0xB0] =	vst v3  }
0x2ae: {  	v3 =	vunpack.i.u.bf16.f32 v7;
	v7 =	vld [tilespmem:s23+$0xFFFFFFA0];
	[tilespmem:s16+$0x120] =	vst v6  }
0x2af: {  	v6 =	vunpack.i.l.bf16.f32 v5;
	[tilespmem:s16+$0x130] =	vst v3  }
0x2b0: {  	v3 =	vunpack.i.u.bf16.f32 v5;
	v5 =	vld [tilespmem:s23+$0xFFFFFFE0];
	[tilespmem:s16+$0xFFFFFE40] =	vst v6  }
0x2b1: {  	[tilespmem:s16+$0xFFFFFE50] =	vst v3;
	v6 =	vunpack.i.l.bf16.f32 v4  }
0x2b2: {  	v3 =	vunpack.i.u.bf16.f32 v4;
	v4 =	vld [tilespmem:s23+$0x20];
	[tilespmem:s16+$0xFFFFFEC0] =	vst v6  }
0x2b3: {  	v6 =	vunpack.i.l.bf16.f32 v7;
	[tilespmem:s16+$0xFFFFFED0] =	vst v3  }
0x2b4: {  	v3 =	vunpack.i.u.bf16.f32 v7;
	v7 =	vld [tilespmem:s23+$0x60];
	[tilespmem:s16+$0xFFFFFF40] =	vst v6  }
0x2b5: {  	v6 =	vunpack.i.l.bf16.f32 v5;
	[tilespmem:s16+$0xFFFFFF50] =	vst v3  }
0x2b6: {  	v3 =	vunpack.i.u.bf16.f32 v5;
	v5 =	vld [tilespmem:s23+$0xA0];
	[tilespmem:s16+$0xFFFFFFC0] =	vst v6  }
0x2b7: {  	[tilespmem:s16+$0xFFFFFFD0] =	vst v3;
	v6 =	vunpack.i.l.bf16.f32 v4  }
0x2b8: {  	v3 =	vunpack.i.u.bf16.f32 v4;
	v4 =	vld [tilespmem:s23+$0xFFFFFF30];
	[tilespmem:s16+$0x40] =	vst v6  }
0x2b9: {  	v6 =	vunpack.i.l.bf16.f32 v7;
	[tilespmem:s16+$0x50] =	vst v3  }
0x2ba: {  	v3 =	vunpack.i.u.bf16.f32 v7;
	v7 =	vld [tilespmem:s23+$0xFFFFFF70];
	[tilespmem:s16+$0xC0] =	vst v6  }
0x2bb: {  	v6 =	vunpack.i.l.bf16.f32 v5;
	[tilespmem:s16+$0xD0] =	vst v3  }
0x2bc: {  	v3 =	vunpack.i.u.bf16.f32 v5;
	v5 =	vld [tilespmem:s23+$0xFFFFFFB0];
	[tilespmem:s16+$0x140] =	vst v6  }
0x2bd: {  	[tilespmem:s16+$0x150] =	vst v3;
	v6 =	vunpack.i.l.bf16.f32 v4  }
0x2be: {  	v8 =	vld [tilespmem:s23+$0x30];
	v3 =	vunpack.i.u.bf16.f32 v4;
	[tilespmem:s16+$0xFFFFFE60] =	vst v6  }
0x2bf: {  	v4 =	vld [tilespmem:s23+$0xFFFFFFF0];
	v6 =	vunpack.i.l.bf16.f32 v7;
	[tilespmem:s16+$0xFFFFFE70] =	vst v3  }
0x2c0: {  	v3 =	vunpack.i.u.bf16.f32 v7;
	v7 =	vld [tilespmem:s23+$0x70];
	[tilespmem:s16+$0xFFFFFEE0] =	vst v6  }
0x2c1: {  	v9 =	vld [tilespmem:s23+$0xB0];
	v6 =	vunpack.i.l.bf16.f32 v5;
	[tilespmem:s16+$0xFFFFFEF0] =	vst v3  }
0x2c2: {  	v3 =	vunpack.i.u.bf16.f32 v5;
	[tilespmem:s16+$0xFFFFFF60] =	vst v6  }
0x2c3: {  	[tilespmem:s16+$0xFFFFFF70] =	vst v3;
	v3 =	vunpack.i.u.bf16.f32 v8;
	v8 =	vunpack.i.l.bf16.f32 v8  }
0x2c4: {  	[tilespmem:s16+$0x60] =	vst v8;
	v5 =	vunpack.i.l.bf16.f32 v4  }
0x2c5: {  	v2 =	vunpack.i.l.bf16.f32 v2;
	v6 =	vunpack.i.u.bf16.f32 v4;
	[tilespmem:s16+$0xFFFFFFE0] =	vst v5;
	v4 =	vunpack.i.u.bf16.f32 v7  }
0x2c6: {  	s7 =	simm.s32 $0x16300;
	s23 =	simm.s32 $0x0;
	[tilespmem:s16+$0xFFFFFFF0] =	vst v6;
	v7 =	vunpack.i.l.bf16.f32 v7;
	v5 =	vunpack.i.u.bf16.f32 v9;
	v6 =	vunpack.i.l.bf16.f32 v9  }
.LBB2_13:
0x2c7: {  	v8 =	vld [tilespmem:s7+$0xC0];
	[tilespmem:s16+$0x70] =	vst v3  }
0x2c8: {  	v3 =	vld [tilespmem:s7+$0xFFFFFF40];
	[tilespmem:s16+$0xE0] =	vst v7  }
0x2c9: {  	v7 =	vld [tilespmem:s7+$0xFFFFFF80];
	[tilespmem:s16+$0xF0] =	vst v4  }
0x2ca: {  	s23 =	sadd.s32 $0x8, s23;
	v4 =	vld [tilespmem:s7+$0xFFFFFFC0];
	[tilespmem:s16+$0x160] =	vst v6  }
0x2cb: {  	p2 =	slt.u32 s23, $0x78;
	v6 =	vld [tilespmem:s7+$0x0];
	[tilespmem:s16+$0x170] =	vst v5  }
0x2cc: {  	v5 =	vld [tilespmem:s7+$0x40];
	v9 =	vunpack.i.l.bf16.f32 v8;
	[tilespmem:s16+$0x1E0] =	vst v2;
	s16 =	sadd.s32 $0x400, s16  }
0x2cd: {  	v8 =	vunpack.i.u.bf16.f32 v8;
	v2 =	vunpack.i.u.bf16.f32 v3;
	v3 =	vunpack.i.l.bf16.f32 v3;
	v10 =	vld [tilespmem:s7+$0x80];
	[tilespmem:s16+$0x180] =	vst v9  }
0x2ce: {  	v9 =	vld [tilespmem:s7+$0xFFFFFF00];
	v11 =	vunpack.i.u.bf16.f32 v7;
	v7 =	vunpack.i.l.bf16.f32 v7;
	[tilespmem:s16+$0x190] =	vst v8  }
0x2cf: {  	[tilespmem:s16+$0xFFFFFE80] =	vst v3;
	v3 =	vunpack.i.u.bf16.f32 v4;
	v4 =	vunpack.i.l.bf16.f32 v4;
	v8 =	vld [tilespmem:s7+$0xD0]  }
0x2d0: {  	[tilespmem:s16+$0xFFFFFE90] =	vst v2;
	v2 =	vunpack.i.u.bf16.f32 v6;
	v6 =	vunpack.i.l.bf16.f32 v6  }
0x2d1: {  	v12 =	vld [tilespmem:s7+$0xFFFFFF50];
	[tilespmem:s16+$0xFFFFFF00] =	vst v7;
	v7 =	vunpack.i.u.bf16.f32 v5;
	v5 =	vunpack.i.l.bf16.f32 v5  }
0x2d2: {  	[tilespmem:s16+$0xFFFFFF10] =	vst v11;
	v11 =	vunpack.i.u.bf16.f32 v10;
	v10 =	vunpack.i.l.bf16.f32 v10  }
0x2d3: {  	v13 =	vunpack.i.u.bf16.f32 v9;
	v9 =	vunpack.i.l.bf16.f32 v9;
	v14 =	vld [tilespmem:s7+$0xFFFFFF90];
	[tilespmem:s16+$0xFFFFFF80] =	vst v4  }
0x2d4: {  	[tilespmem:s16+$0xFFFFFE00] =	vst v9;
	v4 =	vunpack.i.l.bf16.f32 v8  }
0x2d5: {  	v8 =	vunpack.i.u.bf16.f32 v8;
	[tilespmem:s16+$0x1A0] =	vst v4  }
0x2d6: {  	v4 =	vunpack.i.u.bf16.f32 v12;
	v9 =	vunpack.i.l.bf16.f32 v12;
	[tilespmem:s16+$0x1B0] =	vst v8  }
0x2d7: {  	[tilespmem:s16+$0xFFFFFE10] =	vst v13;
	v8 =	vld [tilespmem:s7+$0xE0]  }
0x2d8: {  	v12 =	vld [tilespmem:s7+$0xFFFFFF10];
	v13 =	vunpack.i.u.bf16.f32 v14;
	v14 =	vunpack.i.l.bf16.f32 v14;
	[tilespmem:s16+$0xFFFFFF90] =	vst v3  }
0x2d9: {  	v3 =	vld [tilespmem:s7+$0xFFFFFFD0];
	[tilespmem:s16+$0x0] =	vst v6  }
0x2da: {  	[tilespmem:s16+$0x10] =	vst v2  }
0x2db: {  	v2 =	vld [tilespmem:s7+$0x10];
	[tilespmem:s16+$0x80] =	vst v5  }
0x2dc: {  	[tilespmem:s16+$0x90] =	vst v7;
	v5 =	vunpack.i.l.bf16.f32 v8  }
0x2dd: {  	v8 =	vunpack.i.u.bf16.f32 v8;
	v6 =	vunpack.i.u.bf16.f32 v12;
	v7 =	vunpack.i.l.bf16.f32 v12;
	v12 =	vld [tilespmem:s7+$0x50];
	[tilespmem:s16+$0x1C0] =	vst v5  }
0x2de: {  	v5 =	vunpack.i.u.bf16.f32 v3;
	v3 =	vunpack.i.l.bf16.f32 v3;
	[tilespmem:s16+$0x1D0] =	vst v8  }
0x2df: {  	[tilespmem:s16+$0x100] =	vst v10;
	v8 =	vld [tilespmem:s7+$0xF0]  }
0x2e0: {  	v10 =	vunpack.i.u.bf16.f32 v2;
	v15 =	vunpack.i.l.bf16.f32 v2;
	[tilespmem:s16+$0x110] =	vst v11  }
0x2e1: {  	[tilespmem:s16+$0xFFFFFE20] =	vst v7;
	v7 =	vld [tilespmem:s7+$0x90]  }
0x2e2: {  	[tilespmem:s16+$0xFFFFFE30] =	vst v6;
	v6 =	vunpack.i.u.bf16.f32 v12;
	v11 =	vunpack.i.l.bf16.f32 v12  }
0x2e3: {  	v12 =	vld [tilespmem:s7+$0xFFFFFF20];
	[tilespmem:s16+$0xFFFFFEA0] =	vst v9  }
0x2e4: {  	[tilespmem:s16+$0xFFFFFEB0] =	vst v4;
	v4 =	vunpack.i.u.bf16.f32 v8;
	v2 =	vunpack.i.l.bf16.f32 v8  }
0x2e5: {  	v8 =	vld [tilespmem:s7+$0xFFFFFF60];
	[tilespmem:s16+$0x1F0] =	vst v4  }
0x2e6: {  	[tilespmem:s16+$0xFFFFFF20] =	vst v14;
	v4 =	vunpack.i.u.bf16.f32 v7;
	v7 =	vunpack.i.l.bf16.f32 v7  }
0x2e7: {  	[tilespmem:s16+$0xFFFFFF30] =	vst v13  }
0x2e8: {  	v9 =	vunpack.i.u.bf16.f32 v12;
	v12 =	vunpack.i.l.bf16.f32 v12;
	v13 =	vld [tilespmem:s7+$0xFFFFFFA0];
	[tilespmem:s16+$0xFFFFFFA0] =	vst v3  }
0x2e9: {  	[tilespmem:s16+$0xFFFFFFB0] =	vst v5  }
0x2ea: {  	v3 =	vunpack.i.u.bf16.f32 v8;
	v5 =	vunpack.i.l.bf16.f32 v8;
	v8 =	vld [tilespmem:s7+$0xFFFFFFE0];
	[tilespmem:s16+$0x20] =	vst v15  }
0x2eb: {  	[tilespmem:s16+$0x30] =	vst v10  }
0x2ec: {  	v10 =	vld [tilespmem:s7+$0x20];
	[tilespmem:s16+$0xA0] =	vst v11  }
0x2ed: {  	v11 =	vunpack.i.u.bf16.f32 v13;
	v13 =	vunpack.i.l.bf16.f32 v13;
	[tilespmem:s16+$0xB0] =	vst v6  }
0x2ee: {  	v6 =	vld [tilespmem:s7+$0x60];
	[tilespmem:s16+$0x120] =	vst v7  }
0x2ef: {  	v7 =	vunpack.i.u.bf16.f32 v8;
	v8 =	vunpack.i.l.bf16.f32 v8;
	[tilespmem:s16+$0x130] =	vst v4  }
0x2f0: {  	[tilespmem:s16+$0xFFFFFE40] =	vst v12;
	v4 =	vld [tilespmem:s7+$0xA0]  }
0x2f1: {  	[tilespmem:s16+$0xFFFFFE50] =	vst v9;
	v9 =	vunpack.i.u.bf16.f32 v10;
	v10 =	vunpack.i.l.bf16.f32 v10  }
0x2f2: {  	v12 =	vld [tilespmem:s7+$0xFFFFFF30];
	[tilespmem:s16+$0xFFFFFEC0] =	vst v5  }
0x2f3: {  	[tilespmem:s16+$0xFFFFFED0] =	vst v3;
	v3 =	vunpack.i.u.bf16.f32 v6;
	v5 =	vunpack.i.l.bf16.f32 v6  }
0x2f4: {  	v6 =	vld [tilespmem:s7+$0xFFFFFF70];
	[tilespmem:s16+$0xFFFFFF40] =	vst v13  }
0x2f5: {  	[tilespmem:s16+$0xFFFFFF50] =	vst v11;
	v11 =	vunpack.i.u.bf16.f32 v4;
	v4 =	vunpack.i.l.bf16.f32 v4  }
0x2f6: {  	v13 =	vld [tilespmem:s7+$0xFFFFFFB0];
	[tilespmem:s16+$0xFFFFFFC0] =	vst v8  }
0x2f7: {  	v8 =	vunpack.i.u.bf16.f32 v12;
	v12 =	vunpack.i.l.bf16.f32 v12;
	[tilespmem:s16+$0xFFFFFFD0] =	vst v7  }
0x2f8: {  	v7 =	vld [tilespmem:s7+$0xFFFFFFF0];
	[tilespmem:s16+$0x40] =	vst v10  }
0x2f9: {  	v10 =	vunpack.i.u.bf16.f32 v6;
	v6 =	vunpack.i.l.bf16.f32 v6;
	[tilespmem:s16+$0x50] =	vst v9  }
0x2fa: {  	v9 =	vld [tilespmem:s7+$0x30];
	[tilespmem:s16+$0xC0] =	vst v5  }
0x2fb: {  	v5 =	vunpack.i.u.bf16.f32 v13;
	v13 =	vunpack.i.l.bf16.f32 v13;
	[tilespmem:s16+$0xD0] =	vst v3  }
0x2fc: {  	v14 =	vld [tilespmem:s7+$0x70];
	[tilespmem:s16+$0x140] =	vst v4  }
0x2fd: {  	v15 =	vunpack.i.u.bf16.f32 v7;
	v16 =	vunpack.i.l.bf16.f32 v7;
	[tilespmem:s16+$0x150] =	vst v11  }
0x2fe: {  	[tilespmem:s16+$0xFFFFFE60] =	vst v12;
	v11 =	vld [tilespmem:s7+$0xB0]  }
0x2ff: {  	[tilespmem:s16+$0xFFFFFE70] =	vst v8;
	v3 =	vunpack.i.u.bf16.f32 v9;
	v8 =	vunpack.i.l.bf16.f32 v9  }
0x300: {  	[tilespmem:s16+$0xFFFFFEE0] =	vst v6  }
0x301: {  	[tilespmem:s16+$0xFFFFFEF0] =	vst v10;
	v4 =	vunpack.i.u.bf16.f32 v14;
	v7 =	vunpack.i.l.bf16.f32 v14  }
.Ltmp7:
0x302: {  	[tilespmem:s16+$0xFFFFFF60] =	vst v13;
	(pc) =	sbr.rel @p2 .LBB2_13-.Ltmp7, $4  }
0x303: {  	[tilespmem:s16+$0xFFFFFF70] =	vst v5;
	v5 =	vunpack.i.u.bf16.f32 v11;
	v6 =	vunpack.i.l.bf16.f32 v11  }
0x304: {  	[tilespmem:s16+$0xFFFFFFE0] =	vst v16  }
0x305: {  	[tilespmem:s16+$0xFFFFFFF0] =	vst v15  }
0x306: {  	s7 =	sadd.s32 $0x200, s7;
	[tilespmem:s16+$0x60] =	vst v8  }
0x307: {  	[tilespmem:s16+$0x70] =	vst v3  }
0x308: {  	[tilespmem:s16+$0xE0] =	vst v7  }
0x309: {  	[tilespmem:s16+$0xF0] =	vst v4  }
0x30a: {  	[tilespmem:s16+$0x160] =	vst v6  }
0x30b: {  	[tilespmem:s16+$0x170] =	vst v5  }
0x30c: {  	[tilespmem:s16+$0x1E0] =	vst v2;
	s3 =	simm.s32 @!p1 $0x6  }
0x30d: {  	_ =	swait.ge @!p1 [sflag:s3], $0x80  }
0x30e: {  	[sflag:s3] =	ssyncset.done @!p1 $0x0  }
0x30f: {  	[sflag:s3] =	ssyncadd.s32 @!p1 $0xFFFFFF80  }
0x310: {  	_ =	swait.ge @!p1 [sflag:s3], $0x80  }
0x311: {  	s7 =	simm.s32 @!p1 $0x13C80;
	[sflag:s3] =	ssyncset.done @!p1 $0x0  }
0x312: {  	s16 =	simm.s32 @!p1 $0x16000;
	[sflag:s3] =	ssyncadd.s32 @!p1 $0xFFFFFF80;
	s3 =	simm.s32 @!p1 $0x80  }
0x313: {  	[tilespmem:s16], [sflag:$0x2] =	stream.indirect.gather @!p1 [hbm4b:s1+s3], $0x40, s7, s3, $0xb8;
	[tilespmem:$0x1E780] =	vst v63  }
0x314: {  	_ = 	snop  }
0x315: {  	[spmem:s2] =	stream.indirect.scatter.add.f32 [tilespmem:s12], [sflag:$0x4], $0x80, s0, s14, $0xb8;
	[tilespmem:$0x1E780] =	vst v63  }
0x316: {  	v2 =	vld [tilespmem:$0x13F80];
	_ =	sdelay $0x7  }
0x317: {  	[tilespmem:v2+s30+$0x0] =	vst.idx.add.f32.msk $0xffff, v1  }
0x318: {  	v2 =	vld [tilespmem:$0x13F90];
	_ =	sdelay $0x7  }
0x319: {  	[tilespmem:v2+s30+$0x0] =	vst.idx.add.f32.msk $0xffff, v1  }
0x31a: {  	v2 =	vld [tilespmem:$0x13FA0];
	_ =	sdelay $0x7  }
0x31b: {  	[tilespmem:v2+s30+$0x0] =	vst.idx.add.f32.msk $0xffff, v1  }
0x31c: {  	v2 =	vld [tilespmem:$0x13FB0];
	_ =	sdelay $0x7  }
0x31d: {  	[tilespmem:v2+s30+$0x0] =	vst.idx.add.f32.msk $0xffff, v1  }
0x31e: {  	v2 =	vld [tilespmem:$0x13FC0];
	_ =	sdelay $0x7  }
0x31f: {  	[tilespmem:v2+s30+$0x0] =	vst.idx.add.f32.msk $0xffff, v1  }
0x320: {  	v2 =	vld [tilespmem:$0x13FD0];
	_ =	sdelay $0x7  }
0x321: {  	[tilespmem:v2+s30+$0x0] =	vst.idx.add.f32.msk $0xffff, v1  }
0x322: {  	v2 =	vld [tilespmem:$0x13FE0];
	_ =	sdelay $0x7  }
0x323: {  	[tilespmem:v2+s30+$0x0] =	vst.idx.add.f32.msk $0xffff, v1  }
0x324: {  	v2 =	vld [tilespmem:$0x13FF0];
	_ =	sdelay $0x6  }
.Ltmp8:
0x325: {  	_ = 	snop;
	(pc) =	sbr.rel @p1 .LBB2_16-.Ltmp8, $4  }
0x326: {  	[tilespmem:v2+s30+$0x0] =	vst.idx.add.f32.msk $0xffff, v1  }
0x327: {  	_ =	swait.ge [sflag:s22], $0x4000  }
0x328: {  	[sflag:s22] =	ssyncset.done $0x0  }
0x329: {  	[sflag:s22] =	ssyncadd.s32 $0xFFFFC000  }
0x32a: {  	s3 =	sadd.s32 s13, s29  }
0x32b: {  	s3 =	sshll.u32 s3, $0x4  }
.Ltmp9:
0x32c: {  	s3 =	sand.u32 $0x1FFFFFF0, s3;
	(pc) =	sbr.rel .LBB2_6-.Ltmp9, $4  }
0x32d: {  	s7 =	sadd.s32 s5, s3  }
0x32e: {  	[tilespmem:s11], [sflag:$0x8] =	stream.linear.gather [hbm4b:s7+s4], $0x80, $0x38;
	[tilespmem:$0x1E780] =	vst v63  }
0x32f: {  	s24 =	sadd.s32 $0x1, s24;
	s3 =	sadd.s32 s6, s3  }
0x330: {  	[tilespmem:s0], [sflag:$0x8] =	stream.linear.gather [hbm4b:s3+s4], $0x80, $0x38;
	[tilespmem:$0x1E780] =	vst v63  }
.LBB2_17:
0x331: {  	_ =	sfence.sel $0x180000  }
0x332: {  	[bflag:$0x0] =	sbarrier.arrive $0xFFFF  }
0x333: {  	_ =	strace $0x90000047  }
0x334: {  	s0 =	stileid.u32;
	[bflag:$0x2] =	sbarrier.arrive $0xFFFF  }
0x335: {  	p0 =	sne.s32 s0, $0x0;
	s0 =	rddreg [dreg:$0x3]  }
0x336: {  	s0 =	sadd.s32 @!p0 $0x100000, s0  }
0x337: {  	[sflag:s0] =	ssyncadd.tile.s32 @!p0 $0x1;
	_ =	shalt  }
.Lfunc_end2:
_tile_overlayer_lowered:
.L_overlay_start_2:
0x338: {  	(tag) =	ssettag $0x2  }
0x339: {  	s0 =	rddreg [dreg:$0x0];
	s2 =	stileid.u32  }
0x33a: {  	s1 =	rddreg [dreg:$0x1];
	p0 =	sne.s32 s2, $0x0  }
0x33b: {  	s3 =	rddreg [dreg:$0x2];
	[bflag:$0x3] =	sbarrier.arrive $0xFFFF;
	s2 =	simm.s32 @!p0 $0x1C09  }
0x33c: {  	[timem:s3], [sflag:s2] =	dma.local @!p0 [hbm:s0], s1  }
0x33d: {  	s0 =	simm.s32 @!p0 $0x9  }
0x33e: {  	_ =	swait.ge @!p0 [sflag:s0], s1  }
0x33f: {  	s1 =	ssub.s32 @!p0 $0x0, s1;
	[sflag:s0] =	ssyncset.done @!p0 $0x0  }
0x340: {  	[sflag:s0] =	ssyncadd.s32 @!p0 s1  }
0x341: {  	[bflag:$0x3] =	sbarrier.arrive $0xFFFF  }
0x342: {  	_ =	shalt  }

</sc_bundles>
